<compile_context>
chip_gen: v7x
topology: tpu7x:2x2x1
jax: 0.10.2.dev20260603
libtpu: 0.0.44.dev20260713+nightly
codegen_flags: <defaults>
</compile_context>

<pallas_src>
import functools

import jax
import jax.numpy as jnp
from jax import lax
from jax.experimental import pallas as pl
from jax.experimental.pallas import tpu as pltpu
from jax.experimental.pallas import tpu_sc as plsc

BATCH = 1024
NUM_NUMERIC = 13
NUM_CAT = 26
DEPTH = 1001
OUT_COLS = NUM_CAT * DEPTH + NUM_NUMERIC

NUM_WORKERS = 32
ROWS_PER_W = BATCH // NUM_WORKERS
NBUF = 4
ROW_PAD = 26048


def _sc_body(cat_hbm, num_hbm, scale_hbm, shift_hbm, out_hbm,
             buf0, buf1, buf2, buf3, catv, numv, scalev, shiftv,
             sem0, sem1, sem2, sem3):
    wid = lax.axis_index("s") * 2 + lax.axis_index("c")
    base = wid * ROWS_PER_W

    pltpu.sync_copy(cat_hbm.at[pl.ds(base * 32, ROWS_PER_W * 32)], catv)
    pltpu.sync_copy(num_hbm.at[pl.ds(base * 16, ROWS_PER_W * 16)], numv)
    pltpu.sync_copy(scale_hbm, scalev)
    pltpu.sync_copy(shift_hbm, shiftv)

    iota = lax.broadcasted_iota(jnp.int32, (16,), 0)
    zeros16 = jnp.zeros((16,), jnp.float32)
    ones16 = jnp.ones((16,), jnp.float32)
    scale = scalev[...]
    shift = shiftv[...]

    bufs = (buf0, buf1, buf2, buf3)
    sems = (sem0, sem1, sem2, sem3)

    for buf in bufs:
        def zi(k, carry, buf=buf):
            buf[pl.ds(k * 16, 16)] = zeros16
            return carry
        lax.fori_loop(0, ROW_PAD // 16, zi, 0)

    def touch_row(buf, lr, clear):
        tlo = catv[pl.ds(lr * 32, 16)] + DEPTH * iota
        thi = catv[pl.ds(lr * 32 + 16, 16)] + DEPTH * (iota + 16)
        plsc.store_scatter(buf, [tlo], zeros16 if clear else ones16)
        plsc.store_scatter(buf, [thi], zeros16 if clear else ones16,
                           mask=iota < NUM_CAT - 16)
        if clear:
            nrm = zeros16
        else:
            nrm = numv[pl.ds(lr * 16, 16)] * scale - shift
        plsc.store_scatter(buf, [NUM_CAT * DEPTH + iota], nrm,
                           mask=iota < NUM_NUMERIC)

    copies = [None] * ROWS_PER_W
    for i in range(ROWS_PER_W):
        slot = i % NBUF
        buf, sem = bufs[slot], sems[slot]
        if i >= NBUF:
            copies[i - NBUF].wait()
            touch_row(buf, i - NBUF, clear=True)
        touch_row(buf, i, clear=False)
        copies[i] = pltpu.make_async_copy(
            buf.at[pl.ds(0, OUT_COLS)], out_hbm.at[base + i], sem)
        copies[i].start()
    for i in range(ROWS_PER_W - NBUF, ROWS_PER_W):
        copies[i].wait()


def kernel(numeric, cat_idx, mean, var):
    scale = 1.0 / jnp.maximum(jnp.sqrt(var), 1e-7)
    shift = mean * scale
    scale16 = jnp.pad(scale, (0, 16 - NUM_NUMERIC))
    shift16 = jnp.pad(shift, (0, 16 - NUM_NUMERIC))
    cat_flat = jnp.pad(cat_idx, ((0, 0), (0, 32 - NUM_CAT))).reshape(-1)
    num_flat = jnp.pad(numeric, ((0, 0), (0, 16 - NUM_NUMERIC))).reshape(-1)

    mesh = plsc.VectorSubcoreMesh(core_axis_name="c", subcore_axis_name="s")
    run = functools.partial(
        pl.kernel,
        out_type=jax.ShapeDtypeStruct((BATCH, OUT_COLS), jnp.float32),
        mesh=mesh,
        compiler_params=pltpu.CompilerParams(
            use_tc_tiling_on_sc=False, needs_layout_passes=False
        ),
        scratch_types=[
            pltpu.VMEM((ROW_PAD,), jnp.float32),
            pltpu.VMEM((ROW_PAD,), jnp.float32),
            pltpu.VMEM((ROW_PAD,), jnp.float32),
            pltpu.VMEM((ROW_PAD,), jnp.float32),
            pltpu.VMEM((ROWS_PER_W * 32,), jnp.int32),
            pltpu.VMEM((ROWS_PER_W * 16,), jnp.float32),
            pltpu.VMEM((16,), jnp.float32),
            pltpu.VMEM((16,), jnp.float32),
            pltpu.SemaphoreType.DMA,
            pltpu.SemaphoreType.DMA,
            pltpu.SemaphoreType.DMA,
            pltpu.SemaphoreType.DMA,
        ],
    )(_sc_body)
    return run(cat_flat, num_flat, scale16, shift16)

# --- scband reference (transcript-rebuilt; emitter-appended) ---
"""Pipeline reference for scband-preprocessing-head-13400297963618 (READ-ONLY COPY).

The authoritative reference and input builder live on the scoring server;
editing this copy changes nothing except your own understanding.
"""

import jax, jax.numpy as jnp
import numpy as np

BATCH = 1024
NUM_NUMERIC = 13
NUM_CAT = 26
VOCAB = 1000
ONE_HOT_DEPTH = VOCAB + 1  # StringLookup reserves index 0 for OOV


def setup_inputs(seed: int = 0) -> dict:
    key = jax.random.key(seed)
    k1, k2, k3, k4 = jax.random.split(key, 4)
    numeric = jax.random.normal(k1, (BATCH, NUM_NUMERIC), dtype=jnp.float32)
    # categorical string features are represented as integer StringLookup indices in [0, VOCAB+1)
    cat_idx = jax.random.randint(k2, (BATCH, NUM_CAT), 0, ONE_HOT_DEPTH, dtype=jnp.int32)
    # Normalization layer adapted statistics (mean/variance per numeric feature)
    mean = jax.random.normal(k3, (NUM_NUMERIC,), dtype=jnp.float32) * 0.1
    var = jax.random.uniform(k4, (NUM_NUMERIC,), dtype=jnp.float32, minval=0.5, maxval=1.5)
    return {"numeric": numeric, "cat_idx": cat_idx, "mean": mean, "var": var}


def reference(numeric, cat_idx, mean, var):
    # keras Normalization: (x - mean) / sqrt(var) (with epsilon guard)
    normalized = (numeric - mean[None, :]) / jnp.maximum(jnp.sqrt(var[None, :]), 1e-7)
    # StringLookup(output_mode='one_hot') per categorical feature, then concat
    one_hot = jax.nn.one_hot(cat_idx, ONE_HOT_DEPTH, dtype=jnp.float32)  # [B, NUM_CAT, DEPTH]
    cat_flat = one_hot.reshape(one_hot.shape[0], NUM_CAT * ONE_HOT_DEPTH)
    # original call: categorical_features + [normalized_features], concatenated on last axis
    return jnp.concatenate([cat_flat, normalized], axis=1)

if __name__ == "__main__":
    import jax
    _d = setup_inputs()
    print(jax.jit(kernel)(*tuple(_d.values())))

</pallas_src>

<mosaic_0001>
#map = affine_map<(d0, d1) -> (0)>
#map1 = affine_map<(d0, d1) -> (0, 0)>
module attributes {stable_mosaic.version = 14 : i64} {
  func.func @_sc_body(%arg0: i32, %arg1: i32, %arg2: memref<32768xi32, #tpu.memory_space<hbm>>, %arg3: memref<16384xf32, #tpu.memory_space<hbm>>, %arg4: memref<16xf32, #tpu.memory_space<hbm>>, %arg5: memref<16xf32, #tpu.memory_space<hbm>>, %arg6: memref<1024x26039xf32, #tpu.memory_space<hbm>>, %arg7: memref<26048xf32, #tpu.memory_space<vmem>>, %arg8: memref<26048xf32, #tpu.memory_space<vmem>>, %arg9: memref<26048xf32, #tpu.memory_space<vmem>>, %arg10: memref<26048xf32, #tpu.memory_space<vmem>>, %arg11: memref<1024xi32, #tpu.memory_space<vmem>>, %arg12: memref<512xf32, #tpu.memory_space<vmem>>, %arg13: memref<16xf32, #tpu.memory_space<vmem>>, %arg14: memref<16xf32, #tpu.memory_space<vmem>>, %arg15: memref<!tpu.dma_semaphore, #tpu.memory_space<semaphore_mem>>, %arg16: memref<!tpu.dma_semaphore, #tpu.memory_space<semaphore_mem>>, %arg17: memref<!tpu.dma_semaphore, #tpu.memory_space<semaphore_mem>>, %arg18: memref<!tpu.dma_semaphore, #tpu.memory_space<semaphore_mem>>) attributes {dimension_semantics = [#tpu.dimension_semantics<core_parallel>, #tpu.dimension_semantics<subcore_parallel>], iteration_bounds = array<i64: 2, 16>, scalar_prefetch = 0 : i64, scratch_operands = 12 : i64, tpu.core_type = #tpu.core_type<sc_vector_subcore>, window_params = [{transform_indices = #map}, {transform_indices = #map}, {transform_indices = #map}, {transform_indices = #map}, {transform_indices = #map1}]} {
    %mul3A = arith.constant 2 : i32
    %mul3A_0 = arith.muli %arg1, %mul3A : i32
    %add3A = arith.addi %mul3A_0, %arg0 : i32
    %mul3A_1 = arith.constant 32 : i32
    %mul3A_2 = arith.muli %add3A, %mul3A_1 : i32
    %mul3A_3 = arith.constant 32 : i32
    %mul3A_4 = arith.muli %mul3A_2, %mul3A_3 : i32
    "tpu.region"() ({
      %run_scoped3A = tpu.sem_alloc : memref<!tpu.dma_semaphore, #tpu.memory_space<semaphore_mem>>
      %dma_start3A_2304 = tpu.memref_slice %arg2[%mul3A_4] : memref<32768xi32, #tpu.memory_space<hbm>> -> memref<1024xi32, #tpu.memory_space<hbm>>
      %dma_start3A_2305 = tpu.memref_slice %arg2[%mul3A_4] : memref<32768xi32, #tpu.memory_space<hbm>> -> memref<1024xi32, #tpu.memory_space<hbm>>
      tpu.enqueue_dma source(%dma_start3A_2305 : memref<1024xi32, #tpu.memory_space<hbm>>) target(%arg11 : memref<1024xi32, #tpu.memory_space<vmem>>) target_semaphore(%run_scoped3A : memref<!tpu.dma_semaphore, #tpu.memory_space<semaphore_mem>>)
      %dma_wait3A_2306 = tpu.memref_slice %arg2[%mul3A_4] : memref<32768xi32, #tpu.memory_space<hbm>> -> memref<1024xi32, #tpu.memory_space<hbm>>
      %dma_wait3A_2307 = tpu.memref_slice %arg2[%mul3A_4] : memref<32768xi32, #tpu.memory_space<hbm>> -> memref<1024xi32, #tpu.memory_space<hbm>>
      tpu.wait_dma2 semaphore(%run_scoped3A : memref<!tpu.dma_semaphore, #tpu.memory_space<semaphore_mem>>) src(%dma_wait3A_2307 : memref<1024xi32, #tpu.memory_space<hbm>>) dst(%arg11 : memref<1024xi32, #tpu.memory_space<vmem>>)
      tpu.yield
    }) : () -> ()
    %mul3A_5 = arith.constant 16 : i32
    %mul3A_6 = arith.muli %mul3A_2, %mul3A_5 : i32
    "tpu.region"() ({
      %run_scoped3A = tpu.sem_alloc : memref<!tpu.dma_semaphore, #tpu.memory_space<semaphore_mem>>
      %dma_start3A_2304 = tpu.memref_slice %arg3[%mul3A_6] : memref<16384xf32, #tpu.memory_space<hbm>> -> memref<512xf32, #tpu.memory_space<hbm>>
      %dma_start3A_2305 = tpu.memref_slice %arg3[%mul3A_6] : memref<16384xf32, #tpu.memory_space<hbm>> -> memref<512xf32, #tpu.memory_space<hbm>>
      tpu.enqueue_dma source(%dma_start3A_2305 : memref<512xf32, #tpu.memory_space<hbm>>) target(%arg12 : memref<512xf32, #tpu.memory_space<vmem>>) target_semaphore(%run_scoped3A : memref<!tpu.dma_semaphore, #tpu.memory_space<semaphore_mem>>)
      %dma_wait3A_2306 = tpu.memref_slice %arg3[%mul3A_6] : memref<16384xf32, #tpu.memory_space<hbm>> -> memref<512xf32, #tpu.memory_space<hbm>>
      %dma_wait3A_2307 = tpu.memref_slice %arg3[%mul3A_6] : memref<16384xf32, #tpu.memory_space<hbm>> -> memref<512xf32, #tpu.memory_space<hbm>>
      tpu.wait_dma2 semaphore(%run_scoped3A : memref<!tpu.dma_semaphore, #tpu.memory_space<semaphore_mem>>) src(%dma_wait3A_2307 : memref<512xf32, #tpu.memory_space<hbm>>) dst(%arg12 : memref<512xf32, #tpu.memory_space<vmem>>)
      tpu.yield
    }) : () -> ()
    "tpu.region"() ({
      %run_scoped3A = tpu.sem_alloc : memref<!tpu.dma_semaphore, #tpu.memory_space<semaphore_mem>>
      tpu.enqueue_dma source(%arg4 : memref<16xf32, #tpu.memory_space<hbm>>) target(%arg13 : memref<16xf32, #tpu.memory_space<vmem>>) target_semaphore(%run_scoped3A : memref<!tpu.dma_semaphore, #tpu.memory_space<semaphore_mem>>)
      tpu.wait_dma2 semaphore(%run_scoped3A : memref<!tpu.dma_semaphore, #tpu.memory_space<semaphore_mem>>) src(%arg4 : memref<16xf32, #tpu.memory_space<hbm>>) dst(%arg13 : memref<16xf32, #tpu.memory_space<vmem>>)
      tpu.yield
    }) : () -> ()
    "tpu.region"() ({
      %run_scoped3A = tpu.sem_alloc : memref<!tpu.dma_semaphore, #tpu.memory_space<semaphore_mem>>
      tpu.enqueue_dma source(%arg5 : memref<16xf32, #tpu.memory_space<hbm>>) target(%arg14 : memref<16xf32, #tpu.memory_space<vmem>>) target_semaphore(%run_scoped3A : memref<!tpu.dma_semaphore, #tpu.memory_space<semaphore_mem>>)
      tpu.wait_dma2 semaphore(%run_scoped3A : memref<!tpu.dma_semaphore, #tpu.memory_space<semaphore_mem>>) src(%arg5 : memref<16xf32, #tpu.memory_space<hbm>>) dst(%arg14 : memref<16xf32, #tpu.memory_space<vmem>>)
      tpu.yield
    }) : () -> ()
    %iota3A = tpu.iota {dimensions = array<i32: 0>} : vector<16xi32>
    %broadcast_in_dim3A = arith.constant 0.000000e+00 : f32
    %broadcast_in_dim3A_7 = vector.broadcast %broadcast_in_dim3A : f32 to vector<16xf32>
    %broadcast_in_dim3A_8 = arith.constant 1.000000e+00 : f32
    %broadcast_in_dim3A_9 = vector.broadcast %broadcast_in_dim3A_8 : f32 to vector<16xf32>
    %get3A = arith.constant 0 : index
    %get3A_10 = tpu.vector_load %arg13[%get3A] {strides = array<i32>} : memref<16xf32, #tpu.memory_space<vmem>>, vector<16xf32>,
    %get3A_11 = arith.constant 0 : index
    %get3A_12 = tpu.vector_load %arg14[%get3A_11] {strides = array<i32>} : memref<16xf32, #tpu.memory_space<vmem>>, vector<16xf32>,
    %scan3A = arith.constant 0 : i32
    %scan3A_13 = arith.constant 0 : i32
    %scan3A_14 = arith.constant 1628 : i32
    %scan3A_15 = arith.addi %scan3A_13, %scan3A_14 : i32
    %scan3A_16 = arith.constant 1 : i32
    scf.for %scan3A_2304 = %scan3A_13 to %scan3A_15 step %scan3A_16  : i32 {
      %mul3A_2305 = arith.constant 16 : i32
      %mul3A_2306 = arith.muli %scan3A_2304, %mul3A_2305 : i32
      %swap3A = arith.index_cast %mul3A_2306 : i32 to index
      %swap3A_2307 = tpu.vector_load %arg7[%swap3A] {strides = array<i32>} : memref<26048xf32, #tpu.memory_space<vmem>>, vector<16xf32>,
      tpu.vector_store %arg7[%swap3A], %broadcast_in_dim3A_7 {strides = array<i32>} : memref<26048xf32, #tpu.memory_space<vmem>>, vector<16xf32>,
    }
    %scan3A_17 = arith.constant 1628 : i32
    %scan3A_18 = arith.constant 0 : i32
    %scan3A_19 = arith.constant 0 : i32
    %scan3A_20 = arith.constant 1628 : i32
    %scan3A_21 = arith.addi %scan3A_19, %scan3A_20 : i32
    %scan3A_22 = arith.constant 1 : i32
    scf.for %scan3A_2304 = %scan3A_19 to %scan3A_21 step %scan3A_22  : i32 {
      %mul3A_2305 = arith.constant 16 : i32
      %mul3A_2306 = arith.muli %scan3A_2304, %mul3A_2305 : i32
      %swap3A = arith.index_cast %mul3A_2306 : i32 to index
      %swap3A_2307 = tpu.vector_load %arg8[%swap3A] {strides = array<i32>} : memref<26048xf32, #tpu.memory_space<vmem>>, vector<16xf32>,
      tpu.vector_store %arg8[%swap3A], %broadcast_in_dim3A_7 {strides = array<i32>} : memref<26048xf32, #tpu.memory_space<vmem>>, vector<16xf32>,
    }
    %scan3A_23 = arith.constant 1628 : i32
    %scan3A_24 = arith.constant 0 : i32
    %scan3A_25 = arith.constant 0 : i32
    %scan3A_26 = arith.constant 1628 : i32
    %scan3A_27 = arith.addi %scan3A_25, %scan3A_26 : i32
    %scan3A_28 = arith.constant 1 : i32
    scf.for %scan3A_2304 = %scan3A_25 to %scan3A_27 step %scan3A_28  : i32 {
      %mul3A_2305 = arith.constant 16 : i32
      %mul3A_2306 = arith.muli %scan3A_2304, %mul3A_2305 : i32
      %swap3A = arith.index_cast %mul3A_2306 : i32 to index
      %swap3A_2307 = tpu.vector_load %arg9[%swap3A] {strides = array<i32>} : memref<26048xf32, #tpu.memory_space<vmem>>, vector<16xf32>,
      tpu.vector_store %arg9[%swap3A], %broadcast_in_dim3A_7 {strides = array<i32>} : memref<26048xf32, #tpu.memory_space<vmem>>, vector<16xf32>,
    }
    %scan3A_29 = arith.constant 1628 : i32
    %scan3A_30 = arith.constant 0 : i32
    %scan3A_31 = arith.constant 0 : i32
    %scan3A_32 = arith.constant 1628 : i32
    %scan3A_33 = arith.addi %scan3A_31, %scan3A_32 : i32
    %scan3A_34 = arith.constant 1 : i32
    scf.for %scan3A_2304 = %scan3A_31 to %scan3A_33 step %scan3A_34  : i32 {
      %mul3A_2305 = arith.constant 16 : i32
      %mul3A_2306 = arith.muli %scan3A_2304, %mul3A_2305 : i32
      %swap3A = arith.index_cast %mul3A_2306 : i32 to index
      %swap3A_2307 = tpu.vector_load %arg10[%swap3A] {strides = array<i32>} : memref<26048xf32, #tpu.memory_space<vmem>>, vector<16xf32>,
      tpu.vector_store %arg10[%swap3A], %broadcast_in_dim3A_7 {strides = array<i32>} : memref<26048xf32, #tpu.memory_space<vmem>>, vector<16xf32>,
    }
    %scan3A_35 = arith.constant 1628 : i32
    %get3A_36 = arith.constant 0 : index
    %get3A_37 = tpu.vector_load %arg11[%get3A_36] {strides = array<i32>} : memref<1024xi32, #tpu.memory_space<vmem>>, vector<16xi32>,
    %mul3A_38 = arith.constant 1001 : i32
    %mul3A_39 = vector.broadcast %mul3A_38 : i32 to vector<16xi32>
    %mul3A_40 = arith.muli %mul3A_39, %iota3A : vector<16xi32>
    %add3A_41 = arith.addi %get3A_37, %mul3A_40 : vector<16xi32>
    %get3A_42 = arith.constant 16 : index
    %get3A_43 = tpu.vector_load %arg11[%get3A_42] {strides = array<i32>} : memref<1024xi32, #tpu.memory_space<vmem>>, vector<16xi32>,
    %add3A_44 = arith.constant 16 : i32
    %add3A_45 = vector.broadcast %add3A_44 : i32 to vector<16xi32>
    %add3A_46 = arith.addi %iota3A, %add3A_45 : vector<16xi32>
    %mul3A_47 = arith.constant 1001 : i32
    %mul3A_48 = vector.broadcast %mul3A_47 : i32 to vector<16xi32>
    %mul3A_49 = arith.muli %mul3A_48, %add3A_46 : vector<16xi32>
    %add3A_50 = arith.addi %get3A_43, %mul3A_49 : vector<16xi32>
    tpu.vector_store_idx %arg7[%add3A_41], %broadcast_in_dim3A_9 : memref<26048xf32, #tpu.memory_space<vmem>>[vector<16xi32>], vector<16xf32>,
    %lt3A = arith.constant 10 : i32
    %lt3A_51 = vector.broadcast %lt3A : i32 to vector<16xi32>
    %lt3A_52 = arith.cmpi slt, %iota3A, %lt3A_51 : vector<16xi32>
    tpu.vector_store_idx %arg7[%add3A_50], %broadcast_in_dim3A_9 masked %lt3A_52 : memref<26048xf32, #tpu.memory_space<vmem>>[vector<16xi32>], vector<16xf32>, vector<16xi1>
    %get3A_53 = arith.constant 0 : index
    %get3A_54 = tpu.vector_load %arg12[%get3A_53] {strides = array<i32>} : memref<512xf32, #tpu.memory_space<vmem>>, vector<16xf32>,
    %mul3A_55 = arith.mulf %get3A_54, %get3A_10 : vector<16xf32>
    %sub3A = arith.subf %mul3A_55, %get3A_12 : vector<16xf32>
    %add3A_56 = arith.constant 26026 : i32
    %add3A_57 = vector.broadcast %add3A_56 : i32 to vector<16xi32>
    %add3A_58 = arith.addi %add3A_57, %iota3A : vector<16xi32>
    %lt3A_59 = arith.constant 13 : i32
    %lt3A_60 = vector.broadcast %lt3A_59 : i32 to vector<16xi32>
    %lt3A_61 = arith.cmpi slt, %iota3A, %lt3A_60 : vector<16xi32>
    tpu.vector_store_idx %arg7[%add3A_58], %sub3A masked %lt3A_61 : memref<26048xf32, #tpu.memory_space<vmem>>[vector<16xi32>], vector<16xf32>, vector<16xi1>
    %add3A_62 = arith.constant 0 : i32
    %add3A_63 = arith.addi %mul3A_2, %add3A_62 : i32
    %dma_start3A = arith.constant 0 : i32
    %dma_start3A_64 = tpu.memref_slice %arg7[%dma_start3A] : memref<26048xf32, #tpu.memory_space<vmem>> -> memref<26039xf32, #tpu.memory_space<vmem>>
    %dma_start3A_65 = arith.constant 0 : i32
    %dma_start3A_66 = tpu.memref_slice %arg6[%add3A_63, %dma_start3A_65] : memref<1024x26039xf32, #tpu.memory_space<hbm>> -> memref<1x26039xf32, #tpu.memory_space<hbm>>
    %dma_start3A_67 = tpu.memref_squeeze %dma_start3A_66 : memref<1x26039xf32, #tpu.memory_space<hbm>> -> memref<26039xf32, #tpu.memory_space<hbm>>
    %dma_start3A_68 = arith.constant 0 : i32
    %dma_start3A_69 = tpu.memref_slice %arg6[%add3A_63, %dma_start3A_68] : memref<1024x26039xf32, #tpu.memory_space<hbm>> -> memref<1x26039xf32, #tpu.memory_space<hbm>>
    %dma_start3A_70 = tpu.memref_squeeze %dma_start3A_69 : memref<1x26039xf32, #tpu.memory_space<hbm>> -> memref<26039xf32, #tpu.memory_space<hbm>>
    %dma_start3A_71 = arith.constant 0 : i32
    %dma_start3A_72 = tpu.memref_slice %arg7[%dma_start3A_71] : memref<26048xf32, #tpu.memory_space<vmem>> -> memref<26039xf32, #tpu.memory_space<vmem>>
    tpu.enqueue_dma source(%dma_start3A_72 : memref<26039xf32, #tpu.memory_space<vmem>>) target(%dma_start3A_70 : memref<26039xf32, #tpu.memory_space<hbm>>) target_semaphore(%arg15 : memref<!tpu.dma_semaphore, #tpu.memory_space<semaphore_mem>>)
    %get3A_73 = arith.constant 32 : index
    %get3A_74 = tpu.vector_load %arg11[%get3A_73] {strides = array<i32>} : memref<1024xi32, #tpu.memory_space<vmem>>, vector<16xi32>,
    %mul3A_75 = arith.constant 1001 : i32
    %mul3A_76 = vector.broadcast %mul3A_75 : i32 to vector<16xi32>
    %mul3A_77 = arith.muli %mul3A_76, %iota3A : vector<16xi32>
    %add3A_78 = arith.addi %get3A_74, %mul3A_77 : vector<16xi32>
    %get3A_79 = arith.constant 48 : index
    %get3A_80 = tpu.vector_load %arg11[%get3A_79] {strides = array<i32>} : memref<1024xi32, #tpu.memory_space<vmem>>, vector<16xi32>,
    %add3A_81 = arith.constant 16 : i32
    %add3A_82 = vector.broadcast %add3A_81 : i32 to vector<16xi32>
    %add3A_83 = arith.addi %iota3A, %add3A_82 : vector<16xi32>
    %mul3A_84 = arith.constant 1001 : i32
    %mul3A_85 = vector.broadcast %mul3A_84 : i32 to vector<16xi32>
    %mul3A_86 = arith.muli %mul3A_85, %add3A_83 : vector<16xi32>
    %add3A_87 = arith.addi %get3A_80, %mul3A_86 : vector<16xi32>
    tpu.vector_store_idx %arg8[%add3A_78], %broadcast_in_dim3A_9 : memref<26048xf32, #tpu.memory_space<vmem>>[vector<16xi32>], vector<16xf32>,
    %lt3A_88 = arith.constant 10 : i32
    %lt3A_89 = vector.broadcast %lt3A_88 : i32 to vector<16xi32>
    %lt3A_90 = arith.cmpi slt, %iota3A, %lt3A_89 : vector<16xi32>
    tpu.vector_store_idx %arg8[%add3A_87], %broadcast_in_dim3A_9 masked %lt3A_90 : memref<26048xf32, #tpu.memory_space<vmem>>[vector<16xi32>], vector<16xf32>, vector<16xi1>
    %get3A_91 = arith.constant 16 : index
    %get3A_92 = tpu.vector_load %arg12[%get3A_91] {strides = array<i32>} : memref<512xf32, #tpu.memory_space<vmem>>, vector<16xf32>,
    %mul3A_93 = arith.mulf %get3A_92, %get3A_10 : vector<16xf32>
    %sub3A_94 = arith.subf %mul3A_93, %get3A_12 : vector<16xf32>
    %add3A_95 = arith.constant 26026 : i32
    %add3A_96 = vector.broadcast %add3A_95 : i32 to vector<16xi32>
    %add3A_97 = arith.addi %add3A_96, %iota3A : vector<16xi32>
    %lt3A_98 = arith.constant 13 : i32
    %lt3A_99 = vector.broadcast %lt3A_98 : i32 to vector<16xi32>
    %lt3A_100 = arith.cmpi slt, %iota3A, %lt3A_99 : vector<16xi32>
    tpu.vector_store_idx %arg8[%add3A_97], %sub3A_94 masked %lt3A_100 : memref<26048xf32, #tpu.memory_space<vmem>>[vector<16xi32>], vector<16xf32>, vector<16xi1>
    %add3A_101 = arith.constant 1 : i32
    %add3A_102 = arith.addi %mul3A_2, %add3A_101 : i32
    %dma_start3A_103 = arith.constant 0 : i32
    %dma_start3A_104 = tpu.memref_slice %arg8[%dma_start3A_103] : memref<26048xf32, #tpu.memory_space<vmem>> -> memref<26039xf32, #tpu.memory_space<vmem>>
    %dma_start3A_105 = arith.constant 0 : i32
    %dma_start3A_106 = tpu.memref_slice %arg6[%add3A_102, %dma_start3A_105] : memref<1024x26039xf32, #tpu.memory_space<hbm>> -> memref<1x26039xf32, #tpu.memory_space<hbm>>
    %dma_start3A_107 = tpu.memref_squeeze %dma_start3A_106 : memref<1x26039xf32, #tpu.memory_space<hbm>> -> memref<26039xf32, #tpu.memory_space<hbm>>
    %dma_start3A_108 = arith.constant 0 : i32
    %dma_start3A_109 = tpu.memref_slice %arg6[%add3A_102, %dma_start3A_108] : memref<1024x26039xf32, #tpu.memory_space<hbm>> -> memref<1x26039xf32, #tpu.memory_space<hbm>>
    %dma_start3A_110 = tpu.memref_squeeze %dma_start3A_109 : memref<1x26039xf32, #tpu.memory_space<hbm>> -> memref<26039xf32, #tpu.memory_space<hbm>>
    %dma_start3A_111 = arith.constant 0 : i32
    %dma_start3A_112 = tpu.memref_slice %arg8[%dma_start3A_111] : memref<26048xf32, #tpu.memory_space<vmem>> -> memref<26039xf32, #tpu.memory_space<vmem>>
    tpu.enqueue_dma source(%dma_start3A_112 : memref<26039xf32, #tpu.memory_space<vmem>>) target(%dma_start3A_110 : memref<26039xf32, #tpu.memory_space<hbm>>) target_semaphore(%arg16 : memref<!tpu.dma_semaphore, #tpu.memory_space<semaphore_mem>>)
    %get3A_113 = arith.constant 64 : index
    %get3A_114 = tpu.vector_load %arg11[%get3A_113] {strides = array<i32>} : memref<1024xi32, #tpu.memory_space<vmem>>, vector<16xi32>,
    %mul3A_115 = arith.constant 1001 : i32
    %mul3A_116 = vector.broadcast %mul3A_115 : i32 to vector<16xi32>
    %mul3A_117 = arith.muli %mul3A_116, %iota3A : vector<16xi32>
    %add3A_118 = arith.addi %get3A_114, %mul3A_117 : vector<16xi32>
    %get3A_119 = arith.constant 80 : index
    %get3A_120 = tpu.vector_load %arg11[%get3A_119] {strides = array<i32>} : memref<1024xi32, #tpu.memory_space<vmem>>, vector<16xi32>,
    %add3A_121 = arith.constant 16 : i32
    %add3A_122 = vector.broadcast %add3A_121 : i32 to vector<16xi32>
    %add3A_123 = arith.addi %iota3A, %add3A_122 : vector<16xi32>
    %mul3A_124 = arith.constant 1001 : i32
    %mul3A_125 = vector.broadcast %mul3A_124 : i32 to vector<16xi32>
    %mul3A_126 = arith.muli %mul3A_125, %add3A_123 : vector<16xi32>
    %add3A_127 = arith.addi %get3A_120, %mul3A_126 : vector<16xi32>
    tpu.vector_store_idx %arg9[%add3A_118], %broadcast_in_dim3A_9 : memref<26048xf32, #tpu.memory_space<vmem>>[vector<16xi32>], vector<16xf32>,
    %lt3A_128 = arith.constant 10 : i32
    %lt3A_129 = vector.broadcast %lt3A_128 : i32 to vector<16xi32>
    %lt3A_130 = arith.cmpi slt, %iota3A, %lt3A_129 : vector<16xi32>
    tpu.vector_store_idx %arg9[%add3A_127], %broadcast_in_dim3A_9 masked %lt3A_130 : memref<26048xf32, #tpu.memory_space<vmem>>[vector<16xi32>], vector<16xf32>, vector<16xi1>
    %get3A_131 = arith.constant 32 : index
    %get3A_132 = tpu.vector_load %arg12[%get3A_131] {strides = array<i32>} : memref<512xf32, #tpu.memory_space<vmem>>, vector<16xf32>,
    %mul3A_133 = arith.mulf %get3A_132, %get3A_10 : vector<16xf32>
    %sub3A_134 = arith.subf %mul3A_133, %get3A_12 : vector<16xf32>
    %add3A_135 = arith.constant 26026 : i32
    %add3A_136 = vector.broadcast %add3A_135 : i32 to vector<16xi32>
    %add3A_137 = arith.addi %add3A_136, %iota3A : vector<16xi32>
    %lt3A_138 = arith.constant 13 : i32
    %lt3A_139 = vector.broadcast %lt3A_138 : i32 to vector<16xi32>
    %lt3A_140 = arith.cmpi slt, %iota3A, %lt3A_139 : vector<16xi32>
    tpu.vector_store_idx %arg9[%add3A_137], %sub3A_134 masked %lt3A_140 : memref<26048xf32, #tpu.memory_space<vmem>>[vector<16xi32>], vector<16xf32>, vector<16xi1>
    %add3A_141 = arith.constant 2 : i32
    %add3A_142 = arith.addi %mul3A_2, %add3A_141 : i32
    %dma_start3A_143 = arith.constant 0 : i32
    %dma_start3A_144 = tpu.memref_slice %arg9[%dma_start3A_143] : memref<26048xf32, #tpu.memory_space<vmem>> -> memref<26039xf32, #tpu.memory_space<vmem>>
    %dma_start3A_145 = arith.constant 0 : i32
    %dma_start3A_146 = tpu.memref_slice %arg6[%add3A_142, %dma_start3A_145] : memref<1024x26039xf32, #tpu.memory_space<hbm>> -> memref<1x26039xf32, #tpu.memory_space<hbm>>
    %dma_start3A_147 = tpu.memref_squeeze %dma_start3A_146 : memref<1x26039xf32, #tpu.memory_space<hbm>> -> memref<26039xf32, #tpu.memory_space<hbm>>
    %dma_start3A_148 = arith.constant 0 : i32
    %dma_start3A_149 = tpu.memref_slice %arg6[%add3A_142, %dma_start3A_148] : memref<1024x26039xf32, #tpu.memory_space<hbm>> -> memref<1x26039xf32, #tpu.memory_space<hbm>>
    %dma_start3A_150 = tpu.memref_squeeze %dma_start3A_149 : memref<1x26039xf32, #tpu.memory_space<hbm>> -> memref<26039xf32, #tpu.memory_space<hbm>>
    %dma_start3A_151 = arith.constant 0 : i32
    %dma_start3A_152 = tpu.memref_slice %arg9[%dma_start3A_151] : memref<26048xf32, #tpu.memory_space<vmem>> -> memref<26039xf32, #tpu.memory_space<vmem>>
    tpu.enqueue_dma source(%dma_start3A_152 : memref<26039xf32, #tpu.memory_space<vmem>>) target(%dma_start3A_150 : memref<26039xf32, #tpu.memory_space<hbm>>) target_semaphore(%arg17 : memref<!tpu.dma_semaphore, #tpu.memory_space<semaphore_mem>>)
    %get3A_153 = arith.constant 96 : index
    %get3A_154 = tpu.vector_load %arg11[%get3A_153] {strides = array<i32>} : memref<1024xi32, #tpu.memory_space<vmem>>, vector<16xi32>,
    %mul3A_155 = arith.constant 1001 : i32
    %mul3A_156 = vector.broadcast %mul3A_155 : i32 to vector<16xi32>
    %mul3A_157 = arith.muli %mul3A_156, %iota3A : vector<16xi32>
    %add3A_158 = arith.addi %get3A_154, %mul3A_157 : vector<16xi32>
    %get3A_159 = arith.constant 112 : index
    %get3A_160 = tpu.vector_load %arg11[%get3A_159] {strides = array<i32>} : memref<1024xi32, #tpu.memory_space<vmem>>, vector<16xi32>,
    %add3A_161 = arith.constant 16 : i32
    %add3A_162 = vector.broadcast %add3A_161 : i32 to vector<16xi32>
    %add3A_163 = arith.addi %iota3A, %add3A_162 : vector<16xi32>
    %mul3A_164 = arith.constant 1001 : i32
    %mul3A_165 = vector.broadcast %mul3A_164 : i32 to vector<16xi32>
    %mul3A_166 = arith.muli %mul3A_165, %add3A_163 : vector<16xi32>
    %add3A_167 = arith.addi %get3A_160, %mul3A_166 : vector<16xi32>
    tpu.vector_store_idx %arg10[%add3A_158], %broadcast_in_dim3A_9 : memref<26048xf32, #tpu.memory_space<vmem>>[vector<16xi32>], vector<16xf32>,
    %lt3A_168 = arith.constant 10 : i32
    %lt3A_169 = vector.broadcast %lt3A_168 : i32 to vector<16xi32>
    %lt3A_170 = arith.cmpi slt, %iota3A, %lt3A_169 : vector<16xi32>
    tpu.vector_store_idx %arg10[%add3A_167], %broadcast_in_dim3A_9 masked %lt3A_170 : memref<26048xf32, #tpu.memory_space<vmem>>[vector<16xi32>], vector<16xf32>, vector<16xi1>
    %get3A_171 = arith.constant 48 : index
    %get3A_172 = tpu.vector_load %arg12[%get3A_171] {strides = array<i32>} : memref<512xf32, #tpu.memory_space<vmem>>, vector<16xf32>,
    %mul3A_173 = arith.mulf %get3A_172, %get3A_10 : vector<16xf32>
    %sub3A_174 = arith.subf %mul3A_173, %get3A_12 : vector<16xf32>
    %add3A_175 = arith.constant 26026 : i32
    %add3A_176 = vector.broadcast %add3A_175 : i32 to vector<16xi32>
    %add3A_177 = arith.addi %add3A_176, %iota3A : vector<16xi32>
    %lt3A_178 = arith.constant 13 : i32
    %lt3A_179 = vector.broadcast %lt3A_178 : i32 to vector<16xi32>
    %lt3A_180 = arith.cmpi slt, %iota3A, %lt3A_179 : vector<16xi32>
    tpu.vector_store_idx %arg10[%add3A_177], %sub3A_174 masked %lt3A_180 : memref<26048xf32, #tpu.memory_space<vmem>>[vector<16xi32>], vector<16xf32>, vector<16xi1>
    %add3A_181 = arith.constant 3 : i32
    %add3A_182 = arith.addi %mul3A_2, %add3A_181 : i32
    %dma_start3A_183 = arith.constant 0 : i32
    %dma_start3A_184 = tpu.memref_slice %arg10[%dma_start3A_183] : memref<26048xf32, #tpu.memory_space<vmem>> -> memref<26039xf32, #tpu.memory_space<vmem>>
    %dma_start3A_185 = arith.constant 0 : i32
    %dma_start3A_186 = tpu.memref_slice %arg6[%add3A_182, %dma_start3A_185] : memref<1024x26039xf32, #tpu.memory_space<hbm>> -> memref<1x26039xf32, #tpu.memory_space<hbm>>
    %dma_start3A_187 = tpu.memref_squeeze %dma_start3A_186 : memref<1x26039xf32, #tpu.memory_space<hbm>> -> memref<26039xf32, #tpu.memory_space<hbm>>
    %dma_start3A_188 = arith.constant 0 : i32
    %dma_start3A_189 = tpu.memref_slice %arg6[%add3A_182, %dma_start3A_188] : memref<1024x26039xf32, #tpu.memory_space<hbm>> -> memref<1x26039xf32, #tpu.memory_space<hbm>>
    %dma_start3A_190 = tpu.memref_squeeze %dma_start3A_189 : memref<1x26039xf32, #tpu.memory_space<hbm>> -> memref<26039xf32, #tpu.memory_space<hbm>>
    %dma_start3A_191 = arith.constant 0 : i32
    %dma_start3A_192 = tpu.memref_slice %arg10[%dma_start3A_191] : memref<26048xf32, #tpu.memory_space<vmem>> -> memref<26039xf32, #tpu.memory_space<vmem>>
    tpu.enqueue_dma source(%dma_start3A_192 : memref<26039xf32, #tpu.memory_space<vmem>>) target(%dma_start3A_190 : memref<26039xf32, #tpu.memory_space<hbm>>) target_semaphore(%arg18 : memref<!tpu.dma_semaphore, #tpu.memory_space<semaphore_mem>>)
    %dma_wait3A = arith.constant 0 : i32
    %dma_wait3A_193 = tpu.memref_slice %arg7[%dma_wait3A] : memref<26048xf32, #tpu.memory_space<vmem>> -> memref<26039xf32, #tpu.memory_space<vmem>>
    %dma_wait3A_194 = arith.constant 0 : i32
    %dma_wait3A_195 = tpu.memref_slice %arg6[%add3A_63, %dma_wait3A_194] : memref<1024x26039xf32, #tpu.memory_space<hbm>> -> memref<1x26039xf32, #tpu.memory_space<hbm>>
    %dma_wait3A_196 = tpu.memref_squeeze %dma_wait3A_195 : memref<1x26039xf32, #tpu.memory_space<hbm>> -> memref<26039xf32, #tpu.memory_space<hbm>>
    %dma_wait3A_197 = arith.constant 0 : i32
    %dma_wait3A_198 = tpu.memref_slice %arg6[%add3A_63, %dma_wait3A_197] : memref<1024x26039xf32, #tpu.memory_space<hbm>> -> memref<1x26039xf32, #tpu.memory_space<hbm>>
    %dma_wait3A_199 = tpu.memref_squeeze %dma_wait3A_198 : memref<1x26039xf32, #tpu.memory_space<hbm>> -> memref<26039xf32, #tpu.memory_space<hbm>>
    %dma_wait3A_200 = arith.constant 0 : i32
    %dma_wait3A_201 = tpu.memref_slice %arg7[%dma_wait3A_200] : memref<26048xf32, #tpu.memory_space<vmem>> -> memref<26039xf32, #tpu.memory_space<vmem>>
    tpu.wait_dma2 semaphore(%arg15 : memref<!tpu.dma_semaphore, #tpu.memory_space<semaphore_mem>>) src(%dma_wait3A_201 : memref<26039xf32, #tpu.memory_space<vmem>>) dst(%dma_wait3A_199 : memref<26039xf32, #tpu.memory_space<hbm>>)
    %get3A_202 = arith.constant 0 : index
    %get3A_203 = tpu.vector_load %arg11[%get3A_202] {strides = array<i32>} : memref<1024xi32, #tpu.memory_space<vmem>>, vector<16xi32>,
    %mul3A_204 = arith.constant 1001 : i32
    %mul3A_205 = vector.broadcast %mul3A_204 : i32 to vector<16xi32>
    %mul3A_206 = arith.muli %mul3A_205, %iota3A : vector<16xi32>
    %add3A_207 = arith.addi %get3A_203, %mul3A_206 : vector<16xi32>
    %get3A_208 = arith.constant 16 : index
    %get3A_209 = tpu.vector_load %arg11[%get3A_208] {strides = array<i32>} : memref<1024xi32, #tpu.memory_space<vmem>>, vector<16xi32>,
    %add3A_210 = arith.constant 16 : i32
    %add3A_211 = vector.broadcast %add3A_210 : i32 to vector<16xi32>
    %add3A_212 = arith.addi %iota3A, %add3A_211 : vector<16xi32>
    %mul3A_213 = arith.constant 1001 : i32
    %mul3A_214 = vector.broadcast %mul3A_213 : i32 to vector<16xi32>
    %mul3A_215 = arith.muli %mul3A_214, %add3A_212 : vector<16xi32>
    %add3A_216 = arith.addi %get3A_209, %mul3A_215 : vector<16xi32>
    tpu.vector_store_idx %arg7[%add3A_207], %broadcast_in_dim3A_7 : memref<26048xf32, #tpu.memory_space<vmem>>[vector<16xi32>], vector<16xf32>,
    %lt3A_217 = arith.constant 10 : i32
    %lt3A_218 = vector.broadcast %lt3A_217 : i32 to vector<16xi32>
    %lt3A_219 = arith.cmpi slt, %iota3A, %lt3A_218 : vector<16xi32>
    tpu.vector_store_idx %arg7[%add3A_216], %broadcast_in_dim3A_7 masked %lt3A_219 : memref<26048xf32, #tpu.memory_space<vmem>>[vector<16xi32>], vector<16xf32>, vector<16xi1>
    %add3A_220 = arith.constant 26026 : i32
    %add3A_221 = vector.broadcast %add3A_220 : i32 to vector<16xi32>
    %add3A_222 = arith.addi %add3A_221, %iota3A : vector<16xi32>
    %lt3A_223 = arith.constant 13 : i32
    %lt3A_224 = vector.broadcast %lt3A_223 : i32 to vector<16xi32>
    %lt3A_225 = arith.cmpi slt, %iota3A, %lt3A_224 : vector<16xi32>
    tpu.vector_store_idx %arg7[%add3A_222], %broadcast_in_dim3A_7 masked %lt3A_225 : memref<26048xf32, #tpu.memory_space<vmem>>[vector<16xi32>], vector<16xf32>, vector<16xi1>
    %get3A_226 = arith.constant 128 : index
    %get3A_227 = tpu.vector_load %arg11[%get3A_226] {strides = array<i32>} : memref<1024xi32, #tpu.memory_space<vmem>>, vector<16xi32>,
    %mul3A_228 = arith.constant 1001 : i32
    %mul3A_229 = vector.broadcast %mul3A_228 : i32 to vector<16xi32>
    %mul3A_230 = arith.muli %mul3A_229, %iota3A : vector<16xi32>
    %add3A_231 = arith.addi %get3A_227, %mul3A_230 : vector<16xi32>
    %get3A_232 = arith.constant 144 : index
    %get3A_233 = tpu.vector_load %arg11[%get3A_232] {strides = array<i32>} : memref<1024xi32, #tpu.memory_space<vmem>>, vector<16xi32>,
    %add3A_234 = arith.constant 16 : i32
    %add3A_235 = vector.broadcast %add3A_234 : i32 to vector<16xi32>
    %add3A_236 = arith.addi %iota3A, %add3A_235 : vector<16xi32>
    %mul3A_237 = arith.constant 1001 : i32
    %mul3A_238 = vector.broadcast %mul3A_237 : i32 to vector<16xi32>
    %mul3A_239 = arith.muli %mul3A_238, %add3A_236 : vector<16xi32>
    %add3A_240 = arith.addi %get3A_233, %mul3A_239 : vector<16xi32>
    tpu.vector_store_idx %arg7[%add3A_231], %broadcast_in_dim3A_9 : memref<26048xf32, #tpu.memory_space<vmem>>[vector<16xi32>], vector<16xf32>,
    %lt3A_241 = arith.constant 10 : i32
    %lt3A_242 = vector.broadcast %lt3A_241 : i32 to vector<16xi32>
    %lt3A_243 = arith.cmpi slt, %iota3A, %lt3A_242 : vector<16xi32>
    tpu.vector_store_idx %arg7[%add3A_240], %broadcast_in_dim3A_9 masked %lt3A_243 : memref<26048xf32, #tpu.memory_space<vmem>>[vector<16xi32>], vector<16xf32>, vector<16xi1>
    %get3A_244 = arith.constant 64 : index
    %get3A_245 = tpu.vector_load %arg12[%get3A_244] {strides = array<i32>} : memref<512xf32, #tpu.memory_space<vmem>>, vector<16xf32>,
    %mul3A_246 = arith.mulf %get3A_245, %get3A_10 : vector<16xf32>
    %sub3A_247 = arith.subf %mul3A_246, %get3A_12 : vector<16xf32>
    %add3A_248 = arith.constant 26026 : i32
    %add3A_249 = vector.broadcast %add3A_248 : i32 to vector<16xi32>
    %add3A_250 = arith.addi %add3A_249, %iota3A : vector<16xi32>
    %lt3A_251 = arith.constant 13 : i32
    %lt3A_252 = vector.broadcast %lt3A_251 : i32 to vector<16xi32>
    %lt3A_253 = arith.cmpi slt, %iota3A, %lt3A_252 : vector<16xi32>
    tpu.vector_store_idx %arg7[%add3A_250], %sub3A_247 masked %lt3A_253 : memref<26048xf32, #tpu.memory_space<vmem>>[vector<16xi32>], vector<16xf32>, vector<16xi1>
    %add3A_254 = arith.constant 4 : i32
    %add3A_255 = arith.addi %mul3A_2, %add3A_254 : i32
    %dma_start3A_256 = arith.constant 0 : i32
    %dma_start3A_257 = tpu.memref_slice %arg7[%dma_start3A_256] : memref<26048xf32, #tpu.memory_space<vmem>> -> memref<26039xf32, #tpu.memory_space<vmem>>
    %dma_start3A_258 = arith.constant 0 : i32
    %dma_start3A_259 = tpu.memref_slice %arg6[%add3A_255, %dma_start3A_258] : memref<1024x26039xf32, #tpu.memory_space<hbm>> -> memref<1x26039xf32, #tpu.memory_space<hbm>>
    %dma_start3A_260 = tpu.memref_squeeze %dma_start3A_259 : memref<1x26039xf32, #tpu.memory_space<hbm>> -> memref<26039xf32, #tpu.memory_space<hbm>>
    %dma_start3A_261 = arith.constant 0 : i32
    %dma_start3A_262 = tpu.memref_slice %arg6[%add3A_255, %dma_start3A_261] : memref<1024x26039xf32, #tpu.memory_space<hbm>> -> memref<1x26039xf32, #tpu.memory_space<hbm>>
    %dma_start3A_263 = tpu.memref_squeeze %dma_start3A_262 : memref<1x26039xf32, #tpu.memory_space<hbm>> -> memref<26039xf32, #tpu.memory_space<hbm>>
    %dma_start3A_264 = arith.constant 0 : i32
    %dma_start3A_265 = tpu.memref_slice %arg7[%dma_start3A_264] : memref<26048xf32, #tpu.memory_space<vmem>> -> memref<26039xf32, #tpu.memory_space<vmem>>
    tpu.enqueue_dma source(%dma_start3A_265 : memref<26039xf32, #tpu.memory_space<vmem>>) target(%dma_start3A_263 : memref<26039xf32, #tpu.memory_space<hbm>>) target_semaphore(%arg15 : memref<!tpu.dma_semaphore, #tpu.memory_space<semaphore_mem>>)
    %dma_wait3A_266 = arith.constant 0 : i32
    %dma_wait3A_267 = tpu.memref_slice %arg8[%dma_wait3A_266] : memref<26048xf32, #tpu.memory_space<vmem>> -> memref<26039xf32, #tpu.memory_space<vmem>>
    %dma_wait3A_268 = arith.constant 0 : i32
    %dma_wait3A_269 = tpu.memref_slice %arg6[%add3A_102, %dma_wait3A_268] : memref<1024x26039xf32, #tpu.memory_space<hbm>> -> memref<1x26039xf32, #tpu.memory_space<hbm>>
    %dma_wait3A_270 = tpu.memref_squeeze %dma_wait3A_269 : memref<1x26039xf32, #tpu.memory_space<hbm>> -> memref<26039xf32, #tpu.memory_space<hbm>>
    %dma_wait3A_271 = arith.constant 0 : i32
    %dma_wait3A_272 = tpu.memref_slice %arg6[%add3A_102, %dma_wait3A_271] : memref<1024x26039xf32, #tpu.memory_space<hbm>> -> memref<1x26039xf32, #tpu.memory_space<hbm>>
    %dma_wait3A_273 = tpu.memref_squeeze %dma_wait3A_272 : memref<1x26039xf32, #tpu.memory_space<hbm>> -> memref<26039xf32, #tpu.memory_space<hbm>>
    %dma_wait3A_274 = arith.constant 0 : i32
    %dma_wait3A_275 = tpu.memref_slice %arg8[%dma_wait3A_274] : memref<26048xf32, #tpu.memory_space<vmem>> -> memref<26039xf32, #tpu.memory_space<vmem>>
    tpu.wait_dma2 semaphore(%arg16 : memref<!tpu.dma_semaphore, #tpu.memory_space<semaphore_mem>>) src(%dma_wait3A_275 : memref<26039xf32, #tpu.memory_space<vmem>>) dst(%dma_wait3A_273 : memref<26039xf32, #tpu.memory_space<hbm>>)
    %get3A_276 = arith.constant 32 : index
    %get3A_277 = tpu.vector_load %arg11[%get3A_276] {strides = array<i32>} : memref<1024xi32, #tpu.memory_space<vmem>>, vector<16xi32>,
    %mul3A_278 = arith.constant 1001 : i32
    %mul3A_279 = vector.broadcast %mul3A_278 : i32 to vector<16xi32>
    %mul3A_280 = arith.muli %mul3A_279, %iota3A : vector<16xi32>
    %add3A_281 = arith.addi %get3A_277, %mul3A_280 : vector<16xi32>
    %get3A_282 = arith.constant 48 : index
    %get3A_283 = tpu.vector_load %arg11[%get3A_282] {strides = array<i32>} : memref<1024xi32, #tpu.memory_space<vmem>>, vector<16xi32>,
    %add3A_284 = arith.constant 16 : i32
    %add3A_285 = vector.broadcast %add3A_284 : i32 to vector<16xi32>
    %add3A_286 = arith.addi %iota3A, %add3A_285 : vector<16xi32>
    %mul3A_287 = arith.constant 1001 : i32
    %mul3A_288 = vector.broadcast %mul3A_287 : i32 to vector<16xi32>
    %mul3A_289 = arith.muli %mul3A_288, %add3A_286 : vector<16xi32>
    %add3A_290 = arith.addi %get3A_283, %mul3A_289 : vector<16xi32>
    tpu.vector_store_idx %arg8[%add3A_281], %broadcast_in_dim3A_7 : memref<26048xf32, #tpu.memory_space<vmem>>[vector<16xi32>], vector<16xf32>,
    %lt3A_291 = arith.constant 10 : i32
    %lt3A_292 = vector.broadcast %lt3A_291 : i32 to vector<16xi32>
    %lt3A_293 = arith.cmpi slt, %iota3A, %lt3A_292 : vector<16xi32>
    tpu.vector_store_idx %arg8[%add3A_290], %broadcast_in_dim3A_7 masked %lt3A_293 : memref<26048xf32, #tpu.memory_space<vmem>>[vector<16xi32>], vector<16xf32>, vector<16xi1>
    %add3A_294 = arith.constant 26026 : i32
    %add3A_295 = vector.broadcast %add3A_294 : i32 to vector<16xi32>
    %add3A_296 = arith.addi %add3A_295, %iota3A : vector<16xi32>
    %lt3A_297 = arith.constant 13 : i32
    %lt3A_298 = vector.broadcast %lt3A_297 : i32 to vector<16xi32>
    %lt3A_299 = arith.cmpi slt, %iota3A, %lt3A_298 : vector<16xi32>
    tpu.vector_store_idx %arg8[%add3A_296], %broadcast_in_dim3A_7 masked %lt3A_299 : memref<26048xf32, #tpu.memory_space<vmem>>[vector<16xi32>], vector<16xf32>, vector<16xi1>
    %get3A_300 = arith.constant 160 : index
    %get3A_301 = tpu.vector_load %arg11[%get3A_300] {strides = array<i32>} : memref<1024xi32, #tpu.memory_space<vmem>>, vector<16xi32>,
    %mul3A_302 = arith.constant 1001 : i32
    %mul3A_303 = vector.broadcast %mul3A_302 : i32 to vector<16xi32>
    %mul3A_304 = arith.muli %mul3A_303, %iota3A : vector<16xi32>
    %add3A_305 = arith.addi %get3A_301, %mul3A_304 : vector<16xi32>
    %get3A_306 = arith.constant 176 : index
    %get3A_307 = tpu.vector_load %arg11[%get3A_306] {strides = array<i32>} : memref<1024xi32, #tpu.memory_space<vmem>>, vector<16xi32>,
    %add3A_308 = arith.constant 16 : i32
    %add3A_309 = vector.broadcast %add3A_308 : i32 to vector<16xi32>
    %add3A_310 = arith.addi %iota3A, %add3A_309 : vector<16xi32>
    %mul3A_311 = arith.constant 1001 : i32
    %mul3A_312 = vector.broadcast %mul3A_311 : i32 to vector<16xi32>
    %mul3A_313 = arith.muli %mul3A_312, %add3A_310 : vector<16xi32>
    %add3A_314 = arith.addi %get3A_307, %mul3A_313 : vector<16xi32>
    tpu.vector_store_idx %arg8[%add3A_305], %broadcast_in_dim3A_9 : memref<26048xf32, #tpu.memory_space<vmem>>[vector<16xi32>], vector<16xf32>,
    %lt3A_315 = arith.constant 10 : i32
    %lt3A_316 = vector.broadcast %lt3A_315 : i32 to vector<16xi32>
    %lt3A_317 = arith.cmpi slt, %iota3A, %lt3A_316 : vector<16xi32>
    tpu.vector_store_idx %arg8[%add3A_314], %broadcast_in_dim3A_9 masked %lt3A_317 : memref<26048xf32, #tpu.memory_space<vmem>>[vector<16xi32>], vector<16xf32>, vector<16xi1>
    %get3A_318 = arith.constant 80 : index
    %get3A_319 = tpu.vector_load %arg12[%get3A_318] {strides = array<i32>} : memref<512xf32, #tpu.memory_space<vmem>>, vector<16xf32>,
    %mul3A_320 = arith.mulf %get3A_319, %get3A_10 : vector<16xf32>
    %sub3A_321 = arith.subf %mul3A_320, %get3A_12 : vector<16xf32>
    %add3A_322 = arith.constant 26026 : i32
    %add3A_323 = vector.broadcast %add3A_322 : i32 to vector<16xi32>
    %add3A_324 = arith.addi %add3A_323, %iota3A : vector<16xi32>
    %lt3A_325 = arith.constant 13 : i32
    %lt3A_326 = vector.broadcast %lt3A_325 : i32 to vector<16xi32>
    %lt3A_327 = arith.cmpi slt, %iota3A, %lt3A_326 : vector<16xi32>
    tpu.vector_store_idx %arg8[%add3A_324], %sub3A_321 masked %lt3A_327 : memref<26048xf32, #tpu.memory_space<vmem>>[vector<16xi32>], vector<16xf32>, vector<16xi1>
    %add3A_328 = arith.constant 5 : i32
    %add3A_329 = arith.addi %mul3A_2, %add3A_328 : i32
    %dma_start3A_330 = arith.constant 0 : i32
    %dma_start3A_331 = tpu.memref_slice %arg8[%dma_start3A_330] : memref<26048xf32, #tpu.memory_space<vmem>> -> memref<26039xf32, #tpu.memory_space<vmem>>
    %dma_start3A_332 = arith.constant 0 : i32
    %dma_start3A_333 = tpu.memref_slice %arg6[%add3A_329, %dma_start3A_332] : memref<1024x26039xf32, #tpu.memory_space<hbm>> -> memref<1x26039xf32, #tpu.memory_space<hbm>>
    %dma_start3A_334 = tpu.memref_squeeze %dma_start3A_333 : memref<1x26039xf32, #tpu.memory_space<hbm>> -> memref<26039xf32, #tpu.memory_space<hbm>>
    %dma_start3A_335 = arith.constant 0 : i32
    %dma_start3A_336 = tpu.memref_slice %arg6[%add3A_329, %dma_start3A_335] : memref<1024x26039xf32, #tpu.memory_space<hbm>> -> memref<1x26039xf32, #tpu.memory_space<hbm>>
    %dma_start3A_337 = tpu.memref_squeeze %dma_start3A_336 : memref<1x26039xf32, #tpu.memory_space<hbm>> -> memref<26039xf32, #tpu.memory_space<hbm>>
    %dma_start3A_338 = arith.constant 0 : i32
    %dma_start3A_339 = tpu.memref_slice %arg8[%dma_start3A_338] : memref<26048xf32, #tpu.memory_space<vmem>> -> memref<26039xf32, #tpu.memory_space<vmem>>
    tpu.enqueue_dma source(%dma_start3A_339 : memref<26039xf32, #tpu.memory_space<vmem>>) target(%dma_start3A_337 : memref<26039xf32, #tpu.memory_space<hbm>>) target_semaphore(%arg16 : memref<!tpu.dma_semaphore, #tpu.memory_space<semaphore_mem>>)
    %dma_wait3A_340 = arith.constant 0 : i32
    %dma_wait3A_341 = tpu.memref_slice %arg9[%dma_wait3A_340] : memref<26048xf32, #tpu.memory_space<vmem>> -> memref<26039xf32, #tpu.memory_space<vmem>>
    %dma_wait3A_342 = arith.constant 0 : i32
    %dma_wait3A_343 = tpu.memref_slice %arg6[%add3A_142, %dma_wait3A_342] : memref<1024x26039xf32, #tpu.memory_space<hbm>> -> memref<1x26039xf32, #tpu.memory_space<hbm>>
    %dma_wait3A_344 = tpu.memref_squeeze %dma_wait3A_343 : memref<1x26039xf32, #tpu.memory_space<hbm>> -> memref<26039xf32, #tpu.memory_space<hbm>>
    %dma_wait3A_345 = arith.constant 0 : i32
    %dma_wait3A_346 = tpu.memref_slice %arg6[%add3A_142, %dma_wait3A_345] : memref<1024x26039xf32, #tpu.memory_space<hbm>> -> memref<1x26039xf32, #tpu.memory_space<hbm>>
    %dma_wait3A_347 = tpu.memref_squeeze %dma_wait3A_346 : memref<1x26039xf32, #tpu.memory_space<hbm>> -> memref<26039xf32, #tpu.memory_space<hbm>>
    %dma_wait3A_348 = arith.constant 0 : i32
    %dma_wait3A_349 = tpu.memref_slice %arg9[%dma_wait3A_348] : memref<26048xf32, #tpu.memory_space<vmem>> -> memref<26039xf32, #tpu.memory_space<vmem>>
    tpu.wait_dma2 semaphore(%arg17 : memref<!tpu.dma_semaphore, #tpu.memory_space<semaphore_mem>>) src(%dma_wait3A_349 : memref<26039xf32, #tpu.memory_space<vmem>>) dst(%dma_wait3A_347 : memref<26039xf32, #tpu.memory_space<hbm>>)
    %get3A_350 = arith.constant 64 : index
    %get3A_351 = tpu.vector_load %arg11[%get3A_350] {strides = array<i32>} : memref<1024xi32, #tpu.memory_space<vmem>>, vector<16xi32>,
    %mul3A_352 = arith.constant 1001 : i32
    %mul3A_353 = vector.broadcast %mul3A_352 : i32 to vector<16xi32>
    %mul3A_354 = arith.muli %mul3A_353, %iota3A : vector<16xi32>
    %add3A_355 = arith.addi %get3A_351, %mul3A_354 : vector<16xi32>
    %get3A_356 = arith.constant 80 : index
    %get3A_357 = tpu.vector_load %arg11[%get3A_356] {strides = array<i32>} : memref<1024xi32, #tpu.memory_space<vmem>>, vector<16xi32>,
    %add3A_358 = arith.constant 16 : i32
    %add3A_359 = vector.broadcast %add3A_358 : i32 to vector<16xi32>
    %add3A_360 = arith.addi %iota3A, %add3A_359 : vector<16xi32>
    %mul3A_361 = arith.constant 1001 : i32
    %mul3A_362 = vector.broadcast %mul3A_361 : i32 to vector<16xi32>
    %mul3A_363 = arith.muli %mul3A_362, %add3A_360 : vector<16xi32>
    %add3A_364 = arith.addi %get3A_357, %mul3A_363 : vector<16xi32>
    tpu.vector_store_idx %arg9[%add3A_355], %broadcast_in_dim3A_7 : memref<26048xf32, #tpu.memory_space<vmem>>[vector<16xi32>], vector<16xf32>,
    %lt3A_365 = arith.constant 10 : i32
    %lt3A_366 = vector.broadcast %lt3A_365 : i32 to vector<16xi32>
    %lt3A_367 = arith.cmpi slt, %iota3A, %lt3A_366 : vector<16xi32>
    tpu.vector_store_idx %arg9[%add3A_364], %broadcast_in_dim3A_7 masked %lt3A_367 : memref<26048xf32, #tpu.memory_space<vmem>>[vector<16xi32>], vector<16xf32>, vector<16xi1>
    %add3A_368 = arith.constant 26026 : i32
    %add3A_369 = vector.broadcast %add3A_368 : i32 to vector<16xi32>
    %add3A_370 = arith.addi %add3A_369, %iota3A : vector<16xi32>
    %lt3A_371 = arith.constant 13 : i32
    %lt3A_372 = vector.broadcast %lt3A_371 : i32 to vector<16xi32>
    %lt3A_373 = arith.cmpi slt, %iota3A, %lt3A_372 : vector<16xi32>
    tpu.vector_store_idx %arg9[%add3A_370], %broadcast_in_dim3A_7 masked %lt3A_373 : memref<26048xf32, #tpu.memory_space<vmem>>[vector<16xi32>], vector<16xf32>, vector<16xi1>
    %get3A_374 = arith.constant 192 : index
    %get3A_375 = tpu.vector_load %arg11[%get3A_374] {strides = array<i32>} : memref<1024xi32, #tpu.memory_space<vmem>>, vector<16xi32>,
    %mul3A_376 = arith.constant 1001 : i32
    %mul3A_377 = vector.broadcast %mul3A_376 : i32 to vector<16xi32>
    %mul3A_378 = arith.muli %mul3A_377, %iota3A : vector<16xi32>
    %add3A_379 = arith.addi %get3A_375, %mul3A_378 : vector<16xi32>
    %get3A_380 = arith.constant 208 : index
    %get3A_381 = tpu.vector_load %arg11[%get3A_380] {strides = array<i32>} : memref<1024xi32, #tpu.memory_space<vmem>>, vector<16xi32>,
    %add3A_382 = arith.constant 16 : i32
    %add3A_383 = vector.broadcast %add3A_382 : i32 to vector<16xi32>
    %add3A_384 = arith.addi %iota3A, %add3A_383 : vector<16xi32>
    %mul3A_385 = arith.constant 1001 : i32
    %mul3A_386 = vector.broadcast %mul3A_385 : i32 to vector<16xi32>
    %mul3A_387 = arith.muli %mul3A_386, %add3A_384 : vector<16xi32>
    %add3A_388 = arith.addi %get3A_381, %mul3A_387 : vector<16xi32>
    tpu.vector_store_idx %arg9[%add3A_379], %broadcast_in_dim3A_9 : memref<26048xf32, #tpu.memory_space<vmem>>[vector<16xi32>], vector<16xf32>,
    %lt3A_389 = arith.constant 10 : i32
    %lt3A_390 = vector.broadcast %lt3A_389 : i32 to vector<16xi32>
    %lt3A_391 = arith.cmpi slt, %iota3A, %lt3A_390 : vector<16xi32>
    tpu.vector_store_idx %arg9[%add3A_388], %broadcast_in_dim3A_9 masked %lt3A_391 : memref<26048xf32, #tpu.memory_space<vmem>>[vector<16xi32>], vector<16xf32>, vector<16xi1>
    %get3A_392 = arith.constant 96 : index
    %get3A_393 = tpu.vector_load %arg12[%get3A_392] {strides = array<i32>} : memref<512xf32, #tpu.memory_space<vmem>>, vector<16xf32>,
    %mul3A_394 = arith.mulf %get3A_393, %get3A_10 : vector<16xf32>
    %sub3A_395 = arith.subf %mul3A_394, %get3A_12 : vector<16xf32>
    %add3A_396 = arith.constant 26026 : i32
    %add3A_397 = vector.broadcast %add3A_396 : i32 to vector<16xi32>
    %add3A_398 = arith.addi %add3A_397, %iota3A : vector<16xi32>
    %lt3A_399 = arith.constant 13 : i32
    %lt3A_400 = vector.broadcast %lt3A_399 : i32 to vector<16xi32>
    %lt3A_401 = arith.cmpi slt, %iota3A, %lt3A_400 : vector<16xi32>
    tpu.vector_store_idx %arg9[%add3A_398], %sub3A_395 masked %lt3A_401 : memref<26048xf32, #tpu.memory_space<vmem>>[vector<16xi32>], vector<16xf32>, vector<16xi1>
    %add3A_402 = arith.constant 6 : i32
    %add3A_403 = arith.addi %mul3A_2, %add3A_402 : i32
    %dma_start3A_404 = arith.constant 0 : i32
    %dma_start3A_405 = tpu.memref_slice %arg9[%dma_start3A_404] : memref<26048xf32, #tpu.memory_space<vmem>> -> memref<26039xf32, #tpu.memory_space<vmem>>
    %dma_start3A_406 = arith.constant 0 : i32
    %dma_start3A_407 = tpu.memref_slice %arg6[%add3A_403, %dma_start3A_406] : memref<1024x26039xf32, #tpu.memory_space<hbm>> -> memref<1x26039xf32, #tpu.memory_space<hbm>>
    %dma_start3A_408 = tpu.memref_squeeze %dma_start3A_407 : memref<1x26039xf32, #tpu.memory_space<hbm>> -> memref<26039xf32, #tpu.memory_space<hbm>>
    %dma_start3A_409 = arith.constant 0 : i32
    %dma_start3A_410 = tpu.memref_slice %arg6[%add3A_403, %dma_start3A_409] : memref<1024x26039xf32, #tpu.memory_space<hbm>> -> memref<1x26039xf32, #tpu.memory_space<hbm>>
    %dma_start3A_411 = tpu.memref_squeeze %dma_start3A_410 : memref<1x26039xf32, #tpu.memory_space<hbm>> -> memref<26039xf32, #tpu.memory_space<hbm>>
    %dma_start3A_412 = arith.constant 0 : i32
    %dma_start3A_413 = tpu.memref_slice %arg9[%dma_start3A_412] : memref<26048xf32, #tpu.memory_space<vmem>> -> memref<26039xf32, #tpu.memory_space<vmem>>
    tpu.enqueue_dma source(%dma_start3A_413 : memref<26039xf32, #tpu.memory_space<vmem>>) target(%dma_start3A_411 : memref<26039xf32, #tpu.memory_space<hbm>>) target_semaphore(%arg17 : memref<!tpu.dma_semaphore, #tpu.memory_space<semaphore_mem>>)
    %dma_wait3A_414 = arith.constant 0 : i32
    %dma_wait3A_415 = tpu.memref_slice %arg10[%dma_wait3A_414] : memref<26048xf32, #tpu.memory_space<vmem>> -> memref<26039xf32, #tpu.memory_space<vmem>>
    %dma_wait3A_416 = arith.constant 0 : i32
    %dma_wait3A_417 = tpu.memref_slice %arg6[%add3A_182, %dma_wait3A_416] : memref<1024x26039xf32, #tpu.memory_space<hbm>> -> memref<1x26039xf32, #tpu.memory_space<hbm>>
    %dma_wait3A_418 = tpu.memref_squeeze %dma_wait3A_417 : memref<1x26039xf32, #tpu.memory_space<hbm>> -> memref<26039xf32, #tpu.memory_space<hbm>>
    %dma_wait3A_419 = arith.constant 0 : i32
    %dma_wait3A_420 = tpu.memref_slice %arg6[%add3A_182, %dma_wait3A_419] : memref<1024x26039xf32, #tpu.memory_space<hbm>> -> memref<1x26039xf32, #tpu.memory_space<hbm>>
    %dma_wait3A_421 = tpu.memref_squeeze %dma_wait3A_420 : memref<1x26039xf32, #tpu.memory_space<hbm>> -> memref<26039xf32, #tpu.memory_space<hbm>>
    %dma_wait3A_422 = arith.constant 0 : i32
    %dma_wait3A_423 = tpu.memref_slice %arg10[%dma_wait3A_422] : memref<26048xf32, #tpu.memory_space<vmem>> -> memref<26039xf32, #tpu.memory_space<vmem>>
    tpu.wait_dma2 semaphore(%arg18 : memref<!tpu.dma_semaphore, #tpu.memory_space<semaphore_mem>>) src(%dma_wait3A_423 : memref<26039xf32, #tpu.memory_space<vmem>>) dst(%dma_wait3A_421 : memref<26039xf32, #tpu.memory_space<hbm>>)
    %get3A_424 = arith.constant 96 : index
    %get3A_425 = tpu.vector_load %arg11[%get3A_424] {strides = array<i32>} : memref<1024xi32, #tpu.memory_space<vmem>>, vector<16xi32>,
    %mul3A_426 = arith.constant 1001 : i32
    %mul3A_427 = vector.broadcast %mul3A_426 : i32 to vector<16xi32>
    %mul3A_428 = arith.muli %mul3A_427, %iota3A : vector<16xi32>
    %add3A_429 = arith.addi %get3A_425, %mul3A_428 : vector<16xi32>
    %get3A_430 = arith.constant 112 : index
    %get3A_431 = tpu.vector_load %arg11[%get3A_430] {strides = array<i32>} : memref<1024xi32, #tpu.memory_space<vmem>>, vector<16xi32>,
    %add3A_432 = arith.constant 16 : i32
    %add3A_433 = vector.broadcast %add3A_432 : i32 to vector<16xi32>
    %add3A_434 = arith.addi %iota3A, %add3A_433 : vector<16xi32>
    %mul3A_435 = arith.constant 1001 : i32
    %mul3A_436 = vector.broadcast %mul3A_435 : i32 to vector<16xi32>
    %mul3A_437 = arith.muli %mul3A_436, %add3A_434 : vector<16xi32>
    %add3A_438 = arith.addi %get3A_431, %mul3A_437 : vector<16xi32>
    tpu.vector_store_idx %arg10[%add3A_429], %broadcast_in_dim3A_7 : memref<26048xf32, #tpu.memory_space<vmem>>[vector<16xi32>], vector<16xf32>,
    %lt3A_439 = arith.constant 10 : i32
    %lt3A_440 = vector.broadcast %lt3A_439 : i32 to vector<16xi32>
    %lt3A_441 = arith.cmpi slt, %iota3A, %lt3A_440 : vector<16xi32>
    tpu.vector_store_idx %arg10[%add3A_438], %broadcast_in_dim3A_7 masked %lt3A_441 : memref<26048xf32, #tpu.memory_space<vmem>>[vector<16xi32>], vector<16xf32>, vector<16xi1>
    %add3A_442 = arith.constant 26026 : i32
    %add3A_443 = vector.broadcast %add3A_442 : i32 to vector<16xi32>
    %add3A_444 = arith.addi %add3A_443, %iota3A : vector<16xi32>
    %lt3A_445 = arith.constant 13 : i32
    %lt3A_446 = vector.broadcast %lt3A_445 : i32 to vector<16xi32>
    %lt3A_447 = arith.cmpi slt, %iota3A, %lt3A_446 : vector<16xi32>
    tpu.vector_store_idx %arg10[%add3A_444], %broadcast_in_dim3A_7 masked %lt3A_447 : memref<26048xf32, #tpu.memory_space<vmem>>[vector<16xi32>], vector<16xf32>, vector<16xi1>
    %get3A_448 = arith.constant 224 : index
    %get3A_449 = tpu.vector_load %arg11[%get3A_448] {strides = array<i32>} : memref<1024xi32, #tpu.memory_space<vmem>>, vector<16xi32>,
    %mul3A_450 = arith.constant 1001 : i32
    %mul3A_451 = vector.broadcast %mul3A_450 : i32 to vector<16xi32>
    %mul3A_452 = arith.muli %mul3A_451, %iota3A : vector<16xi32>
    %add3A_453 = arith.addi %get3A_449, %mul3A_452 : vector<16xi32>
    %get3A_454 = arith.constant 240 : index
    %get3A_455 = tpu.vector_load %arg11[%get3A_454] {strides = array<i32>} : memref<1024xi32, #tpu.memory_space<vmem>>, vector<16xi32>,
    %add3A_456 = arith.constant 16 : i32
    %add3A_457 = vector.broadcast %add3A_456 : i32 to vector<16xi32>
    %add3A_458 = arith.addi %iota3A, %add3A_457 : vector<16xi32>
    %mul3A_459 = arith.constant 1001 : i32
    %mul3A_460 = vector.broadcast %mul3A_459 : i32 to vector<16xi32>
    %mul3A_461 = arith.muli %mul3A_460, %add3A_458 : vector<16xi32>
    %add3A_462 = arith.addi %get3A_455, %mul3A_461 : vector<16xi32>
    tpu.vector_store_idx %arg10[%add3A_453], %broadcast_in_dim3A_9 : memref<26048xf32, #tpu.memory_space<vmem>>[vector<16xi32>], vector<16xf32>,
    %lt3A_463 = arith.constant 10 : i32
    %lt3A_464 = vector.broadcast %lt3A_463 : i32 to vector<16xi32>
    %lt3A_465 = arith.cmpi slt, %iota3A, %lt3A_464 : vector<16xi32>
    tpu.vector_store_idx %arg10[%add3A_462], %broadcast_in_dim3A_9 masked %lt3A_465 : memref<26048xf32, #tpu.memory_space<vmem>>[vector<16xi32>], vector<16xf32>, vector<16xi1>
    %get3A_466 = arith.constant 112 : index
    %get3A_467 = tpu.vector_load %arg12[%get3A_466] {strides = array<i32>} : memref<512xf32, #tpu.memory_space<vmem>>, vector<16xf32>,
    %mul3A_468 = arith.mulf %get3A_467, %get3A_10 : vector<16xf32>
    %sub3A_469 = arith.subf %mul3A_468, %get3A_12 : vector<16xf32>
    %add3A_470 = arith.constant 26026 : i32
    %add3A_471 = vector.broadcast %add3A_470 : i32 to vector<16xi32>
    %add3A_472 = arith.addi %add3A_471, %iota3A : vector<16xi32>
    %lt3A_473 = arith.constant 13 : i32
    %lt3A_474 = vector.broadcast %lt3A_473 : i32 to vector<16xi32>
    %lt3A_475 = arith.cmpi slt, %iota3A, %lt3A_474 : vector<16xi32>
    tpu.vector_store_idx %arg10[%add3A_472], %sub3A_469 masked %lt3A_475 : memref<26048xf32, #tpu.memory_space<vmem>>[vector<16xi32>], vector<16xf32>, vector<16xi1>
    %add3A_476 = arith.constant 7 : i32
    %add3A_477 = arith.addi %mul3A_2, %add3A_476 : i32
    %dma_start3A_478 = arith.constant 0 : i32
    %dma_start3A_479 = tpu.memref_slice %arg10[%dma_start3A_478] : memref<26048xf32, #tpu.memory_space<vmem>> -> memref<26039xf32, #tpu.memory_space<vmem>>
    %dma_start3A_480 = arith.constant 0 : i32
    %dma_start3A_481 = tpu.memref_slice %arg6[%add3A_477, %dma_start3A_480] : memref<1024x26039xf32, #tpu.memory_space<hbm>> -> memref<1x26039xf32, #tpu.memory_space<hbm>>
    %dma_start3A_482 = tpu.memref_squeeze %dma_start3A_481 : memref<1x26039xf32, #tpu.memory_space<hbm>> -> memref<26039xf32, #tpu.memory_space<hbm>>
    %dma_start3A_483 = arith.constant 0 : i32
    %dma_start3A_484 = tpu.memref_slice %arg6[%add3A_477, %dma_start3A_483] : memref<1024x26039xf32, #tpu.memory_space<hbm>> -> memref<1x26039xf32, #tpu.memory_space<hbm>>
    %dma_start3A_485 = tpu.memref_squeeze %dma_start3A_484 : memref<1x26039xf32, #tpu.memory_space<hbm>> -> memref<26039xf32, #tpu.memory_space<hbm>>
    %dma_start3A_486 = arith.constant 0 : i32
    %dma_start3A_487 = tpu.memref_slice %arg10[%dma_start3A_486] : memref<26048xf32, #tpu.memory_space<vmem>> -> memref<26039xf32, #tpu.memory_space<vmem>>
    tpu.enqueue_dma source(%dma_start3A_487 : memref<26039xf32, #tpu.memory_space<vmem>>) target(%dma_start3A_485 : memref<26039xf32, #tpu.memory_space<hbm>>) target_semaphore(%arg18 : memref<!tpu.dma_semaphore, #tpu.memory_space<semaphore_mem>>)
    %dma_wait3A_488 = arith.constant 0 : i32
    %dma_wait3A_489 = tpu.memref_slice %arg7[%dma_wait3A_488] : memref<26048xf32, #tpu.memory_space<vmem>> -> memref<26039xf32, #tpu.memory_space<vmem>>
    %dma_wait3A_490 = arith.constant 0 : i32
    %dma_wait3A_491 = tpu.memref_slice %arg6[%add3A_255, %dma_wait3A_490] : memref<1024x26039xf32, #tpu.memory_space<hbm>> -> memref<1x26039xf32, #tpu.memory_space<hbm>>
    %dma_wait3A_492 = tpu.memref_squeeze %dma_wait3A_491 : memref<1x26039xf32, #tpu.memory_space<hbm>> -> memref<26039xf32, #tpu.memory_space<hbm>>
    %dma_wait3A_493 = arith.constant 0 : i32
    %dma_wait3A_494 = tpu.memref_slice %arg6[%add3A_255, %dma_wait3A_493] : memref<1024x26039xf32, #tpu.memory_space<hbm>> -> memref<1x26039xf32, #tpu.memory_space<hbm>>
    %dma_wait3A_495 = tpu.memref_squeeze %dma_wait3A_494 : memref<1x26039xf32, #tpu.memory_space<hbm>> -> memref<26039xf32, #tpu.memory_space<hbm>>
    %dma_wait3A_496 = arith.constant 0 : i32
    %dma_wait3A_497 = tpu.memref_slice %arg7[%dma_wait3A_496] : memref<26048xf32, #tpu.memory_space<vmem>> -> memref<26039xf32, #tpu.memory_space<vmem>>
    tpu.wait_dma2 semaphore(%arg15 : memref<!tpu.dma_semaphore, #tpu.memory_space<semaphore_mem>>) src(%dma_wait3A_497 : memref<26039xf32, #tpu.memory_space<vmem>>) dst(%dma_wait3A_495 : memref<26039xf32, #tpu.memory_space<hbm>>)
    %get3A_498 = arith.constant 128 : index
    %get3A_499 = tpu.vector_load %arg11[%get3A_498] {strides = array<i32>} : memref<1024xi32, #tpu.memory_space<vmem>>, vector<16xi32>,
    %mul3A_500 = arith.constant 1001 : i32
    %mul3A_501 = vector.broadcast %mul3A_500 : i32 to vector<16xi32>
    %mul3A_502 = arith.muli %mul3A_501, %iota3A : vector<16xi32>
    %add3A_503 = arith.addi %get3A_499, %mul3A_502 : vector<16xi32>
    %get3A_504 = arith.constant 144 : index
    %get3A_505 = tpu.vector_load %arg11[%get3A_504] {strides = array<i32>} : memref<1024xi32, #tpu.memory_space<vmem>>, vector<16xi32>,
    %add3A_506 = arith.constant 16 : i32
    %add3A_507 = vector.broadcast %add3A_506 : i32 to vector<16xi32>
    %add3A_508 = arith.addi %iota3A, %add3A_507 : vector<16xi32>
    %mul3A_509 = arith.constant 1001 : i32
    %mul3A_510 = vector.broadcast %mul3A_509 : i32 to vector<16xi32>
    %mul3A_511 = arith.muli %mul3A_510, %add3A_508 : vector<16xi32>
    %add3A_512 = arith.addi %get3A_505, %mul3A_511 : vector<16xi32>
    tpu.vector_store_idx %arg7[%add3A_503], %broadcast_in_dim3A_7 : memref<26048xf32, #tpu.memory_space<vmem>>[vector<16xi32>], vector<16xf32>,
    %lt3A_513 = arith.constant 10 : i32
    %lt3A_514 = vector.broadcast %lt3A_513 : i32 to vector<16xi32>
    %lt3A_515 = arith.cmpi slt, %iota3A, %lt3A_514 : vector<16xi32>
    tpu.vector_store_idx %arg7[%add3A_512], %broadcast_in_dim3A_7 masked %lt3A_515 : memref<26048xf32, #tpu.memory_space<vmem>>[vector<16xi32>], vector<16xf32>, vector<16xi1>
    %add3A_516 = arith.constant 26026 : i32
    %add3A_517 = vector.broadcast %add3A_516 : i32 to vector<16xi32>
    %add3A_518 = arith.addi %add3A_517, %iota3A : vector<16xi32>
    %lt3A_519 = arith.constant 13 : i32
    %lt3A_520 = vector.broadcast %lt3A_519 : i32 to vector<16xi32>
    %lt3A_521 = arith.cmpi slt, %iota3A, %lt3A_520 : vector<16xi32>
    tpu.vector_store_idx %arg7[%add3A_518], %broadcast_in_dim3A_7 masked %lt3A_521 : memref<26048xf32, #tpu.memory_space<vmem>>[vector<16xi32>], vector<16xf32>, vector<16xi1>
    %get3A_522 = arith.constant 256 : index
    %get3A_523 = tpu.vector_load %arg11[%get3A_522] {strides = array<i32>} : memref<1024xi32, #tpu.memory_space<vmem>>, vector<16xi32>,
    %mul3A_524 = arith.constant 1001 : i32
    %mul3A_525 = vector.broadcast %mul3A_524 : i32 to vector<16xi32>
    %mul3A_526 = arith.muli %mul3A_525, %iota3A : vector<16xi32>
    %add3A_527 = arith.addi %get3A_523, %mul3A_526 : vector<16xi32>
    %get3A_528 = arith.constant 272 : index
    %get3A_529 = tpu.vector_load %arg11[%get3A_528] {strides = array<i32>} : memref<1024xi32, #tpu.memory_space<vmem>>, vector<16xi32>,
    %add3A_530 = arith.constant 16 : i32
    %add3A_531 = vector.broadcast %add3A_530 : i32 to vector<16xi32>
    %add3A_532 = arith.addi %iota3A, %add3A_531 : vector<16xi32>
    %mul3A_533 = arith.constant 1001 : i32
    %mul3A_534 = vector.broadcast %mul3A_533 : i32 to vector<16xi32>
    %mul3A_535 = arith.muli %mul3A_534, %add3A_532 : vector<16xi32>
    %add3A_536 = arith.addi %get3A_529, %mul3A_535 : vector<16xi32>
    tpu.vector_store_idx %arg7[%add3A_527], %broadcast_in_dim3A_9 : memref<26048xf32, #tpu.memory_space<vmem>>[vector<16xi32>], vector<16xf32>,
    %lt3A_537 = arith.constant 10 : i32
    %lt3A_538 = vector.broadcast %lt3A_537 : i32 to vector<16xi32>
    %lt3A_539 = arith.cmpi slt, %iota3A, %lt3A_538 : vector<16xi32>
    tpu.vector_store_idx %arg7[%add3A_536], %broadcast_in_dim3A_9 masked %lt3A_539 : memref<26048xf32, #tpu.memory_space<vmem>>[vector<16xi32>], vector<16xf32>, vector<16xi1>
    %get3A_540 = arith.constant 128 : index
    %get3A_541 = tpu.vector_load %arg12[%get3A_540] {strides = array<i32>} : memref<512xf32, #tpu.memory_space<vmem>>, vector<16xf32>,
    %mul3A_542 = arith.mulf %get3A_541, %get3A_10 : vector<16xf32>
    %sub3A_543 = arith.subf %mul3A_542, %get3A_12 : vector<16xf32>
    %add3A_544 = arith.constant 26026 : i32
    %add3A_545 = vector.broadcast %add3A_544 : i32 to vector<16xi32>
    %add3A_546 = arith.addi %add3A_545, %iota3A : vector<16xi32>
    %lt3A_547 = arith.constant 13 : i32
    %lt3A_548 = vector.broadcast %lt3A_547 : i32 to vector<16xi32>
    %lt3A_549 = arith.cmpi slt, %iota3A, %lt3A_548 : vector<16xi32>
    tpu.vector_store_idx %arg7[%add3A_546], %sub3A_543 masked %lt3A_549 : memref<26048xf32, #tpu.memory_space<vmem>>[vector<16xi32>], vector<16xf32>, vector<16xi1>
    %add3A_550 = arith.constant 8 : i32
    %add3A_551 = arith.addi %mul3A_2, %add3A_550 : i32
    %dma_start3A_552 = arith.constant 0 : i32
    %dma_start3A_553 = tpu.memref_slice %arg7[%dma_start3A_552] : memref<26048xf32, #tpu.memory_space<vmem>> -> memref<26039xf32, #tpu.memory_space<vmem>>
    %dma_start3A_554 = arith.constant 0 : i32
    %dma_start3A_555 = tpu.memref_slice %arg6[%add3A_551, %dma_start3A_554] : memref<1024x26039xf32, #tpu.memory_space<hbm>> -> memref<1x26039xf32, #tpu.memory_space<hbm>>
    %dma_start3A_556 = tpu.memref_squeeze %dma_start3A_555 : memref<1x26039xf32, #tpu.memory_space<hbm>> -> memref<26039xf32, #tpu.memory_space<hbm>>
    %dma_start3A_557 = arith.constant 0 : i32
    %dma_start3A_558 = tpu.memref_slice %arg6[%add3A_551, %dma_start3A_557] : memref<1024x26039xf32, #tpu.memory_space<hbm>> -> memref<1x26039xf32, #tpu.memory_space<hbm>>
    %dma_start3A_559 = tpu.memref_squeeze %dma_start3A_558 : memref<1x26039xf32, #tpu.memory_space<hbm>> -> memref<26039xf32, #tpu.memory_space<hbm>>
    %dma_start3A_560 = arith.constant 0 : i32
    %dma_start3A_561 = tpu.memref_slice %arg7[%dma_start3A_560] : memref<26048xf32, #tpu.memory_space<vmem>> -> memref<26039xf32, #tpu.memory_space<vmem>>
    tpu.enqueue_dma source(%dma_start3A_561 : memref<26039xf32, #tpu.memory_space<vmem>>) target(%dma_start3A_559 : memref<26039xf32, #tpu.memory_space<hbm>>) target_semaphore(%arg15 : memref<!tpu.dma_semaphore, #tpu.memory_space<semaphore_mem>>)
    %dma_wait3A_562 = arith.constant 0 : i32
    %dma_wait3A_563 = tpu.memref_slice %arg8[%dma_wait3A_562] : memref<26048xf32, #tpu.memory_space<vmem>> -> memref<26039xf32, #tpu.memory_space<vmem>>
    %dma_wait3A_564 = arith.constant 0 : i32
    %dma_wait3A_565 = tpu.memref_slice %arg6[%add3A_329, %dma_wait3A_564] : memref<1024x26039xf32, #tpu.memory_space<hbm>> -> memref<1x26039xf32, #tpu.memory_space<hbm>>
    %dma_wait3A_566 = tpu.memref_squeeze %dma_wait3A_565 : memref<1x26039xf32, #tpu.memory_space<hbm>> -> memref<26039xf32, #tpu.memory_space<hbm>>
    %dma_wait3A_567 = arith.constant 0 : i32
    %dma_wait3A_568 = tpu.memref_slice %arg6[%add3A_329, %dma_wait3A_567] : memref<1024x26039xf32, #tpu.memory_space<hbm>> -> memref<1x26039xf32, #tpu.memory_space<hbm>>
    %dma_wait3A_569 = tpu.memref_squeeze %dma_wait3A_568 : memref<1x26039xf32, #tpu.memory_space<hbm>> -> memref<26039xf32, #tpu.memory_space<hbm>>
    %dma_wait3A_570 = arith.constant 0 : i32
    %dma_wait3A_571 = tpu.memref_slice %arg8[%dma_wait3A_570] : memref<26048xf32, #tpu.memory_space<vmem>> -> memref<26039xf32, #tpu.memory_space<vmem>>
    tpu.wait_dma2 semaphore(%arg16 : memref<!tpu.dma_semaphore, #tpu.memory_space<semaphore_mem>>) src(%dma_wait3A_571 : memref<26039xf32, #tpu.memory_space<vmem>>) dst(%dma_wait3A_569 : memref<26039xf32, #tpu.memory_space<hbm>>)
    %get3A_572 = arith.constant 160 : index
    %get3A_573 = tpu.vector_load %arg11[%get3A_572] {strides = array<i32>} : memref<1024xi32, #tpu.memory_space<vmem>>, vector<16xi32>,
    %mul3A_574 = arith.constant 1001 : i32
    %mul3A_575 = vector.broadcast %mul3A_574 : i32 to vector<16xi32>
    %mul3A_576 = arith.muli %mul3A_575, %iota3A : vector<16xi32>
    %add3A_577 = arith.addi %get3A_573, %mul3A_576 : vector<16xi32>
    %get3A_578 = arith.constant 176 : index
    %get3A_579 = tpu.vector_load %arg11[%get3A_578] {strides = array<i32>} : memref<1024xi32, #tpu.memory_space<vmem>>, vector<16xi32>,
    %add3A_580 = arith.constant 16 : i32
    %add3A_581 = vector.broadcast %add3A_580 : i32 to vector<16xi32>
    %add3A_582 = arith.addi %iota3A, %add3A_581 : vector<16xi32>
    %mul3A_583 = arith.constant 1001 : i32
    %mul3A_584 = vector.broadcast %mul3A_583 : i32 to vector<16xi32>
    %mul3A_585 = arith.muli %mul3A_584, %add3A_582 : vector<16xi32>
    %add3A_586 = arith.addi %get3A_579, %mul3A_585 : vector<16xi32>
    tpu.vector_store_idx %arg8[%add3A_577], %broadcast_in_dim3A_7 : memref<26048xf32, #tpu.memory_space<vmem>>[vector<16xi32>], vector<16xf32>,
    %lt3A_587 = arith.constant 10 : i32
    %lt3A_588 = vector.broadcast %lt3A_587 : i32 to vector<16xi32>
    %lt3A_589 = arith.cmpi slt, %iota3A, %lt3A_588 : vector<16xi32>
    tpu.vector_store_idx %arg8[%add3A_586], %broadcast_in_dim3A_7 masked %lt3A_589 : memref<26048xf32, #tpu.memory_space<vmem>>[vector<16xi32>], vector<16xf32>, vector<16xi1>
    %add3A_590 = arith.constant 26026 : i32
    %add3A_591 = vector.broadcast %add3A_590 : i32 to vector<16xi32>
    %add3A_592 = arith.addi %add3A_591, %iota3A : vector<16xi32>
    %lt3A_593 = arith.constant 13 : i32
    %lt3A_594 = vector.broadcast %lt3A_593 : i32 to vector<16xi32>
    %lt3A_595 = arith.cmpi slt, %iota3A, %lt3A_594 : vector<16xi32>
    tpu.vector_store_idx %arg8[%add3A_592], %broadcast_in_dim3A_7 masked %lt3A_595 : memref<26048xf32, #tpu.memory_space<vmem>>[vector<16xi32>], vector<16xf32>, vector<16xi1>
    %get3A_596 = arith.constant 288 : index
    %get3A_597 = tpu.vector_load %arg11[%get3A_596] {strides = array<i32>} : memref<1024xi32, #tpu.memory_space<vmem>>, vector<16xi32>,
    %mul3A_598 = arith.constant 1001 : i32
    %mul3A_599 = vector.broadcast %mul3A_598 : i32 to vector<16xi32>
    %mul3A_600 = arith.muli %mul3A_599, %iota3A : vector<16xi32>
    %add3A_601 = arith.addi %get3A_597, %mul3A_600 : vector<16xi32>
    %get3A_602 = arith.constant 304 : index
    %get3A_603 = tpu.vector_load %arg11[%get3A_602] {strides = array<i32>} : memref<1024xi32, #tpu.memory_space<vmem>>, vector<16xi32>,
    %add3A_604 = arith.constant 16 : i32
    %add3A_605 = vector.broadcast %add3A_604 : i32 to vector<16xi32>
    %add3A_606 = arith.addi %iota3A, %add3A_605 : vector<16xi32>
    %mul3A_607 = arith.constant 1001 : i32
    %mul3A_608 = vector.broadcast %mul3A_607 : i32 to vector<16xi32>
    %mul3A_609 = arith.muli %mul3A_608, %add3A_606 : vector<16xi32>
    %add3A_610 = arith.addi %get3A_603, %mul3A_609 : vector<16xi32>
    tpu.vector_store_idx %arg8[%add3A_601], %broadcast_in_dim3A_9 : memref<26048xf32, #tpu.memory_space<vmem>>[vector<16xi32>], vector<16xf32>,
    %lt3A_611 = arith.constant 10 : i32
    %lt3A_612 = vector.broadcast %lt3A_611 : i32 to vector<16xi32>
    %lt3A_613 = arith.cmpi slt, %iota3A, %lt3A_612 : vector<16xi32>
    tpu.vector_store_idx %arg8[%add3A_610], %broadcast_in_dim3A_9 masked %lt3A_613 : memref<26048xf32, #tpu.memory_space<vmem>>[vector<16xi32>], vector<16xf32>, vector<16xi1>
    %get3A_614 = arith.constant 144 : index
    %get3A_615 = tpu.vector_load %arg12[%get3A_614] {strides = array<i32>} : memref<512xf32, #tpu.memory_space<vmem>>, vector<16xf32>,
    %mul3A_616 = arith.mulf %get3A_615, %get3A_10 : vector<16xf32>
    %sub3A_617 = arith.subf %mul3A_616, %get3A_12 : vector<16xf32>
    %add3A_618 = arith.constant 26026 : i32
    %add3A_619 = vector.broadcast %add3A_618 : i32 to vector<16xi32>
    %add3A_620 = arith.addi %add3A_619, %iota3A : vector<16xi32>
    %lt3A_621 = arith.constant 13 : i32
    %lt3A_622 = vector.broadcast %lt3A_621 : i32 to vector<16xi32>
    %lt3A_623 = arith.cmpi slt, %iota3A, %lt3A_622 : vector<16xi32>
    tpu.vector_store_idx %arg8[%add3A_620], %sub3A_617 masked %lt3A_623 : memref<26048xf32, #tpu.memory_space<vmem>>[vector<16xi32>], vector<16xf32>, vector<16xi1>
    %add3A_624 = arith.constant 9 : i32
    %add3A_625 = arith.addi %mul3A_2, %add3A_624 : i32
    %dma_start3A_626 = arith.constant 0 : i32
    %dma_start3A_627 = tpu.memref_slice %arg8[%dma_start3A_626] : memref<26048xf32, #tpu.memory_space<vmem>> -> memref<26039xf32, #tpu.memory_space<vmem>>
    %dma_start3A_628 = arith.constant 0 : i32
    %dma_start3A_629 = tpu.memref_slice %arg6[%add3A_625, %dma_start3A_628] : memref<1024x26039xf32, #tpu.memory_space<hbm>> -> memref<1x26039xf32, #tpu.memory_space<hbm>>
    %dma_start3A_630 = tpu.memref_squeeze %dma_start3A_629 : memref<1x26039xf32, #tpu.memory_space<hbm>> -> memref<26039xf32, #tpu.memory_space<hbm>>
    %dma_start3A_631 = arith.constant 0 : i32
    %dma_start3A_632 = tpu.memref_slice %arg6[%add3A_625, %dma_start3A_631] : memref<1024x26039xf32, #tpu.memory_space<hbm>> -> memref<1x26039xf32, #tpu.memory_space<hbm>>
    %dma_start3A_633 = tpu.memref_squeeze %dma_start3A_632 : memref<1x26039xf32, #tpu.memory_space<hbm>> -> memref<26039xf32, #tpu.memory_space<hbm>>
    %dma_start3A_634 = arith.constant 0 : i32
    %dma_start3A_635 = tpu.memref_slice %arg8[%dma_start3A_634] : memref<26048xf32, #tpu.memory_space<vmem>> -> memref<26039xf32, #tpu.memory_space<vmem>>
    tpu.enqueue_dma source(%dma_start3A_635 : memref<26039xf32, #tpu.memory_space<vmem>>) target(%dma_start3A_633 : memref<26039xf32, #tpu.memory_space<hbm>>) target_semaphore(%arg16 : memref<!tpu.dma_semaphore, #tpu.memory_space<semaphore_mem>>)
    %dma_wait3A_636 = arith.constant 0 : i32
    %dma_wait3A_637 = tpu.memref_slice %arg9[%dma_wait3A_636] : memref<26048xf32, #tpu.memory_space<vmem>> -> memref<26039xf32, #tpu.memory_space<vmem>>
    %dma_wait3A_638 = arith.constant 0 : i32
    %dma_wait3A_639 = tpu.memref_slice %arg6[%add3A_403, %dma_wait3A_638] : memref<1024x26039xf32, #tpu.memory_space<hbm>> -> memref<1x26039xf32, #tpu.memory_space<hbm>>
    %dma_wait3A_640 = tpu.memref_squeeze %dma_wait3A_639 : memref<1x26039xf32, #tpu.memory_space<hbm>> -> memref<26039xf32, #tpu.memory_space<hbm>>
    %dma_wait3A_641 = arith.constant 0 : i32
    %dma_wait3A_642 = tpu.memref_slice %arg6[%add3A_403, %dma_wait3A_641] : memref<1024x26039xf32, #tpu.memory_space<hbm>> -> memref<1x26039xf32, #tpu.memory_space<hbm>>
    %dma_wait3A_643 = tpu.memref_squeeze %dma_wait3A_642 : memref<1x26039xf32, #tpu.memory_space<hbm>> -> memref<26039xf32, #tpu.memory_space<hbm>>
    %dma_wait3A_644 = arith.constant 0 : i32
    %dma_wait3A_645 = tpu.memref_slice %arg9[%dma_wait3A_644] : memref<26048xf32, #tpu.memory_space<vmem>> -> memref<26039xf32, #tpu.memory_space<vmem>>
    tpu.wait_dma2 semaphore(%arg17 : memref<!tpu.dma_semaphore, #tpu.memory_space<semaphore_mem>>) src(%dma_wait3A_645 : memref<26039xf32, #tpu.memory_space<vmem>>) dst(%dma_wait3A_643 : memref<26039xf32, #tpu.memory_space<hbm>>)
    %get3A_646 = arith.constant 192 : index
    %get3A_647 = tpu.vector_load %arg11[%get3A_646] {strides = array<i32>} : memref<1024xi32, #tpu.memory_space<vmem>>, vector<16xi32>,
    %mul3A_648 = arith.constant 1001 : i32
    %mul3A_649 = vector.broadcast %mul3A_648 : i32 to vector<16xi32>
    %mul3A_650 = arith.muli %mul3A_649, %iota3A : vector<16xi32>
    %add3A_651 = arith.addi %get3A_647, %mul3A_650 : vector<16xi32>
    %get3A_652 = arith.constant 208 : index
    %get3A_653 = tpu.vector_load %arg11[%get3A_652] {strides = array<i32>} : memref<1024xi32, #tpu.memory_space<vmem>>, vector<16xi32>,
    %add3A_654 = arith.constant 16 : i32
    %add3A_655 = vector.broadcast %add3A_654 : i32 to vector<16xi32>
    %add3A_656 = arith.addi %iota3A, %add3A_655 : vector<16xi32>
    %mul3A_657 = arith.constant 1001 : i32
    %mul3A_658 = vector.broadcast %mul3A_657 : i32 to vector<16xi32>
    %mul3A_659 = arith.muli %mul3A_658, %add3A_656 : vector<16xi32>
    %add3A_660 = arith.addi %get3A_653, %mul3A_659 : vector<16xi32>
    tpu.vector_store_idx %arg9[%add3A_651], %broadcast_in_dim3A_7 : memref<26048xf32, #tpu.memory_space<vmem>>[vector<16xi32>], vector<16xf32>,
    %lt3A_661 = arith.constant 10 : i32
    %lt3A_662 = vector.broadcast %lt3A_661 : i32 to vector<16xi32>
    %lt3A_663 = arith.cmpi slt, %iota3A, %lt3A_662 : vector<16xi32>
    tpu.vector_store_idx %arg9[%add3A_660], %broadcast_in_dim3A_7 masked %lt3A_663 : memref<26048xf32, #tpu.memory_space<vmem>>[vector<16xi32>], vector<16xf32>, vector<16xi1>
    %add3A_664 = arith.constant 26026 : i32
    %add3A_665 = vector.broadcast %add3A_664 : i32 to vector<16xi32>
    %add3A_666 = arith.addi %add3A_665, %iota3A : vector<16xi32>
    %lt3A_667 = arith.constant 13 : i32
    %lt3A_668 = vector.broadcast %lt3A_667 : i32 to vector<16xi32>
    %lt3A_669 = arith.cmpi slt, %iota3A, %lt3A_668 : vector<16xi32>
    tpu.vector_store_idx %arg9[%add3A_666], %broadcast_in_dim3A_7 masked %lt3A_669 : memref<26048xf32, #tpu.memory_space<vmem>>[vector<16xi32>], vector<16xf32>, vector<16xi1>
    %get3A_670 = arith.constant 320 : index
    %get3A_671 = tpu.vector_load %arg11[%get3A_670] {strides = array<i32>} : memref<1024xi32, #tpu.memory_space<vmem>>, vector<16xi32>,
    %mul3A_672 = arith.constant 1001 : i32
    %mul3A_673 = vector.broadcast %mul3A_672 : i32 to vector<16xi32>
    %mul3A_674 = arith.muli %mul3A_673, %iota3A : vector<16xi32>
    %add3A_675 = arith.addi %get3A_671, %mul3A_674 : vector<16xi32>
    %get3A_676 = arith.constant 336 : index
    %get3A_677 = tpu.vector_load %arg11[%get3A_676] {strides = array<i32>} : memref<1024xi32, #tpu.memory_space<vmem>>, vector<16xi32>,
    %add3A_678 = arith.constant 16 : i32
    %add3A_679 = vector.broadcast %add3A_678 : i32 to vector<16xi32>
    %add3A_680 = arith.addi %iota3A, %add3A_679 : vector<16xi32>
    %mul3A_681 = arith.constant 1001 : i32
    %mul3A_682 = vector.broadcast %mul3A_681 : i32 to vector<16xi32>
    %mul3A_683 = arith.muli %mul3A_682, %add3A_680 : vector<16xi32>
    %add3A_684 = arith.addi %get3A_677, %mul3A_683 : vector<16xi32>
    tpu.vector_store_idx %arg9[%add3A_675], %broadcast_in_dim3A_9 : memref<26048xf32, #tpu.memory_space<vmem>>[vector<16xi32>], vector<16xf32>,
    %lt3A_685 = arith.constant 10 : i32
    %lt3A_686 = vector.broadcast %lt3A_685 : i32 to vector<16xi32>
    %lt3A_687 = arith.cmpi slt, %iota3A, %lt3A_686 : vector<16xi32>
    tpu.vector_store_idx %arg9[%add3A_684], %broadcast_in_dim3A_9 masked %lt3A_687 : memref<26048xf32, #tpu.memory_space<vmem>>[vector<16xi32>], vector<16xf32>, vector<16xi1>
    %get3A_688 = arith.constant 160 : index
    %get3A_689 = tpu.vector_load %arg12[%get3A_688] {strides = array<i32>} : memref<512xf32, #tpu.memory_space<vmem>>, vector<16xf32>,
    %mul3A_690 = arith.mulf %get3A_689, %get3A_10 : vector<16xf32>
    %sub3A_691 = arith.subf %mul3A_690, %get3A_12 : vector<16xf32>
    %add3A_692 = arith.constant 26026 : i32
    %add3A_693 = vector.broadcast %add3A_692 : i32 to vector<16xi32>
    %add3A_694 = arith.addi %add3A_693, %iota3A : vector<16xi32>
    %lt3A_695 = arith.constant 13 : i32
    %lt3A_696 = vector.broadcast %lt3A_695 : i32 to vector<16xi32>
    %lt3A_697 = arith.cmpi slt, %iota3A, %lt3A_696 : vector<16xi32>
    tpu.vector_store_idx %arg9[%add3A_694], %sub3A_691 masked %lt3A_697 : memref<26048xf32, #tpu.memory_space<vmem>>[vector<16xi32>], vector<16xf32>, vector<16xi1>
    %add3A_698 = arith.constant 10 : i32
    %add3A_699 = arith.addi %mul3A_2, %add3A_698 : i32
    %dma_start3A_700 = arith.constant 0 : i32
    %dma_start3A_701 = tpu.memref_slice %arg9[%dma_start3A_700] : memref<26048xf32, #tpu.memory_space<vmem>> -> memref<26039xf32, #tpu.memory_space<vmem>>
    %dma_start3A_702 = arith.constant 0 : i32
    %dma_start3A_703 = tpu.memref_slice %arg6[%add3A_699, %dma_start3A_702] : memref<1024x26039xf32, #tpu.memory_space<hbm>> -> memref<1x26039xf32, #tpu.memory_space<hbm>>
    %dma_start3A_704 = tpu.memref_squeeze %dma_start3A_703 : memref<1x26039xf32, #tpu.memory_space<hbm>> -> memref<26039xf32, #tpu.memory_space<hbm>>
    %dma_start3A_705 = arith.constant 0 : i32
    %dma_start3A_706 = tpu.memref_slice %arg6[%add3A_699, %dma_start3A_705] : memref<1024x26039xf32, #tpu.memory_space<hbm>> -> memref<1x26039xf32, #tpu.memory_space<hbm>>
    %dma_start3A_707 = tpu.memref_squeeze %dma_start3A_706 : memref<1x26039xf32, #tpu.memory_space<hbm>> -> memref<26039xf32, #tpu.memory_space<hbm>>
    %dma_start3A_708 = arith.constant 0 : i32
    %dma_start3A_709 = tpu.memref_slice %arg9[%dma_start3A_708] : memref<26048xf32, #tpu.memory_space<vmem>> -> memref<26039xf32, #tpu.memory_space<vmem>>
    tpu.enqueue_dma source(%dma_start3A_709 : memref<26039xf32, #tpu.memory_space<vmem>>) target(%dma_start3A_707 : memref<26039xf32, #tpu.memory_space<hbm>>) target_semaphore(%arg17 : memref<!tpu.dma_semaphore, #tpu.memory_space<semaphore_mem>>)
    %dma_wait3A_710 = arith.constant 0 : i32
    %dma_wait3A_711 = tpu.memref_slice %arg10[%dma_wait3A_710] : memref<26048xf32, #tpu.memory_space<vmem>> -> memref<26039xf32, #tpu.memory_space<vmem>>
    %dma_wait3A_712 = arith.constant 0 : i32
    %dma_wait3A_713 = tpu.memref_slice %arg6[%add3A_477, %dma_wait3A_712] : memref<1024x26039xf32, #tpu.memory_space<hbm>> -> memref<1x26039xf32, #tpu.memory_space<hbm>>
    %dma_wait3A_714 = tpu.memref_squeeze %dma_wait3A_713 : memref<1x26039xf32, #tpu.memory_space<hbm>> -> memref<26039xf32, #tpu.memory_space<hbm>>
    %dma_wait3A_715 = arith.constant 0 : i32
    %dma_wait3A_716 = tpu.memref_slice %arg6[%add3A_477, %dma_wait3A_715] : memref<1024x26039xf32, #tpu.memory_space<hbm>> -> memref<1x26039xf32, #tpu.memory_space<hbm>>
    %dma_wait3A_717 = tpu.memref_squeeze %dma_wait3A_716 : memref<1x26039xf32, #tpu.memory_space<hbm>> -> memref<26039xf32, #tpu.memory_space<hbm>>
    %dma_wait3A_718 = arith.constant 0 : i32
    %dma_wait3A_719 = tpu.memref_slice %arg10[%dma_wait3A_718] : memref<26048xf32, #tpu.memory_space<vmem>> -> memref<26039xf32, #tpu.memory_space<vmem>>
    tpu.wait_dma2 semaphore(%arg18 : memref<!tpu.dma_semaphore, #tpu.memory_space<semaphore_mem>>) src(%dma_wait3A_719 : memref<26039xf32, #tpu.memory_space<vmem>>) dst(%dma_wait3A_717 : memref<26039xf32, #tpu.memory_space<hbm>>)
    %get3A_720 = arith.constant 224 : index
    %get3A_721 = tpu.vector_load %arg11[%get3A_720] {strides = array<i32>} : memref<1024xi32, #tpu.memory_space<vmem>>, vector<16xi32>,
    %mul3A_722 = arith.constant 1001 : i32
    %mul3A_723 = vector.broadcast %mul3A_722 : i32 to vector<16xi32>
    %mul3A_724 = arith.muli %mul3A_723, %iota3A : vector<16xi32>
    %add3A_725 = arith.addi %get3A_721, %mul3A_724 : vector<16xi32>
    %get3A_726 = arith.constant 240 : index
    %get3A_727 = tpu.vector_load %arg11[%get3A_726] {strides = array<i32>} : memref<1024xi32, #tpu.memory_space<vmem>>, vector<16xi32>,
    %add3A_728 = arith.constant 16 : i32
    %add3A_729 = vector.broadcast %add3A_728 : i32 to vector<16xi32>
    %add3A_730 = arith.addi %iota3A, %add3A_729 : vector<16xi32>
    %mul3A_731 = arith.constant 1001 : i32
    %mul3A_732 = vector.broadcast %mul3A_731 : i32 to vector<16xi32>
    %mul3A_733 = arith.muli %mul3A_732, %add3A_730 : vector<16xi32>
    %add3A_734 = arith.addi %get3A_727, %mul3A_733 : vector<16xi32>
    tpu.vector_store_idx %arg10[%add3A_725], %broadcast_in_dim3A_7 : memref<26048xf32, #tpu.memory_space<vmem>>[vector<16xi32>], vector<16xf32>,
    %lt3A_735 = arith.constant 10 : i32
    %lt3A_736 = vector.broadcast %lt3A_735 : i32 to vector<16xi32>
    %lt3A_737 = arith.cmpi slt, %iota3A, %lt3A_736 : vector<16xi32>
    tpu.vector_store_idx %arg10[%add3A_734], %broadcast_in_dim3A_7 masked %lt3A_737 : memref<26048xf32, #tpu.memory_space<vmem>>[vector<16xi32>], vector<16xf32>, vector<16xi1>
    %add3A_738 = arith.constant 26026 : i32
    %add3A_739 = vector.broadcast %add3A_738 : i32 to vector<16xi32>
    %add3A_740 = arith.addi %add3A_739, %iota3A : vector<16xi32>
    %lt3A_741 = arith.constant 13 : i32
    %lt3A_742 = vector.broadcast %lt3A_741 : i32 to vector<16xi32>
    %lt3A_743 = arith.cmpi slt, %iota3A, %lt3A_742 : vector<16xi32>
    tpu.vector_store_idx %arg10[%add3A_740], %broadcast_in_dim3A_7 masked %lt3A_743 : memref<26048xf32, #tpu.memory_space<vmem>>[vector<16xi32>], vector<16xf32>, vector<16xi1>
    %get3A_744 = arith.constant 352 : index
    %get3A_745 = tpu.vector_load %arg11[%get3A_744] {strides = array<i32>} : memref<1024xi32, #tpu.memory_space<vmem>>, vector<16xi32>,
    %mul3A_746 = arith.constant 1001 : i32
    %mul3A_747 = vector.broadcast %mul3A_746 : i32 to vector<16xi32>
    %mul3A_748 = arith.muli %mul3A_747, %iota3A : vector<16xi32>
    %add3A_749 = arith.addi %get3A_745, %mul3A_748 : vector<16xi32>
    %get3A_750 = arith.constant 368 : index
    %get3A_751 = tpu.vector_load %arg11[%get3A_750] {strides = array<i32>} : memref<1024xi32, #tpu.memory_space<vmem>>, vector<16xi32>,
    %add3A_752 = arith.constant 16 : i32
    %add3A_753 = vector.broadcast %add3A_752 : i32 to vector<16xi32>
    %add3A_754 = arith.addi %iota3A, %add3A_753 : vector<16xi32>
    %mul3A_755 = arith.constant 1001 : i32
    %mul3A_756 = vector.broadcast %mul3A_755 : i32 to vector<16xi32>
    %mul3A_757 = arith.muli %mul3A_756, %add3A_754 : vector<16xi32>
    %add3A_758 = arith.addi %get3A_751, %mul3A_757 : vector<16xi32>
    tpu.vector_store_idx %arg10[%add3A_749], %broadcast_in_dim3A_9 : memref<26048xf32, #tpu.memory_space<vmem>>[vector<16xi32>], vector<16xf32>,
    %lt3A_759 = arith.constant 10 : i32
    %lt3A_760 = vector.broadcast %lt3A_759 : i32 to vector<16xi32>
    %lt3A_761 = arith.cmpi slt, %iota3A, %lt3A_760 : vector<16xi32>
    tpu.vector_store_idx %arg10[%add3A_758], %broadcast_in_dim3A_9 masked %lt3A_761 : memref<26048xf32, #tpu.memory_space<vmem>>[vector<16xi32>], vector<16xf32>, vector<16xi1>
    %get3A_762 = arith.constant 176 : index
    %get3A_763 = tpu.vector_load %arg12[%get3A_762] {strides = array<i32>} : memref<512xf32, #tpu.memory_space<vmem>>, vector<16xf32>,
    %mul3A_764 = arith.mulf %get3A_763, %get3A_10 : vector<16xf32>
    %sub3A_765 = arith.subf %mul3A_764, %get3A_12 : vector<16xf32>
    %add3A_766 = arith.constant 26026 : i32
    %add3A_767 = vector.broadcast %add3A_766 : i32 to vector<16xi32>
    %add3A_768 = arith.addi %add3A_767, %iota3A : vector<16xi32>
    %lt3A_769 = arith.constant 13 : i32
    %lt3A_770 = vector.broadcast %lt3A_769 : i32 to vector<16xi32>
    %lt3A_771 = arith.cmpi slt, %iota3A, %lt3A_770 : vector<16xi32>
    tpu.vector_store_idx %arg10[%add3A_768], %sub3A_765 masked %lt3A_771 : memref<26048xf32, #tpu.memory_space<vmem>>[vector<16xi32>], vector<16xf32>, vector<16xi1>
    %add3A_772 = arith.constant 11 : i32
    %add3A_773 = arith.addi %mul3A_2, %add3A_772 : i32
    %dma_start3A_774 = arith.constant 0 : i32
    %dma_start3A_775 = tpu.memref_slice %arg10[%dma_start3A_774] : memref<26048xf32, #tpu.memory_space<vmem>> -> memref<26039xf32, #tpu.memory_space<vmem>>
    %dma_start3A_776 = arith.constant 0 : i32
    %dma_start3A_777 = tpu.memref_slice %arg6[%add3A_773, %dma_start3A_776] : memref<1024x26039xf32, #tpu.memory_space<hbm>> -> memref<1x26039xf32, #tpu.memory_space<hbm>>
    %dma_start3A_778 = tpu.memref_squeeze %dma_start3A_777 : memref<1x26039xf32, #tpu.memory_space<hbm>> -> memref<26039xf32, #tpu.memory_space<hbm>>
    %dma_start3A_779 = arith.constant 0 : i32
    %dma_start3A_780 = tpu.memref_slice %arg6[%add3A_773, %dma_start3A_779] : memref<1024x26039xf32, #tpu.memory_space<hbm>> -> memref<1x26039xf32, #tpu.memory_space<hbm>>
    %dma_start3A_781 = tpu.memref_squeeze %dma_start3A_780 : memref<1x26039xf32, #tpu.memory_space<hbm>> -> memref<26039xf32, #tpu.memory_space<hbm>>
    %dma_start3A_782 = arith.constant 0 : i32
    %dma_start3A_783 = tpu.memref_slice %arg10[%dma_start3A_782] : memref<26048xf32, #tpu.memory_space<vmem>> -> memref<26039xf32, #tpu.memory_space<vmem>>
    tpu.enqueue_dma source(%dma_start3A_783 : memref<26039xf32, #tpu.memory_space<vmem>>) target(%dma_start3A_781 : memref<26039xf32, #tpu.memory_space<hbm>>) target_semaphore(%arg18 : memref<!tpu.dma_semaphore, #tpu.memory_space<semaphore_mem>>)
    %dma_wait3A_784 = arith.constant 0 : i32
    %dma_wait3A_785 = tpu.memref_slice %arg7[%dma_wait3A_784] : memref<26048xf32, #tpu.memory_space<vmem>> -> memref<26039xf32, #tpu.memory_space<vmem>>
    %dma_wait3A_786 = arith.constant 0 : i32
    %dma_wait3A_787 = tpu.memref_slice %arg6[%add3A_551, %dma_wait3A_786] : memref<1024x26039xf32, #tpu.memory_space<hbm>> -> memref<1x26039xf32, #tpu.memory_space<hbm>>
    %dma_wait3A_788 = tpu.memref_squeeze %dma_wait3A_787 : memref<1x26039xf32, #tpu.memory_space<hbm>> -> memref<26039xf32, #tpu.memory_space<hbm>>
    %dma_wait3A_789 = arith.constant 0 : i32
    %dma_wait3A_790 = tpu.memref_slice %arg6[%add3A_551, %dma_wait3A_789] : memref<1024x26039xf32, #tpu.memory_space<hbm>> -> memref<1x26039xf32, #tpu.memory_space<hbm>>
    %dma_wait3A_791 = tpu.memref_squeeze %dma_wait3A_790 : memref<1x26039xf32, #tpu.memory_space<hbm>> -> memref<26039xf32, #tpu.memory_space<hbm>>
    %dma_wait3A_792 = arith.constant 0 : i32
    %dma_wait3A_793 = tpu.memref_slice %arg7[%dma_wait3A_792] : memref<26048xf32, #tpu.memory_space<vmem>> -> memref<26039xf32, #tpu.memory_space<vmem>>
    tpu.wait_dma2 semaphore(%arg15 : memref<!tpu.dma_semaphore, #tpu.memory_space<semaphore_mem>>) src(%dma_wait3A_793 : memref<26039xf32, #tpu.memory_space<vmem>>) dst(%dma_wait3A_791 : memref<26039xf32, #tpu.memory_space<hbm>>)
    %get3A_794 = arith.constant 256 : index
    %get3A_795 = tpu.vector_load %arg11[%get3A_794] {strides = array<i32>} : memref<1024xi32, #tpu.memory_space<vmem>>, vector<16xi32>,
    %mul3A_796 = arith.constant 1001 : i32
    %mul3A_797 = vector.broadcast %mul3A_796 : i32 to vector<16xi32>
    %mul3A_798 = arith.muli %mul3A_797, %iota3A : vector<16xi32>
    %add3A_799 = arith.addi %get3A_795, %mul3A_798 : vector<16xi32>
    %get3A_800 = arith.constant 272 : index
    %get3A_801 = tpu.vector_load %arg11[%get3A_800] {strides = array<i32>} : memref<1024xi32, #tpu.memory_space<vmem>>, vector<16xi32>,
    %add3A_802 = arith.constant 16 : i32
    %add3A_803 = vector.broadcast %add3A_802 : i32 to vector<16xi32>
    %add3A_804 = arith.addi %iota3A, %add3A_803 : vector<16xi32>
    %mul3A_805 = arith.constant 1001 : i32
    %mul3A_806 = vector.broadcast %mul3A_805 : i32 to vector<16xi32>
    %mul3A_807 = arith.muli %mul3A_806, %add3A_804 : vector<16xi32>
    %add3A_808 = arith.addi %get3A_801, %mul3A_807 : vector<16xi32>
    tpu.vector_store_idx %arg7[%add3A_799], %broadcast_in_dim3A_7 : memref<26048xf32, #tpu.memory_space<vmem>>[vector<16xi32>], vector<16xf32>,
    %lt3A_809 = arith.constant 10 : i32
    %lt3A_810 = vector.broadcast %lt3A_809 : i32 to vector<16xi32>
    %lt3A_811 = arith.cmpi slt, %iota3A, %lt3A_810 : vector<16xi32>
    tpu.vector_store_idx %arg7[%add3A_808], %broadcast_in_dim3A_7 masked %lt3A_811 : memref<26048xf32, #tpu.memory_space<vmem>>[vector<16xi32>], vector<16xf32>, vector<16xi1>
    %add3A_812 = arith.constant 26026 : i32
    %add3A_813 = vector.broadcast %add3A_812 : i32 to vector<16xi32>
    %add3A_814 = arith.addi %add3A_813, %iota3A : vector<16xi32>
    %lt3A_815 = arith.constant 13 : i32
    %lt3A_816 = vector.broadcast %lt3A_815 : i32 to vector<16xi32>
    %lt3A_817 = arith.cmpi slt, %iota3A, %lt3A_816 : vector<16xi32>
    tpu.vector_store_idx %arg7[%add3A_814], %broadcast_in_dim3A_7 masked %lt3A_817 : memref<26048xf32, #tpu.memory_space<vmem>>[vector<16xi32>], vector<16xf32>, vector<16xi1>
    %get3A_818 = arith.constant 384 : index
    %get3A_819 = tpu.vector_load %arg11[%get3A_818] {strides = array<i32>} : memref<1024xi32, #tpu.memory_space<vmem>>, vector<16xi32>,
    %mul3A_820 = arith.constant 1001 : i32
    %mul3A_821 = vector.broadcast %mul3A_820 : i32 to vector<16xi32>
    %mul3A_822 = arith.muli %mul3A_821, %iota3A : vector<16xi32>
    %add3A_823 = arith.addi %get3A_819, %mul3A_822 : vector<16xi32>
    %get3A_824 = arith.constant 400 : index
    %get3A_825 = tpu.vector_load %arg11[%get3A_824] {strides = array<i32>} : memref<1024xi32, #tpu.memory_space<vmem>>, vector<16xi32>,
    %add3A_826 = arith.constant 16 : i32
    %add3A_827 = vector.broadcast %add3A_826 : i32 to vector<16xi32>
    %add3A_828 = arith.addi %iota3A, %add3A_827 : vector<16xi32>
    %mul3A_829 = arith.constant 1001 : i32
    %mul3A_830 = vector.broadcast %mul3A_829 : i32 to vector<16xi32>
    %mul3A_831 = arith.muli %mul3A_830, %add3A_828 : vector<16xi32>
    %add3A_832 = arith.addi %get3A_825, %mul3A_831 : vector<16xi32>
    tpu.vector_store_idx %arg7[%add3A_823], %broadcast_in_dim3A_9 : memref<26048xf32, #tpu.memory_space<vmem>>[vector<16xi32>], vector<16xf32>,
    %lt3A_833 = arith.constant 10 : i32
    %lt3A_834 = vector.broadcast %lt3A_833 : i32 to vector<16xi32>
    %lt3A_835 = arith.cmpi slt, %iota3A, %lt3A_834 : vector<16xi32>
    tpu.vector_store_idx %arg7[%add3A_832], %broadcast_in_dim3A_9 masked %lt3A_835 : memref<26048xf32, #tpu.memory_space<vmem>>[vector<16xi32>], vector<16xf32>, vector<16xi1>
    %get3A_836 = arith.constant 192 : index
    %get3A_837 = tpu.vector_load %arg12[%get3A_836] {strides = array<i32>} : memref<512xf32, #tpu.memory_space<vmem>>, vector<16xf32>,
    %mul3A_838 = arith.mulf %get3A_837, %get3A_10 : vector<16xf32>
    %sub3A_839 = arith.subf %mul3A_838, %get3A_12 : vector<16xf32>
    %add3A_840 = arith.constant 26026 : i32
    %add3A_841 = vector.broadcast %add3A_840 : i32 to vector<16xi32>
    %add3A_842 = arith.addi %add3A_841, %iota3A : vector<16xi32>
    %lt3A_843 = arith.constant 13 : i32
    %lt3A_844 = vector.broadcast %lt3A_843 : i32 to vector<16xi32>
    %lt3A_845 = arith.cmpi slt, %iota3A, %lt3A_844 : vector<16xi32>
    tpu.vector_store_idx %arg7[%add3A_842], %sub3A_839 masked %lt3A_845 : memref<26048xf32, #tpu.memory_space<vmem>>[vector<16xi32>], vector<16xf32>, vector<16xi1>
    %add3A_846 = arith.constant 12 : i32
    %add3A_847 = arith.addi %mul3A_2, %add3A_846 : i32
    %dma_start3A_848 = arith.constant 0 : i32
    %dma_start3A_849 = tpu.memref_slice %arg7[%dma_start3A_848] : memref<26048xf32, #tpu.memory_space<vmem>> -> memref<26039xf32, #tpu.memory_space<vmem>>
    %dma_start3A_850 = arith.constant 0 : i32
    %dma_start3A_851 = tpu.memref_slice %arg6[%add3A_847, %dma_start3A_850] : memref<1024x26039xf32, #tpu.memory_space<hbm>> -> memref<1x26039xf32, #tpu.memory_space<hbm>>
    %dma_start3A_852 = tpu.memref_squeeze %dma_start3A_851 : memref<1x26039xf32, #tpu.memory_space<hbm>> -> memref<26039xf32, #tpu.memory_space<hbm>>
    %dma_start3A_853 = arith.constant 0 : i32
    %dma_start3A_854 = tpu.memref_slice %arg6[%add3A_847, %dma_start3A_853] : memref<1024x26039xf32, #tpu.memory_space<hbm>> -> memref<1x26039xf32, #tpu.memory_space<hbm>>
    %dma_start3A_855 = tpu.memref_squeeze %dma_start3A_854 : memref<1x26039xf32, #tpu.memory_space<hbm>> -> memref<26039xf32, #tpu.memory_space<hbm>>
    %dma_start3A_856 = arith.constant 0 : i32
    %dma_start3A_857 = tpu.memref_slice %arg7[%dma_start3A_856] : memref<26048xf32, #tpu.memory_space<vmem>> -> memref<26039xf32, #tpu.memory_space<vmem>>
    tpu.enqueue_dma source(%dma_start3A_857 : memref<26039xf32, #tpu.memory_space<vmem>>) target(%dma_start3A_855 : memref<26039xf32, #tpu.memory_space<hbm>>) target_semaphore(%arg15 : memref<!tpu.dma_semaphore, #tpu.memory_space<semaphore_mem>>)
    %dma_wait3A_858 = arith.constant 0 : i32
    %dma_wait3A_859 = tpu.memref_slice %arg8[%dma_wait3A_858] : memref<26048xf32, #tpu.memory_space<vmem>> -> memref<26039xf32, #tpu.memory_space<vmem>>
    %dma_wait3A_860 = arith.constant 0 : i32
    %dma_wait3A_861 = tpu.memref_slice %arg6[%add3A_625, %dma_wait3A_860] : memref<1024x26039xf32, #tpu.memory_space<hbm>> -> memref<1x26039xf32, #tpu.memory_space<hbm>>
    %dma_wait3A_862 = tpu.memref_squeeze %dma_wait3A_861 : memref<1x26039xf32, #tpu.memory_space<hbm>> -> memref<26039xf32, #tpu.memory_space<hbm>>
    %dma_wait3A_863 = arith.constant 0 : i32
    %dma_wait3A_864 = tpu.memref_slice %arg6[%add3A_625, %dma_wait3A_863] : memref<1024x26039xf32, #tpu.memory_space<hbm>> -> memref<1x26039xf32, #tpu.memory_space<hbm>>
    %dma_wait3A_865 = tpu.memref_squeeze %dma_wait3A_864 : memref<1x26039xf32, #tpu.memory_space<hbm>> -> memref<26039xf32, #tpu.memory_space<hbm>>
    %dma_wait3A_866 = arith.constant 0 : i32
    %dma_wait3A_867 = tpu.memref_slice %arg8[%dma_wait3A_866] : memref<26048xf32, #tpu.memory_space<vmem>> -> memref<26039xf32, #tpu.memory_space<vmem>>
    tpu.wait_dma2 semaphore(%arg16 : memref<!tpu.dma_semaphore, #tpu.memory_space<semaphore_mem>>) src(%dma_wait3A_867 : memref<26039xf32, #tpu.memory_space<vmem>>) dst(%dma_wait3A_865 : memref<26039xf32, #tpu.memory_space<hbm>>)
    %get3A_868 = arith.constant 288 : index
    %get3A_869 = tpu.vector_load %arg11[%get3A_868] {strides = array<i32>} : memref<1024xi32, #tpu.memory_space<vmem>>, vector<16xi32>,
    %mul3A_870 = arith.constant 1001 : i32
    %mul3A_871 = vector.broadcast %mul3A_870 : i32 to vector<16xi32>
    %mul3A_872 = arith.muli %mul3A_871, %iota3A : vector<16xi32>
    %add3A_873 = arith.addi %get3A_869, %mul3A_872 : vector<16xi32>
    %get3A_874 = arith.constant 304 : index
    %get3A_875 = tpu.vector_load %arg11[%get3A_874] {strides = array<i32>} : memref<1024xi32, #tpu.memory_space<vmem>>, vector<16xi32>,
    %add3A_876 = arith.constant 16 : i32
    %add3A_877 = vector.broadcast %add3A_876 : i32 to vector<16xi32>
    %add3A_878 = arith.addi %iota3A, %add3A_877 : vector<16xi32>
    %mul3A_879 = arith.constant 1001 : i32
    %mul3A_880 = vector.broadcast %mul3A_879 : i32 to vector<16xi32>
    %mul3A_881 = arith.muli %mul3A_880, %add3A_878 : vector<16xi32>
    %add3A_882 = arith.addi %get3A_875, %mul3A_881 : vector<16xi32>
    tpu.vector_store_idx %arg8[%add3A_873], %broadcast_in_dim3A_7 : memref<26048xf32, #tpu.memory_space<vmem>>[vector<16xi32>], vector<16xf32>,
    %lt3A_883 = arith.constant 10 : i32
    %lt3A_884 = vector.broadcast %lt3A_883 : i32 to vector<16xi32>
    %lt3A_885 = arith.cmpi slt, %iota3A, %lt3A_884 : vector<16xi32>
    tpu.vector_store_idx %arg8[%add3A_882], %broadcast_in_dim3A_7 masked %lt3A_885 : memref<26048xf32, #tpu.memory_space<vmem>>[vector<16xi32>], vector<16xf32>, vector<16xi1>
    %add3A_886 = arith.constant 26026 : i32
    %add3A_887 = vector.broadcast %add3A_886 : i32 to vector<16xi32>
    %add3A_888 = arith.addi %add3A_887, %iota3A : vector<16xi32>
    %lt3A_889 = arith.constant 13 : i32
    %lt3A_890 = vector.broadcast %lt3A_889 : i32 to vector<16xi32>
    %lt3A_891 = arith.cmpi slt, %iota3A, %lt3A_890 : vector<16xi32>
    tpu.vector_store_idx %arg8[%add3A_888], %broadcast_in_dim3A_7 masked %lt3A_891 : memref<26048xf32, #tpu.memory_space<vmem>>[vector<16xi32>], vector<16xf32>, vector<16xi1>
    %get3A_892 = arith.constant 416 : index
    %get3A_893 = tpu.vector_load %arg11[%get3A_892] {strides = array<i32>} : memref<1024xi32, #tpu.memory_space<vmem>>, vector<16xi32>,
    %mul3A_894 = arith.constant 1001 : i32
    %mul3A_895 = vector.broadcast %mul3A_894 : i32 to vector<16xi32>
    %mul3A_896 = arith.muli %mul3A_895, %iota3A : vector<16xi32>
    %add3A_897 = arith.addi %get3A_893, %mul3A_896 : vector<16xi32>
    %get3A_898 = arith.constant 432 : index
    %get3A_899 = tpu.vector_load %arg11[%get3A_898] {strides = array<i32>} : memref<1024xi32, #tpu.memory_space<vmem>>, vector<16xi32>,
    %add3A_900 = arith.constant 16 : i32
    %add3A_901 = vector.broadcast %add3A_900 : i32 to vector<16xi32>
    %add3A_902 = arith.addi %iota3A, %add3A_901 : vector<16xi32>
    %mul3A_903 = arith.constant 1001 : i32
    %mul3A_904 = vector.broadcast %mul3A_903 : i32 to vector<16xi32>
    %mul3A_905 = arith.muli %mul3A_904, %add3A_902 : vector<16xi32>
    %add3A_906 = arith.addi %get3A_899, %mul3A_905 : vector<16xi32>
    tpu.vector_store_idx %arg8[%add3A_897], %broadcast_in_dim3A_9 : memref<26048xf32, #tpu.memory_space<vmem>>[vector<16xi32>], vector<16xf32>,
    %lt3A_907 = arith.constant 10 : i32
    %lt3A_908 = vector.broadcast %lt3A_907 : i32 to vector<16xi32>
    %lt3A_909 = arith.cmpi slt, %iota3A, %lt3A_908 : vector<16xi32>
    tpu.vector_store_idx %arg8[%add3A_906], %broadcast_in_dim3A_9 masked %lt3A_909 : memref<26048xf32, #tpu.memory_space<vmem>>[vector<16xi32>], vector<16xf32>, vector<16xi1>
    %get3A_910 = arith.constant 208 : index
    %get3A_911 = tpu.vector_load %arg12[%get3A_910] {strides = array<i32>} : memref<512xf32, #tpu.memory_space<vmem>>, vector<16xf32>,
    %mul3A_912 = arith.mulf %get3A_911, %get3A_10 : vector<16xf32>
    %sub3A_913 = arith.subf %mul3A_912, %get3A_12 : vector<16xf32>
    %add3A_914 = arith.constant 26026 : i32
    %add3A_915 = vector.broadcast %add3A_914 : i32 to vector<16xi32>
    %add3A_916 = arith.addi %add3A_915, %iota3A : vector<16xi32>
    %lt3A_917 = arith.constant 13 : i32
    %lt3A_918 = vector.broadcast %lt3A_917 : i32 to vector<16xi32>
    %lt3A_919 = arith.cmpi slt, %iota3A, %lt3A_918 : vector<16xi32>
    tpu.vector_store_idx %arg8[%add3A_916], %sub3A_913 masked %lt3A_919 : memref<26048xf32, #tpu.memory_space<vmem>>[vector<16xi32>], vector<16xf32>, vector<16xi1>
    %add3A_920 = arith.constant 13 : i32
    %add3A_921 = arith.addi %mul3A_2, %add3A_920 : i32
    %dma_start3A_922 = arith.constant 0 : i32
    %dma_start3A_923 = tpu.memref_slice %arg8[%dma_start3A_922] : memref<26048xf32, #tpu.memory_space<vmem>> -> memref<26039xf32, #tpu.memory_space<vmem>>
    %dma_start3A_924 = arith.constant 0 : i32
    %dma_start3A_925 = tpu.memref_slice %arg6[%add3A_921, %dma_start3A_924] : memref<1024x26039xf32, #tpu.memory_space<hbm>> -> memref<1x26039xf32, #tpu.memory_space<hbm>>
    %dma_start3A_926 = tpu.memref_squeeze %dma_start3A_925 : memref<1x26039xf32, #tpu.memory_space<hbm>> -> memref<26039xf32, #tpu.memory_space<hbm>>
    %dma_start3A_927 = arith.constant 0 : i32
    %dma_start3A_928 = tpu.memref_slice %arg6[%add3A_921, %dma_start3A_927] : memref<1024x26039xf32, #tpu.memory_space<hbm>> -> memref<1x26039xf32, #tpu.memory_space<hbm>>
    %dma_start3A_929 = tpu.memref_squeeze %dma_start3A_928 : memref<1x26039xf32, #tpu.memory_space<hbm>> -> memref<26039xf32, #tpu.memory_space<hbm>>
    %dma_start3A_930 = arith.constant 0 : i32
    %dma_start3A_931 = tpu.memref_slice %arg8[%dma_start3A_930] : memref<26048xf32, #tpu.memory_space<vmem>> -> memref<26039xf32, #tpu.memory_space<vmem>>
    tpu.enqueue_dma source(%dma_start3A_931 : memref<26039xf32, #tpu.memory_space<vmem>>) target(%dma_start3A_929 : memref<26039xf32, #tpu.memory_space<hbm>>) target_semaphore(%arg16 : memref<!tpu.dma_semaphore, #tpu.memory_space<semaphore_mem>>)
    %dma_wait3A_932 = arith.constant 0 : i32
    %dma_wait3A_933 = tpu.memref_slice %arg9[%dma_wait3A_932] : memref<26048xf32, #tpu.memory_space<vmem>> -> memref<26039xf32, #tpu.memory_space<vmem>>
    %dma_wait3A_934 = arith.constant 0 : i32
    %dma_wait3A_935 = tpu.memref_slice %arg6[%add3A_699, %dma_wait3A_934] : memref<1024x26039xf32, #tpu.memory_space<hbm>> -> memref<1x26039xf32, #tpu.memory_space<hbm>>
    %dma_wait3A_936 = tpu.memref_squeeze %dma_wait3A_935 : memref<1x26039xf32, #tpu.memory_space<hbm>> -> memref<26039xf32, #tpu.memory_space<hbm>>
    %dma_wait3A_937 = arith.constant 0 : i32
    %dma_wait3A_938 = tpu.memref_slice %arg6[%add3A_699, %dma_wait3A_937] : memref<1024x26039xf32, #tpu.memory_space<hbm>> -> memref<1x26039xf32, #tpu.memory_space<hbm>>
    %dma_wait3A_939 = tpu.memref_squeeze %dma_wait3A_938 : memref<1x26039xf32, #tpu.memory_space<hbm>> -> memref<26039xf32, #tpu.memory_space<hbm>>
    %dma_wait3A_940 = arith.constant 0 : i32
    %dma_wait3A_941 = tpu.memref_slice %arg9[%dma_wait3A_940] : memref<26048xf32, #tpu.memory_space<vmem>> -> memref<26039xf32, #tpu.memory_space<vmem>>
    tpu.wait_dma2 semaphore(%arg17 : memref<!tpu.dma_semaphore, #tpu.memory_space<semaphore_mem>>) src(%dma_wait3A_941 : memref<26039xf32, #tpu.memory_space<vmem>>) dst(%dma_wait3A_939 : memref<26039xf32, #tpu.memory_space<hbm>>)
    %get3A_942 = arith.constant 320 : index
    %get3A_943 = tpu.vector_load %arg11[%get3A_942] {strides = array<i32>} : memref<1024xi32, #tpu.memory_space<vmem>>, vector<16xi32>,
    %mul3A_944 = arith.constant 1001 : i32
    %mul3A_945 = vector.broadcast %mul3A_944 : i32 to vector<16xi32>
    %mul3A_946 = arith.muli %mul3A_945, %iota3A : vector<16xi32>
    %add3A_947 = arith.addi %get3A_943, %mul3A_946 : vector<16xi32>
    %get3A_948 = arith.constant 336 : index
    %get3A_949 = tpu.vector_load %arg11[%get3A_948] {strides = array<i32>} : memref<1024xi32, #tpu.memory_space<vmem>>, vector<16xi32>,
    %add3A_950 = arith.constant 16 : i32
    %add3A_951 = vector.broadcast %add3A_950 : i32 to vector<16xi32>
    %add3A_952 = arith.addi %iota3A, %add3A_951 : vector<16xi32>
    %mul3A_953 = arith.constant 1001 : i32
    %mul3A_954 = vector.broadcast %mul3A_953 : i32 to vector<16xi32>
    %mul3A_955 = arith.muli %mul3A_954, %add3A_952 : vector<16xi32>
    %add3A_956 = arith.addi %get3A_949, %mul3A_955 : vector<16xi32>
    tpu.vector_store_idx %arg9[%add3A_947], %broadcast_in_dim3A_7 : memref<26048xf32, #tpu.memory_space<vmem>>[vector<16xi32>], vector<16xf32>,
    %lt3A_957 = arith.constant 10 : i32
    %lt3A_958 = vector.broadcast %lt3A_957 : i32 to vector<16xi32>
    %lt3A_959 = arith.cmpi slt, %iota3A, %lt3A_958 : vector<16xi32>
    tpu.vector_store_idx %arg9[%add3A_956], %broadcast_in_dim3A_7 masked %lt3A_959 : memref<26048xf32, #tpu.memory_space<vmem>>[vector<16xi32>], vector<16xf32>, vector<16xi1>
    %add3A_960 = arith.constant 26026 : i32
    %add3A_961 = vector.broadcast %add3A_960 : i32 to vector<16xi32>
    %add3A_962 = arith.addi %add3A_961, %iota3A : vector<16xi32>
    %lt3A_963 = arith.constant 13 : i32
    %lt3A_964 = vector.broadcast %lt3A_963 : i32 to vector<16xi32>
    %lt3A_965 = arith.cmpi slt, %iota3A, %lt3A_964 : vector<16xi32>
    tpu.vector_store_idx %arg9[%add3A_962], %broadcast_in_dim3A_7 masked %lt3A_965 : memref<26048xf32, #tpu.memory_space<vmem>>[vector<16xi32>], vector<16xf32>, vector<16xi1>
    %get3A_966 = arith.constant 448 : index
    %get3A_967 = tpu.vector_load %arg11[%get3A_966] {strides = array<i32>} : memref<1024xi32, #tpu.memory_space<vmem>>, vector<16xi32>,
    %mul3A_968 = arith.constant 1001 : i32
    %mul3A_969 = vector.broadcast %mul3A_968 : i32 to vector<16xi32>
    %mul3A_970 = arith.muli %mul3A_969, %iota3A : vector<16xi32>
    %add3A_971 = arith.addi %get3A_967, %mul3A_970 : vector<16xi32>
    %get3A_972 = arith.constant 464 : index
    %get3A_973 = tpu.vector_load %arg11[%get3A_972] {strides = array<i32>} : memref<1024xi32, #tpu.memory_space<vmem>>, vector<16xi32>,
    %add3A_974 = arith.constant 16 : i32
    %add3A_975 = vector.broadcast %add3A_974 : i32 to vector<16xi32>
    %add3A_976 = arith.addi %iota3A, %add3A_975 : vector<16xi32>
    %mul3A_977 = arith.constant 1001 : i32
    %mul3A_978 = vector.broadcast %mul3A_977 : i32 to vector<16xi32>
    %mul3A_979 = arith.muli %mul3A_978, %add3A_976 : vector<16xi32>
    %add3A_980 = arith.addi %get3A_973, %mul3A_979 : vector<16xi32>
    tpu.vector_store_idx %arg9[%add3A_971], %broadcast_in_dim3A_9 : memref<26048xf32, #tpu.memory_space<vmem>>[vector<16xi32>], vector<16xf32>,
    %lt3A_981 = arith.constant 10 : i32
    %lt3A_982 = vector.broadcast %lt3A_981 : i32 to vector<16xi32>
    %lt3A_983 = arith.cmpi slt, %iota3A, %lt3A_982 : vector<16xi32>
    tpu.vector_store_idx %arg9[%add3A_980], %broadcast_in_dim3A_9 masked %lt3A_983 : memref<26048xf32, #tpu.memory_space<vmem>>[vector<16xi32>], vector<16xf32>, vector<16xi1>
    %get3A_984 = arith.constant 224 : index
    %get3A_985 = tpu.vector_load %arg12[%get3A_984] {strides = array<i32>} : memref<512xf32, #tpu.memory_space<vmem>>, vector<16xf32>,
    %mul3A_986 = arith.mulf %get3A_985, %get3A_10 : vector<16xf32>
    %sub3A_987 = arith.subf %mul3A_986, %get3A_12 : vector<16xf32>
    %add3A_988 = arith.constant 26026 : i32
    %add3A_989 = vector.broadcast %add3A_988 : i32 to vector<16xi32>
    %add3A_990 = arith.addi %add3A_989, %iota3A : vector<16xi32>
    %lt3A_991 = arith.constant 13 : i32
    %lt3A_992 = vector.broadcast %lt3A_991 : i32 to vector<16xi32>
    %lt3A_993 = arith.cmpi slt, %iota3A, %lt3A_992 : vector<16xi32>
    tpu.vector_store_idx %arg9[%add3A_990], %sub3A_987 masked %lt3A_993 : memref<26048xf32, #tpu.memory_space<vmem>>[vector<16xi32>], vector<16xf32>, vector<16xi1>
    %add3A_994 = arith.constant 14 : i32
    %add3A_995 = arith.addi %mul3A_2, %add3A_994 : i32
    %dma_start3A_996 = arith.constant 0 : i32
    %dma_start3A_997 = tpu.memref_slice %arg9[%dma_start3A_996] : memref<26048xf32, #tpu.memory_space<vmem>> -> memref<26039xf32, #tpu.memory_space<vmem>>
    %dma_start3A_998 = arith.constant 0 : i32
    %dma_start3A_999 = tpu.memref_slice %arg6[%add3A_995, %dma_start3A_998] : memref<1024x26039xf32, #tpu.memory_space<hbm>> -> memref<1x26039xf32, #tpu.memory_space<hbm>>
    %dma_start3A_1000 = tpu.memref_squeeze %dma_start3A_999 : memref<1x26039xf32, #tpu.memory_space<hbm>> -> memref<26039xf32, #tpu.memory_space<hbm>>
    %dma_start3A_1001 = arith.constant 0 : i32
    %dma_start3A_1002 = tpu.memref_slice %arg6[%add3A_995, %dma_start3A_1001] : memref<1024x26039xf32, #tpu.memory_space<hbm>> -> memref<1x26039xf32, #tpu.memory_space<hbm>>
    %dma_start3A_1003 = tpu.memref_squeeze %dma_start3A_1002 : memref<1x26039xf32, #tpu.memory_space<hbm>> -> memref<26039xf32, #tpu.memory_space<hbm>>
    %dma_start3A_1004 = arith.constant 0 : i32
    %dma_start3A_1005 = tpu.memref_slice %arg9[%dma_start3A_1004] : memref<26048xf32, #tpu.memory_space<vmem>> -> memref<26039xf32, #tpu.memory_space<vmem>>
    tpu.enqueue_dma source(%dma_start3A_1005 : memref<26039xf32, #tpu.memory_space<vmem>>) target(%dma_start3A_1003 : memref<26039xf32, #tpu.memory_space<hbm>>) target_semaphore(%arg17 : memref<!tpu.dma_semaphore, #tpu.memory_space<semaphore_mem>>)
    %dma_wait3A_1006 = arith.constant 0 : i32
    %dma_wait3A_1007 = tpu.memref_slice %arg10[%dma_wait3A_1006] : memref<26048xf32, #tpu.memory_space<vmem>> -> memref<26039xf32, #tpu.memory_space<vmem>>
    %dma_wait3A_1008 = arith.constant 0 : i32
    %dma_wait3A_1009 = tpu.memref_slice %arg6[%add3A_773, %dma_wait3A_1008] : memref<1024x26039xf32, #tpu.memory_space<hbm>> -> memref<1x26039xf32, #tpu.memory_space<hbm>>
    %dma_wait3A_1010 = tpu.memref_squeeze %dma_wait3A_1009 : memref<1x26039xf32, #tpu.memory_space<hbm>> -> memref<26039xf32, #tpu.memory_space<hbm>>
    %dma_wait3A_1011 = arith.constant 0 : i32
    %dma_wait3A_1012 = tpu.memref_slice %arg6[%add3A_773, %dma_wait3A_1011] : memref<1024x26039xf32, #tpu.memory_space<hbm>> -> memref<1x26039xf32, #tpu.memory_space<hbm>>
    %dma_wait3A_1013 = tpu.memref_squeeze %dma_wait3A_1012 : memref<1x26039xf32, #tpu.memory_space<hbm>> -> memref<26039xf32, #tpu.memory_space<hbm>>
    %dma_wait3A_1014 = arith.constant 0 : i32
    %dma_wait3A_1015 = tpu.memref_slice %arg10[%dma_wait3A_1014] : memref<26048xf32, #tpu.memory_space<vmem>> -> memref<26039xf32, #tpu.memory_space<vmem>>
    tpu.wait_dma2 semaphore(%arg18 : memref<!tpu.dma_semaphore, #tpu.memory_space<semaphore_mem>>) src(%dma_wait3A_1015 : memref<26039xf32, #tpu.memory_space<vmem>>) dst(%dma_wait3A_1013 : memref<26039xf32, #tpu.memory_space<hbm>>)
    %get3A_1016 = arith.constant 352 : index
    %get3A_1017 = tpu.vector_load %arg11[%get3A_1016] {strides = array<i32>} : memref<1024xi32, #tpu.memory_space<vmem>>, vector<16xi32>,
    %mul3A_1018 = arith.constant 1001 : i32
    %mul3A_1019 = vector.broadcast %mul3A_1018 : i32 to vector<16xi32>
    %mul3A_1020 = arith.muli %mul3A_1019, %iota3A : vector<16xi32>
    %add3A_1021 = arith.addi %get3A_1017, %mul3A_1020 : vector<16xi32>
    %get3A_1022 = arith.constant 368 : index
    %get3A_1023 = tpu.vector_load %arg11[%get3A_1022] {strides = array<i32>} : memref<1024xi32, #tpu.memory_space<vmem>>, vector<16xi32>,
    %add3A_1024 = arith.constant 16 : i32
    %add3A_1025 = vector.broadcast %add3A_1024 : i32 to vector<16xi32>
    %add3A_1026 = arith.addi %iota3A, %add3A_1025 : vector<16xi32>
    %mul3A_1027 = arith.constant 1001 : i32
    %mul3A_1028 = vector.broadcast %mul3A_1027 : i32 to vector<16xi32>
    %mul3A_1029 = arith.muli %mul3A_1028, %add3A_1026 : vector<16xi32>
    %add3A_1030 = arith.addi %get3A_1023, %mul3A_1029 : vector<16xi32>
    tpu.vector_store_idx %arg10[%add3A_1021], %broadcast_in_dim3A_7 : memref<26048xf32, #tpu.memory_space<vmem>>[vector<16xi32>], vector<16xf32>,
    %lt3A_1031 = arith.constant 10 : i32
    %lt3A_1032 = vector.broadcast %lt3A_1031 : i32 to vector<16xi32>
    %lt3A_1033 = arith.cmpi slt, %iota3A, %lt3A_1032 : vector<16xi32>
    tpu.vector_store_idx %arg10[%add3A_1030], %broadcast_in_dim3A_7 masked %lt3A_1033 : memref<26048xf32, #tpu.memory_space<vmem>>[vector<16xi32>], vector<16xf32>, vector<16xi1>
    %add3A_1034 = arith.constant 26026 : i32
    %add3A_1035 = vector.broadcast %add3A_1034 : i32 to vector<16xi32>
    %add3A_1036 = arith.addi %add3A_1035, %iota3A : vector<16xi32>
    %lt3A_1037 = arith.constant 13 : i32
    %lt3A_1038 = vector.broadcast %lt3A_1037 : i32 to vector<16xi32>
    %lt3A_1039 = arith.cmpi slt, %iota3A, %lt3A_1038 : vector<16xi32>
    tpu.vector_store_idx %arg10[%add3A_1036], %broadcast_in_dim3A_7 masked %lt3A_1039 : memref<26048xf32, #tpu.memory_space<vmem>>[vector<16xi32>], vector<16xf32>, vector<16xi1>
    %get3A_1040 = arith.constant 480 : index
    %get3A_1041 = tpu.vector_load %arg11[%get3A_1040] {strides = array<i32>} : memref<1024xi32, #tpu.memory_space<vmem>>, vector<16xi32>,
    %mul3A_1042 = arith.constant 1001 : i32
    %mul3A_1043 = vector.broadcast %mul3A_1042 : i32 to vector<16xi32>
    %mul3A_1044 = arith.muli %mul3A_1043, %iota3A : vector<16xi32>
    %add3A_1045 = arith.addi %get3A_1041, %mul3A_1044 : vector<16xi32>
    %get3A_1046 = arith.constant 496 : index
    %get3A_1047 = tpu.vector_load %arg11[%get3A_1046] {strides = array<i32>} : memref<1024xi32, #tpu.memory_space<vmem>>, vector<16xi32>,
    %add3A_1048 = arith.constant 16 : i32
    %add3A_1049 = vector.broadcast %add3A_1048 : i32 to vector<16xi32>
    %add3A_1050 = arith.addi %iota3A, %add3A_1049 : vector<16xi32>
    %mul3A_1051 = arith.constant 1001 : i32
    %mul3A_1052 = vector.broadcast %mul3A_1051 : i32 to vector<16xi32>
    %mul3A_1053 = arith.muli %mul3A_1052, %add3A_1050 : vector<16xi32>
    %add3A_1054 = arith.addi %get3A_1047, %mul3A_1053 : vector<16xi32>
    tpu.vector_store_idx %arg10[%add3A_1045], %broadcast_in_dim3A_9 : memref<26048xf32, #tpu.memory_space<vmem>>[vector<16xi32>], vector<16xf32>,
    %lt3A_1055 = arith.constant 10 : i32
    %lt3A_1056 = vector.broadcast %lt3A_1055 : i32 to vector<16xi32>
    %lt3A_1057 = arith.cmpi slt, %iota3A, %lt3A_1056 : vector<16xi32>
    tpu.vector_store_idx %arg10[%add3A_1054], %broadcast_in_dim3A_9 masked %lt3A_1057 : memref<26048xf32, #tpu.memory_space<vmem>>[vector<16xi32>], vector<16xf32>, vector<16xi1>
    %get3A_1058 = arith.constant 240 : index
    %get3A_1059 = tpu.vector_load %arg12[%get3A_1058] {strides = array<i32>} : memref<512xf32, #tpu.memory_space<vmem>>, vector<16xf32>,
    %mul3A_1060 = arith.mulf %get3A_1059, %get3A_10 : vector<16xf32>
    %sub3A_1061 = arith.subf %mul3A_1060, %get3A_12 : vector<16xf32>
    %add3A_1062 = arith.constant 26026 : i32
    %add3A_1063 = vector.broadcast %add3A_1062 : i32 to vector<16xi32>
    %add3A_1064 = arith.addi %add3A_1063, %iota3A : vector<16xi32>
    %lt3A_1065 = arith.constant 13 : i32
    %lt3A_1066 = vector.broadcast %lt3A_1065 : i32 to vector<16xi32>
    %lt3A_1067 = arith.cmpi slt, %iota3A, %lt3A_1066 : vector<16xi32>
    tpu.vector_store_idx %arg10[%add3A_1064], %sub3A_1061 masked %lt3A_1067 : memref<26048xf32, #tpu.memory_space<vmem>>[vector<16xi32>], vector<16xf32>, vector<16xi1>
    %add3A_1068 = arith.constant 15 : i32
    %add3A_1069 = arith.addi %mul3A_2, %add3A_1068 : i32
    %dma_start3A_1070 = arith.constant 0 : i32
    %dma_start3A_1071 = tpu.memref_slice %arg10[%dma_start3A_1070] : memref<26048xf32, #tpu.memory_space<vmem>> -> memref<26039xf32, #tpu.memory_space<vmem>>
    %dma_start3A_1072 = arith.constant 0 : i32
    %dma_start3A_1073 = tpu.memref_slice %arg6[%add3A_1069, %dma_start3A_1072] : memref<1024x26039xf32, #tpu.memory_space<hbm>> -> memref<1x26039xf32, #tpu.memory_space<hbm>>
    %dma_start3A_1074 = tpu.memref_squeeze %dma_start3A_1073 : memref<1x26039xf32, #tpu.memory_space<hbm>> -> memref<26039xf32, #tpu.memory_space<hbm>>
    %dma_start3A_1075 = arith.constant 0 : i32
    %dma_start3A_1076 = tpu.memref_slice %arg6[%add3A_1069, %dma_start3A_1075] : memref<1024x26039xf32, #tpu.memory_space<hbm>> -> memref<1x26039xf32, #tpu.memory_space<hbm>>
    %dma_start3A_1077 = tpu.memref_squeeze %dma_start3A_1076 : memref<1x26039xf32, #tpu.memory_space<hbm>> -> memref<26039xf32, #tpu.memory_space<hbm>>
    %dma_start3A_1078 = arith.constant 0 : i32
    %dma_start3A_1079 = tpu.memref_slice %arg10[%dma_start3A_1078] : memref<26048xf32, #tpu.memory_space<vmem>> -> memref<26039xf32, #tpu.memory_space<vmem>>
    tpu.enqueue_dma source(%dma_start3A_1079 : memref<26039xf32, #tpu.memory_space<vmem>>) target(%dma_start3A_1077 : memref<26039xf32, #tpu.memory_space<hbm>>) target_semaphore(%arg18 : memref<!tpu.dma_semaphore, #tpu.memory_space<semaphore_mem>>)
    %dma_wait3A_1080 = arith.constant 0 : i32
    %dma_wait3A_1081 = tpu.memref_slice %arg7[%dma_wait3A_1080] : memref<26048xf32, #tpu.memory_space<vmem>> -> memref<26039xf32, #tpu.memory_space<vmem>>
    %dma_wait3A_1082 = arith.constant 0 : i32
    %dma_wait3A_1083 = tpu.memref_slice %arg6[%add3A_847, %dma_wait3A_1082] : memref<1024x26039xf32, #tpu.memory_space<hbm>> -> memref<1x26039xf32, #tpu.memory_space<hbm>>
    %dma_wait3A_1084 = tpu.memref_squeeze %dma_wait3A_1083 : memref<1x26039xf32, #tpu.memory_space<hbm>> -> memref<26039xf32, #tpu.memory_space<hbm>>
    %dma_wait3A_1085 = arith.constant 0 : i32
    %dma_wait3A_1086 = tpu.memref_slice %arg6[%add3A_847, %dma_wait3A_1085] : memref<1024x26039xf32, #tpu.memory_space<hbm>> -> memref<1x26039xf32, #tpu.memory_space<hbm>>
    %dma_wait3A_1087 = tpu.memref_squeeze %dma_wait3A_1086 : memref<1x26039xf32, #tpu.memory_space<hbm>> -> memref<26039xf32, #tpu.memory_space<hbm>>
    %dma_wait3A_1088 = arith.constant 0 : i32
    %dma_wait3A_1089 = tpu.memref_slice %arg7[%dma_wait3A_1088] : memref<26048xf32, #tpu.memory_space<vmem>> -> memref<26039xf32, #tpu.memory_space<vmem>>
    tpu.wait_dma2 semaphore(%arg15 : memref<!tpu.dma_semaphore, #tpu.memory_space<semaphore_mem>>) src(%dma_wait3A_1089 : memref<26039xf32, #tpu.memory_space<vmem>>) dst(%dma_wait3A_1087 : memref<26039xf32, #tpu.memory_space<hbm>>)
    %get3A_1090 = arith.constant 384 : index
    %get3A_1091 = tpu.vector_load %arg11[%get3A_1090] {strides = array<i32>} : memref<1024xi32, #tpu.memory_space<vmem>>, vector<16xi32>,
    %mul3A_1092 = arith.constant 1001 : i32
    %mul3A_1093 = vector.broadcast %mul3A_1092 : i32 to vector<16xi32>
    %mul3A_1094 = arith.muli %mul3A_1093, %iota3A : vector<16xi32>
    %add3A_1095 = arith.addi %get3A_1091, %mul3A_1094 : vector<16xi32>
    %get3A_1096 = arith.constant 400 : index
    %get3A_1097 = tpu.vector_load %arg11[%get3A_1096] {strides = array<i32>} : memref<1024xi32, #tpu.memory_space<vmem>>, vector<16xi32>,
    %add3A_1098 = arith.constant 16 : i32
    %add3A_1099 = vector.broadcast %add3A_1098 : i32 to vector<16xi32>
    %add3A_1100 = arith.addi %iota3A, %add3A_1099 : vector<16xi32>
    %mul3A_1101 = arith.constant 1001 : i32
    %mul3A_1102 = vector.broadcast %mul3A_1101 : i32 to vector<16xi32>
    %mul3A_1103 = arith.muli %mul3A_1102, %add3A_1100 : vector<16xi32>
    %add3A_1104 = arith.addi %get3A_1097, %mul3A_1103 : vector<16xi32>
    tpu.vector_store_idx %arg7[%add3A_1095], %broadcast_in_dim3A_7 : memref<26048xf32, #tpu.memory_space<vmem>>[vector<16xi32>], vector<16xf32>,
    %lt3A_1105 = arith.constant 10 : i32
    %lt3A_1106 = vector.broadcast %lt3A_1105 : i32 to vector<16xi32>
    %lt3A_1107 = arith.cmpi slt, %iota3A, %lt3A_1106 : vector<16xi32>
    tpu.vector_store_idx %arg7[%add3A_1104], %broadcast_in_dim3A_7 masked %lt3A_1107 : memref<26048xf32, #tpu.memory_space<vmem>>[vector<16xi32>], vector<16xf32>, vector<16xi1>
    %add3A_1108 = arith.constant 26026 : i32
    %add3A_1109 = vector.broadcast %add3A_1108 : i32 to vector<16xi32>
    %add3A_1110 = arith.addi %add3A_1109, %iota3A : vector<16xi32>
    %lt3A_1111 = arith.constant 13 : i32
    %lt3A_1112 = vector.broadcast %lt3A_1111 : i32 to vector<16xi32>
    %lt3A_1113 = arith.cmpi slt, %iota3A, %lt3A_1112 : vector<16xi32>
    tpu.vector_store_idx %arg7[%add3A_1110], %broadcast_in_dim3A_7 masked %lt3A_1113 : memref<26048xf32, #tpu.memory_space<vmem>>[vector<16xi32>], vector<16xf32>, vector<16xi1>
    %get3A_1114 = arith.constant 512 : index
    %get3A_1115 = tpu.vector_load %arg11[%get3A_1114] {strides = array<i32>} : memref<1024xi32, #tpu.memory_space<vmem>>, vector<16xi32>,
    %mul3A_1116 = arith.constant 1001 : i32
    %mul3A_1117 = vector.broadcast %mul3A_1116 : i32 to vector<16xi32>
    %mul3A_1118 = arith.muli %mul3A_1117, %iota3A : vector<16xi32>
    %add3A_1119 = arith.addi %get3A_1115, %mul3A_1118 : vector<16xi32>
    %get3A_1120 = arith.constant 528 : index
    %get3A_1121 = tpu.vector_load %arg11[%get3A_1120] {strides = array<i32>} : memref<1024xi32, #tpu.memory_space<vmem>>, vector<16xi32>,
    %add3A_1122 = arith.constant 16 : i32
    %add3A_1123 = vector.broadcast %add3A_1122 : i32 to vector<16xi32>
    %add3A_1124 = arith.addi %iota3A, %add3A_1123 : vector<16xi32>
    %mul3A_1125 = arith.constant 1001 : i32
    %mul3A_1126 = vector.broadcast %mul3A_1125 : i32 to vector<16xi32>
    %mul3A_1127 = arith.muli %mul3A_1126, %add3A_1124 : vector<16xi32>
    %add3A_1128 = arith.addi %get3A_1121, %mul3A_1127 : vector<16xi32>
    tpu.vector_store_idx %arg7[%add3A_1119], %broadcast_in_dim3A_9 : memref<26048xf32, #tpu.memory_space<vmem>>[vector<16xi32>], vector<16xf32>,
    %lt3A_1129 = arith.constant 10 : i32
    %lt3A_1130 = vector.broadcast %lt3A_1129 : i32 to vector<16xi32>
    %lt3A_1131 = arith.cmpi slt, %iota3A, %lt3A_1130 : vector<16xi32>
    tpu.vector_store_idx %arg7[%add3A_1128], %broadcast_in_dim3A_9 masked %lt3A_1131 : memref<26048xf32, #tpu.memory_space<vmem>>[vector<16xi32>], vector<16xf32>, vector<16xi1>
    %get3A_1132 = arith.constant 256 : index
    %get3A_1133 = tpu.vector_load %arg12[%get3A_1132] {strides = array<i32>} : memref<512xf32, #tpu.memory_space<vmem>>, vector<16xf32>,
    %mul3A_1134 = arith.mulf %get3A_1133, %get3A_10 : vector<16xf32>
    %sub3A_1135 = arith.subf %mul3A_1134, %get3A_12 : vector<16xf32>
    %add3A_1136 = arith.constant 26026 : i32
    %add3A_1137 = vector.broadcast %add3A_1136 : i32 to vector<16xi32>
    %add3A_1138 = arith.addi %add3A_1137, %iota3A : vector<16xi32>
    %lt3A_1139 = arith.constant 13 : i32
    %lt3A_1140 = vector.broadcast %lt3A_1139 : i32 to vector<16xi32>
    %lt3A_1141 = arith.cmpi slt, %iota3A, %lt3A_1140 : vector<16xi32>
    tpu.vector_store_idx %arg7[%add3A_1138], %sub3A_1135 masked %lt3A_1141 : memref<26048xf32, #tpu.memory_space<vmem>>[vector<16xi32>], vector<16xf32>, vector<16xi1>
    %add3A_1142 = arith.constant 16 : i32
    %add3A_1143 = arith.addi %mul3A_2, %add3A_1142 : i32
    %dma_start3A_1144 = arith.constant 0 : i32
    %dma_start3A_1145 = tpu.memref_slice %arg7[%dma_start3A_1144] : memref<26048xf32, #tpu.memory_space<vmem>> -> memref<26039xf32, #tpu.memory_space<vmem>>
    %dma_start3A_1146 = arith.constant 0 : i32
    %dma_start3A_1147 = tpu.memref_slice %arg6[%add3A_1143, %dma_start3A_1146] : memref<1024x26039xf32, #tpu.memory_space<hbm>> -> memref<1x26039xf32, #tpu.memory_space<hbm>>
    %dma_start3A_1148 = tpu.memref_squeeze %dma_start3A_1147 : memref<1x26039xf32, #tpu.memory_space<hbm>> -> memref<26039xf32, #tpu.memory_space<hbm>>
    %dma_start3A_1149 = arith.constant 0 : i32
    %dma_start3A_1150 = tpu.memref_slice %arg6[%add3A_1143, %dma_start3A_1149] : memref<1024x26039xf32, #tpu.memory_space<hbm>> -> memref<1x26039xf32, #tpu.memory_space<hbm>>
    %dma_start3A_1151 = tpu.memref_squeeze %dma_start3A_1150 : memref<1x26039xf32, #tpu.memory_space<hbm>> -> memref<26039xf32, #tpu.memory_space<hbm>>
    %dma_start3A_1152 = arith.constant 0 : i32
    %dma_start3A_1153 = tpu.memref_slice %arg7[%dma_start3A_1152] : memref<26048xf32, #tpu.memory_space<vmem>> -> memref<26039xf32, #tpu.memory_space<vmem>>
    tpu.enqueue_dma source(%dma_start3A_1153 : memref<26039xf32, #tpu.memory_space<vmem>>) target(%dma_start3A_1151 : memref<26039xf32, #tpu.memory_space<hbm>>) target_semaphore(%arg15 : memref<!tpu.dma_semaphore, #tpu.memory_space<semaphore_mem>>)
    %dma_wait3A_1154 = arith.constant 0 : i32
    %dma_wait3A_1155 = tpu.memref_slice %arg8[%dma_wait3A_1154] : memref<26048xf32, #tpu.memory_space<vmem>> -> memref<26039xf32, #tpu.memory_space<vmem>>
    %dma_wait3A_1156 = arith.constant 0 : i32
    %dma_wait3A_1157 = tpu.memref_slice %arg6[%add3A_921, %dma_wait3A_1156] : memref<1024x26039xf32, #tpu.memory_space<hbm>> -> memref<1x26039xf32, #tpu.memory_space<hbm>>
    %dma_wait3A_1158 = tpu.memref_squeeze %dma_wait3A_1157 : memref<1x26039xf32, #tpu.memory_space<hbm>> -> memref<26039xf32, #tpu.memory_space<hbm>>
    %dma_wait3A_1159 = arith.constant 0 : i32
    %dma_wait3A_1160 = tpu.memref_slice %arg6[%add3A_921, %dma_wait3A_1159] : memref<1024x26039xf32, #tpu.memory_space<hbm>> -> memref<1x26039xf32, #tpu.memory_space<hbm>>
    %dma_wait3A_1161 = tpu.memref_squeeze %dma_wait3A_1160 : memref<1x26039xf32, #tpu.memory_space<hbm>> -> memref<26039xf32, #tpu.memory_space<hbm>>
    %dma_wait3A_1162 = arith.constant 0 : i32
    %dma_wait3A_1163 = tpu.memref_slice %arg8[%dma_wait3A_1162] : memref<26048xf32, #tpu.memory_space<vmem>> -> memref<26039xf32, #tpu.memory_space<vmem>>
    tpu.wait_dma2 semaphore(%arg16 : memref<!tpu.dma_semaphore, #tpu.memory_space<semaphore_mem>>) src(%dma_wait3A_1163 : memref<26039xf32, #tpu.memory_space<vmem>>) dst(%dma_wait3A_1161 : memref<26039xf32, #tpu.memory_space<hbm>>)
    %get3A_1164 = arith.constant 416 : index
    %get3A_1165 = tpu.vector_load %arg11[%get3A_1164] {strides = array<i32>} : memref<1024xi32, #tpu.memory_space<vmem>>, vector<16xi32>,
    %mul3A_1166 = arith.constant 1001 : i32
    %mul3A_1167 = vector.broadcast %mul3A_1166 : i32 to vector<16xi32>
    %mul3A_1168 = arith.muli %mul3A_1167, %iota3A : vector<16xi32>
    %add3A_1169 = arith.addi %get3A_1165, %mul3A_1168 : vector<16xi32>
    %get3A_1170 = arith.constant 432 : index
    %get3A_1171 = tpu.vector_load %arg11[%get3A_1170] {strides = array<i32>} : memref<1024xi32, #tpu.memory_space<vmem>>, vector<16xi32>,
    %add3A_1172 = arith.constant 16 : i32
    %add3A_1173 = vector.broadcast %add3A_1172 : i32 to vector<16xi32>
    %add3A_1174 = arith.addi %iota3A, %add3A_1173 : vector<16xi32>
    %mul3A_1175 = arith.constant 1001 : i32
    %mul3A_1176 = vector.broadcast %mul3A_1175 : i32 to vector<16xi32>
    %mul3A_1177 = arith.muli %mul3A_1176, %add3A_1174 : vector<16xi32>
    %add3A_1178 = arith.addi %get3A_1171, %mul3A_1177 : vector<16xi32>
    tpu.vector_store_idx %arg8[%add3A_1169], %broadcast_in_dim3A_7 : memref<26048xf32, #tpu.memory_space<vmem>>[vector<16xi32>], vector<16xf32>,
    %lt3A_1179 = arith.constant 10 : i32
    %lt3A_1180 = vector.broadcast %lt3A_1179 : i32 to vector<16xi32>
    %lt3A_1181 = arith.cmpi slt, %iota3A, %lt3A_1180 : vector<16xi32>
    tpu.vector_store_idx %arg8[%add3A_1178], %broadcast_in_dim3A_7 masked %lt3A_1181 : memref<26048xf32, #tpu.memory_space<vmem>>[vector<16xi32>], vector<16xf32>, vector<16xi1>
    %add3A_1182 = arith.constant 26026 : i32
    %add3A_1183 = vector.broadcast %add3A_1182 : i32 to vector<16xi32>
    %add3A_1184 = arith.addi %add3A_1183, %iota3A : vector<16xi32>
    %lt3A_1185 = arith.constant 13 : i32
    %lt3A_1186 = vector.broadcast %lt3A_1185 : i32 to vector<16xi32>
    %lt3A_1187 = arith.cmpi slt, %iota3A, %lt3A_1186 : vector<16xi32>
    tpu.vector_store_idx %arg8[%add3A_1184], %broadcast_in_dim3A_7 masked %lt3A_1187 : memref<26048xf32, #tpu.memory_space<vmem>>[vector<16xi32>], vector<16xf32>, vector<16xi1>
    %get3A_1188 = arith.constant 544 : index
    %get3A_1189 = tpu.vector_load %arg11[%get3A_1188] {strides = array<i32>} : memref<1024xi32, #tpu.memory_space<vmem>>, vector<16xi32>,
    %mul3A_1190 = arith.constant 1001 : i32
    %mul3A_1191 = vector.broadcast %mul3A_1190 : i32 to vector<16xi32>
    %mul3A_1192 = arith.muli %mul3A_1191, %iota3A : vector<16xi32>
    %add3A_1193 = arith.addi %get3A_1189, %mul3A_1192 : vector<16xi32>
    %get3A_1194 = arith.constant 560 : index
    %get3A_1195 = tpu.vector_load %arg11[%get3A_1194] {strides = array<i32>} : memref<1024xi32, #tpu.memory_space<vmem>>, vector<16xi32>,
    %add3A_1196 = arith.constant 16 : i32
    %add3A_1197 = vector.broadcast %add3A_1196 : i32 to vector<16xi32>
    %add3A_1198 = arith.addi %iota3A, %add3A_1197 : vector<16xi32>
    %mul3A_1199 = arith.constant 1001 : i32
    %mul3A_1200 = vector.broadcast %mul3A_1199 : i32 to vector<16xi32>
    %mul3A_1201 = arith.muli %mul3A_1200, %add3A_1198 : vector<16xi32>
    %add3A_1202 = arith.addi %get3A_1195, %mul3A_1201 : vector<16xi32>
    tpu.vector_store_idx %arg8[%add3A_1193], %broadcast_in_dim3A_9 : memref<26048xf32, #tpu.memory_space<vmem>>[vector<16xi32>], vector<16xf32>,
    %lt3A_1203 = arith.constant 10 : i32
    %lt3A_1204 = vector.broadcast %lt3A_1203 : i32 to vector<16xi32>
    %lt3A_1205 = arith.cmpi slt, %iota3A, %lt3A_1204 : vector<16xi32>
    tpu.vector_store_idx %arg8[%add3A_1202], %broadcast_in_dim3A_9 masked %lt3A_1205 : memref<26048xf32, #tpu.memory_space<vmem>>[vector<16xi32>], vector<16xf32>, vector<16xi1>
    %get3A_1206 = arith.constant 272 : index
    %get3A_1207 = tpu.vector_load %arg12[%get3A_1206] {strides = array<i32>} : memref<512xf32, #tpu.memory_space<vmem>>, vector<16xf32>,
    %mul3A_1208 = arith.mulf %get3A_1207, %get3A_10 : vector<16xf32>
    %sub3A_1209 = arith.subf %mul3A_1208, %get3A_12 : vector<16xf32>
    %add3A_1210 = arith.constant 26026 : i32
    %add3A_1211 = vector.broadcast %add3A_1210 : i32 to vector<16xi32>
    %add3A_1212 = arith.addi %add3A_1211, %iota3A : vector<16xi32>
    %lt3A_1213 = arith.constant 13 : i32
    %lt3A_1214 = vector.broadcast %lt3A_1213 : i32 to vector<16xi32>
    %lt3A_1215 = arith.cmpi slt, %iota3A, %lt3A_1214 : vector<16xi32>
    tpu.vector_store_idx %arg8[%add3A_1212], %sub3A_1209 masked %lt3A_1215 : memref<26048xf32, #tpu.memory_space<vmem>>[vector<16xi32>], vector<16xf32>, vector<16xi1>
    %add3A_1216 = arith.constant 17 : i32
    %add3A_1217 = arith.addi %mul3A_2, %add3A_1216 : i32
    %dma_start3A_1218 = arith.constant 0 : i32
    %dma_start3A_1219 = tpu.memref_slice %arg8[%dma_start3A_1218] : memref<26048xf32, #tpu.memory_space<vmem>> -> memref<26039xf32, #tpu.memory_space<vmem>>
    %dma_start3A_1220 = arith.constant 0 : i32
    %dma_start3A_1221 = tpu.memref_slice %arg6[%add3A_1217, %dma_start3A_1220] : memref<1024x26039xf32, #tpu.memory_space<hbm>> -> memref<1x26039xf32, #tpu.memory_space<hbm>>
    %dma_start3A_1222 = tpu.memref_squeeze %dma_start3A_1221 : memref<1x26039xf32, #tpu.memory_space<hbm>> -> memref<26039xf32, #tpu.memory_space<hbm>>
    %dma_start3A_1223 = arith.constant 0 : i32
    %dma_start3A_1224 = tpu.memref_slice %arg6[%add3A_1217, %dma_start3A_1223] : memref<1024x26039xf32, #tpu.memory_space<hbm>> -> memref<1x26039xf32, #tpu.memory_space<hbm>>
    %dma_start3A_1225 = tpu.memref_squeeze %dma_start3A_1224 : memref<1x26039xf32, #tpu.memory_space<hbm>> -> memref<26039xf32, #tpu.memory_space<hbm>>
    %dma_start3A_1226 = arith.constant 0 : i32
    %dma_start3A_1227 = tpu.memref_slice %arg8[%dma_start3A_1226] : memref<26048xf32, #tpu.memory_space<vmem>> -> memref<26039xf32, #tpu.memory_space<vmem>>
    tpu.enqueue_dma source(%dma_start3A_1227 : memref<26039xf32, #tpu.memory_space<vmem>>) target(%dma_start3A_1225 : memref<26039xf32, #tpu.memory_space<hbm>>) target_semaphore(%arg16 : memref<!tpu.dma_semaphore, #tpu.memory_space<semaphore_mem>>)
    %dma_wait3A_1228 = arith.constant 0 : i32
    %dma_wait3A_1229 = tpu.memref_slice %arg9[%dma_wait3A_1228] : memref<26048xf32, #tpu.memory_space<vmem>> -> memref<26039xf32, #tpu.memory_space<vmem>>
    %dma_wait3A_1230 = arith.constant 0 : i32
    %dma_wait3A_1231 = tpu.memref_slice %arg6[%add3A_995, %dma_wait3A_1230] : memref<1024x26039xf32, #tpu.memory_space<hbm>> -> memref<1x26039xf32, #tpu.memory_space<hbm>>
    %dma_wait3A_1232 = tpu.memref_squeeze %dma_wait3A_1231 : memref<1x26039xf32, #tpu.memory_space<hbm>> -> memref<26039xf32, #tpu.memory_space<hbm>>
    %dma_wait3A_1233 = arith.constant 0 : i32
    %dma_wait3A_1234 = tpu.memref_slice %arg6[%add3A_995, %dma_wait3A_1233] : memref<1024x26039xf32, #tpu.memory_space<hbm>> -> memref<1x26039xf32, #tpu.memory_space<hbm>>
    %dma_wait3A_1235 = tpu.memref_squeeze %dma_wait3A_1234 : memref<1x26039xf32, #tpu.memory_space<hbm>> -> memref<26039xf32, #tpu.memory_space<hbm>>
    %dma_wait3A_1236 = arith.constant 0 : i32
    %dma_wait3A_1237 = tpu.memref_slice %arg9[%dma_wait3A_1236] : memref<26048xf32, #tpu.memory_space<vmem>> -> memref<26039xf32, #tpu.memory_space<vmem>>
    tpu.wait_dma2 semaphore(%arg17 : memref<!tpu.dma_semaphore, #tpu.memory_space<semaphore_mem>>) src(%dma_wait3A_1237 : memref<26039xf32, #tpu.memory_space<vmem>>) dst(%dma_wait3A_1235 : memref<26039xf32, #tpu.memory_space<hbm>>)
    %get3A_1238 = arith.constant 448 : index
    %get3A_1239 = tpu.vector_load %arg11[%get3A_1238] {strides = array<i32>} : memref<1024xi32, #tpu.memory_space<vmem>>, vector<16xi32>,
    %mul3A_1240 = arith.constant 1001 : i32
    %mul3A_1241 = vector.broadcast %mul3A_1240 : i32 to vector<16xi32>
    %mul3A_1242 = arith.muli %mul3A_1241, %iota3A : vector<16xi32>
    %add3A_1243 = arith.addi %get3A_1239, %mul3A_1242 : vector<16xi32>
    %get3A_1244 = arith.constant 464 : index
    %get3A_1245 = tpu.vector_load %arg11[%get3A_1244] {strides = array<i32>} : memref<1024xi32, #tpu.memory_space<vmem>>, vector<16xi32>,
    %add3A_1246 = arith.constant 16 : i32
    %add3A_1247 = vector.broadcast %add3A_1246 : i32 to vector<16xi32>
    %add3A_1248 = arith.addi %iota3A, %add3A_1247 : vector<16xi32>
    %mul3A_1249 = arith.constant 1001 : i32
    %mul3A_1250 = vector.broadcast %mul3A_1249 : i32 to vector<16xi32>
    %mul3A_1251 = arith.muli %mul3A_1250, %add3A_1248 : vector<16xi32>
    %add3A_1252 = arith.addi %get3A_1245, %mul3A_1251 : vector<16xi32>
    tpu.vector_store_idx %arg9[%add3A_1243], %broadcast_in_dim3A_7 : memref<26048xf32, #tpu.memory_space<vmem>>[vector<16xi32>], vector<16xf32>,
    %lt3A_1253 = arith.constant 10 : i32
    %lt3A_1254 = vector.broadcast %lt3A_1253 : i32 to vector<16xi32>
    %lt3A_1255 = arith.cmpi slt, %iota3A, %lt3A_1254 : vector<16xi32>
    tpu.vector_store_idx %arg9[%add3A_1252], %broadcast_in_dim3A_7 masked %lt3A_1255 : memref<26048xf32, #tpu.memory_space<vmem>>[vector<16xi32>], vector<16xf32>, vector<16xi1>
    %add3A_1256 = arith.constant 26026 : i32
    %add3A_1257 = vector.broadcast %add3A_1256 : i32 to vector<16xi32>
    %add3A_1258 = arith.addi %add3A_1257, %iota3A : vector<16xi32>
    %lt3A_1259 = arith.constant 13 : i32
    %lt3A_1260 = vector.broadcast %lt3A_1259 : i32 to vector<16xi32>
    %lt3A_1261 = arith.cmpi slt, %iota3A, %lt3A_1260 : vector<16xi32>
    tpu.vector_store_idx %arg9[%add3A_1258], %broadcast_in_dim3A_7 masked %lt3A_1261 : memref<26048xf32, #tpu.memory_space<vmem>>[vector<16xi32>], vector<16xf32>, vector<16xi1>
    %get3A_1262 = arith.constant 576 : index
    %get3A_1263 = tpu.vector_load %arg11[%get3A_1262] {strides = array<i32>} : memref<1024xi32, #tpu.memory_space<vmem>>, vector<16xi32>,
    %mul3A_1264 = arith.constant 1001 : i32
    %mul3A_1265 = vector.broadcast %mul3A_1264 : i32 to vector<16xi32>
    %mul3A_1266 = arith.muli %mul3A_1265, %iota3A : vector<16xi32>
    %add3A_1267 = arith.addi %get3A_1263, %mul3A_1266 : vector<16xi32>
    %get3A_1268 = arith.constant 592 : index
    %get3A_1269 = tpu.vector_load %arg11[%get3A_1268] {strides = array<i32>} : memref<1024xi32, #tpu.memory_space<vmem>>, vector<16xi32>,
    %add3A_1270 = arith.constant 16 : i32
    %add3A_1271 = vector.broadcast %add3A_1270 : i32 to vector<16xi32>
    %add3A_1272 = arith.addi %iota3A, %add3A_1271 : vector<16xi32>
    %mul3A_1273 = arith.constant 1001 : i32
    %mul3A_1274 = vector.broadcast %mul3A_1273 : i32 to vector<16xi32>
    %mul3A_1275 = arith.muli %mul3A_1274, %add3A_1272 : vector<16xi32>
    %add3A_1276 = arith.addi %get3A_1269, %mul3A_1275 : vector<16xi32>
    tpu.vector_store_idx %arg9[%add3A_1267], %broadcast_in_dim3A_9 : memref<26048xf32, #tpu.memory_space<vmem>>[vector<16xi32>], vector<16xf32>,
    %lt3A_1277 = arith.constant 10 : i32
    %lt3A_1278 = vector.broadcast %lt3A_1277 : i32 to vector<16xi32>
    %lt3A_1279 = arith.cmpi slt, %iota3A, %lt3A_1278 : vector<16xi32>
    tpu.vector_store_idx %arg9[%add3A_1276], %broadcast_in_dim3A_9 masked %lt3A_1279 : memref<26048xf32, #tpu.memory_space<vmem>>[vector<16xi32>], vector<16xf32>, vector<16xi1>
    %get3A_1280 = arith.constant 288 : index
    %get3A_1281 = tpu.vector_load %arg12[%get3A_1280] {strides = array<i32>} : memref<512xf32, #tpu.memory_space<vmem>>, vector<16xf32>,
    %mul3A_1282 = arith.mulf %get3A_1281, %get3A_10 : vector<16xf32>
    %sub3A_1283 = arith.subf %mul3A_1282, %get3A_12 : vector<16xf32>
    %add3A_1284 = arith.constant 26026 : i32
    %add3A_1285 = vector.broadcast %add3A_1284 : i32 to vector<16xi32>
    %add3A_1286 = arith.addi %add3A_1285, %iota3A : vector<16xi32>
    %lt3A_1287 = arith.constant 13 : i32
    %lt3A_1288 = vector.broadcast %lt3A_1287 : i32 to vector<16xi32>
    %lt3A_1289 = arith.cmpi slt, %iota3A, %lt3A_1288 : vector<16xi32>
    tpu.vector_store_idx %arg9[%add3A_1286], %sub3A_1283 masked %lt3A_1289 : memref<26048xf32, #tpu.memory_space<vmem>>[vector<16xi32>], vector<16xf32>, vector<16xi1>
    %add3A_1290 = arith.constant 18 : i32
    %add3A_1291 = arith.addi %mul3A_2, %add3A_1290 : i32
    %dma_start3A_1292 = arith.constant 0 : i32
    %dma_start3A_1293 = tpu.memref_slice %arg9[%dma_start3A_1292] : memref<26048xf32, #tpu.memory_space<vmem>> -> memref<26039xf32, #tpu.memory_space<vmem>>
    %dma_start3A_1294 = arith.constant 0 : i32
    %dma_start3A_1295 = tpu.memref_slice %arg6[%add3A_1291, %dma_start3A_1294] : memref<1024x26039xf32, #tpu.memory_space<hbm>> -> memref<1x26039xf32, #tpu.memory_space<hbm>>
    %dma_start3A_1296 = tpu.memref_squeeze %dma_start3A_1295 : memref<1x26039xf32, #tpu.memory_space<hbm>> -> memref<26039xf32, #tpu.memory_space<hbm>>
    %dma_start3A_1297 = arith.constant 0 : i32
    %dma_start3A_1298 = tpu.memref_slice %arg6[%add3A_1291, %dma_start3A_1297] : memref<1024x26039xf32, #tpu.memory_space<hbm>> -> memref<1x26039xf32, #tpu.memory_space<hbm>>
    %dma_start3A_1299 = tpu.memref_squeeze %dma_start3A_1298 : memref<1x26039xf32, #tpu.memory_space<hbm>> -> memref<26039xf32, #tpu.memory_space<hbm>>
    %dma_start3A_1300 = arith.constant 0 : i32
    %dma_start3A_1301 = tpu.memref_slice %arg9[%dma_start3A_1300] : memref<26048xf32, #tpu.memory_space<vmem>> -> memref<26039xf32, #tpu.memory_space<vmem>>
    tpu.enqueue_dma source(%dma_start3A_1301 : memref<26039xf32, #tpu.memory_space<vmem>>) target(%dma_start3A_1299 : memref<26039xf32, #tpu.memory_space<hbm>>) target_semaphore(%arg17 : memref<!tpu.dma_semaphore, #tpu.memory_space<semaphore_mem>>)
    %dma_wait3A_1302 = arith.constant 0 : i32
    %dma_wait3A_1303 = tpu.memref_slice %arg10[%dma_wait3A_1302] : memref<26048xf32, #tpu.memory_space<vmem>> -> memref<26039xf32, #tpu.memory_space<vmem>>
    %dma_wait3A_1304 = arith.constant 0 : i32
    %dma_wait3A_1305 = tpu.memref_slice %arg6[%add3A_1069, %dma_wait3A_1304] : memref<1024x26039xf32, #tpu.memory_space<hbm>> -> memref<1x26039xf32, #tpu.memory_space<hbm>>
    %dma_wait3A_1306 = tpu.memref_squeeze %dma_wait3A_1305 : memref<1x26039xf32, #tpu.memory_space<hbm>> -> memref<26039xf32, #tpu.memory_space<hbm>>
    %dma_wait3A_1307 = arith.constant 0 : i32
    %dma_wait3A_1308 = tpu.memref_slice %arg6[%add3A_1069, %dma_wait3A_1307] : memref<1024x26039xf32, #tpu.memory_space<hbm>> -> memref<1x26039xf32, #tpu.memory_space<hbm>>
    %dma_wait3A_1309 = tpu.memref_squeeze %dma_wait3A_1308 : memref<1x26039xf32, #tpu.memory_space<hbm>> -> memref<26039xf32, #tpu.memory_space<hbm>>
    %dma_wait3A_1310 = arith.constant 0 : i32
    %dma_wait3A_1311 = tpu.memref_slice %arg10[%dma_wait3A_1310] : memref<26048xf32, #tpu.memory_space<vmem>> -> memref<26039xf32, #tpu.memory_space<vmem>>
    tpu.wait_dma2 semaphore(%arg18 : memref<!tpu.dma_semaphore, #tpu.memory_space<semaphore_mem>>) src(%dma_wait3A_1311 : memref<26039xf32, #tpu.memory_space<vmem>>) dst(%dma_wait3A_1309 : memref<26039xf32, #tpu.memory_space<hbm>>)
    %get3A_1312 = arith.constant 480 : index
    %get3A_1313 = tpu.vector_load %arg11[%get3A_1312] {strides = array<i32>} : memref<1024xi32, #tpu.memory_space<vmem>>, vector<16xi32>,
    %mul3A_1314 = arith.constant 1001 : i32
    %mul3A_1315 = vector.broadcast %mul3A_1314 : i32 to vector<16xi32>
    %mul3A_1316 = arith.muli %mul3A_1315, %iota3A : vector<16xi32>
    %add3A_1317 = arith.addi %get3A_1313, %mul3A_1316 : vector<16xi32>
    %get3A_1318 = arith.constant 496 : index
    %get3A_1319 = tpu.vector_load %arg11[%get3A_1318] {strides = array<i32>} : memref<1024xi32, #tpu.memory_space<vmem>>, vector<16xi32>,
    %add3A_1320 = arith.constant 16 : i32
    %add3A_1321 = vector.broadcast %add3A_1320 : i32 to vector<16xi32>
    %add3A_1322 = arith.addi %iota3A, %add3A_1321 : vector<16xi32>
    %mul3A_1323 = arith.constant 1001 : i32
    %mul3A_1324 = vector.broadcast %mul3A_1323 : i32 to vector<16xi32>
    %mul3A_1325 = arith.muli %mul3A_1324, %add3A_1322 : vector<16xi32>
    %add3A_1326 = arith.addi %get3A_1319, %mul3A_1325 : vector<16xi32>
    tpu.vector_store_idx %arg10[%add3A_1317], %broadcast_in_dim3A_7 : memref<26048xf32, #tpu.memory_space<vmem>>[vector<16xi32>], vector<16xf32>,
    %lt3A_1327 = arith.constant 10 : i32
    %lt3A_1328 = vector.broadcast %lt3A_1327 : i32 to vector<16xi32>
    %lt3A_1329 = arith.cmpi slt, %iota3A, %lt3A_1328 : vector<16xi32>
    tpu.vector_store_idx %arg10[%add3A_1326], %broadcast_in_dim3A_7 masked %lt3A_1329 : memref<26048xf32, #tpu.memory_space<vmem>>[vector<16xi32>], vector<16xf32>, vector<16xi1>
    %add3A_1330 = arith.constant 26026 : i32
    %add3A_1331 = vector.broadcast %add3A_1330 : i32 to vector<16xi32>
    %add3A_1332 = arith.addi %add3A_1331, %iota3A : vector<16xi32>
    %lt3A_1333 = arith.constant 13 : i32
    %lt3A_1334 = vector.broadcast %lt3A_1333 : i32 to vector<16xi32>
    %lt3A_1335 = arith.cmpi slt, %iota3A, %lt3A_1334 : vector<16xi32>
    tpu.vector_store_idx %arg10[%add3A_1332], %broadcast_in_dim3A_7 masked %lt3A_1335 : memref<26048xf32, #tpu.memory_space<vmem>>[vector<16xi32>], vector<16xf32>, vector<16xi1>
    %get3A_1336 = arith.constant 608 : index
    %get3A_1337 = tpu.vector_load %arg11[%get3A_1336] {strides = array<i32>} : memref<1024xi32, #tpu.memory_space<vmem>>, vector<16xi32>,
    %mul3A_1338 = arith.constant 1001 : i32
    %mul3A_1339 = vector.broadcast %mul3A_1338 : i32 to vector<16xi32>
    %mul3A_1340 = arith.muli %mul3A_1339, %iota3A : vector<16xi32>
    %add3A_1341 = arith.addi %get3A_1337, %mul3A_1340 : vector<16xi32>
    %get3A_1342 = arith.constant 624 : index
    %get3A_1343 = tpu.vector_load %arg11[%get3A_1342] {strides = array<i32>} : memref<1024xi32, #tpu.memory_space<vmem>>, vector<16xi32>,
    %add3A_1344 = arith.constant 16 : i32
    %add3A_1345 = vector.broadcast %add3A_1344 : i32 to vector<16xi32>
    %add3A_1346 = arith.addi %iota3A, %add3A_1345 : vector<16xi32>
    %mul3A_1347 = arith.constant 1001 : i32
    %mul3A_1348 = vector.broadcast %mul3A_1347 : i32 to vector<16xi32>
    %mul3A_1349 = arith.muli %mul3A_1348, %add3A_1346 : vector<16xi32>
    %add3A_1350 = arith.addi %get3A_1343, %mul3A_1349 : vector<16xi32>
    tpu.vector_store_idx %arg10[%add3A_1341], %broadcast_in_dim3A_9 : memref<26048xf32, #tpu.memory_space<vmem>>[vector<16xi32>], vector<16xf32>,
    %lt3A_1351 = arith.constant 10 : i32
    %lt3A_1352 = vector.broadcast %lt3A_1351 : i32 to vector<16xi32>
    %lt3A_1353 = arith.cmpi slt, %iota3A, %lt3A_1352 : vector<16xi32>
    tpu.vector_store_idx %arg10[%add3A_1350], %broadcast_in_dim3A_9 masked %lt3A_1353 : memref<26048xf32, #tpu.memory_space<vmem>>[vector<16xi32>], vector<16xf32>, vector<16xi1>
    %get3A_1354 = arith.constant 304 : index
    %get3A_1355 = tpu.vector_load %arg12[%get3A_1354] {strides = array<i32>} : memref<512xf32, #tpu.memory_space<vmem>>, vector<16xf32>,
    %mul3A_1356 = arith.mulf %get3A_1355, %get3A_10 : vector<16xf32>
    %sub3A_1357 = arith.subf %mul3A_1356, %get3A_12 : vector<16xf32>
    %add3A_1358 = arith.constant 26026 : i32
    %add3A_1359 = vector.broadcast %add3A_1358 : i32 to vector<16xi32>
    %add3A_1360 = arith.addi %add3A_1359, %iota3A : vector<16xi32>
    %lt3A_1361 = arith.constant 13 : i32
    %lt3A_1362 = vector.broadcast %lt3A_1361 : i32 to vector<16xi32>
    %lt3A_1363 = arith.cmpi slt, %iota3A, %lt3A_1362 : vector<16xi32>
    tpu.vector_store_idx %arg10[%add3A_1360], %sub3A_1357 masked %lt3A_1363 : memref<26048xf32, #tpu.memory_space<vmem>>[vector<16xi32>], vector<16xf32>, vector<16xi1>
    %add3A_1364 = arith.constant 19 : i32
    %add3A_1365 = arith.addi %mul3A_2, %add3A_1364 : i32
    %dma_start3A_1366 = arith.constant 0 : i32
    %dma_start3A_1367 = tpu.memref_slice %arg10[%dma_start3A_1366] : memref<26048xf32, #tpu.memory_space<vmem>> -> memref<26039xf32, #tpu.memory_space<vmem>>
    %dma_start3A_1368 = arith.constant 0 : i32
    %dma_start3A_1369 = tpu.memref_slice %arg6[%add3A_1365, %dma_start3A_1368] : memref<1024x26039xf32, #tpu.memory_space<hbm>> -> memref<1x26039xf32, #tpu.memory_space<hbm>>
    %dma_start3A_1370 = tpu.memref_squeeze %dma_start3A_1369 : memref<1x26039xf32, #tpu.memory_space<hbm>> -> memref<26039xf32, #tpu.memory_space<hbm>>
    %dma_start3A_1371 = arith.constant 0 : i32
    %dma_start3A_1372 = tpu.memref_slice %arg6[%add3A_1365, %dma_start3A_1371] : memref<1024x26039xf32, #tpu.memory_space<hbm>> -> memref<1x26039xf32, #tpu.memory_space<hbm>>
    %dma_start3A_1373 = tpu.memref_squeeze %dma_start3A_1372 : memref<1x26039xf32, #tpu.memory_space<hbm>> -> memref<26039xf32, #tpu.memory_space<hbm>>
    %dma_start3A_1374 = arith.constant 0 : i32
    %dma_start3A_1375 = tpu.memref_slice %arg10[%dma_start3A_1374] : memref<26048xf32, #tpu.memory_space<vmem>> -> memref<26039xf32, #tpu.memory_space<vmem>>
    tpu.enqueue_dma source(%dma_start3A_1375 : memref<26039xf32, #tpu.memory_space<vmem>>) target(%dma_start3A_1373 : memref<26039xf32, #tpu.memory_space<hbm>>) target_semaphore(%arg18 : memref<!tpu.dma_semaphore, #tpu.memory_space<semaphore_mem>>)
    %dma_wait3A_1376 = arith.constant 0 : i32
    %dma_wait3A_1377 = tpu.memref_slice %arg7[%dma_wait3A_1376] : memref<26048xf32, #tpu.memory_space<vmem>> -> memref<26039xf32, #tpu.memory_space<vmem>>
    %dma_wait3A_1378 = arith.constant 0 : i32
    %dma_wait3A_1379 = tpu.memref_slice %arg6[%add3A_1143, %dma_wait3A_1378] : memref<1024x26039xf32, #tpu.memory_space<hbm>> -> memref<1x26039xf32, #tpu.memory_space<hbm>>
    %dma_wait3A_1380 = tpu.memref_squeeze %dma_wait3A_1379 : memref<1x26039xf32, #tpu.memory_space<hbm>> -> memref<26039xf32, #tpu.memory_space<hbm>>
    %dma_wait3A_1381 = arith.constant 0 : i32
    %dma_wait3A_1382 = tpu.memref_slice %arg6[%add3A_1143, %dma_wait3A_1381] : memref<1024x26039xf32, #tpu.memory_space<hbm>> -> memref<1x26039xf32, #tpu.memory_space<hbm>>
    %dma_wait3A_1383 = tpu.memref_squeeze %dma_wait3A_1382 : memref<1x26039xf32, #tpu.memory_space<hbm>> -> memref<26039xf32, #tpu.memory_space<hbm>>
    %dma_wait3A_1384 = arith.constant 0 : i32
    %dma_wait3A_1385 = tpu.memref_slice %arg7[%dma_wait3A_1384] : memref<26048xf32, #tpu.memory_space<vmem>> -> memref<26039xf32, #tpu.memory_space<vmem>>
    tpu.wait_dma2 semaphore(%arg15 : memref<!tpu.dma_semaphore, #tpu.memory_space<semaphore_mem>>) src(%dma_wait3A_1385 : memref<26039xf32, #tpu.memory_space<vmem>>) dst(%dma_wait3A_1383 : memref<26039xf32, #tpu.memory_space<hbm>>)
    %get3A_1386 = arith.constant 512 : index
    %get3A_1387 = tpu.vector_load %arg11[%get3A_1386] {strides = array<i32>} : memref<1024xi32, #tpu.memory_space<vmem>>, vector<16xi32>,
    %mul3A_1388 = arith.constant 1001 : i32
    %mul3A_1389 = vector.broadcast %mul3A_1388 : i32 to vector<16xi32>
    %mul3A_1390 = arith.muli %mul3A_1389, %iota3A : vector<16xi32>
    %add3A_1391 = arith.addi %get3A_1387, %mul3A_1390 : vector<16xi32>
    %get3A_1392 = arith.constant 528 : index
    %get3A_1393 = tpu.vector_load %arg11[%get3A_1392] {strides = array<i32>} : memref<1024xi32, #tpu.memory_space<vmem>>, vector<16xi32>,
    %add3A_1394 = arith.constant 16 : i32
    %add3A_1395 = vector.broadcast %add3A_1394 : i32 to vector<16xi32>
    %add3A_1396 = arith.addi %iota3A, %add3A_1395 : vector<16xi32>
    %mul3A_1397 = arith.constant 1001 : i32
    %mul3A_1398 = vector.broadcast %mul3A_1397 : i32 to vector<16xi32>
    %mul3A_1399 = arith.muli %mul3A_1398, %add3A_1396 : vector<16xi32>
    %add3A_1400 = arith.addi %get3A_1393, %mul3A_1399 : vector<16xi32>
    tpu.vector_store_idx %arg7[%add3A_1391], %broadcast_in_dim3A_7 : memref<26048xf32, #tpu.memory_space<vmem>>[vector<16xi32>], vector<16xf32>,
    %lt3A_1401 = arith.constant 10 : i32
    %lt3A_1402 = vector.broadcast %lt3A_1401 : i32 to vector<16xi32>
    %lt3A_1403 = arith.cmpi slt, %iota3A, %lt3A_1402 : vector<16xi32>
    tpu.vector_store_idx %arg7[%add3A_1400], %broadcast_in_dim3A_7 masked %lt3A_1403 : memref<26048xf32, #tpu.memory_space<vmem>>[vector<16xi32>], vector<16xf32>, vector<16xi1>
    %add3A_1404 = arith.constant 26026 : i32
    %add3A_1405 = vector.broadcast %add3A_1404 : i32 to vector<16xi32>
    %add3A_1406 = arith.addi %add3A_1405, %iota3A : vector<16xi32>
    %lt3A_1407 = arith.constant 13 : i32
    %lt3A_1408 = vector.broadcast %lt3A_1407 : i32 to vector<16xi32>
    %lt3A_1409 = arith.cmpi slt, %iota3A, %lt3A_1408 : vector<16xi32>
    tpu.vector_store_idx %arg7[%add3A_1406], %broadcast_in_dim3A_7 masked %lt3A_1409 : memref<26048xf32, #tpu.memory_space<vmem>>[vector<16xi32>], vector<16xf32>, vector<16xi1>
    %get3A_1410 = arith.constant 640 : index
    %get3A_1411 = tpu.vector_load %arg11[%get3A_1410] {strides = array<i32>} : memref<1024xi32, #tpu.memory_space<vmem>>, vector<16xi32>,
    %mul3A_1412 = arith.constant 1001 : i32
    %mul3A_1413 = vector.broadcast %mul3A_1412 : i32 to vector<16xi32>
    %mul3A_1414 = arith.muli %mul3A_1413, %iota3A : vector<16xi32>
    %add3A_1415 = arith.addi %get3A_1411, %mul3A_1414 : vector<16xi32>
    %get3A_1416 = arith.constant 656 : index
    %get3A_1417 = tpu.vector_load %arg11[%get3A_1416] {strides = array<i32>} : memref<1024xi32, #tpu.memory_space<vmem>>, vector<16xi32>,
    %add3A_1418 = arith.constant 16 : i32
    %add3A_1419 = vector.broadcast %add3A_1418 : i32 to vector<16xi32>
    %add3A_1420 = arith.addi %iota3A, %add3A_1419 : vector<16xi32>
    %mul3A_1421 = arith.constant 1001 : i32
    %mul3A_1422 = vector.broadcast %mul3A_1421 : i32 to vector<16xi32>
    %mul3A_1423 = arith.muli %mul3A_1422, %add3A_1420 : vector<16xi32>
    %add3A_1424 = arith.addi %get3A_1417, %mul3A_1423 : vector<16xi32>
    tpu.vector_store_idx %arg7[%add3A_1415], %broadcast_in_dim3A_9 : memref<26048xf32, #tpu.memory_space<vmem>>[vector<16xi32>], vector<16xf32>,
    %lt3A_1425 = arith.constant 10 : i32
    %lt3A_1426 = vector.broadcast %lt3A_1425 : i32 to vector<16xi32>
    %lt3A_1427 = arith.cmpi slt, %iota3A, %lt3A_1426 : vector<16xi32>
    tpu.vector_store_idx %arg7[%add3A_1424], %broadcast_in_dim3A_9 masked %lt3A_1427 : memref<26048xf32, #tpu.memory_space<vmem>>[vector<16xi32>], vector<16xf32>, vector<16xi1>
    %get3A_1428 = arith.constant 320 : index
    %get3A_1429 = tpu.vector_load %arg12[%get3A_1428] {strides = array<i32>} : memref<512xf32, #tpu.memory_space<vmem>>, vector<16xf32>,
    %mul3A_1430 = arith.mulf %get3A_1429, %get3A_10 : vector<16xf32>
    %sub3A_1431 = arith.subf %mul3A_1430, %get3A_12 : vector<16xf32>
    %add3A_1432 = arith.constant 26026 : i32
    %add3A_1433 = vector.broadcast %add3A_1432 : i32 to vector<16xi32>
    %add3A_1434 = arith.addi %add3A_1433, %iota3A : vector<16xi32>
    %lt3A_1435 = arith.constant 13 : i32
    %lt3A_1436 = vector.broadcast %lt3A_1435 : i32 to vector<16xi32>
    %lt3A_1437 = arith.cmpi slt, %iota3A, %lt3A_1436 : vector<16xi32>
    tpu.vector_store_idx %arg7[%add3A_1434], %sub3A_1431 masked %lt3A_1437 : memref<26048xf32, #tpu.memory_space<vmem>>[vector<16xi32>], vector<16xf32>, vector<16xi1>
    %add3A_1438 = arith.constant 20 : i32
    %add3A_1439 = arith.addi %mul3A_2, %add3A_1438 : i32
    %dma_start3A_1440 = arith.constant 0 : i32
    %dma_start3A_1441 = tpu.memref_slice %arg7[%dma_start3A_1440] : memref<26048xf32, #tpu.memory_space<vmem>> -> memref<26039xf32, #tpu.memory_space<vmem>>
    %dma_start3A_1442 = arith.constant 0 : i32
    %dma_start3A_1443 = tpu.memref_slice %arg6[%add3A_1439, %dma_start3A_1442] : memref<1024x26039xf32, #tpu.memory_space<hbm>> -> memref<1x26039xf32, #tpu.memory_space<hbm>>
    %dma_start3A_1444 = tpu.memref_squeeze %dma_start3A_1443 : memref<1x26039xf32, #tpu.memory_space<hbm>> -> memref<26039xf32, #tpu.memory_space<hbm>>
    %dma_start3A_1445 = arith.constant 0 : i32
    %dma_start3A_1446 = tpu.memref_slice %arg6[%add3A_1439, %dma_start3A_1445] : memref<1024x26039xf32, #tpu.memory_space<hbm>> -> memref<1x26039xf32, #tpu.memory_space<hbm>>
    %dma_start3A_1447 = tpu.memref_squeeze %dma_start3A_1446 : memref<1x26039xf32, #tpu.memory_space<hbm>> -> memref<26039xf32, #tpu.memory_space<hbm>>
    %dma_start3A_1448 = arith.constant 0 : i32
    %dma_start3A_1449 = tpu.memref_slice %arg7[%dma_start3A_1448] : memref<26048xf32, #tpu.memory_space<vmem>> -> memref<26039xf32, #tpu.memory_space<vmem>>
    tpu.enqueue_dma source(%dma_start3A_1449 : memref<26039xf32, #tpu.memory_space<vmem>>) target(%dma_start3A_1447 : memref<26039xf32, #tpu.memory_space<hbm>>) target_semaphore(%arg15 : memref<!tpu.dma_semaphore, #tpu.memory_space<semaphore_mem>>)
    %dma_wait3A_1450 = arith.constant 0 : i32
    %dma_wait3A_1451 = tpu.memref_slice %arg8[%dma_wait3A_1450] : memref<26048xf32, #tpu.memory_space<vmem>> -> memref<26039xf32, #tpu.memory_space<vmem>>
    %dma_wait3A_1452 = arith.constant 0 : i32
    %dma_wait3A_1453 = tpu.memref_slice %arg6[%add3A_1217, %dma_wait3A_1452] : memref<1024x26039xf32, #tpu.memory_space<hbm>> -> memref<1x26039xf32, #tpu.memory_space<hbm>>
    %dma_wait3A_1454 = tpu.memref_squeeze %dma_wait3A_1453 : memref<1x26039xf32, #tpu.memory_space<hbm>> -> memref<26039xf32, #tpu.memory_space<hbm>>
    %dma_wait3A_1455 = arith.constant 0 : i32
    %dma_wait3A_1456 = tpu.memref_slice %arg6[%add3A_1217, %dma_wait3A_1455] : memref<1024x26039xf32, #tpu.memory_space<hbm>> -> memref<1x26039xf32, #tpu.memory_space<hbm>>
    %dma_wait3A_1457 = tpu.memref_squeeze %dma_wait3A_1456 : memref<1x26039xf32, #tpu.memory_space<hbm>> -> memref<26039xf32, #tpu.memory_space<hbm>>
    %dma_wait3A_1458 = arith.constant 0 : i32
    %dma_wait3A_1459 = tpu.memref_slice %arg8[%dma_wait3A_1458] : memref<26048xf32, #tpu.memory_space<vmem>> -> memref<26039xf32, #tpu.memory_space<vmem>>
    tpu.wait_dma2 semaphore(%arg16 : memref<!tpu.dma_semaphore, #tpu.memory_space<semaphore_mem>>) src(%dma_wait3A_1459 : memref<26039xf32, #tpu.memory_space<vmem>>) dst(%dma_wait3A_1457 : memref<26039xf32, #tpu.memory_space<hbm>>)
    %get3A_1460 = arith.constant 544 : index
    %get3A_1461 = tpu.vector_load %arg11[%get3A_1460] {strides = array<i32>} : memref<1024xi32, #tpu.memory_space<vmem>>, vector<16xi32>,
    %mul3A_1462 = arith.constant 1001 : i32
    %mul3A_1463 = vector.broadcast %mul3A_1462 : i32 to vector<16xi32>
    %mul3A_1464 = arith.muli %mul3A_1463, %iota3A : vector<16xi32>
    %add3A_1465 = arith.addi %get3A_1461, %mul3A_1464 : vector<16xi32>
    %get3A_1466 = arith.constant 560 : index
    %get3A_1467 = tpu.vector_load %arg11[%get3A_1466] {strides = array<i32>} : memref<1024xi32, #tpu.memory_space<vmem>>, vector<16xi32>,
    %add3A_1468 = arith.constant 16 : i32
    %add3A_1469 = vector.broadcast %add3A_1468 : i32 to vector<16xi32>
    %add3A_1470 = arith.addi %iota3A, %add3A_1469 : vector<16xi32>
    %mul3A_1471 = arith.constant 1001 : i32
    %mul3A_1472 = vector.broadcast %mul3A_1471 : i32 to vector<16xi32>
    %mul3A_1473 = arith.muli %mul3A_1472, %add3A_1470 : vector<16xi32>
    %add3A_1474 = arith.addi %get3A_1467, %mul3A_1473 : vector<16xi32>
    tpu.vector_store_idx %arg8[%add3A_1465], %broadcast_in_dim3A_7 : memref<26048xf32, #tpu.memory_space<vmem>>[vector<16xi32>], vector<16xf32>,
    %lt3A_1475 = arith.constant 10 : i32
    %lt3A_1476 = vector.broadcast %lt3A_1475 : i32 to vector<16xi32>
    %lt3A_1477 = arith.cmpi slt, %iota3A, %lt3A_1476 : vector<16xi32>
    tpu.vector_store_idx %arg8[%add3A_1474], %broadcast_in_dim3A_7 masked %lt3A_1477 : memref<26048xf32, #tpu.memory_space<vmem>>[vector<16xi32>], vector<16xf32>, vector<16xi1>
    %add3A_1478 = arith.constant 26026 : i32
    %add3A_1479 = vector.broadcast %add3A_1478 : i32 to vector<16xi32>
    %add3A_1480 = arith.addi %add3A_1479, %iota3A : vector<16xi32>
    %lt3A_1481 = arith.constant 13 : i32
    %lt3A_1482 = vector.broadcast %lt3A_1481 : i32 to vector<16xi32>
    %lt3A_1483 = arith.cmpi slt, %iota3A, %lt3A_1482 : vector<16xi32>
    tpu.vector_store_idx %arg8[%add3A_1480], %broadcast_in_dim3A_7 masked %lt3A_1483 : memref<26048xf32, #tpu.memory_space<vmem>>[vector<16xi32>], vector<16xf32>, vector<16xi1>
    %get3A_1484 = arith.constant 672 : index
    %get3A_1485 = tpu.vector_load %arg11[%get3A_1484] {strides = array<i32>} : memref<1024xi32, #tpu.memory_space<vmem>>, vector<16xi32>,
    %mul3A_1486 = arith.constant 1001 : i32
    %mul3A_1487 = vector.broadcast %mul3A_1486 : i32 to vector<16xi32>
    %mul3A_1488 = arith.muli %mul3A_1487, %iota3A : vector<16xi32>
    %add3A_1489 = arith.addi %get3A_1485, %mul3A_1488 : vector<16xi32>
    %get3A_1490 = arith.constant 688 : index
    %get3A_1491 = tpu.vector_load %arg11[%get3A_1490] {strides = array<i32>} : memref<1024xi32, #tpu.memory_space<vmem>>, vector<16xi32>,
    %add3A_1492 = arith.constant 16 : i32
    %add3A_1493 = vector.broadcast %add3A_1492 : i32 to vector<16xi32>
    %add3A_1494 = arith.addi %iota3A, %add3A_1493 : vector<16xi32>
    %mul3A_1495 = arith.constant 1001 : i32
    %mul3A_1496 = vector.broadcast %mul3A_1495 : i32 to vector<16xi32>
    %mul3A_1497 = arith.muli %mul3A_1496, %add3A_1494 : vector<16xi32>
    %add3A_1498 = arith.addi %get3A_1491, %mul3A_1497 : vector<16xi32>
    tpu.vector_store_idx %arg8[%add3A_1489], %broadcast_in_dim3A_9 : memref<26048xf32, #tpu.memory_space<vmem>>[vector<16xi32>], vector<16xf32>,
    %lt3A_1499 = arith.constant 10 : i32
    %lt3A_1500 = vector.broadcast %lt3A_1499 : i32 to vector<16xi32>
    %lt3A_1501 = arith.cmpi slt, %iota3A, %lt3A_1500 : vector<16xi32>
    tpu.vector_store_idx %arg8[%add3A_1498], %broadcast_in_dim3A_9 masked %lt3A_1501 : memref<26048xf32, #tpu.memory_space<vmem>>[vector<16xi32>], vector<16xf32>, vector<16xi1>
    %get3A_1502 = arith.constant 336 : index
    %get3A_1503 = tpu.vector_load %arg12[%get3A_1502] {strides = array<i32>} : memref<512xf32, #tpu.memory_space<vmem>>, vector<16xf32>,
    %mul3A_1504 = arith.mulf %get3A_1503, %get3A_10 : vector<16xf32>
    %sub3A_1505 = arith.subf %mul3A_1504, %get3A_12 : vector<16xf32>
    %add3A_1506 = arith.constant 26026 : i32
    %add3A_1507 = vector.broadcast %add3A_1506 : i32 to vector<16xi32>
    %add3A_1508 = arith.addi %add3A_1507, %iota3A : vector<16xi32>
    %lt3A_1509 = arith.constant 13 : i32
    %lt3A_1510 = vector.broadcast %lt3A_1509 : i32 to vector<16xi32>
    %lt3A_1511 = arith.cmpi slt, %iota3A, %lt3A_1510 : vector<16xi32>
    tpu.vector_store_idx %arg8[%add3A_1508], %sub3A_1505 masked %lt3A_1511 : memref<26048xf32, #tpu.memory_space<vmem>>[vector<16xi32>], vector<16xf32>, vector<16xi1>
    %add3A_1512 = arith.constant 21 : i32
    %add3A_1513 = arith.addi %mul3A_2, %add3A_1512 : i32
    %dma_start3A_1514 = arith.constant 0 : i32
    %dma_start3A_1515 = tpu.memref_slice %arg8[%dma_start3A_1514] : memref<26048xf32, #tpu.memory_space<vmem>> -> memref<26039xf32, #tpu.memory_space<vmem>>
    %dma_start3A_1516 = arith.constant 0 : i32
    %dma_start3A_1517 = tpu.memref_slice %arg6[%add3A_1513, %dma_start3A_1516] : memref<1024x26039xf32, #tpu.memory_space<hbm>> -> memref<1x26039xf32, #tpu.memory_space<hbm>>
    %dma_start3A_1518 = tpu.memref_squeeze %dma_start3A_1517 : memref<1x26039xf32, #tpu.memory_space<hbm>> -> memref<26039xf32, #tpu.memory_space<hbm>>
    %dma_start3A_1519 = arith.constant 0 : i32
    %dma_start3A_1520 = tpu.memref_slice %arg6[%add3A_1513, %dma_start3A_1519] : memref<1024x26039xf32, #tpu.memory_space<hbm>> -> memref<1x26039xf32, #tpu.memory_space<hbm>>
    %dma_start3A_1521 = tpu.memref_squeeze %dma_start3A_1520 : memref<1x26039xf32, #tpu.memory_space<hbm>> -> memref<26039xf32, #tpu.memory_space<hbm>>
    %dma_start3A_1522 = arith.constant 0 : i32
    %dma_start3A_1523 = tpu.memref_slice %arg8[%dma_start3A_1522] : memref<26048xf32, #tpu.memory_space<vmem>> -> memref<26039xf32, #tpu.memory_space<vmem>>
    tpu.enqueue_dma source(%dma_start3A_1523 : memref<26039xf32, #tpu.memory_space<vmem>>) target(%dma_start3A_1521 : memref<26039xf32, #tpu.memory_space<hbm>>) target_semaphore(%arg16 : memref<!tpu.dma_semaphore, #tpu.memory_space<semaphore_mem>>)
    %dma_wait3A_1524 = arith.constant 0 : i32
    %dma_wait3A_1525 = tpu.memref_slice %arg9[%dma_wait3A_1524] : memref<26048xf32, #tpu.memory_space<vmem>> -> memref<26039xf32, #tpu.memory_space<vmem>>
    %dma_wait3A_1526 = arith.constant 0 : i32
    %dma_wait3A_1527 = tpu.memref_slice %arg6[%add3A_1291, %dma_wait3A_1526] : memref<1024x26039xf32, #tpu.memory_space<hbm>> -> memref<1x26039xf32, #tpu.memory_space<hbm>>
    %dma_wait3A_1528 = tpu.memref_squeeze %dma_wait3A_1527 : memref<1x26039xf32, #tpu.memory_space<hbm>> -> memref<26039xf32, #tpu.memory_space<hbm>>
    %dma_wait3A_1529 = arith.constant 0 : i32
    %dma_wait3A_1530 = tpu.memref_slice %arg6[%add3A_1291, %dma_wait3A_1529] : memref<1024x26039xf32, #tpu.memory_space<hbm>> -> memref<1x26039xf32, #tpu.memory_space<hbm>>
    %dma_wait3A_1531 = tpu.memref_squeeze %dma_wait3A_1530 : memref<1x26039xf32, #tpu.memory_space<hbm>> -> memref<26039xf32, #tpu.memory_space<hbm>>
    %dma_wait3A_1532 = arith.constant 0 : i32
    %dma_wait3A_1533 = tpu.memref_slice %arg9[%dma_wait3A_1532] : memref<26048xf32, #tpu.memory_space<vmem>> -> memref<26039xf32, #tpu.memory_space<vmem>>
    tpu.wait_dma2 semaphore(%arg17 : memref<!tpu.dma_semaphore, #tpu.memory_space<semaphore_mem>>) src(%dma_wait3A_1533 : memref<26039xf32, #tpu.memory_space<vmem>>) dst(%dma_wait3A_1531 : memref<26039xf32, #tpu.memory_space<hbm>>)
    %get3A_1534 = arith.constant 576 : index
    %get3A_1535 = tpu.vector_load %arg11[%get3A_1534] {strides = array<i32>} : memref<1024xi32, #tpu.memory_space<vmem>>, vector<16xi32>,
    %mul3A_1536 = arith.constant 1001 : i32
    %mul3A_1537 = vector.broadcast %mul3A_1536 : i32 to vector<16xi32>
    %mul3A_1538 = arith.muli %mul3A_1537, %iota3A : vector<16xi32>
    %add3A_1539 = arith.addi %get3A_1535, %mul3A_1538 : vector<16xi32>
    %get3A_1540 = arith.constant 592 : index
    %get3A_1541 = tpu.vector_load %arg11[%get3A_1540] {strides = array<i32>} : memref<1024xi32, #tpu.memory_space<vmem>>, vector<16xi32>,
    %add3A_1542 = arith.constant 16 : i32
    %add3A_1543 = vector.broadcast %add3A_1542 : i32 to vector<16xi32>
    %add3A_1544 = arith.addi %iota3A, %add3A_1543 : vector<16xi32>
    %mul3A_1545 = arith.constant 1001 : i32
    %mul3A_1546 = vector.broadcast %mul3A_1545 : i32 to vector<16xi32>
    %mul3A_1547 = arith.muli %mul3A_1546, %add3A_1544 : vector<16xi32>
    %add3A_1548 = arith.addi %get3A_1541, %mul3A_1547 : vector<16xi32>
    tpu.vector_store_idx %arg9[%add3A_1539], %broadcast_in_dim3A_7 : memref<26048xf32, #tpu.memory_space<vmem>>[vector<16xi32>], vector<16xf32>,
    %lt3A_1549 = arith.constant 10 : i32
    %lt3A_1550 = vector.broadcast %lt3A_1549 : i32 to vector<16xi32>
    %lt3A_1551 = arith.cmpi slt, %iota3A, %lt3A_1550 : vector<16xi32>
    tpu.vector_store_idx %arg9[%add3A_1548], %broadcast_in_dim3A_7 masked %lt3A_1551 : memref<26048xf32, #tpu.memory_space<vmem>>[vector<16xi32>], vector<16xf32>, vector<16xi1>
    %add3A_1552 = arith.constant 26026 : i32
    %add3A_1553 = vector.broadcast %add3A_1552 : i32 to vector<16xi32>
    %add3A_1554 = arith.addi %add3A_1553, %iota3A : vector<16xi32>
    %lt3A_1555 = arith.constant 13 : i32
    %lt3A_1556 = vector.broadcast %lt3A_1555 : i32 to vector<16xi32>
    %lt3A_1557 = arith.cmpi slt, %iota3A, %lt3A_1556 : vector<16xi32>
    tpu.vector_store_idx %arg9[%add3A_1554], %broadcast_in_dim3A_7 masked %lt3A_1557 : memref<26048xf32, #tpu.memory_space<vmem>>[vector<16xi32>], vector<16xf32>, vector<16xi1>
    %get3A_1558 = arith.constant 704 : index
    %get3A_1559 = tpu.vector_load %arg11[%get3A_1558] {strides = array<i32>} : memref<1024xi32, #tpu.memory_space<vmem>>, vector<16xi32>,
    %mul3A_1560 = arith.constant 1001 : i32
    %mul3A_1561 = vector.broadcast %mul3A_1560 : i32 to vector<16xi32>
    %mul3A_1562 = arith.muli %mul3A_1561, %iota3A : vector<16xi32>
    %add3A_1563 = arith.addi %get3A_1559, %mul3A_1562 : vector<16xi32>
    %get3A_1564 = arith.constant 720 : index
    %get3A_1565 = tpu.vector_load %arg11[%get3A_1564] {strides = array<i32>} : memref<1024xi32, #tpu.memory_space<vmem>>, vector<16xi32>,
    %add3A_1566 = arith.constant 16 : i32
    %add3A_1567 = vector.broadcast %add3A_1566 : i32 to vector<16xi32>
    %add3A_1568 = arith.addi %iota3A, %add3A_1567 : vector<16xi32>
    %mul3A_1569 = arith.constant 1001 : i32
    %mul3A_1570 = vector.broadcast %mul3A_1569 : i32 to vector<16xi32>
    %mul3A_1571 = arith.muli %mul3A_1570, %add3A_1568 : vector<16xi32>
    %add3A_1572 = arith.addi %get3A_1565, %mul3A_1571 : vector<16xi32>
    tpu.vector_store_idx %arg9[%add3A_1563], %broadcast_in_dim3A_9 : memref<26048xf32, #tpu.memory_space<vmem>>[vector<16xi32>], vector<16xf32>,
    %lt3A_1573 = arith.constant 10 : i32
    %lt3A_1574 = vector.broadcast %lt3A_1573 : i32 to vector<16xi32>
    %lt3A_1575 = arith.cmpi slt, %iota3A, %lt3A_1574 : vector<16xi32>
    tpu.vector_store_idx %arg9[%add3A_1572], %broadcast_in_dim3A_9 masked %lt3A_1575 : memref<26048xf32, #tpu.memory_space<vmem>>[vector<16xi32>], vector<16xf32>, vector<16xi1>
    %get3A_1576 = arith.constant 352 : index
    %get3A_1577 = tpu.vector_load %arg12[%get3A_1576] {strides = array<i32>} : memref<512xf32, #tpu.memory_space<vmem>>, vector<16xf32>,
    %mul3A_1578 = arith.mulf %get3A_1577, %get3A_10 : vector<16xf32>
    %sub3A_1579 = arith.subf %mul3A_1578, %get3A_12 : vector<16xf32>
    %add3A_1580 = arith.constant 26026 : i32
    %add3A_1581 = vector.broadcast %add3A_1580 : i32 to vector<16xi32>
    %add3A_1582 = arith.addi %add3A_1581, %iota3A : vector<16xi32>
    %lt3A_1583 = arith.constant 13 : i32
    %lt3A_1584 = vector.broadcast %lt3A_1583 : i32 to vector<16xi32>
    %lt3A_1585 = arith.cmpi slt, %iota3A, %lt3A_1584 : vector<16xi32>
    tpu.vector_store_idx %arg9[%add3A_1582], %sub3A_1579 masked %lt3A_1585 : memref<26048xf32, #tpu.memory_space<vmem>>[vector<16xi32>], vector<16xf32>, vector<16xi1>
    %add3A_1586 = arith.constant 22 : i32
    %add3A_1587 = arith.addi %mul3A_2, %add3A_1586 : i32
    %dma_start3A_1588 = arith.constant 0 : i32
    %dma_start3A_1589 = tpu.memref_slice %arg9[%dma_start3A_1588] : memref<26048xf32, #tpu.memory_space<vmem>> -> memref<26039xf32, #tpu.memory_space<vmem>>
    %dma_start3A_1590 = arith.constant 0 : i32
    %dma_start3A_1591 = tpu.memref_slice %arg6[%add3A_1587, %dma_start3A_1590] : memref<1024x26039xf32, #tpu.memory_space<hbm>> -> memref<1x26039xf32, #tpu.memory_space<hbm>>
    %dma_start3A_1592 = tpu.memref_squeeze %dma_start3A_1591 : memref<1x26039xf32, #tpu.memory_space<hbm>> -> memref<26039xf32, #tpu.memory_space<hbm>>
    %dma_start3A_1593 = arith.constant 0 : i32
    %dma_start3A_1594 = tpu.memref_slice %arg6[%add3A_1587, %dma_start3A_1593] : memref<1024x26039xf32, #tpu.memory_space<hbm>> -> memref<1x26039xf32, #tpu.memory_space<hbm>>
    %dma_start3A_1595 = tpu.memref_squeeze %dma_start3A_1594 : memref<1x26039xf32, #tpu.memory_space<hbm>> -> memref<26039xf32, #tpu.memory_space<hbm>>
    %dma_start3A_1596 = arith.constant 0 : i32
    %dma_start3A_1597 = tpu.memref_slice %arg9[%dma_start3A_1596] : memref<26048xf32, #tpu.memory_space<vmem>> -> memref<26039xf32, #tpu.memory_space<vmem>>
    tpu.enqueue_dma source(%dma_start3A_1597 : memref<26039xf32, #tpu.memory_space<vmem>>) target(%dma_start3A_1595 : memref<26039xf32, #tpu.memory_space<hbm>>) target_semaphore(%arg17 : memref<!tpu.dma_semaphore, #tpu.memory_space<semaphore_mem>>)
    %dma_wait3A_1598 = arith.constant 0 : i32
    %dma_wait3A_1599 = tpu.memref_slice %arg10[%dma_wait3A_1598] : memref<26048xf32, #tpu.memory_space<vmem>> -> memref<26039xf32, #tpu.memory_space<vmem>>
    %dma_wait3A_1600 = arith.constant 0 : i32
    %dma_wait3A_1601 = tpu.memref_slice %arg6[%add3A_1365, %dma_wait3A_1600] : memref<1024x26039xf32, #tpu.memory_space<hbm>> -> memref<1x26039xf32, #tpu.memory_space<hbm>>
    %dma_wait3A_1602 = tpu.memref_squeeze %dma_wait3A_1601 : memref<1x26039xf32, #tpu.memory_space<hbm>> -> memref<26039xf32, #tpu.memory_space<hbm>>
    %dma_wait3A_1603 = arith.constant 0 : i32
    %dma_wait3A_1604 = tpu.memref_slice %arg6[%add3A_1365, %dma_wait3A_1603] : memref<1024x26039xf32, #tpu.memory_space<hbm>> -> memref<1x26039xf32, #tpu.memory_space<hbm>>
    %dma_wait3A_1605 = tpu.memref_squeeze %dma_wait3A_1604 : memref<1x26039xf32, #tpu.memory_space<hbm>> -> memref<26039xf32, #tpu.memory_space<hbm>>
    %dma_wait3A_1606 = arith.constant 0 : i32
    %dma_wait3A_1607 = tpu.memref_slice %arg10[%dma_wait3A_1606] : memref<26048xf32, #tpu.memory_space<vmem>> -> memref<26039xf32, #tpu.memory_space<vmem>>
    tpu.wait_dma2 semaphore(%arg18 : memref<!tpu.dma_semaphore, #tpu.memory_space<semaphore_mem>>) src(%dma_wait3A_1607 : memref<26039xf32, #tpu.memory_space<vmem>>) dst(%dma_wait3A_1605 : memref<26039xf32, #tpu.memory_space<hbm>>)
    %get3A_1608 = arith.constant 608 : index
    %get3A_1609 = tpu.vector_load %arg11[%get3A_1608] {strides = array<i32>} : memref<1024xi32, #tpu.memory_space<vmem>>, vector<16xi32>,
    %mul3A_1610 = arith.constant 1001 : i32
    %mul3A_1611 = vector.broadcast %mul3A_1610 : i32 to vector<16xi32>
    %mul3A_1612 = arith.muli %mul3A_1611, %iota3A : vector<16xi32>
    %add3A_1613 = arith.addi %get3A_1609, %mul3A_1612 : vector<16xi32>
    %get3A_1614 = arith.constant 624 : index
    %get3A_1615 = tpu.vector_load %arg11[%get3A_1614] {strides = array<i32>} : memref<1024xi32, #tpu.memory_space<vmem>>, vector<16xi32>,
    %add3A_1616 = arith.constant 16 : i32
    %add3A_1617 = vector.broadcast %add3A_1616 : i32 to vector<16xi32>
    %add3A_1618 = arith.addi %iota3A, %add3A_1617 : vector<16xi32>
    %mul3A_1619 = arith.constant 1001 : i32
    %mul3A_1620 = vector.broadcast %mul3A_1619 : i32 to vector<16xi32>
    %mul3A_1621 = arith.muli %mul3A_1620, %add3A_1618 : vector<16xi32>
    %add3A_1622 = arith.addi %get3A_1615, %mul3A_1621 : vector<16xi32>
    tpu.vector_store_idx %arg10[%add3A_1613], %broadcast_in_dim3A_7 : memref<26048xf32, #tpu.memory_space<vmem>>[vector<16xi32>], vector<16xf32>,
    %lt3A_1623 = arith.constant 10 : i32
    %lt3A_1624 = vector.broadcast %lt3A_1623 : i32 to vector<16xi32>
    %lt3A_1625 = arith.cmpi slt, %iota3A, %lt3A_1624 : vector<16xi32>
    tpu.vector_store_idx %arg10[%add3A_1622], %broadcast_in_dim3A_7 masked %lt3A_1625 : memref<26048xf32, #tpu.memory_space<vmem>>[vector<16xi32>], vector<16xf32>, vector<16xi1>
    %add3A_1626 = arith.constant 26026 : i32
    %add3A_1627 = vector.broadcast %add3A_1626 : i32 to vector<16xi32>
    %add3A_1628 = arith.addi %add3A_1627, %iota3A : vector<16xi32>
    %lt3A_1629 = arith.constant 13 : i32
    %lt3A_1630 = vector.broadcast %lt3A_1629 : i32 to vector<16xi32>
    %lt3A_1631 = arith.cmpi slt, %iota3A, %lt3A_1630 : vector<16xi32>
    tpu.vector_store_idx %arg10[%add3A_1628], %broadcast_in_dim3A_7 masked %lt3A_1631 : memref<26048xf32, #tpu.memory_space<vmem>>[vector<16xi32>], vector<16xf32>, vector<16xi1>
    %get3A_1632 = arith.constant 736 : index
    %get3A_1633 = tpu.vector_load %arg11[%get3A_1632] {strides = array<i32>} : memref<1024xi32, #tpu.memory_space<vmem>>, vector<16xi32>,
    %mul3A_1634 = arith.constant 1001 : i32
    %mul3A_1635 = vector.broadcast %mul3A_1634 : i32 to vector<16xi32>
    %mul3A_1636 = arith.muli %mul3A_1635, %iota3A : vector<16xi32>
    %add3A_1637 = arith.addi %get3A_1633, %mul3A_1636 : vector<16xi32>
    %get3A_1638 = arith.constant 752 : index
    %get3A_1639 = tpu.vector_load %arg11[%get3A_1638] {strides = array<i32>} : memref<1024xi32, #tpu.memory_space<vmem>>, vector<16xi32>,
    %add3A_1640 = arith.constant 16 : i32
    %add3A_1641 = vector.broadcast %add3A_1640 : i32 to vector<16xi32>
    %add3A_1642 = arith.addi %iota3A, %add3A_1641 : vector<16xi32>
    %mul3A_1643 = arith.constant 1001 : i32
    %mul3A_1644 = vector.broadcast %mul3A_1643 : i32 to vector<16xi32>
    %mul3A_1645 = arith.muli %mul3A_1644, %add3A_1642 : vector<16xi32>
    %add3A_1646 = arith.addi %get3A_1639, %mul3A_1645 : vector<16xi32>
    tpu.vector_store_idx %arg10[%add3A_1637], %broadcast_in_dim3A_9 : memref<26048xf32, #tpu.memory_space<vmem>>[vector<16xi32>], vector<16xf32>,
    %lt3A_1647 = arith.constant 10 : i32
    %lt3A_1648 = vector.broadcast %lt3A_1647 : i32 to vector<16xi32>
    %lt3A_1649 = arith.cmpi slt, %iota3A, %lt3A_1648 : vector<16xi32>
    tpu.vector_store_idx %arg10[%add3A_1646], %broadcast_in_dim3A_9 masked %lt3A_1649 : memref<26048xf32, #tpu.memory_space<vmem>>[vector<16xi32>], vector<16xf32>, vector<16xi1>
    %get3A_1650 = arith.constant 368 : index
    %get3A_1651 = tpu.vector_load %arg12[%get3A_1650] {strides = array<i32>} : memref<512xf32, #tpu.memory_space<vmem>>, vector<16xf32>,
    %mul3A_1652 = arith.mulf %get3A_1651, %get3A_10 : vector<16xf32>
    %sub3A_1653 = arith.subf %mul3A_1652, %get3A_12 : vector<16xf32>
    %add3A_1654 = arith.constant 26026 : i32
    %add3A_1655 = vector.broadcast %add3A_1654 : i32 to vector<16xi32>
    %add3A_1656 = arith.addi %add3A_1655, %iota3A : vector<16xi32>
    %lt3A_1657 = arith.constant 13 : i32
    %lt3A_1658 = vector.broadcast %lt3A_1657 : i32 to vector<16xi32>
    %lt3A_1659 = arith.cmpi slt, %iota3A, %lt3A_1658 : vector<16xi32>
    tpu.vector_store_idx %arg10[%add3A_1656], %sub3A_1653 masked %lt3A_1659 : memref<26048xf32, #tpu.memory_space<vmem>>[vector<16xi32>], vector<16xf32>, vector<16xi1>
    %add3A_1660 = arith.constant 23 : i32
    %add3A_1661 = arith.addi %mul3A_2, %add3A_1660 : i32
    %dma_start3A_1662 = arith.constant 0 : i32
    %dma_start3A_1663 = tpu.memref_slice %arg10[%dma_start3A_1662] : memref<26048xf32, #tpu.memory_space<vmem>> -> memref<26039xf32, #tpu.memory_space<vmem>>
    %dma_start3A_1664 = arith.constant 0 : i32
    %dma_start3A_1665 = tpu.memref_slice %arg6[%add3A_1661, %dma_start3A_1664] : memref<1024x26039xf32, #tpu.memory_space<hbm>> -> memref<1x26039xf32, #tpu.memory_space<hbm>>
    %dma_start3A_1666 = tpu.memref_squeeze %dma_start3A_1665 : memref<1x26039xf32, #tpu.memory_space<hbm>> -> memref<26039xf32, #tpu.memory_space<hbm>>
    %dma_start3A_1667 = arith.constant 0 : i32
    %dma_start3A_1668 = tpu.memref_slice %arg6[%add3A_1661, %dma_start3A_1667] : memref<1024x26039xf32, #tpu.memory_space<hbm>> -> memref<1x26039xf32, #tpu.memory_space<hbm>>
    %dma_start3A_1669 = tpu.memref_squeeze %dma_start3A_1668 : memref<1x26039xf32, #tpu.memory_space<hbm>> -> memref<26039xf32, #tpu.memory_space<hbm>>
    %dma_start3A_1670 = arith.constant 0 : i32
    %dma_start3A_1671 = tpu.memref_slice %arg10[%dma_start3A_1670] : memref<26048xf32, #tpu.memory_space<vmem>> -> memref<26039xf32, #tpu.memory_space<vmem>>
    tpu.enqueue_dma source(%dma_start3A_1671 : memref<26039xf32, #tpu.memory_space<vmem>>) target(%dma_start3A_1669 : memref<26039xf32, #tpu.memory_space<hbm>>) target_semaphore(%arg18 : memref<!tpu.dma_semaphore, #tpu.memory_space<semaphore_mem>>)
    %dma_wait3A_1672 = arith.constant 0 : i32
    %dma_wait3A_1673 = tpu.memref_slice %arg7[%dma_wait3A_1672] : memref<26048xf32, #tpu.memory_space<vmem>> -> memref<26039xf32, #tpu.memory_space<vmem>>
    %dma_wait3A_1674 = arith.constant 0 : i32
    %dma_wait3A_1675 = tpu.memref_slice %arg6[%add3A_1439, %dma_wait3A_1674] : memref<1024x26039xf32, #tpu.memory_space<hbm>> -> memref<1x26039xf32, #tpu.memory_space<hbm>>
    %dma_wait3A_1676 = tpu.memref_squeeze %dma_wait3A_1675 : memref<1x26039xf32, #tpu.memory_space<hbm>> -> memref<26039xf32, #tpu.memory_space<hbm>>
    %dma_wait3A_1677 = arith.constant 0 : i32
    %dma_wait3A_1678 = tpu.memref_slice %arg6[%add3A_1439, %dma_wait3A_1677] : memref<1024x26039xf32, #tpu.memory_space<hbm>> -> memref<1x26039xf32, #tpu.memory_space<hbm>>
    %dma_wait3A_1679 = tpu.memref_squeeze %dma_wait3A_1678 : memref<1x26039xf32, #tpu.memory_space<hbm>> -> memref<26039xf32, #tpu.memory_space<hbm>>
    %dma_wait3A_1680 = arith.constant 0 : i32
    %dma_wait3A_1681 = tpu.memref_slice %arg7[%dma_wait3A_1680] : memref<26048xf32, #tpu.memory_space<vmem>> -> memref<26039xf32, #tpu.memory_space<vmem>>
    tpu.wait_dma2 semaphore(%arg15 : memref<!tpu.dma_semaphore, #tpu.memory_space<semaphore_mem>>) src(%dma_wait3A_1681 : memref<26039xf32, #tpu.memory_space<vmem>>) dst(%dma_wait3A_1679 : memref<26039xf32, #tpu.memory_space<hbm>>)
    %get3A_1682 = arith.constant 640 : index
    %get3A_1683 = tpu.vector_load %arg11[%get3A_1682] {strides = array<i32>} : memref<1024xi32, #tpu.memory_space<vmem>>, vector<16xi32>,
    %mul3A_1684 = arith.constant 1001 : i32
    %mul3A_1685 = vector.broadcast %mul3A_1684 : i32 to vector<16xi32>
    %mul3A_1686 = arith.muli %mul3A_1685, %iota3A : vector<16xi32>
    %add3A_1687 = arith.addi %get3A_1683, %mul3A_1686 : vector<16xi32>
    %get3A_1688 = arith.constant 656 : index
    %get3A_1689 = tpu.vector_load %arg11[%get3A_1688] {strides = array<i32>} : memref<1024xi32, #tpu.memory_space<vmem>>, vector<16xi32>,
    %add3A_1690 = arith.constant 16 : i32
    %add3A_1691 = vector.broadcast %add3A_1690 : i32 to vector<16xi32>
    %add3A_1692 = arith.addi %iota3A, %add3A_1691 : vector<16xi32>
    %mul3A_1693 = arith.constant 1001 : i32
    %mul3A_1694 = vector.broadcast %mul3A_1693 : i32 to vector<16xi32>
    %mul3A_1695 = arith.muli %mul3A_1694, %add3A_1692 : vector<16xi32>
    %add3A_1696 = arith.addi %get3A_1689, %mul3A_1695 : vector<16xi32>
    tpu.vector_store_idx %arg7[%add3A_1687], %broadcast_in_dim3A_7 : memref<26048xf32, #tpu.memory_space<vmem>>[vector<16xi32>], vector<16xf32>,
    %lt3A_1697 = arith.constant 10 : i32
    %lt3A_1698 = vector.broadcast %lt3A_1697 : i32 to vector<16xi32>
    %lt3A_1699 = arith.cmpi slt, %iota3A, %lt3A_1698 : vector<16xi32>
    tpu.vector_store_idx %arg7[%add3A_1696], %broadcast_in_dim3A_7 masked %lt3A_1699 : memref<26048xf32, #tpu.memory_space<vmem>>[vector<16xi32>], vector<16xf32>, vector<16xi1>
    %add3A_1700 = arith.constant 26026 : i32
    %add3A_1701 = vector.broadcast %add3A_1700 : i32 to vector<16xi32>
    %add3A_1702 = arith.addi %add3A_1701, %iota3A : vector<16xi32>
    %lt3A_1703 = arith.constant 13 : i32
    %lt3A_1704 = vector.broadcast %lt3A_1703 : i32 to vector<16xi32>
    %lt3A_1705 = arith.cmpi slt, %iota3A, %lt3A_1704 : vector<16xi32>
    tpu.vector_store_idx %arg7[%add3A_1702], %broadcast_in_dim3A_7 masked %lt3A_1705 : memref<26048xf32, #tpu.memory_space<vmem>>[vector<16xi32>], vector<16xf32>, vector<16xi1>
    %get3A_1706 = arith.constant 768 : index
    %get3A_1707 = tpu.vector_load %arg11[%get3A_1706] {strides = array<i32>} : memref<1024xi32, #tpu.memory_space<vmem>>, vector<16xi32>,
    %mul3A_1708 = arith.constant 1001 : i32
    %mul3A_1709 = vector.broadcast %mul3A_1708 : i32 to vector<16xi32>
    %mul3A_1710 = arith.muli %mul3A_1709, %iota3A : vector<16xi32>
    %add3A_1711 = arith.addi %get3A_1707, %mul3A_1710 : vector<16xi32>
    %get3A_1712 = arith.constant 784 : index
    %get3A_1713 = tpu.vector_load %arg11[%get3A_1712] {strides = array<i32>} : memref<1024xi32, #tpu.memory_space<vmem>>, vector<16xi32>,
    %add3A_1714 = arith.constant 16 : i32
    %add3A_1715 = vector.broadcast %add3A_1714 : i32 to vector<16xi32>
    %add3A_1716 = arith.addi %iota3A, %add3A_1715 : vector<16xi32>
    %mul3A_1717 = arith.constant 1001 : i32
    %mul3A_1718 = vector.broadcast %mul3A_1717 : i32 to vector<16xi32>
    %mul3A_1719 = arith.muli %mul3A_1718, %add3A_1716 : vector<16xi32>
    %add3A_1720 = arith.addi %get3A_1713, %mul3A_1719 : vector<16xi32>
    tpu.vector_store_idx %arg7[%add3A_1711], %broadcast_in_dim3A_9 : memref<26048xf32, #tpu.memory_space<vmem>>[vector<16xi32>], vector<16xf32>,
    %lt3A_1721 = arith.constant 10 : i32
    %lt3A_1722 = vector.broadcast %lt3A_1721 : i32 to vector<16xi32>
    %lt3A_1723 = arith.cmpi slt, %iota3A, %lt3A_1722 : vector<16xi32>
    tpu.vector_store_idx %arg7[%add3A_1720], %broadcast_in_dim3A_9 masked %lt3A_1723 : memref<26048xf32, #tpu.memory_space<vmem>>[vector<16xi32>], vector<16xf32>, vector<16xi1>
    %get3A_1724 = arith.constant 384 : index
    %get3A_1725 = tpu.vector_load %arg12[%get3A_1724] {strides = array<i32>} : memref<512xf32, #tpu.memory_space<vmem>>, vector<16xf32>,
    %mul3A_1726 = arith.mulf %get3A_1725, %get3A_10 : vector<16xf32>
    %sub3A_1727 = arith.subf %mul3A_1726, %get3A_12 : vector<16xf32>
    %add3A_1728 = arith.constant 26026 : i32
    %add3A_1729 = vector.broadcast %add3A_1728 : i32 to vector<16xi32>
    %add3A_1730 = arith.addi %add3A_1729, %iota3A : vector<16xi32>
    %lt3A_1731 = arith.constant 13 : i32
    %lt3A_1732 = vector.broadcast %lt3A_1731 : i32 to vector<16xi32>
    %lt3A_1733 = arith.cmpi slt, %iota3A, %lt3A_1732 : vector<16xi32>
    tpu.vector_store_idx %arg7[%add3A_1730], %sub3A_1727 masked %lt3A_1733 : memref<26048xf32, #tpu.memory_space<vmem>>[vector<16xi32>], vector<16xf32>, vector<16xi1>
    %add3A_1734 = arith.constant 24 : i32
    %add3A_1735 = arith.addi %mul3A_2, %add3A_1734 : i32
    %dma_start3A_1736 = arith.constant 0 : i32
    %dma_start3A_1737 = tpu.memref_slice %arg7[%dma_start3A_1736] : memref<26048xf32, #tpu.memory_space<vmem>> -> memref<26039xf32, #tpu.memory_space<vmem>>
    %dma_start3A_1738 = arith.constant 0 : i32
    %dma_start3A_1739 = tpu.memref_slice %arg6[%add3A_1735, %dma_start3A_1738] : memref<1024x26039xf32, #tpu.memory_space<hbm>> -> memref<1x26039xf32, #tpu.memory_space<hbm>>
    %dma_start3A_1740 = tpu.memref_squeeze %dma_start3A_1739 : memref<1x26039xf32, #tpu.memory_space<hbm>> -> memref<26039xf32, #tpu.memory_space<hbm>>
    %dma_start3A_1741 = arith.constant 0 : i32
    %dma_start3A_1742 = tpu.memref_slice %arg6[%add3A_1735, %dma_start3A_1741] : memref<1024x26039xf32, #tpu.memory_space<hbm>> -> memref<1x26039xf32, #tpu.memory_space<hbm>>
    %dma_start3A_1743 = tpu.memref_squeeze %dma_start3A_1742 : memref<1x26039xf32, #tpu.memory_space<hbm>> -> memref<26039xf32, #tpu.memory_space<hbm>>
    %dma_start3A_1744 = arith.constant 0 : i32
    %dma_start3A_1745 = tpu.memref_slice %arg7[%dma_start3A_1744] : memref<26048xf32, #tpu.memory_space<vmem>> -> memref<26039xf32, #tpu.memory_space<vmem>>
    tpu.enqueue_dma source(%dma_start3A_1745 : memref<26039xf32, #tpu.memory_space<vmem>>) target(%dma_start3A_1743 : memref<26039xf32, #tpu.memory_space<hbm>>) target_semaphore(%arg15 : memref<!tpu.dma_semaphore, #tpu.memory_space<semaphore_mem>>)
    %dma_wait3A_1746 = arith.constant 0 : i32
    %dma_wait3A_1747 = tpu.memref_slice %arg8[%dma_wait3A_1746] : memref<26048xf32, #tpu.memory_space<vmem>> -> memref<26039xf32, #tpu.memory_space<vmem>>
    %dma_wait3A_1748 = arith.constant 0 : i32
    %dma_wait3A_1749 = tpu.memref_slice %arg6[%add3A_1513, %dma_wait3A_1748] : memref<1024x26039xf32, #tpu.memory_space<hbm>> -> memref<1x26039xf32, #tpu.memory_space<hbm>>
    %dma_wait3A_1750 = tpu.memref_squeeze %dma_wait3A_1749 : memref<1x26039xf32, #tpu.memory_space<hbm>> -> memref<26039xf32, #tpu.memory_space<hbm>>
    %dma_wait3A_1751 = arith.constant 0 : i32
    %dma_wait3A_1752 = tpu.memref_slice %arg6[%add3A_1513, %dma_wait3A_1751] : memref<1024x26039xf32, #tpu.memory_space<hbm>> -> memref<1x26039xf32, #tpu.memory_space<hbm>>
    %dma_wait3A_1753 = tpu.memref_squeeze %dma_wait3A_1752 : memref<1x26039xf32, #tpu.memory_space<hbm>> -> memref<26039xf32, #tpu.memory_space<hbm>>
    %dma_wait3A_1754 = arith.constant 0 : i32
    %dma_wait3A_1755 = tpu.memref_slice %arg8[%dma_wait3A_1754] : memref<26048xf32, #tpu.memory_space<vmem>> -> memref<26039xf32, #tpu.memory_space<vmem>>
    tpu.wait_dma2 semaphore(%arg16 : memref<!tpu.dma_semaphore, #tpu.memory_space<semaphore_mem>>) src(%dma_wait3A_1755 : memref<26039xf32, #tpu.memory_space<vmem>>) dst(%dma_wait3A_1753 : memref<26039xf32, #tpu.memory_space<hbm>>)
    %get3A_1756 = arith.constant 672 : index
    %get3A_1757 = tpu.vector_load %arg11[%get3A_1756] {strides = array<i32>} : memref<1024xi32, #tpu.memory_space<vmem>>, vector<16xi32>,
    %mul3A_1758 = arith.constant 1001 : i32
    %mul3A_1759 = vector.broadcast %mul3A_1758 : i32 to vector<16xi32>
    %mul3A_1760 = arith.muli %mul3A_1759, %iota3A : vector<16xi32>
    %add3A_1761 = arith.addi %get3A_1757, %mul3A_1760 : vector<16xi32>
    %get3A_1762 = arith.constant 688 : index
    %get3A_1763 = tpu.vector_load %arg11[%get3A_1762] {strides = array<i32>} : memref<1024xi32, #tpu.memory_space<vmem>>, vector<16xi32>,
    %add3A_1764 = arith.constant 16 : i32
    %add3A_1765 = vector.broadcast %add3A_1764 : i32 to vector<16xi32>
    %add3A_1766 = arith.addi %iota3A, %add3A_1765 : vector<16xi32>
    %mul3A_1767 = arith.constant 1001 : i32
    %mul3A_1768 = vector.broadcast %mul3A_1767 : i32 to vector<16xi32>
    %mul3A_1769 = arith.muli %mul3A_1768, %add3A_1766 : vector<16xi32>
    %add3A_1770 = arith.addi %get3A_1763, %mul3A_1769 : vector<16xi32>
    tpu.vector_store_idx %arg8[%add3A_1761], %broadcast_in_dim3A_7 : memref<26048xf32, #tpu.memory_space<vmem>>[vector<16xi32>], vector<16xf32>,
    %lt3A_1771 = arith.constant 10 : i32
    %lt3A_1772 = vector.broadcast %lt3A_1771 : i32 to vector<16xi32>
    %lt3A_1773 = arith.cmpi slt, %iota3A, %lt3A_1772 : vector<16xi32>
    tpu.vector_store_idx %arg8[%add3A_1770], %broadcast_in_dim3A_7 masked %lt3A_1773 : memref<26048xf32, #tpu.memory_space<vmem>>[vector<16xi32>], vector<16xf32>, vector<16xi1>
    %add3A_1774 = arith.constant 26026 : i32
    %add3A_1775 = vector.broadcast %add3A_1774 : i32 to vector<16xi32>
    %add3A_1776 = arith.addi %add3A_1775, %iota3A : vector<16xi32>
    %lt3A_1777 = arith.constant 13 : i32
    %lt3A_1778 = vector.broadcast %lt3A_1777 : i32 to vector<16xi32>
    %lt3A_1779 = arith.cmpi slt, %iota3A, %lt3A_1778 : vector<16xi32>
    tpu.vector_store_idx %arg8[%add3A_1776], %broadcast_in_dim3A_7 masked %lt3A_1779 : memref<26048xf32, #tpu.memory_space<vmem>>[vector<16xi32>], vector<16xf32>, vector<16xi1>
    %get3A_1780 = arith.constant 800 : index
    %get3A_1781 = tpu.vector_load %arg11[%get3A_1780] {strides = array<i32>} : memref<1024xi32, #tpu.memory_space<vmem>>, vector<16xi32>,
    %mul3A_1782 = arith.constant 1001 : i32
    %mul3A_1783 = vector.broadcast %mul3A_1782 : i32 to vector<16xi32>
    %mul3A_1784 = arith.muli %mul3A_1783, %iota3A : vector<16xi32>
    %add3A_1785 = arith.addi %get3A_1781, %mul3A_1784 : vector<16xi32>
    %get3A_1786 = arith.constant 816 : index
    %get3A_1787 = tpu.vector_load %arg11[%get3A_1786] {strides = array<i32>} : memref<1024xi32, #tpu.memory_space<vmem>>, vector<16xi32>,
    %add3A_1788 = arith.constant 16 : i32
    %add3A_1789 = vector.broadcast %add3A_1788 : i32 to vector<16xi32>
    %add3A_1790 = arith.addi %iota3A, %add3A_1789 : vector<16xi32>
    %mul3A_1791 = arith.constant 1001 : i32
    %mul3A_1792 = vector.broadcast %mul3A_1791 : i32 to vector<16xi32>
    %mul3A_1793 = arith.muli %mul3A_1792, %add3A_1790 : vector<16xi32>
    %add3A_1794 = arith.addi %get3A_1787, %mul3A_1793 : vector<16xi32>
    tpu.vector_store_idx %arg8[%add3A_1785], %broadcast_in_dim3A_9 : memref<26048xf32, #tpu.memory_space<vmem>>[vector<16xi32>], vector<16xf32>,
    %lt3A_1795 = arith.constant 10 : i32
    %lt3A_1796 = vector.broadcast %lt3A_1795 : i32 to vector<16xi32>
    %lt3A_1797 = arith.cmpi slt, %iota3A, %lt3A_1796 : vector<16xi32>
    tpu.vector_store_idx %arg8[%add3A_1794], %broadcast_in_dim3A_9 masked %lt3A_1797 : memref<26048xf32, #tpu.memory_space<vmem>>[vector<16xi32>], vector<16xf32>, vector<16xi1>
    %get3A_1798 = arith.constant 400 : index
    %get3A_1799 = tpu.vector_load %arg12[%get3A_1798] {strides = array<i32>} : memref<512xf32, #tpu.memory_space<vmem>>, vector<16xf32>,
    %mul3A_1800 = arith.mulf %get3A_1799, %get3A_10 : vector<16xf32>
    %sub3A_1801 = arith.subf %mul3A_1800, %get3A_12 : vector<16xf32>
    %add3A_1802 = arith.constant 26026 : i32
    %add3A_1803 = vector.broadcast %add3A_1802 : i32 to vector<16xi32>
    %add3A_1804 = arith.addi %add3A_1803, %iota3A : vector<16xi32>
    %lt3A_1805 = arith.constant 13 : i32
    %lt3A_1806 = vector.broadcast %lt3A_1805 : i32 to vector<16xi32>
    %lt3A_1807 = arith.cmpi slt, %iota3A, %lt3A_1806 : vector<16xi32>
    tpu.vector_store_idx %arg8[%add3A_1804], %sub3A_1801 masked %lt3A_1807 : memref<26048xf32, #tpu.memory_space<vmem>>[vector<16xi32>], vector<16xf32>, vector<16xi1>
    %add3A_1808 = arith.constant 25 : i32
    %add3A_1809 = arith.addi %mul3A_2, %add3A_1808 : i32
    %dma_start3A_1810 = arith.constant 0 : i32
    %dma_start3A_1811 = tpu.memref_slice %arg8[%dma_start3A_1810] : memref<26048xf32, #tpu.memory_space<vmem>> -> memref<26039xf32, #tpu.memory_space<vmem>>
    %dma_start3A_1812 = arith.constant 0 : i32
    %dma_start3A_1813 = tpu.memref_slice %arg6[%add3A_1809, %dma_start3A_1812] : memref<1024x26039xf32, #tpu.memory_space<hbm>> -> memref<1x26039xf32, #tpu.memory_space<hbm>>
    %dma_start3A_1814 = tpu.memref_squeeze %dma_start3A_1813 : memref<1x26039xf32, #tpu.memory_space<hbm>> -> memref<26039xf32, #tpu.memory_space<hbm>>
    %dma_start3A_1815 = arith.constant 0 : i32
    %dma_start3A_1816 = tpu.memref_slice %arg6[%add3A_1809, %dma_start3A_1815] : memref<1024x26039xf32, #tpu.memory_space<hbm>> -> memref<1x26039xf32, #tpu.memory_space<hbm>>
    %dma_start3A_1817 = tpu.memref_squeeze %dma_start3A_1816 : memref<1x26039xf32, #tpu.memory_space<hbm>> -> memref<26039xf32, #tpu.memory_space<hbm>>
    %dma_start3A_1818 = arith.constant 0 : i32
    %dma_start3A_1819 = tpu.memref_slice %arg8[%dma_start3A_1818] : memref<26048xf32, #tpu.memory_space<vmem>> -> memref<26039xf32, #tpu.memory_space<vmem>>
    tpu.enqueue_dma source(%dma_start3A_1819 : memref<26039xf32, #tpu.memory_space<vmem>>) target(%dma_start3A_1817 : memref<26039xf32, #tpu.memory_space<hbm>>) target_semaphore(%arg16 : memref<!tpu.dma_semaphore, #tpu.memory_space<semaphore_mem>>)
    %dma_wait3A_1820 = arith.constant 0 : i32
    %dma_wait3A_1821 = tpu.memref_slice %arg9[%dma_wait3A_1820] : memref<26048xf32, #tpu.memory_space<vmem>> -> memref<26039xf32, #tpu.memory_space<vmem>>
    %dma_wait3A_1822 = arith.constant 0 : i32
    %dma_wait3A_1823 = tpu.memref_slice %arg6[%add3A_1587, %dma_wait3A_1822] : memref<1024x26039xf32, #tpu.memory_space<hbm>> -> memref<1x26039xf32, #tpu.memory_space<hbm>>
    %dma_wait3A_1824 = tpu.memref_squeeze %dma_wait3A_1823 : memref<1x26039xf32, #tpu.memory_space<hbm>> -> memref<26039xf32, #tpu.memory_space<hbm>>
    %dma_wait3A_1825 = arith.constant 0 : i32
    %dma_wait3A_1826 = tpu.memref_slice %arg6[%add3A_1587, %dma_wait3A_1825] : memref<1024x26039xf32, #tpu.memory_space<hbm>> -> memref<1x26039xf32, #tpu.memory_space<hbm>>
    %dma_wait3A_1827 = tpu.memref_squeeze %dma_wait3A_1826 : memref<1x26039xf32, #tpu.memory_space<hbm>> -> memref<26039xf32, #tpu.memory_space<hbm>>
    %dma_wait3A_1828 = arith.constant 0 : i32
    %dma_wait3A_1829 = tpu.memref_slice %arg9[%dma_wait3A_1828] : memref<26048xf32, #tpu.memory_space<vmem>> -> memref<26039xf32, #tpu.memory_space<vmem>>
    tpu.wait_dma2 semaphore(%arg17 : memref<!tpu.dma_semaphore, #tpu.memory_space<semaphore_mem>>) src(%dma_wait3A_1829 : memref<26039xf32, #tpu.memory_space<vmem>>) dst(%dma_wait3A_1827 : memref<26039xf32, #tpu.memory_space<hbm>>)
    %get3A_1830 = arith.constant 704 : index
    %get3A_1831 = tpu.vector_load %arg11[%get3A_1830] {strides = array<i32>} : memref<1024xi32, #tpu.memory_space<vmem>>, vector<16xi32>,
    %mul3A_1832 = arith.constant 1001 : i32
    %mul3A_1833 = vector.broadcast %mul3A_1832 : i32 to vector<16xi32>
    %mul3A_1834 = arith.muli %mul3A_1833, %iota3A : vector<16xi32>
    %add3A_1835 = arith.addi %get3A_1831, %mul3A_1834 : vector<16xi32>
    %get3A_1836 = arith.constant 720 : index
    %get3A_1837 = tpu.vector_load %arg11[%get3A_1836] {strides = array<i32>} : memref<1024xi32, #tpu.memory_space<vmem>>, vector<16xi32>,
    %add3A_1838 = arith.constant 16 : i32
    %add3A_1839 = vector.broadcast %add3A_1838 : i32 to vector<16xi32>
    %add3A_1840 = arith.addi %iota3A, %add3A_1839 : vector<16xi32>
    %mul3A_1841 = arith.constant 1001 : i32
    %mul3A_1842 = vector.broadcast %mul3A_1841 : i32 to vector<16xi32>
    %mul3A_1843 = arith.muli %mul3A_1842, %add3A_1840 : vector<16xi32>
    %add3A_1844 = arith.addi %get3A_1837, %mul3A_1843 : vector<16xi32>
    tpu.vector_store_idx %arg9[%add3A_1835], %broadcast_in_dim3A_7 : memref<26048xf32, #tpu.memory_space<vmem>>[vector<16xi32>], vector<16xf32>,
    %lt3A_1845 = arith.constant 10 : i32
    %lt3A_1846 = vector.broadcast %lt3A_1845 : i32 to vector<16xi32>
    %lt3A_1847 = arith.cmpi slt, %iota3A, %lt3A_1846 : vector<16xi32>
    tpu.vector_store_idx %arg9[%add3A_1844], %broadcast_in_dim3A_7 masked %lt3A_1847 : memref<26048xf32, #tpu.memory_space<vmem>>[vector<16xi32>], vector<16xf32>, vector<16xi1>
    %add3A_1848 = arith.constant 26026 : i32
    %add3A_1849 = vector.broadcast %add3A_1848 : i32 to vector<16xi32>
    %add3A_1850 = arith.addi %add3A_1849, %iota3A : vector<16xi32>
    %lt3A_1851 = arith.constant 13 : i32
    %lt3A_1852 = vector.broadcast %lt3A_1851 : i32 to vector<16xi32>
    %lt3A_1853 = arith.cmpi slt, %iota3A, %lt3A_1852 : vector<16xi32>
    tpu.vector_store_idx %arg9[%add3A_1850], %broadcast_in_dim3A_7 masked %lt3A_1853 : memref<26048xf32, #tpu.memory_space<vmem>>[vector<16xi32>], vector<16xf32>, vector<16xi1>
    %get3A_1854 = arith.constant 832 : index
    %get3A_1855 = tpu.vector_load %arg11[%get3A_1854] {strides = array<i32>} : memref<1024xi32, #tpu.memory_space<vmem>>, vector<16xi32>,
    %mul3A_1856 = arith.constant 1001 : i32
    %mul3A_1857 = vector.broadcast %mul3A_1856 : i32 to vector<16xi32>
    %mul3A_1858 = arith.muli %mul3A_1857, %iota3A : vector<16xi32>
    %add3A_1859 = arith.addi %get3A_1855, %mul3A_1858 : vector<16xi32>
    %get3A_1860 = arith.constant 848 : index
    %get3A_1861 = tpu.vector_load %arg11[%get3A_1860] {strides = array<i32>} : memref<1024xi32, #tpu.memory_space<vmem>>, vector<16xi32>,
    %add3A_1862 = arith.constant 16 : i32
    %add3A_1863 = vector.broadcast %add3A_1862 : i32 to vector<16xi32>
    %add3A_1864 = arith.addi %iota3A, %add3A_1863 : vector<16xi32>
    %mul3A_1865 = arith.constant 1001 : i32
    %mul3A_1866 = vector.broadcast %mul3A_1865 : i32 to vector<16xi32>
    %mul3A_1867 = arith.muli %mul3A_1866, %add3A_1864 : vector<16xi32>
    %add3A_1868 = arith.addi %get3A_1861, %mul3A_1867 : vector<16xi32>
    tpu.vector_store_idx %arg9[%add3A_1859], %broadcast_in_dim3A_9 : memref<26048xf32, #tpu.memory_space<vmem>>[vector<16xi32>], vector<16xf32>,
    %lt3A_1869 = arith.constant 10 : i32
    %lt3A_1870 = vector.broadcast %lt3A_1869 : i32 to vector<16xi32>
    %lt3A_1871 = arith.cmpi slt, %iota3A, %lt3A_1870 : vector<16xi32>
    tpu.vector_store_idx %arg9[%add3A_1868], %broadcast_in_dim3A_9 masked %lt3A_1871 : memref<26048xf32, #tpu.memory_space<vmem>>[vector<16xi32>], vector<16xf32>, vector<16xi1>
    %get3A_1872 = arith.constant 416 : index
    %get3A_1873 = tpu.vector_load %arg12[%get3A_1872] {strides = array<i32>} : memref<512xf32, #tpu.memory_space<vmem>>, vector<16xf32>,
    %mul3A_1874 = arith.mulf %get3A_1873, %get3A_10 : vector<16xf32>
    %sub3A_1875 = arith.subf %mul3A_1874, %get3A_12 : vector<16xf32>
    %add3A_1876 = arith.constant 26026 : i32
    %add3A_1877 = vector.broadcast %add3A_1876 : i32 to vector<16xi32>
    %add3A_1878 = arith.addi %add3A_1877, %iota3A : vector<16xi32>
    %lt3A_1879 = arith.constant 13 : i32
    %lt3A_1880 = vector.broadcast %lt3A_1879 : i32 to vector<16xi32>
    %lt3A_1881 = arith.cmpi slt, %iota3A, %lt3A_1880 : vector<16xi32>
    tpu.vector_store_idx %arg9[%add3A_1878], %sub3A_1875 masked %lt3A_1881 : memref<26048xf32, #tpu.memory_space<vmem>>[vector<16xi32>], vector<16xf32>, vector<16xi1>
    %add3A_1882 = arith.constant 26 : i32
    %add3A_1883 = arith.addi %mul3A_2, %add3A_1882 : i32
    %dma_start3A_1884 = arith.constant 0 : i32
    %dma_start3A_1885 = tpu.memref_slice %arg9[%dma_start3A_1884] : memref<26048xf32, #tpu.memory_space<vmem>> -> memref<26039xf32, #tpu.memory_space<vmem>>
    %dma_start3A_1886 = arith.constant 0 : i32
    %dma_start3A_1887 = tpu.memref_slice %arg6[%add3A_1883, %dma_start3A_1886] : memref<1024x26039xf32, #tpu.memory_space<hbm>> -> memref<1x26039xf32, #tpu.memory_space<hbm>>
    %dma_start3A_1888 = tpu.memref_squeeze %dma_start3A_1887 : memref<1x26039xf32, #tpu.memory_space<hbm>> -> memref<26039xf32, #tpu.memory_space<hbm>>
    %dma_start3A_1889 = arith.constant 0 : i32
    %dma_start3A_1890 = tpu.memref_slice %arg6[%add3A_1883, %dma_start3A_1889] : memref<1024x26039xf32, #tpu.memory_space<hbm>> -> memref<1x26039xf32, #tpu.memory_space<hbm>>
    %dma_start3A_1891 = tpu.memref_squeeze %dma_start3A_1890 : memref<1x26039xf32, #tpu.memory_space<hbm>> -> memref<26039xf32, #tpu.memory_space<hbm>>
    %dma_start3A_1892 = arith.constant 0 : i32
    %dma_start3A_1893 = tpu.memref_slice %arg9[%dma_start3A_1892] : memref<26048xf32, #tpu.memory_space<vmem>> -> memref<26039xf32, #tpu.memory_space<vmem>>
    tpu.enqueue_dma source(%dma_start3A_1893 : memref<26039xf32, #tpu.memory_space<vmem>>) target(%dma_start3A_1891 : memref<26039xf32, #tpu.memory_space<hbm>>) target_semaphore(%arg17 : memref<!tpu.dma_semaphore, #tpu.memory_space<semaphore_mem>>)
    %dma_wait3A_1894 = arith.constant 0 : i32
    %dma_wait3A_1895 = tpu.memref_slice %arg10[%dma_wait3A_1894] : memref<26048xf32, #tpu.memory_space<vmem>> -> memref<26039xf32, #tpu.memory_space<vmem>>
    %dma_wait3A_1896 = arith.constant 0 : i32
    %dma_wait3A_1897 = tpu.memref_slice %arg6[%add3A_1661, %dma_wait3A_1896] : memref<1024x26039xf32, #tpu.memory_space<hbm>> -> memref<1x26039xf32, #tpu.memory_space<hbm>>
    %dma_wait3A_1898 = tpu.memref_squeeze %dma_wait3A_1897 : memref<1x26039xf32, #tpu.memory_space<hbm>> -> memref<26039xf32, #tpu.memory_space<hbm>>
    %dma_wait3A_1899 = arith.constant 0 : i32
    %dma_wait3A_1900 = tpu.memref_slice %arg6[%add3A_1661, %dma_wait3A_1899] : memref<1024x26039xf32, #tpu.memory_space<hbm>> -> memref<1x26039xf32, #tpu.memory_space<hbm>>
    %dma_wait3A_1901 = tpu.memref_squeeze %dma_wait3A_1900 : memref<1x26039xf32, #tpu.memory_space<hbm>> -> memref<26039xf32, #tpu.memory_space<hbm>>
    %dma_wait3A_1902 = arith.constant 0 : i32
    %dma_wait3A_1903 = tpu.memref_slice %arg10[%dma_wait3A_1902] : memref<26048xf32, #tpu.memory_space<vmem>> -> memref<26039xf32, #tpu.memory_space<vmem>>
    tpu.wait_dma2 semaphore(%arg18 : memref<!tpu.dma_semaphore, #tpu.memory_space<semaphore_mem>>) src(%dma_wait3A_1903 : memref<26039xf32, #tpu.memory_space<vmem>>) dst(%dma_wait3A_1901 : memref<26039xf32, #tpu.memory_space<hbm>>)
    %get3A_1904 = arith.constant 736 : index
    %get3A_1905 = tpu.vector_load %arg11[%get3A_1904] {strides = array<i32>} : memref<1024xi32, #tpu.memory_space<vmem>>, vector<16xi32>,
    %mul3A_1906 = arith.constant 1001 : i32
    %mul3A_1907 = vector.broadcast %mul3A_1906 : i32 to vector<16xi32>
    %mul3A_1908 = arith.muli %mul3A_1907, %iota3A : vector<16xi32>
    %add3A_1909 = arith.addi %get3A_1905, %mul3A_1908 : vector<16xi32>
    %get3A_1910 = arith.constant 752 : index
    %get3A_1911 = tpu.vector_load %arg11[%get3A_1910] {strides = array<i32>} : memref<1024xi32, #tpu.memory_space<vmem>>, vector<16xi32>,
    %add3A_1912 = arith.constant 16 : i32
    %add3A_1913 = vector.broadcast %add3A_1912 : i32 to vector<16xi32>
    %add3A_1914 = arith.addi %iota3A, %add3A_1913 : vector<16xi32>
    %mul3A_1915 = arith.constant 1001 : i32
    %mul3A_1916 = vector.broadcast %mul3A_1915 : i32 to vector<16xi32>
    %mul3A_1917 = arith.muli %mul3A_1916, %add3A_1914 : vector<16xi32>
    %add3A_1918 = arith.addi %get3A_1911, %mul3A_1917 : vector<16xi32>
    tpu.vector_store_idx %arg10[%add3A_1909], %broadcast_in_dim3A_7 : memref<26048xf32, #tpu.memory_space<vmem>>[vector<16xi32>], vector<16xf32>,
    %lt3A_1919 = arith.constant 10 : i32
    %lt3A_1920 = vector.broadcast %lt3A_1919 : i32 to vector<16xi32>
    %lt3A_1921 = arith.cmpi slt, %iota3A, %lt3A_1920 : vector<16xi32>
    tpu.vector_store_idx %arg10[%add3A_1918], %broadcast_in_dim3A_7 masked %lt3A_1921 : memref<26048xf32, #tpu.memory_space<vmem>>[vector<16xi32>], vector<16xf32>, vector<16xi1>
    %add3A_1922 = arith.constant 26026 : i32
    %add3A_1923 = vector.broadcast %add3A_1922 : i32 to vector<16xi32>
    %add3A_1924 = arith.addi %add3A_1923, %iota3A : vector<16xi32>
    %lt3A_1925 = arith.constant 13 : i32
    %lt3A_1926 = vector.broadcast %lt3A_1925 : i32 to vector<16xi32>
    %lt3A_1927 = arith.cmpi slt, %iota3A, %lt3A_1926 : vector<16xi32>
    tpu.vector_store_idx %arg10[%add3A_1924], %broadcast_in_dim3A_7 masked %lt3A_1927 : memref<26048xf32, #tpu.memory_space<vmem>>[vector<16xi32>], vector<16xf32>, vector<16xi1>
    %get3A_1928 = arith.constant 864 : index
    %get3A_1929 = tpu.vector_load %arg11[%get3A_1928] {strides = array<i32>} : memref<1024xi32, #tpu.memory_space<vmem>>, vector<16xi32>,
    %mul3A_1930 = arith.constant 1001 : i32
    %mul3A_1931 = vector.broadcast %mul3A_1930 : i32 to vector<16xi32>
    %mul3A_1932 = arith.muli %mul3A_1931, %iota3A : vector<16xi32>
    %add3A_1933 = arith.addi %get3A_1929, %mul3A_1932 : vector<16xi32>
    %get3A_1934 = arith.constant 880 : index
    %get3A_1935 = tpu.vector_load %arg11[%get3A_1934] {strides = array<i32>} : memref<1024xi32, #tpu.memory_space<vmem>>, vector<16xi32>,
    %add3A_1936 = arith.constant 16 : i32
    %add3A_1937 = vector.broadcast %add3A_1936 : i32 to vector<16xi32>
    %add3A_1938 = arith.addi %iota3A, %add3A_1937 : vector<16xi32>
    %mul3A_1939 = arith.constant 1001 : i32
    %mul3A_1940 = vector.broadcast %mul3A_1939 : i32 to vector<16xi32>
    %mul3A_1941 = arith.muli %mul3A_1940, %add3A_1938 : vector<16xi32>
    %add3A_1942 = arith.addi %get3A_1935, %mul3A_1941 : vector<16xi32>
    tpu.vector_store_idx %arg10[%add3A_1933], %broadcast_in_dim3A_9 : memref<26048xf32, #tpu.memory_space<vmem>>[vector<16xi32>], vector<16xf32>,
    %lt3A_1943 = arith.constant 10 : i32
    %lt3A_1944 = vector.broadcast %lt3A_1943 : i32 to vector<16xi32>
    %lt3A_1945 = arith.cmpi slt, %iota3A, %lt3A_1944 : vector<16xi32>
    tpu.vector_store_idx %arg10[%add3A_1942], %broadcast_in_dim3A_9 masked %lt3A_1945 : memref<26048xf32, #tpu.memory_space<vmem>>[vector<16xi32>], vector<16xf32>, vector<16xi1>
    %get3A_1946 = arith.constant 432 : index
    %get3A_1947 = tpu.vector_load %arg12[%get3A_1946] {strides = array<i32>} : memref<512xf32, #tpu.memory_space<vmem>>, vector<16xf32>,
    %mul3A_1948 = arith.mulf %get3A_1947, %get3A_10 : vector<16xf32>
    %sub3A_1949 = arith.subf %mul3A_1948, %get3A_12 : vector<16xf32>
    %add3A_1950 = arith.constant 26026 : i32
    %add3A_1951 = vector.broadcast %add3A_1950 : i32 to vector<16xi32>
    %add3A_1952 = arith.addi %add3A_1951, %iota3A : vector<16xi32>
    %lt3A_1953 = arith.constant 13 : i32
    %lt3A_1954 = vector.broadcast %lt3A_1953 : i32 to vector<16xi32>
    %lt3A_1955 = arith.cmpi slt, %iota3A, %lt3A_1954 : vector<16xi32>
    tpu.vector_store_idx %arg10[%add3A_1952], %sub3A_1949 masked %lt3A_1955 : memref<26048xf32, #tpu.memory_space<vmem>>[vector<16xi32>], vector<16xf32>, vector<16xi1>
    %add3A_1956 = arith.constant 27 : i32
    %add3A_1957 = arith.addi %mul3A_2, %add3A_1956 : i32
    %dma_start3A_1958 = arith.constant 0 : i32
    %dma_start3A_1959 = tpu.memref_slice %arg10[%dma_start3A_1958] : memref<26048xf32, #tpu.memory_space<vmem>> -> memref<26039xf32, #tpu.memory_space<vmem>>
    %dma_start3A_1960 = arith.constant 0 : i32
    %dma_start3A_1961 = tpu.memref_slice %arg6[%add3A_1957, %dma_start3A_1960] : memref<1024x26039xf32, #tpu.memory_space<hbm>> -> memref<1x26039xf32, #tpu.memory_space<hbm>>
    %dma_start3A_1962 = tpu.memref_squeeze %dma_start3A_1961 : memref<1x26039xf32, #tpu.memory_space<hbm>> -> memref<26039xf32, #tpu.memory_space<hbm>>
    %dma_start3A_1963 = arith.constant 0 : i32
    %dma_start3A_1964 = tpu.memref_slice %arg6[%add3A_1957, %dma_start3A_1963] : memref<1024x26039xf32, #tpu.memory_space<hbm>> -> memref<1x26039xf32, #tpu.memory_space<hbm>>
    %dma_start3A_1965 = tpu.memref_squeeze %dma_start3A_1964 : memref<1x26039xf32, #tpu.memory_space<hbm>> -> memref<26039xf32, #tpu.memory_space<hbm>>
    %dma_start3A_1966 = arith.constant 0 : i32
    %dma_start3A_1967 = tpu.memref_slice %arg10[%dma_start3A_1966] : memref<26048xf32, #tpu.memory_space<vmem>> -> memref<26039xf32, #tpu.memory_space<vmem>>
    tpu.enqueue_dma source(%dma_start3A_1967 : memref<26039xf32, #tpu.memory_space<vmem>>) target(%dma_start3A_1965 : memref<26039xf32, #tpu.memory_space<hbm>>) target_semaphore(%arg18 : memref<!tpu.dma_semaphore, #tpu.memory_space<semaphore_mem>>)
    %dma_wait3A_1968 = arith.constant 0 : i32
    %dma_wait3A_1969 = tpu.memref_slice %arg7[%dma_wait3A_1968] : memref<26048xf32, #tpu.memory_space<vmem>> -> memref<26039xf32, #tpu.memory_space<vmem>>
    %dma_wait3A_1970 = arith.constant 0 : i32
    %dma_wait3A_1971 = tpu.memref_slice %arg6[%add3A_1735, %dma_wait3A_1970] : memref<1024x26039xf32, #tpu.memory_space<hbm>> -> memref<1x26039xf32, #tpu.memory_space<hbm>>
    %dma_wait3A_1972 = tpu.memref_squeeze %dma_wait3A_1971 : memref<1x26039xf32, #tpu.memory_space<hbm>> -> memref<26039xf32, #tpu.memory_space<hbm>>
    %dma_wait3A_1973 = arith.constant 0 : i32
    %dma_wait3A_1974 = tpu.memref_slice %arg6[%add3A_1735, %dma_wait3A_1973] : memref<1024x26039xf32, #tpu.memory_space<hbm>> -> memref<1x26039xf32, #tpu.memory_space<hbm>>
    %dma_wait3A_1975 = tpu.memref_squeeze %dma_wait3A_1974 : memref<1x26039xf32, #tpu.memory_space<hbm>> -> memref<26039xf32, #tpu.memory_space<hbm>>
    %dma_wait3A_1976 = arith.constant 0 : i32
    %dma_wait3A_1977 = tpu.memref_slice %arg7[%dma_wait3A_1976] : memref<26048xf32, #tpu.memory_space<vmem>> -> memref<26039xf32, #tpu.memory_space<vmem>>
    tpu.wait_dma2 semaphore(%arg15 : memref<!tpu.dma_semaphore, #tpu.memory_space<semaphore_mem>>) src(%dma_wait3A_1977 : memref<26039xf32, #tpu.memory_space<vmem>>) dst(%dma_wait3A_1975 : memref<26039xf32, #tpu.memory_space<hbm>>)
    %get3A_1978 = arith.constant 768 : index
    %get3A_1979 = tpu.vector_load %arg11[%get3A_1978] {strides = array<i32>} : memref<1024xi32, #tpu.memory_space<vmem>>, vector<16xi32>,
    %mul3A_1980 = arith.constant 1001 : i32
    %mul3A_1981 = vector.broadcast %mul3A_1980 : i32 to vector<16xi32>
    %mul3A_1982 = arith.muli %mul3A_1981, %iota3A : vector<16xi32>
    %add3A_1983 = arith.addi %get3A_1979, %mul3A_1982 : vector<16xi32>
    %get3A_1984 = arith.constant 784 : index
    %get3A_1985 = tpu.vector_load %arg11[%get3A_1984] {strides = array<i32>} : memref<1024xi32, #tpu.memory_space<vmem>>, vector<16xi32>,
    %add3A_1986 = arith.constant 16 : i32
    %add3A_1987 = vector.broadcast %add3A_1986 : i32 to vector<16xi32>
    %add3A_1988 = arith.addi %iota3A, %add3A_1987 : vector<16xi32>
    %mul3A_1989 = arith.constant 1001 : i32
    %mul3A_1990 = vector.broadcast %mul3A_1989 : i32 to vector<16xi32>
    %mul3A_1991 = arith.muli %mul3A_1990, %add3A_1988 : vector<16xi32>
    %add3A_1992 = arith.addi %get3A_1985, %mul3A_1991 : vector<16xi32>
    tpu.vector_store_idx %arg7[%add3A_1983], %broadcast_in_dim3A_7 : memref<26048xf32, #tpu.memory_space<vmem>>[vector<16xi32>], vector<16xf32>,
    %lt3A_1993 = arith.constant 10 : i32
    %lt3A_1994 = vector.broadcast %lt3A_1993 : i32 to vector<16xi32>
    %lt3A_1995 = arith.cmpi slt, %iota3A, %lt3A_1994 : vector<16xi32>
    tpu.vector_store_idx %arg7[%add3A_1992], %broadcast_in_dim3A_7 masked %lt3A_1995 : memref<26048xf32, #tpu.memory_space<vmem>>[vector<16xi32>], vector<16xf32>, vector<16xi1>
    %add3A_1996 = arith.constant 26026 : i32
    %add3A_1997 = vector.broadcast %add3A_1996 : i32 to vector<16xi32>
    %add3A_1998 = arith.addi %add3A_1997, %iota3A : vector<16xi32>
    %lt3A_1999 = arith.constant 13 : i32
    %lt3A_2000 = vector.broadcast %lt3A_1999 : i32 to vector<16xi32>
    %lt3A_2001 = arith.cmpi slt, %iota3A, %lt3A_2000 : vector<16xi32>
    tpu.vector_store_idx %arg7[%add3A_1998], %broadcast_in_dim3A_7 masked %lt3A_2001 : memref<26048xf32, #tpu.memory_space<vmem>>[vector<16xi32>], vector<16xf32>, vector<16xi1>
    %get3A_2002 = arith.constant 896 : index
    %get3A_2003 = tpu.vector_load %arg11[%get3A_2002] {strides = array<i32>} : memref<1024xi32, #tpu.memory_space<vmem>>, vector<16xi32>,
    %mul3A_2004 = arith.constant 1001 : i32
    %mul3A_2005 = vector.broadcast %mul3A_2004 : i32 to vector<16xi32>
    %mul3A_2006 = arith.muli %mul3A_2005, %iota3A : vector<16xi32>
    %add3A_2007 = arith.addi %get3A_2003, %mul3A_2006 : vector<16xi32>
    %get3A_2008 = arith.constant 912 : index
    %get3A_2009 = tpu.vector_load %arg11[%get3A_2008] {strides = array<i32>} : memref<1024xi32, #tpu.memory_space<vmem>>, vector<16xi32>,
    %add3A_2010 = arith.constant 16 : i32
    %add3A_2011 = vector.broadcast %add3A_2010 : i32 to vector<16xi32>
    %add3A_2012 = arith.addi %iota3A, %add3A_2011 : vector<16xi32>
    %mul3A_2013 = arith.constant 1001 : i32
    %mul3A_2014 = vector.broadcast %mul3A_2013 : i32 to vector<16xi32>
    %mul3A_2015 = arith.muli %mul3A_2014, %add3A_2012 : vector<16xi32>
    %add3A_2016 = arith.addi %get3A_2009, %mul3A_2015 : vector<16xi32>
    tpu.vector_store_idx %arg7[%add3A_2007], %broadcast_in_dim3A_9 : memref<26048xf32, #tpu.memory_space<vmem>>[vector<16xi32>], vector<16xf32>,
    %lt3A_2017 = arith.constant 10 : i32
    %lt3A_2018 = vector.broadcast %lt3A_2017 : i32 to vector<16xi32>
    %lt3A_2019 = arith.cmpi slt, %iota3A, %lt3A_2018 : vector<16xi32>
    tpu.vector_store_idx %arg7[%add3A_2016], %broadcast_in_dim3A_9 masked %lt3A_2019 : memref<26048xf32, #tpu.memory_space<vmem>>[vector<16xi32>], vector<16xf32>, vector<16xi1>
    %get3A_2020 = arith.constant 448 : index
    %get3A_2021 = tpu.vector_load %arg12[%get3A_2020] {strides = array<i32>} : memref<512xf32, #tpu.memory_space<vmem>>, vector<16xf32>,
    %mul3A_2022 = arith.mulf %get3A_2021, %get3A_10 : vector<16xf32>
    %sub3A_2023 = arith.subf %mul3A_2022, %get3A_12 : vector<16xf32>
    %add3A_2024 = arith.constant 26026 : i32
    %add3A_2025 = vector.broadcast %add3A_2024 : i32 to vector<16xi32>
    %add3A_2026 = arith.addi %add3A_2025, %iota3A : vector<16xi32>
    %lt3A_2027 = arith.constant 13 : i32
    %lt3A_2028 = vector.broadcast %lt3A_2027 : i32 to vector<16xi32>
    %lt3A_2029 = arith.cmpi slt, %iota3A, %lt3A_2028 : vector<16xi32>
    tpu.vector_store_idx %arg7[%add3A_2026], %sub3A_2023 masked %lt3A_2029 : memref<26048xf32, #tpu.memory_space<vmem>>[vector<16xi32>], vector<16xf32>, vector<16xi1>
    %add3A_2030 = arith.constant 28 : i32
    %add3A_2031 = arith.addi %mul3A_2, %add3A_2030 : i32
    %dma_start3A_2032 = arith.constant 0 : i32
    %dma_start3A_2033 = tpu.memref_slice %arg7[%dma_start3A_2032] : memref<26048xf32, #tpu.memory_space<vmem>> -> memref<26039xf32, #tpu.memory_space<vmem>>
    %dma_start3A_2034 = arith.constant 0 : i32
    %dma_start3A_2035 = tpu.memref_slice %arg6[%add3A_2031, %dma_start3A_2034] : memref<1024x26039xf32, #tpu.memory_space<hbm>> -> memref<1x26039xf32, #tpu.memory_space<hbm>>
    %dma_start3A_2036 = tpu.memref_squeeze %dma_start3A_2035 : memref<1x26039xf32, #tpu.memory_space<hbm>> -> memref<26039xf32, #tpu.memory_space<hbm>>
    %dma_start3A_2037 = arith.constant 0 : i32
    %dma_start3A_2038 = tpu.memref_slice %arg6[%add3A_2031, %dma_start3A_2037] : memref<1024x26039xf32, #tpu.memory_space<hbm>> -> memref<1x26039xf32, #tpu.memory_space<hbm>>
    %dma_start3A_2039 = tpu.memref_squeeze %dma_start3A_2038 : memref<1x26039xf32, #tpu.memory_space<hbm>> -> memref<26039xf32, #tpu.memory_space<hbm>>
    %dma_start3A_2040 = arith.constant 0 : i32
    %dma_start3A_2041 = tpu.memref_slice %arg7[%dma_start3A_2040] : memref<26048xf32, #tpu.memory_space<vmem>> -> memref<26039xf32, #tpu.memory_space<vmem>>
    tpu.enqueue_dma source(%dma_start3A_2041 : memref<26039xf32, #tpu.memory_space<vmem>>) target(%dma_start3A_2039 : memref<26039xf32, #tpu.memory_space<hbm>>) target_semaphore(%arg15 : memref<!tpu.dma_semaphore, #tpu.memory_space<semaphore_mem>>)
    %dma_wait3A_2042 = arith.constant 0 : i32
    %dma_wait3A_2043 = tpu.memref_slice %arg8[%dma_wait3A_2042] : memref<26048xf32, #tpu.memory_space<vmem>> -> memref<26039xf32, #tpu.memory_space<vmem>>
    %dma_wait3A_2044 = arith.constant 0 : i32
    %dma_wait3A_2045 = tpu.memref_slice %arg6[%add3A_1809, %dma_wait3A_2044] : memref<1024x26039xf32, #tpu.memory_space<hbm>> -> memref<1x26039xf32, #tpu.memory_space<hbm>>
    %dma_wait3A_2046 = tpu.memref_squeeze %dma_wait3A_2045 : memref<1x26039xf32, #tpu.memory_space<hbm>> -> memref<26039xf32, #tpu.memory_space<hbm>>
    %dma_wait3A_2047 = arith.constant 0 : i32
    %dma_wait3A_2048 = tpu.memref_slice %arg6[%add3A_1809, %dma_wait3A_2047] : memref<1024x26039xf32, #tpu.memory_space<hbm>> -> memref<1x26039xf32, #tpu.memory_space<hbm>>
    %dma_wait3A_2049 = tpu.memref_squeeze %dma_wait3A_2048 : memref<1x26039xf32, #tpu.memory_space<hbm>> -> memref<26039xf32, #tpu.memory_space<hbm>>
    %dma_wait3A_2050 = arith.constant 0 : i32
    %dma_wait3A_2051 = tpu.memref_slice %arg8[%dma_wait3A_2050] : memref<26048xf32, #tpu.memory_space<vmem>> -> memref<26039xf32, #tpu.memory_space<vmem>>
    tpu.wait_dma2 semaphore(%arg16 : memref<!tpu.dma_semaphore, #tpu.memory_space<semaphore_mem>>) src(%dma_wait3A_2051 : memref<26039xf32, #tpu.memory_space<vmem>>) dst(%dma_wait3A_2049 : memref<26039xf32, #tpu.memory_space<hbm>>)
    %get3A_2052 = arith.constant 800 : index
    %get3A_2053 = tpu.vector_load %arg11[%get3A_2052] {strides = array<i32>} : memref<1024xi32, #tpu.memory_space<vmem>>, vector<16xi32>,
    %mul3A_2054 = arith.constant 1001 : i32
    %mul3A_2055 = vector.broadcast %mul3A_2054 : i32 to vector<16xi32>
    %mul3A_2056 = arith.muli %mul3A_2055, %iota3A : vector<16xi32>
    %add3A_2057 = arith.addi %get3A_2053, %mul3A_2056 : vector<16xi32>
    %get3A_2058 = arith.constant 816 : index
    %get3A_2059 = tpu.vector_load %arg11[%get3A_2058] {strides = array<i32>} : memref<1024xi32, #tpu.memory_space<vmem>>, vector<16xi32>,
    %add3A_2060 = arith.constant 16 : i32
    %add3A_2061 = vector.broadcast %add3A_2060 : i32 to vector<16xi32>
    %add3A_2062 = arith.addi %iota3A, %add3A_2061 : vector<16xi32>
    %mul3A_2063 = arith.constant 1001 : i32
    %mul3A_2064 = vector.broadcast %mul3A_2063 : i32 to vector<16xi32>
    %mul3A_2065 = arith.muli %mul3A_2064, %add3A_2062 : vector<16xi32>
    %add3A_2066 = arith.addi %get3A_2059, %mul3A_2065 : vector<16xi32>
    tpu.vector_store_idx %arg8[%add3A_2057], %broadcast_in_dim3A_7 : memref<26048xf32, #tpu.memory_space<vmem>>[vector<16xi32>], vector<16xf32>,
    %lt3A_2067 = arith.constant 10 : i32
    %lt3A_2068 = vector.broadcast %lt3A_2067 : i32 to vector<16xi32>
    %lt3A_2069 = arith.cmpi slt, %iota3A, %lt3A_2068 : vector<16xi32>
    tpu.vector_store_idx %arg8[%add3A_2066], %broadcast_in_dim3A_7 masked %lt3A_2069 : memref<26048xf32, #tpu.memory_space<vmem>>[vector<16xi32>], vector<16xf32>, vector<16xi1>
    %add3A_2070 = arith.constant 26026 : i32
    %add3A_2071 = vector.broadcast %add3A_2070 : i32 to vector<16xi32>
    %add3A_2072 = arith.addi %add3A_2071, %iota3A : vector<16xi32>
    %lt3A_2073 = arith.constant 13 : i32
    %lt3A_2074 = vector.broadcast %lt3A_2073 : i32 to vector<16xi32>
    %lt3A_2075 = arith.cmpi slt, %iota3A, %lt3A_2074 : vector<16xi32>
    tpu.vector_store_idx %arg8[%add3A_2072], %broadcast_in_dim3A_7 masked %lt3A_2075 : memref<26048xf32, #tpu.memory_space<vmem>>[vector<16xi32>], vector<16xf32>, vector<16xi1>
    %get3A_2076 = arith.constant 928 : index
    %get3A_2077 = tpu.vector_load %arg11[%get3A_2076] {strides = array<i32>} : memref<1024xi32, #tpu.memory_space<vmem>>, vector<16xi32>,
    %mul3A_2078 = arith.constant 1001 : i32
    %mul3A_2079 = vector.broadcast %mul3A_2078 : i32 to vector<16xi32>
    %mul3A_2080 = arith.muli %mul3A_2079, %iota3A : vector<16xi32>
    %add3A_2081 = arith.addi %get3A_2077, %mul3A_2080 : vector<16xi32>
    %get3A_2082 = arith.constant 944 : index
    %get3A_2083 = tpu.vector_load %arg11[%get3A_2082] {strides = array<i32>} : memref<1024xi32, #tpu.memory_space<vmem>>, vector<16xi32>,
    %add3A_2084 = arith.constant 16 : i32
    %add3A_2085 = vector.broadcast %add3A_2084 : i32 to vector<16xi32>
    %add3A_2086 = arith.addi %iota3A, %add3A_2085 : vector<16xi32>
    %mul3A_2087 = arith.constant 1001 : i32
    %mul3A_2088 = vector.broadcast %mul3A_2087 : i32 to vector<16xi32>
    %mul3A_2089 = arith.muli %mul3A_2088, %add3A_2086 : vector<16xi32>
    %add3A_2090 = arith.addi %get3A_2083, %mul3A_2089 : vector<16xi32>
    tpu.vector_store_idx %arg8[%add3A_2081], %broadcast_in_dim3A_9 : memref<26048xf32, #tpu.memory_space<vmem>>[vector<16xi32>], vector<16xf32>,
    %lt3A_2091 = arith.constant 10 : i32
    %lt3A_2092 = vector.broadcast %lt3A_2091 : i32 to vector<16xi32>
    %lt3A_2093 = arith.cmpi slt, %iota3A, %lt3A_2092 : vector<16xi32>
    tpu.vector_store_idx %arg8[%add3A_2090], %broadcast_in_dim3A_9 masked %lt3A_2093 : memref<26048xf32, #tpu.memory_space<vmem>>[vector<16xi32>], vector<16xf32>, vector<16xi1>
    %get3A_2094 = arith.constant 464 : index
    %get3A_2095 = tpu.vector_load %arg12[%get3A_2094] {strides = array<i32>} : memref<512xf32, #tpu.memory_space<vmem>>, vector<16xf32>,
    %mul3A_2096 = arith.mulf %get3A_2095, %get3A_10 : vector<16xf32>
    %sub3A_2097 = arith.subf %mul3A_2096, %get3A_12 : vector<16xf32>
    %add3A_2098 = arith.constant 26026 : i32
    %add3A_2099 = vector.broadcast %add3A_2098 : i32 to vector<16xi32>
    %add3A_2100 = arith.addi %add3A_2099, %iota3A : vector<16xi32>
    %lt3A_2101 = arith.constant 13 : i32
    %lt3A_2102 = vector.broadcast %lt3A_2101 : i32 to vector<16xi32>
    %lt3A_2103 = arith.cmpi slt, %iota3A, %lt3A_2102 : vector<16xi32>
    tpu.vector_store_idx %arg8[%add3A_2100], %sub3A_2097 masked %lt3A_2103 : memref<26048xf32, #tpu.memory_space<vmem>>[vector<16xi32>], vector<16xf32>, vector<16xi1>
    %add3A_2104 = arith.constant 29 : i32
    %add3A_2105 = arith.addi %mul3A_2, %add3A_2104 : i32
    %dma_start3A_2106 = arith.constant 0 : i32
    %dma_start3A_2107 = tpu.memref_slice %arg8[%dma_start3A_2106] : memref<26048xf32, #tpu.memory_space<vmem>> -> memref<26039xf32, #tpu.memory_space<vmem>>
    %dma_start3A_2108 = arith.constant 0 : i32
    %dma_start3A_2109 = tpu.memref_slice %arg6[%add3A_2105, %dma_start3A_2108] : memref<1024x26039xf32, #tpu.memory_space<hbm>> -> memref<1x26039xf32, #tpu.memory_space<hbm>>
    %dma_start3A_2110 = tpu.memref_squeeze %dma_start3A_2109 : memref<1x26039xf32, #tpu.memory_space<hbm>> -> memref<26039xf32, #tpu.memory_space<hbm>>
    %dma_start3A_2111 = arith.constant 0 : i32
    %dma_start3A_2112 = tpu.memref_slice %arg6[%add3A_2105, %dma_start3A_2111] : memref<1024x26039xf32, #tpu.memory_space<hbm>> -> memref<1x26039xf32, #tpu.memory_space<hbm>>
    %dma_start3A_2113 = tpu.memref_squeeze %dma_start3A_2112 : memref<1x26039xf32, #tpu.memory_space<hbm>> -> memref<26039xf32, #tpu.memory_space<hbm>>
    %dma_start3A_2114 = arith.constant 0 : i32
    %dma_start3A_2115 = tpu.memref_slice %arg8[%dma_start3A_2114] : memref<26048xf32, #tpu.memory_space<vmem>> -> memref<26039xf32, #tpu.memory_space<vmem>>
    tpu.enqueue_dma source(%dma_start3A_2115 : memref<26039xf32, #tpu.memory_space<vmem>>) target(%dma_start3A_2113 : memref<26039xf32, #tpu.memory_space<hbm>>) target_semaphore(%arg16 : memref<!tpu.dma_semaphore, #tpu.memory_space<semaphore_mem>>)
    %dma_wait3A_2116 = arith.constant 0 : i32
    %dma_wait3A_2117 = tpu.memref_slice %arg9[%dma_wait3A_2116] : memref<26048xf32, #tpu.memory_space<vmem>> -> memref<26039xf32, #tpu.memory_space<vmem>>
    %dma_wait3A_2118 = arith.constant 0 : i32
    %dma_wait3A_2119 = tpu.memref_slice %arg6[%add3A_1883, %dma_wait3A_2118] : memref<1024x26039xf32, #tpu.memory_space<hbm>> -> memref<1x26039xf32, #tpu.memory_space<hbm>>
    %dma_wait3A_2120 = tpu.memref_squeeze %dma_wait3A_2119 : memref<1x26039xf32, #tpu.memory_space<hbm>> -> memref<26039xf32, #tpu.memory_space<hbm>>
    %dma_wait3A_2121 = arith.constant 0 : i32
    %dma_wait3A_2122 = tpu.memref_slice %arg6[%add3A_1883, %dma_wait3A_2121] : memref<1024x26039xf32, #tpu.memory_space<hbm>> -> memref<1x26039xf32, #tpu.memory_space<hbm>>
    %dma_wait3A_2123 = tpu.memref_squeeze %dma_wait3A_2122 : memref<1x26039xf32, #tpu.memory_space<hbm>> -> memref<26039xf32, #tpu.memory_space<hbm>>
    %dma_wait3A_2124 = arith.constant 0 : i32
    %dma_wait3A_2125 = tpu.memref_slice %arg9[%dma_wait3A_2124] : memref<26048xf32, #tpu.memory_space<vmem>> -> memref<26039xf32, #tpu.memory_space<vmem>>
    tpu.wait_dma2 semaphore(%arg17 : memref<!tpu.dma_semaphore, #tpu.memory_space<semaphore_mem>>) src(%dma_wait3A_2125 : memref<26039xf32, #tpu.memory_space<vmem>>) dst(%dma_wait3A_2123 : memref<26039xf32, #tpu.memory_space<hbm>>)
    %get3A_2126 = arith.constant 832 : index
    %get3A_2127 = tpu.vector_load %arg11[%get3A_2126] {strides = array<i32>} : memref<1024xi32, #tpu.memory_space<vmem>>, vector<16xi32>,
    %mul3A_2128 = arith.constant 1001 : i32
    %mul3A_2129 = vector.broadcast %mul3A_2128 : i32 to vector<16xi32>
    %mul3A_2130 = arith.muli %mul3A_2129, %iota3A : vector<16xi32>
    %add3A_2131 = arith.addi %get3A_2127, %mul3A_2130 : vector<16xi32>
    %get3A_2132 = arith.constant 848 : index
    %get3A_2133 = tpu.vector_load %arg11[%get3A_2132] {strides = array<i32>} : memref<1024xi32, #tpu.memory_space<vmem>>, vector<16xi32>,
    %add3A_2134 = arith.constant 16 : i32
    %add3A_2135 = vector.broadcast %add3A_2134 : i32 to vector<16xi32>
    %add3A_2136 = arith.addi %iota3A, %add3A_2135 : vector<16xi32>
    %mul3A_2137 = arith.constant 1001 : i32
    %mul3A_2138 = vector.broadcast %mul3A_2137 : i32 to vector<16xi32>
    %mul3A_2139 = arith.muli %mul3A_2138, %add3A_2136 : vector<16xi32>
    %add3A_2140 = arith.addi %get3A_2133, %mul3A_2139 : vector<16xi32>
    tpu.vector_store_idx %arg9[%add3A_2131], %broadcast_in_dim3A_7 : memref<26048xf32, #tpu.memory_space<vmem>>[vector<16xi32>], vector<16xf32>,
    %lt3A_2141 = arith.constant 10 : i32
    %lt3A_2142 = vector.broadcast %lt3A_2141 : i32 to vector<16xi32>
    %lt3A_2143 = arith.cmpi slt, %iota3A, %lt3A_2142 : vector<16xi32>
    tpu.vector_store_idx %arg9[%add3A_2140], %broadcast_in_dim3A_7 masked %lt3A_2143 : memref<26048xf32, #tpu.memory_space<vmem>>[vector<16xi32>], vector<16xf32>, vector<16xi1>
    %add3A_2144 = arith.constant 26026 : i32
    %add3A_2145 = vector.broadcast %add3A_2144 : i32 to vector<16xi32>
    %add3A_2146 = arith.addi %add3A_2145, %iota3A : vector<16xi32>
    %lt3A_2147 = arith.constant 13 : i32
    %lt3A_2148 = vector.broadcast %lt3A_2147 : i32 to vector<16xi32>
    %lt3A_2149 = arith.cmpi slt, %iota3A, %lt3A_2148 : vector<16xi32>
    tpu.vector_store_idx %arg9[%add3A_2146], %broadcast_in_dim3A_7 masked %lt3A_2149 : memref<26048xf32, #tpu.memory_space<vmem>>[vector<16xi32>], vector<16xf32>, vector<16xi1>
    %get3A_2150 = arith.constant 960 : index
    %get3A_2151 = tpu.vector_load %arg11[%get3A_2150] {strides = array<i32>} : memref<1024xi32, #tpu.memory_space<vmem>>, vector<16xi32>,
    %mul3A_2152 = arith.constant 1001 : i32
    %mul3A_2153 = vector.broadcast %mul3A_2152 : i32 to vector<16xi32>
    %mul3A_2154 = arith.muli %mul3A_2153, %iota3A : vector<16xi32>
    %add3A_2155 = arith.addi %get3A_2151, %mul3A_2154 : vector<16xi32>
    %get3A_2156 = arith.constant 976 : index
    %get3A_2157 = tpu.vector_load %arg11[%get3A_2156] {strides = array<i32>} : memref<1024xi32, #tpu.memory_space<vmem>>, vector<16xi32>,
    %add3A_2158 = arith.constant 16 : i32
    %add3A_2159 = vector.broadcast %add3A_2158 : i32 to vector<16xi32>
    %add3A_2160 = arith.addi %iota3A, %add3A_2159 : vector<16xi32>
    %mul3A_2161 = arith.constant 1001 : i32
    %mul3A_2162 = vector.broadcast %mul3A_2161 : i32 to vector<16xi32>
    %mul3A_2163 = arith.muli %mul3A_2162, %add3A_2160 : vector<16xi32>
    %add3A_2164 = arith.addi %get3A_2157, %mul3A_2163 : vector<16xi32>
    tpu.vector_store_idx %arg9[%add3A_2155], %broadcast_in_dim3A_9 : memref<26048xf32, #tpu.memory_space<vmem>>[vector<16xi32>], vector<16xf32>,
    %lt3A_2165 = arith.constant 10 : i32
    %lt3A_2166 = vector.broadcast %lt3A_2165 : i32 to vector<16xi32>
    %lt3A_2167 = arith.cmpi slt, %iota3A, %lt3A_2166 : vector<16xi32>
    tpu.vector_store_idx %arg9[%add3A_2164], %broadcast_in_dim3A_9 masked %lt3A_2167 : memref<26048xf32, #tpu.memory_space<vmem>>[vector<16xi32>], vector<16xf32>, vector<16xi1>
    %get3A_2168 = arith.constant 480 : index
    %get3A_2169 = tpu.vector_load %arg12[%get3A_2168] {strides = array<i32>} : memref<512xf32, #tpu.memory_space<vmem>>, vector<16xf32>,
    %mul3A_2170 = arith.mulf %get3A_2169, %get3A_10 : vector<16xf32>
    %sub3A_2171 = arith.subf %mul3A_2170, %get3A_12 : vector<16xf32>
    %add3A_2172 = arith.constant 26026 : i32
    %add3A_2173 = vector.broadcast %add3A_2172 : i32 to vector<16xi32>
    %add3A_2174 = arith.addi %add3A_2173, %iota3A : vector<16xi32>
    %lt3A_2175 = arith.constant 13 : i32
    %lt3A_2176 = vector.broadcast %lt3A_2175 : i32 to vector<16xi32>
    %lt3A_2177 = arith.cmpi slt, %iota3A, %lt3A_2176 : vector<16xi32>
    tpu.vector_store_idx %arg9[%add3A_2174], %sub3A_2171 masked %lt3A_2177 : memref<26048xf32, #tpu.memory_space<vmem>>[vector<16xi32>], vector<16xf32>, vector<16xi1>
    %add3A_2178 = arith.constant 30 : i32
    %add3A_2179 = arith.addi %mul3A_2, %add3A_2178 : i32
    %dma_start3A_2180 = arith.constant 0 : i32
    %dma_start3A_2181 = tpu.memref_slice %arg9[%dma_start3A_2180] : memref<26048xf32, #tpu.memory_space<vmem>> -> memref<26039xf32, #tpu.memory_space<vmem>>
    %dma_start3A_2182 = arith.constant 0 : i32
    %dma_start3A_2183 = tpu.memref_slice %arg6[%add3A_2179, %dma_start3A_2182] : memref<1024x26039xf32, #tpu.memory_space<hbm>> -> memref<1x26039xf32, #tpu.memory_space<hbm>>
    %dma_start3A_2184 = tpu.memref_squeeze %dma_start3A_2183 : memref<1x26039xf32, #tpu.memory_space<hbm>> -> memref<26039xf32, #tpu.memory_space<hbm>>
    %dma_start3A_2185 = arith.constant 0 : i32
    %dma_start3A_2186 = tpu.memref_slice %arg6[%add3A_2179, %dma_start3A_2185] : memref<1024x26039xf32, #tpu.memory_space<hbm>> -> memref<1x26039xf32, #tpu.memory_space<hbm>>
    %dma_start3A_2187 = tpu.memref_squeeze %dma_start3A_2186 : memref<1x26039xf32, #tpu.memory_space<hbm>> -> memref<26039xf32, #tpu.memory_space<hbm>>
    %dma_start3A_2188 = arith.constant 0 : i32
    %dma_start3A_2189 = tpu.memref_slice %arg9[%dma_start3A_2188] : memref<26048xf32, #tpu.memory_space<vmem>> -> memref<26039xf32, #tpu.memory_space<vmem>>
    tpu.enqueue_dma source(%dma_start3A_2189 : memref<26039xf32, #tpu.memory_space<vmem>>) target(%dma_start3A_2187 : memref<26039xf32, #tpu.memory_space<hbm>>) target_semaphore(%arg17 : memref<!tpu.dma_semaphore, #tpu.memory_space<semaphore_mem>>)
    %dma_wait3A_2190 = arith.constant 0 : i32
    %dma_wait3A_2191 = tpu.memref_slice %arg10[%dma_wait3A_2190] : memref<26048xf32, #tpu.memory_space<vmem>> -> memref<26039xf32, #tpu.memory_space<vmem>>
    %dma_wait3A_2192 = arith.constant 0 : i32
    %dma_wait3A_2193 = tpu.memref_slice %arg6[%add3A_1957, %dma_wait3A_2192] : memref<1024x26039xf32, #tpu.memory_space<hbm>> -> memref<1x26039xf32, #tpu.memory_space<hbm>>
    %dma_wait3A_2194 = tpu.memref_squeeze %dma_wait3A_2193 : memref<1x26039xf32, #tpu.memory_space<hbm>> -> memref<26039xf32, #tpu.memory_space<hbm>>
    %dma_wait3A_2195 = arith.constant 0 : i32
    %dma_wait3A_2196 = tpu.memref_slice %arg6[%add3A_1957, %dma_wait3A_2195] : memref<1024x26039xf32, #tpu.memory_space<hbm>> -> memref<1x26039xf32, #tpu.memory_space<hbm>>
    %dma_wait3A_2197 = tpu.memref_squeeze %dma_wait3A_2196 : memref<1x26039xf32, #tpu.memory_space<hbm>> -> memref<26039xf32, #tpu.memory_space<hbm>>
    %dma_wait3A_2198 = arith.constant 0 : i32
    %dma_wait3A_2199 = tpu.memref_slice %arg10[%dma_wait3A_2198] : memref<26048xf32, #tpu.memory_space<vmem>> -> memref<26039xf32, #tpu.memory_space<vmem>>
    tpu.wait_dma2 semaphore(%arg18 : memref<!tpu.dma_semaphore, #tpu.memory_space<semaphore_mem>>) src(%dma_wait3A_2199 : memref<26039xf32, #tpu.memory_space<vmem>>) dst(%dma_wait3A_2197 : memref<26039xf32, #tpu.memory_space<hbm>>)
    %get3A_2200 = arith.constant 864 : index
    %get3A_2201 = tpu.vector_load %arg11[%get3A_2200] {strides = array<i32>} : memref<1024xi32, #tpu.memory_space<vmem>>, vector<16xi32>,
    %mul3A_2202 = arith.constant 1001 : i32
    %mul3A_2203 = vector.broadcast %mul3A_2202 : i32 to vector<16xi32>
    %mul3A_2204 = arith.muli %mul3A_2203, %iota3A : vector<16xi32>
    %add3A_2205 = arith.addi %get3A_2201, %mul3A_2204 : vector<16xi32>
    %get3A_2206 = arith.constant 880 : index
    %get3A_2207 = tpu.vector_load %arg11[%get3A_2206] {strides = array<i32>} : memref<1024xi32, #tpu.memory_space<vmem>>, vector<16xi32>,
    %add3A_2208 = arith.constant 16 : i32
    %add3A_2209 = vector.broadcast %add3A_2208 : i32 to vector<16xi32>
    %add3A_2210 = arith.addi %iota3A, %add3A_2209 : vector<16xi32>
    %mul3A_2211 = arith.constant 1001 : i32
    %mul3A_2212 = vector.broadcast %mul3A_2211 : i32 to vector<16xi32>
    %mul3A_2213 = arith.muli %mul3A_2212, %add3A_2210 : vector<16xi32>
    %add3A_2214 = arith.addi %get3A_2207, %mul3A_2213 : vector<16xi32>
    tpu.vector_store_idx %arg10[%add3A_2205], %broadcast_in_dim3A_7 : memref<26048xf32, #tpu.memory_space<vmem>>[vector<16xi32>], vector<16xf32>,
    %lt3A_2215 = arith.constant 10 : i32
    %lt3A_2216 = vector.broadcast %lt3A_2215 : i32 to vector<16xi32>
    %lt3A_2217 = arith.cmpi slt, %iota3A, %lt3A_2216 : vector<16xi32>
    tpu.vector_store_idx %arg10[%add3A_2214], %broadcast_in_dim3A_7 masked %lt3A_2217 : memref<26048xf32, #tpu.memory_space<vmem>>[vector<16xi32>], vector<16xf32>, vector<16xi1>
    %add3A_2218 = arith.constant 26026 : i32
    %add3A_2219 = vector.broadcast %add3A_2218 : i32 to vector<16xi32>
    %add3A_2220 = arith.addi %add3A_2219, %iota3A : vector<16xi32>
    %lt3A_2221 = arith.constant 13 : i32
    %lt3A_2222 = vector.broadcast %lt3A_2221 : i32 to vector<16xi32>
    %lt3A_2223 = arith.cmpi slt, %iota3A, %lt3A_2222 : vector<16xi32>
    tpu.vector_store_idx %arg10[%add3A_2220], %broadcast_in_dim3A_7 masked %lt3A_2223 : memref<26048xf32, #tpu.memory_space<vmem>>[vector<16xi32>], vector<16xf32>, vector<16xi1>
    %get3A_2224 = arith.constant 992 : index
    %get3A_2225 = tpu.vector_load %arg11[%get3A_2224] {strides = array<i32>} : memref<1024xi32, #tpu.memory_space<vmem>>, vector<16xi32>,
    %mul3A_2226 = arith.constant 1001 : i32
    %mul3A_2227 = vector.broadcast %mul3A_2226 : i32 to vector<16xi32>
    %mul3A_2228 = arith.muli %mul3A_2227, %iota3A : vector<16xi32>
    %add3A_2229 = arith.addi %get3A_2225, %mul3A_2228 : vector<16xi32>
    %get3A_2230 = arith.constant 1008 : index
    %get3A_2231 = tpu.vector_load %arg11[%get3A_2230] {strides = array<i32>} : memref<1024xi32, #tpu.memory_space<vmem>>, vector<16xi32>,
    %add3A_2232 = arith.constant 16 : i32
    %add3A_2233 = vector.broadcast %add3A_2232 : i32 to vector<16xi32>
    %add3A_2234 = arith.addi %iota3A, %add3A_2233 : vector<16xi32>
    %mul3A_2235 = arith.constant 1001 : i32
    %mul3A_2236 = vector.broadcast %mul3A_2235 : i32 to vector<16xi32>
    %mul3A_2237 = arith.muli %mul3A_2236, %add3A_2234 : vector<16xi32>
    %add3A_2238 = arith.addi %get3A_2231, %mul3A_2237 : vector<16xi32>
    tpu.vector_store_idx %arg10[%add3A_2229], %broadcast_in_dim3A_9 : memref<26048xf32, #tpu.memory_space<vmem>>[vector<16xi32>], vector<16xf32>,
    %lt3A_2239 = arith.constant 10 : i32
    %lt3A_2240 = vector.broadcast %lt3A_2239 : i32 to vector<16xi32>
    %lt3A_2241 = arith.cmpi slt, %iota3A, %lt3A_2240 : vector<16xi32>
    tpu.vector_store_idx %arg10[%add3A_2238], %broadcast_in_dim3A_9 masked %lt3A_2241 : memref<26048xf32, #tpu.memory_space<vmem>>[vector<16xi32>], vector<16xf32>, vector<16xi1>
    %get3A_2242 = arith.constant 496 : index
    %get3A_2243 = tpu.vector_load %arg12[%get3A_2242] {strides = array<i32>} : memref<512xf32, #tpu.memory_space<vmem>>, vector<16xf32>,
    %mul3A_2244 = arith.mulf %get3A_2243, %get3A_10 : vector<16xf32>
    %sub3A_2245 = arith.subf %mul3A_2244, %get3A_12 : vector<16xf32>
    %add3A_2246 = arith.constant 26026 : i32
    %add3A_2247 = vector.broadcast %add3A_2246 : i32 to vector<16xi32>
    %add3A_2248 = arith.addi %add3A_2247, %iota3A : vector<16xi32>
    %lt3A_2249 = arith.constant 13 : i32
    %lt3A_2250 = vector.broadcast %lt3A_2249 : i32 to vector<16xi32>
    %lt3A_2251 = arith.cmpi slt, %iota3A, %lt3A_2250 : vector<16xi32>
    tpu.vector_store_idx %arg10[%add3A_2248], %sub3A_2245 masked %lt3A_2251 : memref<26048xf32, #tpu.memory_space<vmem>>[vector<16xi32>], vector<16xf32>, vector<16xi1>
    %add3A_2252 = arith.constant 31 : i32
    %add3A_2253 = arith.addi %mul3A_2, %add3A_2252 : i32
    %dma_start3A_2254 = arith.constant 0 : i32
    %dma_start3A_2255 = tpu.memref_slice %arg10[%dma_start3A_2254] : memref<26048xf32, #tpu.memory_space<vmem>> -> memref<26039xf32, #tpu.memory_space<vmem>>
    %dma_start3A_2256 = arith.constant 0 : i32
    %dma_start3A_2257 = tpu.memref_slice %arg6[%add3A_2253, %dma_start3A_2256] : memref<1024x26039xf32, #tpu.memory_space<hbm>> -> memref<1x26039xf32, #tpu.memory_space<hbm>>
    %dma_start3A_2258 = tpu.memref_squeeze %dma_start3A_2257 : memref<1x26039xf32, #tpu.memory_space<hbm>> -> memref<26039xf32, #tpu.memory_space<hbm>>
    %dma_start3A_2259 = arith.constant 0 : i32
    %dma_start3A_2260 = tpu.memref_slice %arg6[%add3A_2253, %dma_start3A_2259] : memref<1024x26039xf32, #tpu.memory_space<hbm>> -> memref<1x26039xf32, #tpu.memory_space<hbm>>
    %dma_start3A_2261 = tpu.memref_squeeze %dma_start3A_2260 : memref<1x26039xf32, #tpu.memory_space<hbm>> -> memref<26039xf32, #tpu.memory_space<hbm>>
    %dma_start3A_2262 = arith.constant 0 : i32
    %dma_start3A_2263 = tpu.memref_slice %arg10[%dma_start3A_2262] : memref<26048xf32, #tpu.memory_space<vmem>> -> memref<26039xf32, #tpu.memory_space<vmem>>
    tpu.enqueue_dma source(%dma_start3A_2263 : memref<26039xf32, #tpu.memory_space<vmem>>) target(%dma_start3A_2261 : memref<26039xf32, #tpu.memory_space<hbm>>) target_semaphore(%arg18 : memref<!tpu.dma_semaphore, #tpu.memory_space<semaphore_mem>>)
    %dma_wait3A_2264 = arith.constant 0 : i32
    %dma_wait3A_2265 = tpu.memref_slice %arg7[%dma_wait3A_2264] : memref<26048xf32, #tpu.memory_space<vmem>> -> memref<26039xf32, #tpu.memory_space<vmem>>
    %dma_wait3A_2266 = arith.constant 0 : i32
    %dma_wait3A_2267 = tpu.memref_slice %arg6[%add3A_2031, %dma_wait3A_2266] : memref<1024x26039xf32, #tpu.memory_space<hbm>> -> memref<1x26039xf32, #tpu.memory_space<hbm>>
    %dma_wait3A_2268 = tpu.memref_squeeze %dma_wait3A_2267 : memref<1x26039xf32, #tpu.memory_space<hbm>> -> memref<26039xf32, #tpu.memory_space<hbm>>
    %dma_wait3A_2269 = arith.constant 0 : i32
    %dma_wait3A_2270 = tpu.memref_slice %arg6[%add3A_2031, %dma_wait3A_2269] : memref<1024x26039xf32, #tpu.memory_space<hbm>> -> memref<1x26039xf32, #tpu.memory_space<hbm>>
    %dma_wait3A_2271 = tpu.memref_squeeze %dma_wait3A_2270 : memref<1x26039xf32, #tpu.memory_space<hbm>> -> memref<26039xf32, #tpu.memory_space<hbm>>
    %dma_wait3A_2272 = arith.constant 0 : i32
    %dma_wait3A_2273 = tpu.memref_slice %arg7[%dma_wait3A_2272] : memref<26048xf32, #tpu.memory_space<vmem>> -> memref<26039xf32, #tpu.memory_space<vmem>>
    tpu.wait_dma2 semaphore(%arg15 : memref<!tpu.dma_semaphore, #tpu.memory_space<semaphore_mem>>) src(%dma_wait3A_2273 : memref<26039xf32, #tpu.memory_space<vmem>>) dst(%dma_wait3A_2271 : memref<26039xf32, #tpu.memory_space<hbm>>)
    %dma_wait3A_2274 = arith.constant 0 : i32
    %dma_wait3A_2275 = tpu.memref_slice %arg8[%dma_wait3A_2274] : memref<26048xf32, #tpu.memory_space<vmem>> -> memref<26039xf32, #tpu.memory_space<vmem>>
    %dma_wait3A_2276 = arith.constant 0 : i32
    %dma_wait3A_2277 = tpu.memref_slice %arg6[%add3A_2105, %dma_wait3A_2276] : memref<1024x26039xf32, #tpu.memory_space<hbm>> -> memref<1x26039xf32, #tpu.memory_space<hbm>>
    %dma_wait3A_2278 = tpu.memref_squeeze %dma_wait3A_2277 : memref<1x26039xf32, #tpu.memory_space<hbm>> -> memref<26039xf32, #tpu.memory_space<hbm>>
    %dma_wait3A_2279 = arith.constant 0 : i32
    %dma_wait3A_2280 = tpu.memref_slice %arg6[%add3A_2105, %dma_wait3A_2279] : memref<1024x26039xf32, #tpu.memory_space<hbm>> -> memref<1x26039xf32, #tpu.memory_space<hbm>>
    %dma_wait3A_2281 = tpu.memref_squeeze %dma_wait3A_2280 : memref<1x26039xf32, #tpu.memory_space<hbm>> -> memref<26039xf32, #tpu.memory_space<hbm>>
    %dma_wait3A_2282 = arith.constant 0 : i32
    %dma_wait3A_2283 = tpu.memref_slice %arg8[%dma_wait3A_2282] : memref<26048xf32, #tpu.memory_space<vmem>> -> memref<26039xf32, #tpu.memory_space<vmem>>
    tpu.wait_dma2 semaphore(%arg16 : memref<!tpu.dma_semaphore, #tpu.memory_space<semaphore_mem>>) src(%dma_wait3A_2283 : memref<26039xf32, #tpu.memory_space<vmem>>) dst(%dma_wait3A_2281 : memref<26039xf32, #tpu.memory_space<hbm>>)
    %dma_wait3A_2284 = arith.constant 0 : i32
    %dma_wait3A_2285 = tpu.memref_slice %arg9[%dma_wait3A_2284] : memref<26048xf32, #tpu.memory_space<vmem>> -> memref<26039xf32, #tpu.memory_space<vmem>>
    %dma_wait3A_2286 = arith.constant 0 : i32
    %dma_wait3A_2287 = tpu.memref_slice %arg6[%add3A_2179, %dma_wait3A_2286] : memref<1024x26039xf32, #tpu.memory_space<hbm>> -> memref<1x26039xf32, #tpu.memory_space<hbm>>
    %dma_wait3A_2288 = tpu.memref_squeeze %dma_wait3A_2287 : memref<1x26039xf32, #tpu.memory_space<hbm>> -> memref<26039xf32, #tpu.memory_space<hbm>>
    %dma_wait3A_2289 = arith.constant 0 : i32
    %dma_wait3A_2290 = tpu.memref_slice %arg6[%add3A_2179, %dma_wait3A_2289] : memref<1024x26039xf32, #tpu.memory_space<hbm>> -> memref<1x26039xf32, #tpu.memory_space<hbm>>
    %dma_wait3A_2291 = tpu.memref_squeeze %dma_wait3A_2290 : memref<1x26039xf32, #tpu.memory_space<hbm>> -> memref<26039xf32, #tpu.memory_space<hbm>>
    %dma_wait3A_2292 = arith.constant 0 : i32
    %dma_wait3A_2293 = tpu.memref_slice %arg9[%dma_wait3A_2292] : memref<26048xf32, #tpu.memory_space<vmem>> -> memref<26039xf32, #tpu.memory_space<vmem>>
    tpu.wait_dma2 semaphore(%arg17 : memref<!tpu.dma_semaphore, #tpu.memory_space<semaphore_mem>>) src(%dma_wait3A_2293 : memref<26039xf32, #tpu.memory_space<vmem>>) dst(%dma_wait3A_2291 : memref<26039xf32, #tpu.memory_space<hbm>>)
    %dma_wait3A_2294 = arith.constant 0 : i32
    %dma_wait3A_2295 = tpu.memref_slice %arg10[%dma_wait3A_2294] : memref<26048xf32, #tpu.memory_space<vmem>> -> memref<26039xf32, #tpu.memory_space<vmem>>
    %dma_wait3A_2296 = arith.constant 0 : i32
    %dma_wait3A_2297 = tpu.memref_slice %arg6[%add3A_2253, %dma_wait3A_2296] : memref<1024x26039xf32, #tpu.memory_space<hbm>> -> memref<1x26039xf32, #tpu.memory_space<hbm>>
    %dma_wait3A_2298 = tpu.memref_squeeze %dma_wait3A_2297 : memref<1x26039xf32, #tpu.memory_space<hbm>> -> memref<26039xf32, #tpu.memory_space<hbm>>
    %dma_wait3A_2299 = arith.constant 0 : i32
    %dma_wait3A_2300 = tpu.memref_slice %arg6[%add3A_2253, %dma_wait3A_2299] : memref<1024x26039xf32, #tpu.memory_space<hbm>> -> memref<1x26039xf32, #tpu.memory_space<hbm>>
    %dma_wait3A_2301 = tpu.memref_squeeze %dma_wait3A_2300 : memref<1x26039xf32, #tpu.memory_space<hbm>> -> memref<26039xf32, #tpu.memory_space<hbm>>
    %dma_wait3A_2302 = arith.constant 0 : i32
    %dma_wait3A_2303 = tpu.memref_slice %arg10[%dma_wait3A_2302] : memref<26048xf32, #tpu.memory_space<vmem>> -> memref<26039xf32, #tpu.memory_space<vmem>>
    tpu.wait_dma2 semaphore(%arg18 : memref<!tpu.dma_semaphore, #tpu.memory_space<semaphore_mem>>) src(%dma_wait3A_2303 : memref<26039xf32, #tpu.memory_space<vmem>>) dst(%dma_wait3A_2301 : memref<26039xf32, #tpu.memory_space<hbm>>)
    return
  }
}

</mosaic_0001>

<sc_bundles>
// kernel: kernel.3.cloned.1.call-start
scs
__scs_entry_jumppad:
0x0: {  	(pc) =	sbr.rel $0x88, $3  }
0x1: {  	(tag) =	ssettag $0x0;
	lr =	simm.s32 $0x1  }
0x2: {  	[smem:$0x3F9D] =	sst lr;
	_ =	strace $0xD0000000  }
0x3: {  	_ = 	snop  }
0x4: {  	_ = 	snop  }
0x5: {  	_ = 	snop  }
0x6: {  	_ = 	snop  }
0x7: {  	_ = 	snop  }
__scs_overlays_trampoline_lowered:
0x8: {  	[smem:$0x3FAC] =	sst s0  }
0x9: {  	[smem:$0x3FAD] =	sst s1  }
0xa: {  	[smem:$0x3FAE] =	sst s2  }
0xb: {  	[smem:$0x3FAF] =	sst s3  }
0xc: {  	[smem:$0x3FB0] =	sst s4  }
0xd: {  	[smem:$0x3FB1] =	sst s5  }
0xe: {  	[smem:$0x3FB2] =	sst s6  }
0xf: {  	[smem:$0x3FB3] =	sst s7  }
0x10: {  	[smem:$0x3FB4] =	sst s8  }
0x11: {  	[smem:$0x3FB5] =	sst s9;
	s0 =	simm.s32 @!p0 $0x0  }
0x12: {  	s1 =	sld [smem:$0x3F9B];
	s0 =	simm.s32 @p0 $0x1  }
0x13: {  	[smem:$0x3FB6] =	sst s0;
	s0 =	simm.s32 @!p1 $0x0  }
0x14: {  	s2 =	sld [smem:$0x3F9A];
	s0 =	simm.s32 @p1 $0x1  }
0x15: {  	[smem:$0x3FB7] =	sst s0;
	s0 =	simm.s32 @!p2 $0x0  }
0x16: {  	s3 =	sld [smem:$0x3FDB];
	s0 =	simm.s32 @p2 $0x1  }
0x17: {  	s4 =	simm.s32 $0x1BF5;
	[smem:$0x3FB9] =	sst s0  }
0x18: {  	s0 =	sld [smem:$0x3F9C];
	_ =	swait.ge [sflag:s4], $0x0  }
0x19: {  	s7 =	sld [smem:$0x3F9D]  }
0x1a: {  	s8 =	sadd.s32 $0xFFFFE003, lr  }
0x1b: {  	s9 =	sadd.s32 $0xFFFFFEF7, lr;
	s5 =	simm.s32 $0xFFFFFFFF;
	p2 =	slt.u32 s8, $0xFFFFF086  }
0x1c: {  	p1 =	slt.u32 s9, $0xF7A;
	s5 =	simm.s32 @!p2 $0x0  }
0x1d: {  	s5 =	simm.s32 @p1 $0x1;
	p0 =	seq.s32 s7, s2  }
0x1e: {  	s7 =	smul.u32 @!p0 $0xF7A, s2;
	p2 =	seq.s32 @!p0 s5, $0x0  }
0x1f: {  	s9 =	smul.u32 $0xF7A, s1;
	s8 =	simm.s32 @!p0 $0x1BF5;
	p2 =	por !p2, p0  }
0x20: {  	[sflag:s8] =	ssyncset.s32 @!p0 $0xFFFFF086;
	s6 =	sadd.s32 @!p0 s3, s7;
	s7 =	simm.s32 @!p0 $0x108  }
0x21: {  	s3 =	sadd.s32 s3, s9;
	s6 =	sadd.s32 @!p0 $0x88, s6;
	s7 =	simm.s32 @p2 $0x1082  }
0x22: {  	[simem:s7], [sflag:s8] =	dma.local @!p0 [hbm:s6], $0xF7A  }
0x23: {  	s9 =	sor.u32 $0xD0000000, s2;
	s6 =	simm.s32 $0x108;
	_ =	swait.ge @!p0 [sflag:s8], $0x0  }
0x24: {  	s3 =	sadd.s32 $0x88, s3;
	s6 =	simm.s32 @!p1 $0x1082;
	[sflag:s4] =	ssyncset.s32 $0xFFFFF086  }
0x25: {  	[simem:s6], [sflag:s4] =	dma.local [hbm:s3], $0xF7A  }
0x26: {  	[smem:$0x3F9D] =	sst s1;
	(tag) =	ssettag s2;
	_ =	strace s9  }
0x27: {  	s1 =	sld [smem:$0x3FAD]  }
0x28: {  	s2 =	sld [smem:$0x3FAE]  }
0x29: {  	s4 =	sld [smem:$0x3FB0]  }
0x2a: {  	p0 =	seq.s32 s5, $0x0;
	s5 =	sld [smem:$0x3FB1]  }
0x2b: {  	s6 =	sld [smem:$0x3FB2]  }
0x2c: {  	s7 =	sld [smem:$0x3FB3]  }
0x2d: {  	s3 =	simm.s32 $0x108;
	s8 =	sld [smem:$0x3FB4]  }
0x2e: {  	s3 =	simm.s32 @!p0 $0x1082;
	s9 =	sld [smem:$0x3FB5]  }
0x2f: {  	lr =	sadd.s32 s0, s3;
	s0 =	sld [smem:$0x3FAC]  }
0x30: {  	s3 =	sld [smem:$0x3FAF]  }
0x31: {  	[smem:$0x3FB8] =	sst s10  }
0x32: {  	s10 =	sld [smem:$0x3FB6];
	_ =	sdelay $0x3  }
0x33: {  	p0 =	seq.s32 s10, $0x1;
	s10 =	sld [smem:$0x3FB8];
	_ =	sdelay $0x3  }
0x34: {  	[smem:$0x3FB8] =	sst s10  }
0x35: {  	s10 =	sld [smem:$0x3FB7];
	_ =	sdelay $0x3  }
0x36: {  	p1 =	seq.s32 s10, $0x1;
	s10 =	sld [smem:$0x3FB8];
	_ =	sdelay $0x3  }
0x37: {  	[smem:$0x3FB8] =	sst s10  }
0x38: {  	s10 =	sld [smem:$0x3FB9]  }
0x39: {  	_ = 	snop;
	(pc) =	sbr.ind lr, $3  }
0x3a: {  	_ = 	snop  }
0x3b: {  	_ = 	snop  }
0x3c: {  	p2 =	seq.s32 s10, $0x1;
	s10 =	sld [smem:$0x3FB8]  }
0x3d: {  	_ =	shalt  }
0x3e: {  	_ =	shalt  }
0x3f: {  	_ =	shalt  }
0x40: {  	_ =	shalt  }
0x41: {  	_ =	shalt  }
0x42: {  	_ =	shalt  }
0x43: {  	_ =	shalt  }
0x44: {  	_ =	shalt  }
0x45: {  	_ =	shalt  }
0x46: {  	_ =	shalt  }
0x47: {  	_ =	shalt  }
0x48: {  	_ =	shalt  }
0x49: {  	_ =	shalt  }
0x4a: {  	_ =	shalt  }
0x4b: {  	_ =	shalt  }
0x4c: {  	_ =	shalt  }
0x4d: {  	_ =	shalt  }
0x4e: {  	_ =	shalt  }
0x4f: {  	_ =	shalt  }
0x50: {  	_ =	shalt  }
0x51: {  	_ =	shalt  }
0x52: {  	_ =	shalt  }
0x53: {  	_ =	shalt  }
0x54: {  	_ =	shalt  }
0x55: {  	_ =	shalt  }
0x56: {  	_ =	shalt  }
0x57: {  	_ =	shalt  }
0x58: {  	_ =	shalt  }
0x59: {  	_ =	shalt  }
0x5a: {  	_ =	shalt  }
0x5b: {  	_ =	shalt  }
0x5c: {  	_ =	shalt  }
0x5d: {  	_ =	shalt  }
0x5e: {  	_ =	shalt  }
0x5f: {  	_ =	shalt  }
0x60: {  	_ =	shalt  }
0x61: {  	_ =	shalt  }
0x62: {  	_ =	shalt  }
0x63: {  	_ =	shalt  }
0x64: {  	_ =	shalt  }
0x65: {  	_ =	shalt  }
0x66: {  	_ =	shalt  }
0x67: {  	_ =	shalt  }
0x68: {  	_ =	shalt  }
0x69: {  	_ =	shalt  }
0x6a: {  	_ =	shalt  }
0x6b: {  	_ =	shalt  }
0x6c: {  	_ =	shalt  }
0x6d: {  	_ =	shalt  }
0x6e: {  	_ =	shalt  }
0x6f: {  	_ =	shalt  }
0x70: {  	_ =	shalt  }
0x71: {  	_ =	shalt  }
0x72: {  	_ =	shalt  }
0x73: {  	_ =	shalt  }
0x74: {  	_ =	shalt  }
0x75: {  	_ =	shalt  }
0x76: {  	_ =	shalt  }
0x77: {  	_ =	shalt  }
0x78: {  	_ =	shalt  }
0x79: {  	_ =	shalt  }
0x7a: {  	_ =	shalt  }
0x7b: {  	_ =	shalt  }
0x7c: {  	_ =	shalt  }
0x7d: {  	_ =	shalt  }
0x7e: {  	_ =	shalt  }
0x7f: {  	_ =	shalt  }
0x80: {  	_ =	shalt  }
0x81: {  	_ =	shalt  }
0x82: {  	_ =	shalt  }
0x83: {  	_ =	shalt  }
0x84: {  	_ =	shalt  }
0x85: {  	_ =	shalt  }
0x86: {  	_ =	shalt  }
0x87: {  	_ =	shalt  }
.Lfunc_end0:
.L_simem_size_0:
called_computation.1_lowered:
.L_overlay_start_0:
0x88: {  	s2 =	sld [smem:$0x3FD9]  }
0x89: {  	s3 =	sld [smem:$0x3FFE];
	_ =	sdelay $0x1  }
0x8a: {  	s1 =	srdreg.scid  }
0x8b: {  	s0 =	sand.u32 $0x1, s1  }
0x8c: {  	s17 =	sshll.u32 s0, $0xA;
	s2 =	sadd.s32 s3, s2  }
0x8d: {  	s2 =	sadd.s32 s2, s17  }
0x8e: {  	[smem:$0x3FC4] =	sst s2  }
0x8f: {  	_ = 	snop  }
0x90: {  	s2 =	sld [smem:$0x3FD0];
	(tm) =	ssettm $0x1  }
0x91: {  	s18 =	sld [smem:$0x3FFB];
	_ =	sdelay $0x3  }
0x92: {  	_ =	strace s18  }
0x93: {  	s3 =	sld [smem:$0x3FFC];
	_ =	sdelay $0x3  }
0x94: {  	_ =	strace s3  }
0x95: {  	s3 =	sld [smem:$0x3FFD];
	_ =	sdelay $0x3  }
0x96: {  	_ =	strace s3  }
0x97: {  	_ =	strace $0x8FFFFFFF  }
0x98: {  	s19 =	sld [smem:$0x3FDB];
	_ =	sdelay $0x1  }
0x99: {  	s4 =	simm.s32 $_scs_section_size  }
0x9a: {  	s5 =	simm.s32 $_size__tile_overlayer_lowered;
	s6 =	simm.s32 $_tile_overlayer_lowered  }
0x9b: {  	s22 =	simm.s32 $0x1BFF;
	s21 =	sshll.u32 s6, $0x1;
	s3 =	sadd.s32 s4, s19  }
0x9c: {  	s7 =	simm.s32 $0x0;
	s20 =	sshll.u32 s5, $0x1;
	s5 =	sadd.s32 s21, s3  }
0x9d: {  	[timem:s7], [sflag:s22] =	dma.local [hbm:s5], s20  }
0x9e: {  	_ =	swait.ge [sflag:s22], s20  }
0x9f: {  	s4 =	ssub.s32 $0x0, s20;
	[sflag:s22] =	ssyncset.done $0x0  }
0xa0: {  	[sflag:s22] =	ssyncadd.s32 s4;
	_ =	sdelay $0x1  }
0xa1: {  	s23 =	simm.s32 $0x1B8B  }
0xa2: {  	_ =	swait.ge [sflag:s23], $0x1  }
0xa3: {  	[sflag:s23] =	ssyncset.done $0x0  }
0xa4: {  	s25 =	simm.s32 $0x1B8E;
	s24 =	sld [smem:$0x3FFE];
	[sflag:s23] =	ssyncadd.s32 $0xFFFFFFFF  }
0xa5: {  	s26 =	simm.s32 $execute0_lowered;
	[smem:$0x3FD2] =	sst s25  }
0xa6: {  	s5 =	sshll.u32 s26, $0x1;
	_ =	strace $0x80000046;
	[dreg:$0x1] =	wrdreg $0xFFFFFFFF  }
0xa7: {  	s28 =	simm.s32 $_size_execute0_lowered;
	s3 =	sadd.s32 s3, s5;
	[dreg:$0x0] =	wrdreg $0x0  }
0xa8: {  	s5 =	sshll.u32 s28, $0x1;
	[dreg:$0x2] =	wrdreg s3  }
0xa9: {  	[dreg:$0x3] =	wrdreg s5  }
0xaa: {  	[dreg:$0x4] =	wrdreg $0xC0  }
0xab: {  	_ =	task [dreg:s7], $0x5FFFF  }
0xac: {  	[dreg:$0x1] =	wrdreg $0xFFFFFFFF  }
0xad: {  	[dreg:$0x0] =	wrdreg $0x60  }
0xae: {  	[dreg:$0x2] =	wrdreg s24  }
0xaf: {  	[dreg:$0x3] =	wrdreg s2  }
0xb0: {  	[dreg:$0x4] =	wrdreg $0x9  }
0xb1: {  	_ =	task.clear_ibuf [dreg:s7], $0x5FFFF;
	_ =	strace $0x90000046  }
0xb2: {  	s29 =	simm.s32 $0x9;
	_ =	strace $0x80000048  }
0xb3: {  	_ =	swait.ge [sflag:s29], $0x1  }
0xb4: {  	[sflag:s29] =	ssyncadd.s32 $0xFFFFFFFF  }
0xb5: {  	_ =	strace $0x90000048  }
0xb6: {  	_ =	sfence  }
0xb7: {  	s30 =	sld [smem:$0x0];
	_ =	sdelay $0x2  }
0xb8: {  	s31 =	sshll.u32 s1, $0xD;
	s1 =	sshrl.u32 s1, $0x2  }
0xb9: {  	s3 =	sand.u32 $0x4000, s31;
	s1 =	sadd.s32 s1, s30  }
0xba: {  	s0 =	sor.u32 s3, s0;
	s1 =	sshll.u32 s1, $0x11  }
0xbb: {  	s0 =	sor.u32 s1, s0  }
0xbc: {  	s0 =	sadd.s32 $0x8F2B, s0  }
0xbd: {  	[sflag:s0] =	ssyncadd.remote.s32 $0x1  }
0xbe: {  	_ =	sfence.sel $0xFFFF  }
0xbf: {  	[dreg:$0x0] =	wrdreg $0xFFFFFFFF;
	(pc) =	sbr.abs _section_cstart, $3  }
0xc0: {  	[dreg:$0x1] =	wrdreg $0xFFFFFFFF  }
0xc1: {  	_ =	task.clear_ibuf [dreg:s7], $0x2FFFF;
	_ =	strace $0x9FFFFFFF  }
0xc2: {  	(tm) =	ssettm $0x7FFFFFFF  }
0xc3: {  	_ =	shalt  }
tec
execute0_lowered:
.L_overlay_start_1:
0x0: {  	(tag) =	ssettag $0x1  }
0x1: {  	s0 =	rddreg [dreg:$0x0]  }
0x2: {  	s2 =	simm.s32 $0x0;
	s3 =	srdreg.scid;
	s4 =	stileid.u32  }
0x3: {  	[smem:$0x7FF] =	sst s2;
	s3 =	sand.u32 $0x1, s3;
	s4 =	sshll.u32 s4, $0x1  }
0x4: {  	s1 =	rddreg [dreg:$0x1];
	_ =	strace $0x80000047;
	s4 =	sor.u32 s3, s4  }
0x5: {  	s3 =	ssub.s32 $0x2, s3;
	s5 =	sshll.u32 s4, $0x7;
	s7 =	smul.u32 $0xCB700, s4  }
0x6: {  	s6 =	sshll.u32 s4, $0x6;
	s8 =	sshrl.u32 s3, $0x1;
	s4 =	smul.u32 $0x196E0, s4  }
0x7: {  	s5 =	sadd.s32 s5, s0;
	s6 =	sadd.s32 s6, s0;
	s9 =	ssub.s32 s3, s8  }
0x8: {  	s10 =	sadd.s32 $0x65B8, s7;
	s18 =	sshrl.u32 s7, $0x3;
	s4 =	sadd.s32 s1, s4  }
0x9: {  	s19 =	sadd.s32 $0x13128, s7;
	s20 =	sadd.s32 $0x1FC98, s7;
	s21 =	sadd.s32 $0x2C808, s7  }
0xa: {  	s24 =	sadd.s32 $0x39378, s7;
	s25 =	sadd.s32 $0x45EE8, s7;
	s26 =	sadd.s32 $0x52A58, s7  }
0xb: {  	s13 =	sadd.s32 $0x5F5C8, s7;
	s14 =	sadd.s32 $0x6C138, s7;
	s15 =	sadd.s32 $0x78CA8, s7  }
0xc: {  	s9 =	smax.u32 s9, $0x1;
	s17 =	sshrl.u32 s10, $0x3;
	[dreg:$0x3] =	wrdreg s4  }
0xd: {  	s8 =	sadd.s32 s1, s18;
	s4 =	sshrl.u32 s20, $0x3;
	s10 =	sshrl.u32 s21, $0x3  }
0xe: {  	s18 =	sadd.s32 $0x85818, s7;
	s20 =	sadd.s32 $0x9EEF8, s7;
	s3 =	sadd.s32 s1, s17  }
0xf: {  	s22 =	sadd.s32 s1, s4;
	s23 =	sadd.s32 s1, s10;
	s4 =	sshrl.u32 s25, $0x3  }
0x10: {  	s10 =	sshrl.u32 s26, $0x3;
	s26 =	sadd.s32 $0xC00, s0;
	s0 =	sadd.s32 $0xA00, s0  }
0x11: {  	s28 =	sadd.s32 $0x65B8, s8;
	s29 =	sadd.s32 $0x7F26, s8;
	[dreg:$0x4] =	wrdreg s3  }
0x12: {  	s30 =	sadd.s32 $0x9894, s8;
	s31 =	sadd.s32 $0xB202, s8;
	[dreg:$0x6] =	wrdreg s22  }
0x13: {  	s3 =	sshrl.u32 s19, $0x3;
	[dreg:$0x7] =	wrdreg s23;
	s11 =	sadd.s32 s1, s4  }
0x14: {  	s12 =	sadd.s32 s1, s10;
	s4 =	sshrl.u32 s14, $0x3;
	s10 =	sshrl.u32 s15, $0x3  }
0x15: {  	s19 =	sadd.s32 $0x92388, s7;
	s23 =	sadd.s32 $0xABA68, s7;
	[dreg:$0x14] =	wrdreg s26  }
0x16: {  	[dreg:$0x15] =	wrdreg s0;
	s26 =	sadd.s32 $0x4C4A, s8;
	s0 =	sadd.s32 $0xCB70, s8  }
0x17: {  	s14 =	simm.s32 $0x1;
	s15 =	simm.s32 $0x2;
	[dreg:$0x9] =	wrdreg s11  }
0x18: {  	s3 =	sadd.s32 s1, s3;
	[dreg:$0xa] =	wrdreg s12;
	s16 =	sadd.s32 s1, s4  }
0x19: {  	s17 =	sadd.s32 s1, s10;
	s4 =	sshrl.u32 s19, $0x3;
	[dreg:$0x5] =	wrdreg s3  }
0x1a: {  	s10 =	sshrl.u32 s20, $0x3;
	s11 =	simm.s32 $0x65C0;
	[dreg:$0xc] =	wrdreg s16  }
0x1b: {  	s12 =	simm.s32 $0xCB80;
	s3 =	sshrl.u32 s24, $0x3;
	[dreg:$0xd] =	wrdreg s17  }
0x1c: {  	s21 =	sadd.s32 s1, s4;
	s22 =	sadd.s32 s1, s10;
	s24 =	sadd.s32 $0xB85D8, s7  }
0x1d: {  	s7 =	sadd.s32 $0xC5148, s7;
	s10 =	simm.s32 $0x5;
	s16 =	simm.s32 $0x3  }
0x1e: {  	s17 =	simm.s32 $0x4;
	s3 =	sadd.s32 s1, s3;
	[dreg:$0xf] =	wrdreg s21  }
0x1f: {  	[dreg:$0x10] =	wrdreg s22;
	s4 =	sshrl.u32 s24, $0x3;
	s7 =	sshrl.u32 s7, $0x3  }
0x20: {  	s22 =	sadd.s32 $0x1600, s5;
	[dreg:$0x8] =	wrdreg s3;
	s3 =	sshrl.u32 s13, $0x3  }
0x21: {  	s24 =	sadd.s32 $0x196E, s8;
	s5 =	sadd.s32 $0x13128, s8;
	s3 =	sadd.s32 s1, s3  }
0x22: {  	s25 =	sadd.s32 s1, s4;
	[dreg:$0xb] =	wrdreg s3;
	s3 =	sshrl.u32 s18, $0x3  }
0x23: {  	s4 =	sadd.s32 $0x117BA, s8;
	[dreg:$0x12] =	wrdreg s25;
	s3 =	sadd.s32 s1, s3  }
0x24: {  	s13 =	simm.s32 $0x13140;
	[dreg:$0xe] =	wrdreg s3;
	s3 =	sshrl.u32 s23, $0x3  }
0x25: {  	v4 =	vlaneseq.u32;
	s25 =	sadd.s32 $0x32DC, s8;
	s18 =	simm.s32 $0x0;
	s3 =	sadd.s32 s1, s3  }
0x26: {  	v0 =	vmul.u32 $0x3E9, v4;
	s23 =	sadd.s32 $0xE00, s6;
	s1 =	sadd.s32 s1, s7;
	[dreg:$0x11] =	wrdreg s3  }
0x27: {  	v1 =	vimm.f32 $0.0e+00;
	s6 =	sadd.s32 $0x14A96, s8;
	s7 =	sadd.s32 $0x16404, s8;
	[dreg:$0x13] =	wrdreg s1  }
0x28: {  	v3 =	vimm.f32 $1.000000000e+00;
	v4 =	vadd.s32 $0x65AA, v4;
	v2 =	vadd.s32 $0x3E90, v0;
	s1 =	sadd.s32 $0xE4DE, s8;
	s3 =	sadd.s32 $0xFE4C, s8;
	s8 =	sadd.s32 $0x17D72, s8  }
.LBB2_1:
0x29: {  	s19 =	simm.s32 $0x19700  }
0x2a: {  	[tilespmem:s19], [sflag:$0x5] =	stream.linear.gather [hbm4b:s22+s2], $0x400, $0x38;
	[tilespmem:$0x19D20] =	vst v63  }
0x2b: {  	_ =	swait.ge [sflag:s10], $0x400  }
0x2c: {  	[sflag:s10] =	ssyncset.done $0x0  }
0x2d: {  	s20 =	simm.s32 $0x19B00;
	[sflag:s10] =	ssyncadd.s32 $0xFFFFFC00  }
0x2e: {  	[tilespmem:s20], [sflag:$0x5] =	stream.linear.gather [hbm4b:s23+s2], $0x200, $0x38;
	[tilespmem:$0x19D20] =	vst v63  }
0x2f: {  	_ =	swait.ge [sflag:s10], $0x200  }
0x30: {  	[sflag:s10] =	ssyncset.done $0x0  }
0x31: {  	s20 =	simm.s32 $0x19D00;
	s21 =	rddreg [dreg:$0x14];
	[sflag:s10] =	ssyncadd.s32 $0xFFFFFE00  }
0x32: {  	[tilespmem:s20], [sflag:$0x5] =	stream.linear.gather [hbm4b:s21+s2], $0x10, $0x38;
	[tilespmem:$0x19D20] =	vst v63  }
0x33: {  	_ =	swait.ge [sflag:s10], $0x10  }
0x34: {  	[sflag:s10] =	ssyncset.done $0x0  }
0x35: {  	s21 =	simm.s32 $0x19D10;
	s20 =	rddreg [dreg:$0x15];
	[sflag:s10] =	ssyncadd.s32 $0xFFFFFFF0  }
0x36: {  	[tilespmem:s21], [sflag:$0x5] =	stream.linear.gather [hbm4b:s20+s2], $0x10, $0x38;
	[tilespmem:$0x19D20] =	vst v63  }
0x37: {  	_ =	swait.ge [sflag:s10], $0x10  }
0x38: {  	[sflag:s10] =	ssyncset.done $0x0  }
0x39: {  	[sflag:s10] =	ssyncadd.s32 $0xFFFFFFF0  }
0x3a: {  	v5 =	vld [tilespmem:$0x19D00]  }
0x3b: {  	s19 =	simm.s32 $0x40;
	s20 =	simm.s32 $0x0;
	v6 =	vld [tilespmem:$0x19D10]  }
.LBB2_2:
0x3c: {  	p0 =	sne.s32 s19, $0x196C0;
	[tilespmem:s20+$0x0] =	vst v1;
	s20 =	smov.u32 s19;
	s19 =	sadd.s32 $0x40, s19  }
.Ltmp0:
0x3d: {  	(pc) =	sbr.rel @p0 .LBB2_2-.Ltmp0, $2  }
0x3e: {  	_ =	sdelay $0x2  }
0x3f: {  	s20 =	sshra.s32 s20, $0x2  }
0x40: {  	[tilespmem:s20+$0x0] =	vst v1;
	s19 =	simm.s32 $0x0;
	s20 =	simm.s32 $0x40;
	s21 =	simm.s32 $0x0  }
.LBB2_4:
0x41: {  	p0 =	sne.s32 s20, $0x196C0;
	[tilespmem:s21+$0x65C0] =	vst v1;
	s21 =	smov.u32 s20;
	s20 =	sadd.s32 $0x40, s20  }
.Ltmp1:
0x42: {  	(pc) =	sbr.rel @p0 .LBB2_4-.Ltmp1, $2  }
0x43: {  	_ =	sdelay $0x2  }
0x44: {  	s21 =	sshra.s32 s21, $0x2  }
0x45: {  	[tilespmem:s21+$0x65C0] =	vst v1  }
.LBB2_6:
0x46: {  	p0 =	sne.s32 s19, $0x196C0  }
.Ltmp2:
0x47: {  	_ = 	snop;
	(pc) =	sbr.rel @p0 .LBB2_6-.Ltmp2, $3  }
0x48: {  	_ =	sdelay $0x1  }
0x49: {  	s20 =	sshra.s32 s19, $0x2  }
0x4a: {  	s19 =	sadd.s32 $0x40, s19;
	[tilespmem:s20+$0xCB80] =	vst v1  }
0x4b: {  	s19 =	simm.s32 $0x40;
	s20 =	simm.s32 $0x0  }
.LBB2_8:
0x4c: {  	p0 =	sne.s32 s19, $0x196C0;
	[tilespmem:s20+$0x13140] =	vst v1;
	s20 =	smov.u32 s19;
	s19 =	sadd.s32 $0x40, s19  }
.Ltmp3:
0x4d: {  	(pc) =	sbr.rel @p0 .LBB2_8-.Ltmp3, $2  }
0x4e: {  	_ =	sdelay $0x2  }
0x4f: {  	s20 =	sshra.s32 s20, $0x2  }
0x50: {  	[tilespmem:s20+$0x13140] =	vst v1  }
0x51: {  	v7 =	vld [tilespmem:$0x19700]  }
0x52: {  	v8 =	vld [tilespmem:$0x19710];
	_ =	sdelay $0x3  }
0x53: {  	v7 =	vadd.s32 v0, v7  }
0x54: {  	v8 =	vadd.s32 v2, v8;
	_ =	sdelay $0x3  }
0x55: {  	[tilespmem:v7+s2+$0x0] =	vst.idx.msk $0xffff, v3  }
0x56: {  	[tilespmem:v8+s2+$0x0] =	vst.idx.msk $0x3ff, v3  }
0x57: {  	v7 =	vld [tilespmem:$0x19B00];
	_ =	sdelay $0x4  }
0x58: {  	v7 =	vmul.f32 v7, v5;
	_ =	sdelay $0x1  }
0x59: {  	v7 =	vsub.f32 v7, v6;
	_ =	sdelay $0x1  }
0x5a: {  	s19 =	rddreg [dreg:$0x3];
	[tilespmem:v4+s2+$0x0] =	vst.idx.msk $0x1fff, v7  }
0x5b: {  	[hbm4b:s19+s2] =	stream.linear.scatter [tilespmem:s2], [sflag:$0x1], $0x65B7, $0x38;
	[tilespmem:$0x19D20] =	vst v63  }
0x5c: {  	v7 =	vld [tilespmem:$0x19720]  }
0x5d: {  	v8 =	vld [tilespmem:$0x19730];
	_ =	sdelay $0x3  }
0x5e: {  	v7 =	vadd.s32 v0, v7  }
0x5f: {  	v8 =	vadd.s32 v2, v8;
	_ =	sdelay $0x3  }
0x60: {  	[tilespmem:v7+s11+$0x0] =	vst.idx.msk $0xffff, v3  }
0x61: {  	[tilespmem:v8+s11+$0x0] =	vst.idx.msk $0x3ff, v3  }
0x62: {  	v7 =	vld [tilespmem:$0x19B10];
	_ =	sdelay $0x4  }
0x63: {  	v7 =	vmul.f32 v7, v5;
	_ =	sdelay $0x1  }
0x64: {  	v7 =	vsub.f32 v7, v6;
	_ =	sdelay $0x1  }
0x65: {  	s20 =	rddreg [dreg:$0x4];
	[tilespmem:v4+s11+$0x0] =	vst.idx.msk $0x1fff, v7  }
0x66: {  	[hbm4b:s20+s2] =	stream.linear.scatter [tilespmem:s11], [sflag:$0x2], $0x65B7, $0x38;
	[tilespmem:$0x19D20] =	vst v63  }
0x67: {  	v7 =	vld [tilespmem:$0x19740]  }
0x68: {  	v8 =	vld [tilespmem:$0x19750];
	_ =	sdelay $0x3  }
0x69: {  	v7 =	vadd.s32 v0, v7  }
0x6a: {  	v8 =	vadd.s32 v2, v8;
	_ =	sdelay $0x3  }
0x6b: {  	[tilespmem:v7+s12+$0x0] =	vst.idx.msk $0xffff, v3  }
0x6c: {  	[tilespmem:v8+s12+$0x0] =	vst.idx.msk $0x3ff, v3  }
0x6d: {  	v7 =	vld [tilespmem:$0x19B20];
	_ =	sdelay $0x4  }
0x6e: {  	v7 =	vmul.f32 v7, v5;
	_ =	sdelay $0x1  }
0x6f: {  	v7 =	vsub.f32 v7, v6;
	_ =	sdelay $0x1  }
0x70: {  	[tilespmem:v4+s12+$0x0] =	vst.idx.msk $0x1fff, v7  }
0x71: {  	[hbm4b:s24+s2] =	stream.linear.scatter [tilespmem:s12], [sflag:$0x3], $0x65B7, $0x38;
	[tilespmem:$0x19D20] =	vst v63  }
0x72: {  	v7 =	vld [tilespmem:$0x19760]  }
0x73: {  	v8 =	vld [tilespmem:$0x19770];
	_ =	sdelay $0x3  }
0x74: {  	v7 =	vadd.s32 v0, v7  }
0x75: {  	v8 =	vadd.s32 v2, v8;
	_ =	sdelay $0x3  }
0x76: {  	[tilespmem:v7+s13+$0x0] =	vst.idx.msk $0xffff, v3  }
0x77: {  	[tilespmem:v8+s13+$0x0] =	vst.idx.msk $0x3ff, v3  }
0x78: {  	v7 =	vld [tilespmem:$0x19B30];
	_ =	sdelay $0x4  }
0x79: {  	v7 =	vmul.f32 v7, v5;
	_ =	sdelay $0x1  }
0x7a: {  	v7 =	vsub.f32 v7, v6;
	_ =	sdelay $0x1  }
0x7b: {  	s21 =	rddreg [dreg:$0x5];
	[tilespmem:v4+s13+$0x0] =	vst.idx.msk $0x1fff, v7  }
0x7c: {  	[hbm4b:s21+s2] =	stream.linear.scatter [tilespmem:s13], [sflag:$0x4], $0x65B7, $0x38;
	[tilespmem:$0x19D20] =	vst v63  }
0x7d: {  	_ =	swait.ge [sflag:s14], $0x65B7  }
0x7e: {  	[sflag:s14] =	ssyncset.done $0x0  }
0x7f: {  	[sflag:s14] =	ssyncadd.s32 $0xFFFF9A49  }
0x80: {  	v7 =	vld [tilespmem:$0x19700]  }
0x81: {  	v36 =	vld [tilespmem:$0x19710];
	_ =	sdelay $0x3  }
0x82: {  	v7 =	vadd.s32 v0, v7  }
0x83: {  	v8 =	vadd.s32 v2, v36;
	_ =	sdelay $0x3  }
0x84: {  	[tilespmem:v7+s2+$0x0] =	vst.idx.msk $0xffff, v1  }
0x85: {  	[tilespmem:v8+s2+$0x0] =	vst.idx.msk $0x3ff, v1  }
0x86: {  	[tilespmem:v4+s2+$0x0] =	vst.idx.msk $0x1fff, v1  }
0x87: {  	v7 =	vld [tilespmem:$0x19780]  }
0x88: {  	v8 =	vld [tilespmem:$0x19790];
	_ =	sdelay $0x3  }
0x89: {  	v7 =	vadd.s32 v0, v7  }
0x8a: {  	v8 =	vadd.s32 v2, v8;
	_ =	sdelay $0x3  }
0x8b: {  	[tilespmem:v7+s2+$0x0] =	vst.idx.msk $0xffff, v3  }
0x8c: {  	[tilespmem:v8+s2+$0x0] =	vst.idx.msk $0x3ff, v3  }
0x8d: {  	v7 =	vld [tilespmem:$0x19B40];
	_ =	sdelay $0x4  }
0x8e: {  	v7 =	vmul.f32 v7, v5;
	_ =	sdelay $0x1  }
0x8f: {  	v7 =	vsub.f32 v7, v6;
	_ =	sdelay $0x1  }
0x90: {  	[tilespmem:v4+s2+$0x0] =	vst.idx.msk $0x1fff, v7  }
0x91: {  	[hbm4b:s25+s2] =	stream.linear.scatter [tilespmem:s2], [sflag:$0x1], $0x65B7, $0x38;
	[tilespmem:$0x19D20] =	vst v63  }
0x92: {  	_ =	swait.ge [sflag:s15], $0x65B7  }
0x93: {  	[sflag:s15] =	ssyncset.done $0x0  }
0x94: {  	[sflag:s15] =	ssyncadd.s32 $0xFFFF9A49  }
0x95: {  	v7 =	vld [tilespmem:$0x19720]  }
0x96: {  	v37 =	vld [tilespmem:$0x19730];
	_ =	sdelay $0x3  }
0x97: {  	v7 =	vadd.s32 v0, v7  }
0x98: {  	v8 =	vadd.s32 v2, v37;
	_ =	sdelay $0x3  }
0x99: {  	[tilespmem:v7+s11+$0x0] =	vst.idx.msk $0xffff, v1  }
0x9a: {  	[tilespmem:v8+s11+$0x0] =	vst.idx.msk $0x3ff, v1  }
0x9b: {  	[tilespmem:v4+s11+$0x0] =	vst.idx.msk $0x1fff, v1  }
0x9c: {  	v7 =	vld [tilespmem:$0x197A0]  }
0x9d: {  	v8 =	vld [tilespmem:$0x197B0];
	_ =	sdelay $0x3  }
0x9e: {  	v7 =	vadd.s32 v0, v7  }
0x9f: {  	v8 =	vadd.s32 v2, v8;
	_ =	sdelay $0x3  }
0xa0: {  	[tilespmem:v7+s11+$0x0] =	vst.idx.msk $0xffff, v3  }
0xa1: {  	[tilespmem:v8+s11+$0x0] =	vst.idx.msk $0x3ff, v3  }
0xa2: {  	v7 =	vld [tilespmem:$0x19B50];
	_ =	sdelay $0x4  }
0xa3: {  	v7 =	vmul.f32 v7, v5;
	_ =	sdelay $0x1  }
0xa4: {  	v7 =	vsub.f32 v7, v6;
	_ =	sdelay $0x1  }
0xa5: {  	s20 =	rddreg [dreg:$0x6];
	[tilespmem:v4+s11+$0x0] =	vst.idx.msk $0x1fff, v7  }
0xa6: {  	[hbm4b:s20+s2] =	stream.linear.scatter [tilespmem:s11], [sflag:$0x2], $0x65B7, $0x38;
	[tilespmem:$0x19D20] =	vst v63  }
0xa7: {  	_ =	swait.ge [sflag:s16], $0x65B7  }
0xa8: {  	[sflag:s16] =	ssyncset.done $0x0  }
0xa9: {  	[sflag:s16] =	ssyncadd.s32 $0xFFFF9A49  }
0xaa: {  	v7 =	vld [tilespmem:$0x19740]  }
0xab: {  	v38 =	vld [tilespmem:$0x19750];
	_ =	sdelay $0x3  }
0xac: {  	v7 =	vadd.s32 v0, v7  }
0xad: {  	v8 =	vadd.s32 v2, v38;
	_ =	sdelay $0x3  }
0xae: {  	[tilespmem:v7+s12+$0x0] =	vst.idx.msk $0xffff, v1  }
0xaf: {  	[tilespmem:v8+s12+$0x0] =	vst.idx.msk $0x3ff, v1  }
0xb0: {  	[tilespmem:v4+s12+$0x0] =	vst.idx.msk $0x1fff, v1  }
0xb1: {  	v7 =	vld [tilespmem:$0x197C0]  }
0xb2: {  	v8 =	vld [tilespmem:$0x197D0];
	_ =	sdelay $0x3  }
0xb3: {  	v7 =	vadd.s32 v0, v7  }
0xb4: {  	v8 =	vadd.s32 v2, v8;
	_ =	sdelay $0x3  }
0xb5: {  	[tilespmem:v7+s12+$0x0] =	vst.idx.msk $0xffff, v3  }
0xb6: {  	[tilespmem:v8+s12+$0x0] =	vst.idx.msk $0x3ff, v3  }
0xb7: {  	v7 =	vld [tilespmem:$0x19B60];
	_ =	sdelay $0x4  }
0xb8: {  	v7 =	vmul.f32 v7, v5;
	_ =	sdelay $0x1  }
0xb9: {  	v7 =	vsub.f32 v7, v6;
	_ =	sdelay $0x1  }
0xba: {  	[tilespmem:v4+s12+$0x0] =	vst.idx.msk $0x1fff, v7  }
0xbb: {  	[hbm4b:s26+s2] =	stream.linear.scatter [tilespmem:s12], [sflag:$0x3], $0x65B7, $0x38;
	[tilespmem:$0x19D20] =	vst v63  }
0xbc: {  	_ =	swait.ge [sflag:s17], $0x65B7  }
0xbd: {  	[sflag:s17] =	ssyncset.done $0x0  }
0xbe: {  	[sflag:s17] =	ssyncadd.s32 $0xFFFF9A49  }
0xbf: {  	v7 =	vld [tilespmem:$0x19760]  }
0xc0: {  	v39 =	vld [tilespmem:$0x19770];
	_ =	sdelay $0x3  }
0xc1: {  	v7 =	vadd.s32 v0, v7  }
0xc2: {  	v8 =	vadd.s32 v2, v39;
	_ =	sdelay $0x3  }
0xc3: {  	[tilespmem:v7+s13+$0x0] =	vst.idx.msk $0xffff, v1  }
0xc4: {  	[tilespmem:v8+s13+$0x0] =	vst.idx.msk $0x3ff, v1  }
0xc5: {  	[tilespmem:v4+s13+$0x0] =	vst.idx.msk $0x1fff, v1  }
0xc6: {  	v7 =	vld [tilespmem:$0x197E0]  }
0xc7: {  	v8 =	vld [tilespmem:$0x197F0];
	_ =	sdelay $0x3  }
0xc8: {  	v7 =	vadd.s32 v0, v7  }
0xc9: {  	v8 =	vadd.s32 v2, v8;
	_ =	sdelay $0x3  }
0xca: {  	[tilespmem:v7+s13+$0x0] =	vst.idx.msk $0xffff, v3  }
0xcb: {  	[tilespmem:v8+s13+$0x0] =	vst.idx.msk $0x3ff, v3  }
0xcc: {  	v7 =	vld [tilespmem:$0x19B70];
	_ =	sdelay $0x4  }
0xcd: {  	v7 =	vmul.f32 v7, v5;
	_ =	sdelay $0x1  }
0xce: {  	v7 =	vsub.f32 v7, v6;
	_ =	sdelay $0x1  }
0xcf: {  	s21 =	rddreg [dreg:$0x7];
	[tilespmem:v4+s13+$0x0] =	vst.idx.msk $0x1fff, v7  }
0xd0: {  	[hbm4b:s21+s2] =	stream.linear.scatter [tilespmem:s13], [sflag:$0x4], $0x65B7, $0x38;
	[tilespmem:$0x19D20] =	vst v63  }
0xd1: {  	_ =	swait.ge [sflag:s14], $0x65B7  }
0xd2: {  	[sflag:s14] =	ssyncset.done $0x0  }
0xd3: {  	[sflag:s14] =	ssyncadd.s32 $0xFFFF9A49  }
0xd4: {  	v7 =	vld [tilespmem:$0x19780]  }
0xd5: {  	v40 =	vld [tilespmem:$0x19790];
	_ =	sdelay $0x3  }
0xd6: {  	v7 =	vadd.s32 v0, v7  }
0xd7: {  	v8 =	vadd.s32 v2, v40;
	_ =	sdelay $0x3  }
0xd8: {  	[tilespmem:v7+s2+$0x0] =	vst.idx.msk $0xffff, v1  }
0xd9: {  	[tilespmem:v8+s2+$0x0] =	vst.idx.msk $0x3ff, v1  }
0xda: {  	[tilespmem:v4+s2+$0x0] =	vst.idx.msk $0x1fff, v1  }
0xdb: {  	v7 =	vld [tilespmem:$0x19800]  }
0xdc: {  	v8 =	vld [tilespmem:$0x19810];
	_ =	sdelay $0x3  }
0xdd: {  	v7 =	vadd.s32 v0, v7  }
0xde: {  	v8 =	vadd.s32 v2, v8;
	_ =	sdelay $0x3  }
0xdf: {  	[tilespmem:v7+s2+$0x0] =	vst.idx.msk $0xffff, v3  }
0xe0: {  	[tilespmem:v8+s2+$0x0] =	vst.idx.msk $0x3ff, v3  }
0xe1: {  	v7 =	vld [tilespmem:$0x19B80];
	_ =	sdelay $0x4  }
0xe2: {  	v7 =	vmul.f32 v7, v5;
	_ =	sdelay $0x1  }
0xe3: {  	v7 =	vsub.f32 v7, v6;
	_ =	sdelay $0x1  }
0xe4: {  	[tilespmem:v4+s2+$0x0] =	vst.idx.msk $0x1fff, v7  }
0xe5: {  	[hbm4b:s28+s2] =	stream.linear.scatter [tilespmem:s2], [sflag:$0x1], $0x65B7, $0x38;
	[tilespmem:$0x19D20] =	vst v63  }
0xe6: {  	_ =	swait.ge [sflag:s15], $0x65B7  }
0xe7: {  	[sflag:s15] =	ssyncset.done $0x0  }
0xe8: {  	[sflag:s15] =	ssyncadd.s32 $0xFFFF9A49  }
0xe9: {  	v7 =	vld [tilespmem:$0x197A0]  }
0xea: {  	v41 =	vld [tilespmem:$0x197B0];
	_ =	sdelay $0x3  }
0xeb: {  	v7 =	vadd.s32 v0, v7  }
0xec: {  	v8 =	vadd.s32 v2, v41;
	_ =	sdelay $0x3  }
0xed: {  	[tilespmem:v7+s11+$0x0] =	vst.idx.msk $0xffff, v1  }
0xee: {  	[tilespmem:v8+s11+$0x0] =	vst.idx.msk $0x3ff, v1  }
0xef: {  	[tilespmem:v4+s11+$0x0] =	vst.idx.msk $0x1fff, v1  }
0xf0: {  	v7 =	vld [tilespmem:$0x19820]  }
0xf1: {  	v8 =	vld [tilespmem:$0x19830];
	_ =	sdelay $0x3  }
0xf2: {  	v7 =	vadd.s32 v0, v7  }
0xf3: {  	v8 =	vadd.s32 v2, v8;
	_ =	sdelay $0x3  }
0xf4: {  	[tilespmem:v7+s11+$0x0] =	vst.idx.msk $0xffff, v3  }
0xf5: {  	[tilespmem:v8+s11+$0x0] =	vst.idx.msk $0x3ff, v3  }
0xf6: {  	v7 =	vld [tilespmem:$0x19B90];
	_ =	sdelay $0x4  }
0xf7: {  	v7 =	vmul.f32 v7, v5;
	_ =	sdelay $0x1  }
0xf8: {  	v7 =	vsub.f32 v7, v6;
	_ =	sdelay $0x1  }
0xf9: {  	s20 =	rddreg [dreg:$0x8];
	[tilespmem:v4+s11+$0x0] =	vst.idx.msk $0x1fff, v7  }
0xfa: {  	[hbm4b:s20+s2] =	stream.linear.scatter [tilespmem:s11], [sflag:$0x2], $0x65B7, $0x38;
	[tilespmem:$0x19D20] =	vst v63  }
0xfb: {  	_ =	swait.ge [sflag:s16], $0x65B7  }
0xfc: {  	[sflag:s16] =	ssyncset.done $0x0  }
0xfd: {  	[sflag:s16] =	ssyncadd.s32 $0xFFFF9A49  }
0xfe: {  	v7 =	vld [tilespmem:$0x197C0]  }
0xff: {  	v42 =	vld [tilespmem:$0x197D0];
	_ =	sdelay $0x3  }
0x100: {  	v7 =	vadd.s32 v0, v7  }
0x101: {  	v8 =	vadd.s32 v2, v42;
	_ =	sdelay $0x3  }
0x102: {  	[tilespmem:v7+s12+$0x0] =	vst.idx.msk $0xffff, v1  }
0x103: {  	[tilespmem:v8+s12+$0x0] =	vst.idx.msk $0x3ff, v1  }
0x104: {  	[tilespmem:v4+s12+$0x0] =	vst.idx.msk $0x1fff, v1  }
0x105: {  	v7 =	vld [tilespmem:$0x19840]  }
0x106: {  	v8 =	vld [tilespmem:$0x19850];
	_ =	sdelay $0x3  }
0x107: {  	v7 =	vadd.s32 v0, v7  }
0x108: {  	v8 =	vadd.s32 v2, v8;
	_ =	sdelay $0x3  }
0x109: {  	[tilespmem:v7+s12+$0x0] =	vst.idx.msk $0xffff, v3  }
0x10a: {  	[tilespmem:v8+s12+$0x0] =	vst.idx.msk $0x3ff, v3  }
0x10b: {  	v7 =	vld [tilespmem:$0x19BA0];
	_ =	sdelay $0x4  }
0x10c: {  	v7 =	vmul.f32 v7, v5;
	_ =	sdelay $0x1  }
0x10d: {  	v7 =	vsub.f32 v7, v6;
	_ =	sdelay $0x1  }
0x10e: {  	[tilespmem:v4+s12+$0x0] =	vst.idx.msk $0x1fff, v7  }
0x10f: {  	[hbm4b:s29+s2] =	stream.linear.scatter [tilespmem:s12], [sflag:$0x3], $0x65B7, $0x38;
	[tilespmem:$0x19D20] =	vst v63  }
0x110: {  	_ =	swait.ge [sflag:s17], $0x65B7  }
0x111: {  	[sflag:s17] =	ssyncset.done $0x0  }
0x112: {  	[sflag:s17] =	ssyncadd.s32 $0xFFFF9A49  }
0x113: {  	v7 =	vld [tilespmem:$0x197E0]  }
0x114: {  	v43 =	vld [tilespmem:$0x197F0];
	_ =	sdelay $0x3  }
0x115: {  	v7 =	vadd.s32 v0, v7  }
0x116: {  	v8 =	vadd.s32 v2, v43;
	_ =	sdelay $0x3  }
0x117: {  	[tilespmem:v7+s13+$0x0] =	vst.idx.msk $0xffff, v1  }
0x118: {  	[tilespmem:v8+s13+$0x0] =	vst.idx.msk $0x3ff, v1  }
0x119: {  	[tilespmem:v4+s13+$0x0] =	vst.idx.msk $0x1fff, v1  }
0x11a: {  	v7 =	vld [tilespmem:$0x19860]  }
0x11b: {  	v8 =	vld [tilespmem:$0x19870];
	_ =	sdelay $0x3  }
0x11c: {  	v7 =	vadd.s32 v0, v7  }
0x11d: {  	v8 =	vadd.s32 v2, v8;
	_ =	sdelay $0x3  }
0x11e: {  	[tilespmem:v7+s13+$0x0] =	vst.idx.msk $0xffff, v3  }
0x11f: {  	[tilespmem:v8+s13+$0x0] =	vst.idx.msk $0x3ff, v3  }
0x120: {  	v7 =	vld [tilespmem:$0x19BB0];
	_ =	sdelay $0x4  }
0x121: {  	v7 =	vmul.f32 v7, v5;
	_ =	sdelay $0x1  }
0x122: {  	v7 =	vsub.f32 v7, v6;
	_ =	sdelay $0x1  }
0x123: {  	s21 =	rddreg [dreg:$0x9];
	[tilespmem:v4+s13+$0x0] =	vst.idx.msk $0x1fff, v7  }
0x124: {  	[hbm4b:s21+s2] =	stream.linear.scatter [tilespmem:s13], [sflag:$0x4], $0x65B7, $0x38;
	[tilespmem:$0x19D20] =	vst v63  }
0x125: {  	_ =	swait.ge [sflag:s14], $0x65B7  }
0x126: {  	[sflag:s14] =	ssyncset.done $0x0  }
0x127: {  	[sflag:s14] =	ssyncadd.s32 $0xFFFF9A49  }
0x128: {  	v7 =	vld [tilespmem:$0x19800]  }
0x129: {  	v44 =	vld [tilespmem:$0x19810];
	_ =	sdelay $0x3  }
0x12a: {  	v7 =	vadd.s32 v0, v7  }
0x12b: {  	v8 =	vadd.s32 v2, v44;
	_ =	sdelay $0x3  }
0x12c: {  	[tilespmem:v7+s2+$0x0] =	vst.idx.msk $0xffff, v1  }
0x12d: {  	[tilespmem:v8+s2+$0x0] =	vst.idx.msk $0x3ff, v1  }
0x12e: {  	[tilespmem:v4+s2+$0x0] =	vst.idx.msk $0x1fff, v1  }
0x12f: {  	v7 =	vld [tilespmem:$0x19880]  }
0x130: {  	v8 =	vld [tilespmem:$0x19890];
	_ =	sdelay $0x3  }
0x131: {  	v7 =	vadd.s32 v0, v7  }
0x132: {  	v8 =	vadd.s32 v2, v8;
	_ =	sdelay $0x3  }
0x133: {  	[tilespmem:v7+s2+$0x0] =	vst.idx.msk $0xffff, v3  }
0x134: {  	[tilespmem:v8+s2+$0x0] =	vst.idx.msk $0x3ff, v3  }
0x135: {  	v7 =	vld [tilespmem:$0x19BC0];
	_ =	sdelay $0x4  }
0x136: {  	v7 =	vmul.f32 v7, v5;
	_ =	sdelay $0x1  }
0x137: {  	v7 =	vsub.f32 v7, v6;
	_ =	sdelay $0x1  }
0x138: {  	[tilespmem:v4+s2+$0x0] =	vst.idx.msk $0x1fff, v7  }
0x139: {  	[hbm4b:s30+s2] =	stream.linear.scatter [tilespmem:s2], [sflag:$0x1], $0x65B7, $0x38;
	[tilespmem:$0x19D20] =	vst v63  }
0x13a: {  	_ =	swait.ge [sflag:s15], $0x65B7  }
0x13b: {  	[sflag:s15] =	ssyncset.done $0x0  }
0x13c: {  	[sflag:s15] =	ssyncadd.s32 $0xFFFF9A49  }
0x13d: {  	v7 =	vld [tilespmem:$0x19820]  }
0x13e: {  	v45 =	vld [tilespmem:$0x19830];
	_ =	sdelay $0x3  }
0x13f: {  	v7 =	vadd.s32 v0, v7  }
0x140: {  	v8 =	vadd.s32 v2, v45;
	_ =	sdelay $0x3  }
0x141: {  	[tilespmem:v7+s11+$0x0] =	vst.idx.msk $0xffff, v1  }
0x142: {  	[tilespmem:v8+s11+$0x0] =	vst.idx.msk $0x3ff, v1  }
0x143: {  	[tilespmem:v4+s11+$0x0] =	vst.idx.msk $0x1fff, v1  }
0x144: {  	v7 =	vld [tilespmem:$0x198A0]  }
0x145: {  	v8 =	vld [tilespmem:$0x198B0];
	_ =	sdelay $0x3  }
0x146: {  	v7 =	vadd.s32 v0, v7  }
0x147: {  	v8 =	vadd.s32 v2, v8;
	_ =	sdelay $0x3  }
0x148: {  	[tilespmem:v7+s11+$0x0] =	vst.idx.msk $0xffff, v3  }
0x149: {  	[tilespmem:v8+s11+$0x0] =	vst.idx.msk $0x3ff, v3  }
0x14a: {  	v7 =	vld [tilespmem:$0x19BD0];
	_ =	sdelay $0x4  }
0x14b: {  	v7 =	vmul.f32 v7, v5;
	_ =	sdelay $0x1  }
0x14c: {  	v7 =	vsub.f32 v7, v6;
	_ =	sdelay $0x1  }
0x14d: {  	s20 =	rddreg [dreg:$0xa];
	[tilespmem:v4+s11+$0x0] =	vst.idx.msk $0x1fff, v7  }
0x14e: {  	[hbm4b:s20+s2] =	stream.linear.scatter [tilespmem:s11], [sflag:$0x2], $0x65B7, $0x38;
	[tilespmem:$0x19D20] =	vst v63  }
0x14f: {  	_ =	swait.ge [sflag:s16], $0x65B7  }
0x150: {  	[sflag:s16] =	ssyncset.done $0x0  }
0x151: {  	[sflag:s16] =	ssyncadd.s32 $0xFFFF9A49  }
0x152: {  	v7 =	vld [tilespmem:$0x19840]  }
0x153: {  	v46 =	vld [tilespmem:$0x19850];
	_ =	sdelay $0x3  }
0x154: {  	v7 =	vadd.s32 v0, v7  }
0x155: {  	v8 =	vadd.s32 v2, v46;
	_ =	sdelay $0x3  }
0x156: {  	[tilespmem:v7+s12+$0x0] =	vst.idx.msk $0xffff, v1  }
0x157: {  	[tilespmem:v8+s12+$0x0] =	vst.idx.msk $0x3ff, v1  }
0x158: {  	[tilespmem:v4+s12+$0x0] =	vst.idx.msk $0x1fff, v1  }
0x159: {  	v7 =	vld [tilespmem:$0x198C0]  }
0x15a: {  	v8 =	vld [tilespmem:$0x198D0];
	_ =	sdelay $0x3  }
0x15b: {  	v7 =	vadd.s32 v0, v7  }
0x15c: {  	v8 =	vadd.s32 v2, v8;
	_ =	sdelay $0x3  }
0x15d: {  	[tilespmem:v7+s12+$0x0] =	vst.idx.msk $0xffff, v3  }
0x15e: {  	[tilespmem:v8+s12+$0x0] =	vst.idx.msk $0x3ff, v3  }
0x15f: {  	v7 =	vld [tilespmem:$0x19BE0];
	_ =	sdelay $0x4  }
0x160: {  	v7 =	vmul.f32 v7, v5;
	_ =	sdelay $0x1  }
0x161: {  	v7 =	vsub.f32 v7, v6;
	_ =	sdelay $0x1  }
0x162: {  	[tilespmem:v4+s12+$0x0] =	vst.idx.msk $0x1fff, v7  }
0x163: {  	[hbm4b:s31+s2] =	stream.linear.scatter [tilespmem:s12], [sflag:$0x3], $0x65B7, $0x38;
	[tilespmem:$0x19D20] =	vst v63  }
0x164: {  	_ =	swait.ge [sflag:s17], $0x65B7  }
0x165: {  	[sflag:s17] =	ssyncset.done $0x0  }
0x166: {  	[sflag:s17] =	ssyncadd.s32 $0xFFFF9A49  }
0x167: {  	v7 =	vld [tilespmem:$0x19860]  }
0x168: {  	v47 =	vld [tilespmem:$0x19870];
	_ =	sdelay $0x3  }
0x169: {  	v7 =	vadd.s32 v0, v7  }
0x16a: {  	v8 =	vadd.s32 v2, v47;
	_ =	sdelay $0x3  }
0x16b: {  	[tilespmem:v7+s13+$0x0] =	vst.idx.msk $0xffff, v1  }
0x16c: {  	[tilespmem:v8+s13+$0x0] =	vst.idx.msk $0x3ff, v1  }
0x16d: {  	[tilespmem:v4+s13+$0x0] =	vst.idx.msk $0x1fff, v1  }
0x16e: {  	v7 =	vld [tilespmem:$0x198E0]  }
0x16f: {  	v8 =	vld [tilespmem:$0x198F0];
	_ =	sdelay $0x3  }
0x170: {  	v7 =	vadd.s32 v0, v7  }
0x171: {  	v8 =	vadd.s32 v2, v8;
	_ =	sdelay $0x3  }
0x172: {  	[tilespmem:v7+s13+$0x0] =	vst.idx.msk $0xffff, v3  }
0x173: {  	[tilespmem:v8+s13+$0x0] =	vst.idx.msk $0x3ff, v3  }
0x174: {  	v7 =	vld [tilespmem:$0x19BF0];
	_ =	sdelay $0x4  }
0x175: {  	v7 =	vmul.f32 v7, v5;
	_ =	sdelay $0x1  }
0x176: {  	v7 =	vsub.f32 v7, v6;
	_ =	sdelay $0x1  }
0x177: {  	s21 =	rddreg [dreg:$0xb];
	[tilespmem:v4+s13+$0x0] =	vst.idx.msk $0x1fff, v7  }
0x178: {  	[hbm4b:s21+s2] =	stream.linear.scatter [tilespmem:s13], [sflag:$0x4], $0x65B7, $0x38;
	[tilespmem:$0x19D20] =	vst v63  }
0x179: {  	_ =	swait.ge [sflag:s14], $0x65B7  }
0x17a: {  	[sflag:s14] =	ssyncset.done $0x0  }
0x17b: {  	[sflag:s14] =	ssyncadd.s32 $0xFFFF9A49  }
0x17c: {  	v7 =	vld [tilespmem:$0x19880]  }
0x17d: {  	v48 =	vld [tilespmem:$0x19890];
	_ =	sdelay $0x3  }
0x17e: {  	v7 =	vadd.s32 v0, v7  }
0x17f: {  	v8 =	vadd.s32 v2, v48;
	_ =	sdelay $0x3  }
0x180: {  	[tilespmem:v7+s2+$0x0] =	vst.idx.msk $0xffff, v1  }
0x181: {  	[tilespmem:v8+s2+$0x0] =	vst.idx.msk $0x3ff, v1  }
0x182: {  	[tilespmem:v4+s2+$0x0] =	vst.idx.msk $0x1fff, v1  }
0x183: {  	v7 =	vld [tilespmem:$0x19900]  }
0x184: {  	v8 =	vld [tilespmem:$0x19910];
	_ =	sdelay $0x3  }
0x185: {  	v7 =	vadd.s32 v0, v7  }
0x186: {  	v8 =	vadd.s32 v2, v8;
	_ =	sdelay $0x3  }
0x187: {  	[tilespmem:v7+s2+$0x0] =	vst.idx.msk $0xffff, v3  }
0x188: {  	[tilespmem:v8+s2+$0x0] =	vst.idx.msk $0x3ff, v3  }
0x189: {  	v7 =	vld [tilespmem:$0x19C00];
	_ =	sdelay $0x4  }
0x18a: {  	v7 =	vmul.f32 v7, v5;
	_ =	sdelay $0x1  }
0x18b: {  	v7 =	vsub.f32 v7, v6;
	_ =	sdelay $0x1  }
0x18c: {  	[tilespmem:v4+s2+$0x0] =	vst.idx.msk $0x1fff, v7  }
0x18d: {  	[hbm4b:s0+s2] =	stream.linear.scatter [tilespmem:s2], [sflag:$0x1], $0x65B7, $0x38;
	[tilespmem:$0x19D20] =	vst v63  }
0x18e: {  	_ =	swait.ge [sflag:s15], $0x65B7  }
0x18f: {  	[sflag:s15] =	ssyncset.done $0x0  }
0x190: {  	[sflag:s15] =	ssyncadd.s32 $0xFFFF9A49  }
0x191: {  	v7 =	vld [tilespmem:$0x198A0]  }
0x192: {  	v49 =	vld [tilespmem:$0x198B0];
	_ =	sdelay $0x3  }
0x193: {  	v7 =	vadd.s32 v0, v7  }
0x194: {  	v8 =	vadd.s32 v2, v49;
	_ =	sdelay $0x3  }
0x195: {  	[tilespmem:v7+s11+$0x0] =	vst.idx.msk $0xffff, v1  }
0x196: {  	[tilespmem:v8+s11+$0x0] =	vst.idx.msk $0x3ff, v1  }
0x197: {  	[tilespmem:v4+s11+$0x0] =	vst.idx.msk $0x1fff, v1  }
0x198: {  	v7 =	vld [tilespmem:$0x19920]  }
0x199: {  	v8 =	vld [tilespmem:$0x19930];
	_ =	sdelay $0x3  }
0x19a: {  	v7 =	vadd.s32 v0, v7  }
0x19b: {  	v8 =	vadd.s32 v2, v8;
	_ =	sdelay $0x3  }
0x19c: {  	[tilespmem:v7+s11+$0x0] =	vst.idx.msk $0xffff, v3  }
0x19d: {  	[tilespmem:v8+s11+$0x0] =	vst.idx.msk $0x3ff, v3  }
0x19e: {  	v7 =	vld [tilespmem:$0x19C10];
	_ =	sdelay $0x4  }
0x19f: {  	v7 =	vmul.f32 v7, v5;
	_ =	sdelay $0x1  }
0x1a0: {  	v7 =	vsub.f32 v7, v6;
	_ =	sdelay $0x1  }
0x1a1: {  	s20 =	rddreg [dreg:$0xc];
	[tilespmem:v4+s11+$0x0] =	vst.idx.msk $0x1fff, v7  }
0x1a2: {  	[hbm4b:s20+s2] =	stream.linear.scatter [tilespmem:s11], [sflag:$0x2], $0x65B7, $0x38;
	[tilespmem:$0x19D20] =	vst v63  }
0x1a3: {  	_ =	swait.ge [sflag:s16], $0x65B7  }
0x1a4: {  	[sflag:s16] =	ssyncset.done $0x0  }
0x1a5: {  	[sflag:s16] =	ssyncadd.s32 $0xFFFF9A49  }
0x1a6: {  	v7 =	vld [tilespmem:$0x198C0]  }
0x1a7: {  	v50 =	vld [tilespmem:$0x198D0];
	_ =	sdelay $0x3  }
0x1a8: {  	v7 =	vadd.s32 v0, v7  }
0x1a9: {  	v8 =	vadd.s32 v2, v50;
	_ =	sdelay $0x3  }
0x1aa: {  	[tilespmem:v7+s12+$0x0] =	vst.idx.msk $0xffff, v1  }
0x1ab: {  	[tilespmem:v8+s12+$0x0] =	vst.idx.msk $0x3ff, v1  }
0x1ac: {  	[tilespmem:v4+s12+$0x0] =	vst.idx.msk $0x1fff, v1  }
0x1ad: {  	v7 =	vld [tilespmem:$0x19940]  }
0x1ae: {  	v8 =	vld [tilespmem:$0x19950];
	_ =	sdelay $0x3  }
0x1af: {  	v7 =	vadd.s32 v0, v7  }
0x1b0: {  	v8 =	vadd.s32 v2, v8;
	_ =	sdelay $0x3  }
0x1b1: {  	[tilespmem:v7+s12+$0x0] =	vst.idx.msk $0xffff, v3  }
0x1b2: {  	[tilespmem:v8+s12+$0x0] =	vst.idx.msk $0x3ff, v3  }
0x1b3: {  	v7 =	vld [tilespmem:$0x19C20];
	_ =	sdelay $0x4  }
0x1b4: {  	v7 =	vmul.f32 v7, v5;
	_ =	sdelay $0x1  }
0x1b5: {  	v7 =	vsub.f32 v7, v6;
	_ =	sdelay $0x1  }
0x1b6: {  	[tilespmem:v4+s12+$0x0] =	vst.idx.msk $0x1fff, v7  }
0x1b7: {  	[hbm4b:s1+s2] =	stream.linear.scatter [tilespmem:s12], [sflag:$0x3], $0x65B7, $0x38;
	[tilespmem:$0x19D20] =	vst v63  }
0x1b8: {  	_ =	swait.ge [sflag:s17], $0x65B7  }
0x1b9: {  	[sflag:s17] =	ssyncset.done $0x0  }
0x1ba: {  	[sflag:s17] =	ssyncadd.s32 $0xFFFF9A49  }
0x1bb: {  	v7 =	vld [tilespmem:$0x198E0]  }
0x1bc: {  	v51 =	vld [tilespmem:$0x198F0];
	_ =	sdelay $0x3  }
0x1bd: {  	v7 =	vadd.s32 v0, v7  }
0x1be: {  	v8 =	vadd.s32 v2, v51;
	_ =	sdelay $0x3  }
0x1bf: {  	[tilespmem:v7+s13+$0x0] =	vst.idx.msk $0xffff, v1  }
0x1c0: {  	[tilespmem:v8+s13+$0x0] =	vst.idx.msk $0x3ff, v1  }
0x1c1: {  	[tilespmem:v4+s13+$0x0] =	vst.idx.msk $0x1fff, v1  }
0x1c2: {  	v7 =	vld [tilespmem:$0x19960]  }
0x1c3: {  	v8 =	vld [tilespmem:$0x19970];
	_ =	sdelay $0x3  }
0x1c4: {  	v7 =	vadd.s32 v0, v7  }
0x1c5: {  	v8 =	vadd.s32 v2, v8;
	_ =	sdelay $0x3  }
0x1c6: {  	[tilespmem:v7+s13+$0x0] =	vst.idx.msk $0xffff, v3  }
0x1c7: {  	[tilespmem:v8+s13+$0x0] =	vst.idx.msk $0x3ff, v3  }
0x1c8: {  	v7 =	vld [tilespmem:$0x19C30];
	_ =	sdelay $0x4  }
0x1c9: {  	v7 =	vmul.f32 v7, v5;
	_ =	sdelay $0x1  }
0x1ca: {  	v7 =	vsub.f32 v7, v6;
	_ =	sdelay $0x1  }
0x1cb: {  	s21 =	rddreg [dreg:$0xd];
	[tilespmem:v4+s13+$0x0] =	vst.idx.msk $0x1fff, v7  }
0x1cc: {  	[hbm4b:s21+s2] =	stream.linear.scatter [tilespmem:s13], [sflag:$0x4], $0x65B7, $0x38;
	[tilespmem:$0x19D20] =	vst v63  }
0x1cd: {  	_ =	swait.ge [sflag:s14], $0x65B7  }
0x1ce: {  	[sflag:s14] =	ssyncset.done $0x0  }
0x1cf: {  	[sflag:s14] =	ssyncadd.s32 $0xFFFF9A49  }
0x1d0: {  	v7 =	vld [tilespmem:$0x19900]  }
0x1d1: {  	v52 =	vld [tilespmem:$0x19910];
	_ =	sdelay $0x3  }
0x1d2: {  	v7 =	vadd.s32 v0, v7  }
0x1d3: {  	v8 =	vadd.s32 v2, v52;
	_ =	sdelay $0x3  }
0x1d4: {  	[tilespmem:v7+s2+$0x0] =	vst.idx.msk $0xffff, v1  }
0x1d5: {  	[tilespmem:v8+s2+$0x0] =	vst.idx.msk $0x3ff, v1  }
0x1d6: {  	[tilespmem:v4+s2+$0x0] =	vst.idx.msk $0x1fff, v1  }
0x1d7: {  	v7 =	vld [tilespmem:$0x19980]  }
0x1d8: {  	v8 =	vld [tilespmem:$0x19990];
	_ =	sdelay $0x3  }
0x1d9: {  	v7 =	vadd.s32 v0, v7  }
0x1da: {  	v8 =	vadd.s32 v2, v8;
	_ =	sdelay $0x3  }
0x1db: {  	[tilespmem:v7+s2+$0x0] =	vst.idx.msk $0xffff, v3  }
0x1dc: {  	[tilespmem:v8+s2+$0x0] =	vst.idx.msk $0x3ff, v3  }
0x1dd: {  	v7 =	vld [tilespmem:$0x19C40];
	_ =	sdelay $0x4  }
0x1de: {  	v7 =	vmul.f32 v7, v5;
	_ =	sdelay $0x1  }
0x1df: {  	v7 =	vsub.f32 v7, v6;
	_ =	sdelay $0x1  }
0x1e0: {  	[tilespmem:v4+s2+$0x0] =	vst.idx.msk $0x1fff, v7  }
0x1e1: {  	[hbm4b:s3+s2] =	stream.linear.scatter [tilespmem:s2], [sflag:$0x1], $0x65B7, $0x38;
	[tilespmem:$0x19D20] =	vst v63  }
0x1e2: {  	_ =	swait.ge [sflag:s15], $0x65B7  }
0x1e3: {  	[sflag:s15] =	ssyncset.done $0x0  }
0x1e4: {  	[sflag:s15] =	ssyncadd.s32 $0xFFFF9A49  }
0x1e5: {  	v7 =	vld [tilespmem:$0x19920]  }
0x1e6: {  	v53 =	vld [tilespmem:$0x19930];
	_ =	sdelay $0x3  }
0x1e7: {  	v7 =	vadd.s32 v0, v7  }
0x1e8: {  	v8 =	vadd.s32 v2, v53;
	_ =	sdelay $0x3  }
0x1e9: {  	[tilespmem:v7+s11+$0x0] =	vst.idx.msk $0xffff, v1  }
0x1ea: {  	[tilespmem:v8+s11+$0x0] =	vst.idx.msk $0x3ff, v1  }
0x1eb: {  	[tilespmem:v4+s11+$0x0] =	vst.idx.msk $0x1fff, v1  }
0x1ec: {  	v7 =	vld [tilespmem:$0x199A0]  }
0x1ed: {  	v8 =	vld [tilespmem:$0x199B0];
	_ =	sdelay $0x3  }
0x1ee: {  	v7 =	vadd.s32 v0, v7  }
0x1ef: {  	v8 =	vadd.s32 v2, v8;
	_ =	sdelay $0x3  }
0x1f0: {  	[tilespmem:v7+s11+$0x0] =	vst.idx.msk $0xffff, v3  }
0x1f1: {  	[tilespmem:v8+s11+$0x0] =	vst.idx.msk $0x3ff, v3  }
0x1f2: {  	v7 =	vld [tilespmem:$0x19C50];
	_ =	sdelay $0x4  }
0x1f3: {  	v7 =	vmul.f32 v7, v5;
	_ =	sdelay $0x1  }
0x1f4: {  	v7 =	vsub.f32 v7, v6;
	_ =	sdelay $0x1  }
0x1f5: {  	s20 =	rddreg [dreg:$0xe];
	[tilespmem:v4+s11+$0x0] =	vst.idx.msk $0x1fff, v7  }
0x1f6: {  	[hbm4b:s20+s2] =	stream.linear.scatter [tilespmem:s11], [sflag:$0x2], $0x65B7, $0x38;
	[tilespmem:$0x19D20] =	vst v63  }
0x1f7: {  	_ =	swait.ge [sflag:s16], $0x65B7  }
0x1f8: {  	[sflag:s16] =	ssyncset.done $0x0  }
0x1f9: {  	[sflag:s16] =	ssyncadd.s32 $0xFFFF9A49  }
0x1fa: {  	v7 =	vld [tilespmem:$0x19940]  }
0x1fb: {  	v54 =	vld [tilespmem:$0x19950];
	_ =	sdelay $0x3  }
0x1fc: {  	v7 =	vadd.s32 v0, v7  }
0x1fd: {  	v8 =	vadd.s32 v2, v54;
	_ =	sdelay $0x3  }
0x1fe: {  	[tilespmem:v7+s12+$0x0] =	vst.idx.msk $0xffff, v1  }
0x1ff: {  	[tilespmem:v8+s12+$0x0] =	vst.idx.msk $0x3ff, v1  }
0x200: {  	[tilespmem:v4+s12+$0x0] =	vst.idx.msk $0x1fff, v1  }
0x201: {  	v7 =	vld [tilespmem:$0x199C0]  }
0x202: {  	v8 =	vld [tilespmem:$0x199D0];
	_ =	sdelay $0x3  }
0x203: {  	v7 =	vadd.s32 v0, v7  }
0x204: {  	v8 =	vadd.s32 v2, v8;
	_ =	sdelay $0x3  }
0x205: {  	[tilespmem:v7+s12+$0x0] =	vst.idx.msk $0xffff, v3  }
0x206: {  	[tilespmem:v8+s12+$0x0] =	vst.idx.msk $0x3ff, v3  }
0x207: {  	v7 =	vld [tilespmem:$0x19C60];
	_ =	sdelay $0x4  }
0x208: {  	v7 =	vmul.f32 v7, v5;
	_ =	sdelay $0x1  }
0x209: {  	v7 =	vsub.f32 v7, v6;
	_ =	sdelay $0x1  }
0x20a: {  	[tilespmem:v4+s12+$0x0] =	vst.idx.msk $0x1fff, v7  }
0x20b: {  	[hbm4b:s4+s2] =	stream.linear.scatter [tilespmem:s12], [sflag:$0x3], $0x65B7, $0x38;
	[tilespmem:$0x19D20] =	vst v63  }
0x20c: {  	_ =	swait.ge [sflag:s17], $0x65B7  }
0x20d: {  	[sflag:s17] =	ssyncset.done $0x0  }
0x20e: {  	[sflag:s17] =	ssyncadd.s32 $0xFFFF9A49  }
0x20f: {  	v7 =	vld [tilespmem:$0x19960]  }
0x210: {  	v55 =	vld [tilespmem:$0x19970];
	_ =	sdelay $0x3  }
0x211: {  	v7 =	vadd.s32 v0, v7  }
0x212: {  	v8 =	vadd.s32 v2, v55;
	_ =	sdelay $0x3  }
0x213: {  	[tilespmem:v7+s13+$0x0] =	vst.idx.msk $0xffff, v1  }
0x214: {  	[tilespmem:v8+s13+$0x0] =	vst.idx.msk $0x3ff, v1  }
0x215: {  	[tilespmem:v4+s13+$0x0] =	vst.idx.msk $0x1fff, v1  }
0x216: {  	v7 =	vld [tilespmem:$0x199E0]  }
0x217: {  	v8 =	vld [tilespmem:$0x199F0];
	_ =	sdelay $0x3  }
0x218: {  	v7 =	vadd.s32 v0, v7  }
0x219: {  	v8 =	vadd.s32 v2, v8;
	_ =	sdelay $0x3  }
0x21a: {  	[tilespmem:v7+s13+$0x0] =	vst.idx.msk $0xffff, v3  }
0x21b: {  	[tilespmem:v8+s13+$0x0] =	vst.idx.msk $0x3ff, v3  }
0x21c: {  	v7 =	vld [tilespmem:$0x19C70];
	_ =	sdelay $0x4  }
0x21d: {  	v7 =	vmul.f32 v7, v5;
	_ =	sdelay $0x1  }
0x21e: {  	v7 =	vsub.f32 v7, v6;
	_ =	sdelay $0x1  }
0x21f: {  	s21 =	rddreg [dreg:$0xf];
	[tilespmem:v4+s13+$0x0] =	vst.idx.msk $0x1fff, v7  }
0x220: {  	[hbm4b:s21+s2] =	stream.linear.scatter [tilespmem:s13], [sflag:$0x4], $0x65B7, $0x38;
	[tilespmem:$0x19D20] =	vst v63  }
0x221: {  	_ =	swait.ge [sflag:s14], $0x65B7  }
0x222: {  	[sflag:s14] =	ssyncset.done $0x0  }
0x223: {  	[sflag:s14] =	ssyncadd.s32 $0xFFFF9A49  }
0x224: {  	v7 =	vld [tilespmem:$0x19980]  }
0x225: {  	v56 =	vld [tilespmem:$0x19990];
	_ =	sdelay $0x3  }
0x226: {  	v7 =	vadd.s32 v0, v7  }
0x227: {  	v8 =	vadd.s32 v2, v56;
	_ =	sdelay $0x3  }
0x228: {  	[tilespmem:v7+s2+$0x0] =	vst.idx.msk $0xffff, v1  }
0x229: {  	[tilespmem:v8+s2+$0x0] =	vst.idx.msk $0x3ff, v1  }
0x22a: {  	[tilespmem:v4+s2+$0x0] =	vst.idx.msk $0x1fff, v1  }
0x22b: {  	v7 =	vld [tilespmem:$0x19A00]  }
0x22c: {  	v8 =	vld [tilespmem:$0x19A10];
	_ =	sdelay $0x3  }
0x22d: {  	v7 =	vadd.s32 v0, v7  }
0x22e: {  	v8 =	vadd.s32 v2, v8;
	_ =	sdelay $0x3  }
0x22f: {  	[tilespmem:v7+s2+$0x0] =	vst.idx.msk $0xffff, v3  }
0x230: {  	[tilespmem:v8+s2+$0x0] =	vst.idx.msk $0x3ff, v3  }
0x231: {  	v7 =	vld [tilespmem:$0x19C80];
	_ =	sdelay $0x4  }
0x232: {  	v7 =	vmul.f32 v7, v5;
	_ =	sdelay $0x1  }
0x233: {  	v7 =	vsub.f32 v7, v6;
	_ =	sdelay $0x1  }
0x234: {  	[tilespmem:v4+s2+$0x0] =	vst.idx.msk $0x1fff, v7  }
0x235: {  	[hbm4b:s5+s2] =	stream.linear.scatter [tilespmem:s2], [sflag:$0x1], $0x65B7, $0x38;
	[tilespmem:$0x19D20] =	vst v63  }
0x236: {  	_ =	swait.ge [sflag:s15], $0x65B7  }
0x237: {  	[sflag:s15] =	ssyncset.done $0x0  }
0x238: {  	[sflag:s15] =	ssyncadd.s32 $0xFFFF9A49  }
0x239: {  	v7 =	vld [tilespmem:$0x199A0]  }
0x23a: {  	v57 =	vld [tilespmem:$0x199B0];
	_ =	sdelay $0x3  }
0x23b: {  	v7 =	vadd.s32 v0, v7  }
0x23c: {  	v8 =	vadd.s32 v2, v57;
	_ =	sdelay $0x3  }
0x23d: {  	[tilespmem:v7+s11+$0x0] =	vst.idx.msk $0xffff, v1  }
0x23e: {  	[tilespmem:v8+s11+$0x0] =	vst.idx.msk $0x3ff, v1  }
0x23f: {  	[tilespmem:v4+s11+$0x0] =	vst.idx.msk $0x1fff, v1  }
0x240: {  	v7 =	vld [tilespmem:$0x19A20]  }
0x241: {  	v8 =	vld [tilespmem:$0x19A30];
	_ =	sdelay $0x3  }
0x242: {  	v7 =	vadd.s32 v0, v7  }
0x243: {  	v8 =	vadd.s32 v2, v8;
	_ =	sdelay $0x3  }
0x244: {  	[tilespmem:v7+s11+$0x0] =	vst.idx.msk $0xffff, v3  }
0x245: {  	[tilespmem:v8+s11+$0x0] =	vst.idx.msk $0x3ff, v3  }
0x246: {  	v7 =	vld [tilespmem:$0x19C90];
	_ =	sdelay $0x4  }
0x247: {  	v7 =	vmul.f32 v7, v5;
	_ =	sdelay $0x1  }
0x248: {  	v7 =	vsub.f32 v7, v6;
	_ =	sdelay $0x1  }
0x249: {  	s20 =	rddreg [dreg:$0x10];
	[tilespmem:v4+s11+$0x0] =	vst.idx.msk $0x1fff, v7  }
0x24a: {  	[hbm4b:s20+s2] =	stream.linear.scatter [tilespmem:s11], [sflag:$0x2], $0x65B7, $0x38;
	[tilespmem:$0x19D20] =	vst v63  }
0x24b: {  	_ =	swait.ge [sflag:s16], $0x65B7  }
0x24c: {  	[sflag:s16] =	ssyncset.done $0x0  }
0x24d: {  	[sflag:s16] =	ssyncadd.s32 $0xFFFF9A49  }
0x24e: {  	v7 =	vld [tilespmem:$0x199C0]  }
0x24f: {  	v58 =	vld [tilespmem:$0x199D0];
	_ =	sdelay $0x3  }
0x250: {  	v7 =	vadd.s32 v0, v7  }
0x251: {  	v8 =	vadd.s32 v2, v58;
	_ =	sdelay $0x3  }
0x252: {  	[tilespmem:v7+s12+$0x0] =	vst.idx.msk $0xffff, v1  }
0x253: {  	[tilespmem:v8+s12+$0x0] =	vst.idx.msk $0x3ff, v1  }
0x254: {  	[tilespmem:v4+s12+$0x0] =	vst.idx.msk $0x1fff, v1  }
0x255: {  	v7 =	vld [tilespmem:$0x19A40]  }
0x256: {  	v8 =	vld [tilespmem:$0x19A50];
	_ =	sdelay $0x3  }
0x257: {  	v7 =	vadd.s32 v0, v7  }
0x258: {  	v8 =	vadd.s32 v2, v8;
	_ =	sdelay $0x3  }
0x259: {  	[tilespmem:v7+s12+$0x0] =	vst.idx.msk $0xffff, v3  }
0x25a: {  	[tilespmem:v8+s12+$0x0] =	vst.idx.msk $0x3ff, v3  }
0x25b: {  	v7 =	vld [tilespmem:$0x19CA0];
	_ =	sdelay $0x4  }
0x25c: {  	v7 =	vmul.f32 v7, v5;
	_ =	sdelay $0x1  }
0x25d: {  	v7 =	vsub.f32 v7, v6;
	_ =	sdelay $0x1  }
0x25e: {  	[tilespmem:v4+s12+$0x0] =	vst.idx.msk $0x1fff, v7  }
0x25f: {  	[hbm4b:s6+s2] =	stream.linear.scatter [tilespmem:s12], [sflag:$0x3], $0x65B7, $0x38;
	[tilespmem:$0x19D20] =	vst v63  }
0x260: {  	_ =	swait.ge [sflag:s17], $0x65B7  }
0x261: {  	[sflag:s17] =	ssyncset.done $0x0  }
0x262: {  	[sflag:s17] =	ssyncadd.s32 $0xFFFF9A49  }
0x263: {  	v7 =	vld [tilespmem:$0x199E0]  }
0x264: {  	v59 =	vld [tilespmem:$0x199F0];
	_ =	sdelay $0x3  }
0x265: {  	v7 =	vadd.s32 v0, v7  }
0x266: {  	v8 =	vadd.s32 v2, v59;
	_ =	sdelay $0x3  }
0x267: {  	[tilespmem:v7+s13+$0x0] =	vst.idx.msk $0xffff, v1  }
0x268: {  	[tilespmem:v8+s13+$0x0] =	vst.idx.msk $0x3ff, v1  }
0x269: {  	[tilespmem:v4+s13+$0x0] =	vst.idx.msk $0x1fff, v1  }
0x26a: {  	v7 =	vld [tilespmem:$0x19A60]  }
0x26b: {  	v8 =	vld [tilespmem:$0x19A70];
	_ =	sdelay $0x3  }
0x26c: {  	v7 =	vadd.s32 v0, v7  }
0x26d: {  	v8 =	vadd.s32 v2, v8;
	_ =	sdelay $0x3  }
0x26e: {  	[tilespmem:v7+s13+$0x0] =	vst.idx.msk $0xffff, v3  }
0x26f: {  	[tilespmem:v8+s13+$0x0] =	vst.idx.msk $0x3ff, v3  }
0x270: {  	v7 =	vld [tilespmem:$0x19CB0];
	_ =	sdelay $0x4  }
0x271: {  	v7 =	vmul.f32 v7, v5;
	_ =	sdelay $0x1  }
0x272: {  	v7 =	vsub.f32 v7, v6;
	_ =	sdelay $0x1  }
0x273: {  	s21 =	rddreg [dreg:$0x11];
	[tilespmem:v4+s13+$0x0] =	vst.idx.msk $0x1fff, v7  }
0x274: {  	[hbm4b:s21+s2] =	stream.linear.scatter [tilespmem:s13], [sflag:$0x4], $0x65B7, $0x38;
	[tilespmem:$0x19D20] =	vst v63  }
0x275: {  	_ =	swait.ge [sflag:s14], $0x65B7  }
0x276: {  	[sflag:s14] =	ssyncset.done $0x0  }
0x277: {  	[sflag:s14] =	ssyncadd.s32 $0xFFFF9A49  }
0x278: {  	v7 =	vld [tilespmem:$0x19A00]  }
0x279: {  	v60 =	vld [tilespmem:$0x19A10];
	_ =	sdelay $0x3  }
0x27a: {  	v7 =	vadd.s32 v0, v7  }
0x27b: {  	v8 =	vadd.s32 v2, v60;
	_ =	sdelay $0x3  }
0x27c: {  	[tilespmem:v7+s2+$0x0] =	vst.idx.msk $0xffff, v1  }
0x27d: {  	[tilespmem:v8+s2+$0x0] =	vst.idx.msk $0x3ff, v1  }
0x27e: {  	[tilespmem:v4+s2+$0x0] =	vst.idx.msk $0x1fff, v1  }
0x27f: {  	v7 =	vld [tilespmem:$0x19A80]  }
0x280: {  	v8 =	vld [tilespmem:$0x19A90];
	_ =	sdelay $0x3  }
0x281: {  	v7 =	vadd.s32 v0, v7  }
0x282: {  	v8 =	vadd.s32 v2, v8;
	_ =	sdelay $0x3  }
0x283: {  	[tilespmem:v7+s2+$0x0] =	vst.idx.msk $0xffff, v3  }
0x284: {  	[tilespmem:v8+s2+$0x0] =	vst.idx.msk $0x3ff, v3  }
0x285: {  	v7 =	vld [tilespmem:$0x19CC0];
	_ =	sdelay $0x4  }
0x286: {  	v7 =	vmul.f32 v7, v5;
	_ =	sdelay $0x1  }
0x287: {  	v7 =	vsub.f32 v7, v6;
	_ =	sdelay $0x1  }
0x288: {  	[tilespmem:v4+s2+$0x0] =	vst.idx.msk $0x1fff, v7  }
0x289: {  	[hbm4b:s7+s2] =	stream.linear.scatter [tilespmem:s2], [sflag:$0x1], $0x65B7, $0x38;
	[tilespmem:$0x19D20] =	vst v63  }
0x28a: {  	_ =	swait.ge [sflag:s15], $0x65B7  }
0x28b: {  	[sflag:s15] =	ssyncset.done $0x0  }
0x28c: {  	[sflag:s15] =	ssyncadd.s32 $0xFFFF9A49  }
0x28d: {  	v7 =	vld [tilespmem:$0x19A20]  }
0x28e: {  	v61 =	vld [tilespmem:$0x19A30];
	_ =	sdelay $0x3  }
0x28f: {  	v7 =	vadd.s32 v0, v7  }
0x290: {  	v8 =	vadd.s32 v2, v61;
	_ =	sdelay $0x3  }
0x291: {  	[tilespmem:v7+s11+$0x0] =	vst.idx.msk $0xffff, v1  }
0x292: {  	[tilespmem:v8+s11+$0x0] =	vst.idx.msk $0x3ff, v1  }
0x293: {  	[tilespmem:v4+s11+$0x0] =	vst.idx.msk $0x1fff, v1  }
0x294: {  	v7 =	vld [tilespmem:$0x19AA0]  }
0x295: {  	v8 =	vld [tilespmem:$0x19AB0];
	_ =	sdelay $0x3  }
0x296: {  	v7 =	vadd.s32 v0, v7  }
0x297: {  	v8 =	vadd.s32 v2, v8;
	_ =	sdelay $0x3  }
0x298: {  	[tilespmem:v7+s11+$0x0] =	vst.idx.msk $0xffff, v3  }
0x299: {  	[tilespmem:v8+s11+$0x0] =	vst.idx.msk $0x3ff, v3  }
0x29a: {  	v7 =	vld [tilespmem:$0x19CD0];
	_ =	sdelay $0x4  }
0x29b: {  	v7 =	vmul.f32 v7, v5;
	_ =	sdelay $0x1  }
0x29c: {  	v7 =	vsub.f32 v7, v6;
	_ =	sdelay $0x1  }
0x29d: {  	s20 =	rddreg [dreg:$0x12];
	[tilespmem:v4+s11+$0x0] =	vst.idx.msk $0x1fff, v7  }
0x29e: {  	[hbm4b:s20+s2] =	stream.linear.scatter [tilespmem:s11], [sflag:$0x2], $0x65B7, $0x38;
	[tilespmem:$0x19D20] =	vst v63  }
0x29f: {  	_ =	swait.ge [sflag:s16], $0x65B7  }
0x2a0: {  	[sflag:s16] =	ssyncset.done $0x0  }
0x2a1: {  	[sflag:s16] =	ssyncadd.s32 $0xFFFF9A49  }
0x2a2: {  	v7 =	vld [tilespmem:$0x19A40]  }
0x2a3: {  	v62 =	vld [tilespmem:$0x19A50];
	_ =	sdelay $0x3  }
0x2a4: {  	v7 =	vadd.s32 v0, v7  }
0x2a5: {  	v8 =	vadd.s32 v2, v62;
	_ =	sdelay $0x3  }
0x2a6: {  	[tilespmem:v7+s12+$0x0] =	vst.idx.msk $0xffff, v1  }
0x2a7: {  	[tilespmem:v8+s12+$0x0] =	vst.idx.msk $0x3ff, v1  }
0x2a8: {  	[tilespmem:v4+s12+$0x0] =	vst.idx.msk $0x1fff, v1  }
0x2a9: {  	v7 =	vld [tilespmem:$0x19AC0]  }
0x2aa: {  	v8 =	vld [tilespmem:$0x19AD0];
	_ =	sdelay $0x3  }
0x2ab: {  	v7 =	vadd.s32 v0, v7  }
0x2ac: {  	v8 =	vadd.s32 v2, v8;
	_ =	sdelay $0x3  }
0x2ad: {  	[tilespmem:v7+s12+$0x0] =	vst.idx.msk $0xffff, v3  }
0x2ae: {  	[tilespmem:v8+s12+$0x0] =	vst.idx.msk $0x3ff, v3  }
0x2af: {  	v7 =	vld [tilespmem:$0x19CE0];
	_ =	sdelay $0x4  }
0x2b0: {  	v7 =	vmul.f32 v7, v5;
	_ =	sdelay $0x1  }
0x2b1: {  	v7 =	vsub.f32 v7, v6;
	_ =	sdelay $0x1  }
0x2b2: {  	[tilespmem:v4+s12+$0x0] =	vst.idx.msk $0x1fff, v7  }
0x2b3: {  	[hbm4b:s8+s2] =	stream.linear.scatter [tilespmem:s12], [sflag:$0x3], $0x65B7, $0x38;
	[tilespmem:$0x19D20] =	vst v63  }
0x2b4: {  	_ =	swait.ge [sflag:s17], $0x65B7  }
0x2b5: {  	[sflag:s17] =	ssyncset.done $0x0  }
0x2b6: {  	[sflag:s17] =	ssyncadd.s32 $0xFFFF9A49  }
0x2b7: {  	v7 =	vld [tilespmem:$0x19A60]  }
0x2b8: {  	v63 =	vld [tilespmem:$0x19A70];
	_ =	sdelay $0x3  }
0x2b9: {  	v7 =	vadd.s32 v0, v7  }
0x2ba: {  	v8 =	vadd.s32 v2, v63;
	_ =	sdelay $0x3  }
0x2bb: {  	[tilespmem:v7+s13+$0x0] =	vst.idx.msk $0xffff, v1  }
0x2bc: {  	[tilespmem:v8+s13+$0x0] =	vst.idx.msk $0x3ff, v1  }
0x2bd: {  	[tilespmem:v4+s13+$0x0] =	vst.idx.msk $0x1fff, v1  }
0x2be: {  	v7 =	vld [tilespmem:$0x19AE0]  }
0x2bf: {  	v8 =	vld [tilespmem:$0x19AF0];
	_ =	sdelay $0x3  }
0x2c0: {  	v7 =	vadd.s32 v0, v7  }
0x2c1: {  	v8 =	vadd.s32 v2, v8;
	_ =	sdelay $0x3  }
0x2c2: {  	[tilespmem:v7+s13+$0x0] =	vst.idx.msk $0xffff, v3  }
0x2c3: {  	[tilespmem:v8+s13+$0x0] =	vst.idx.msk $0x3ff, v3  }
0x2c4: {  	v7 =	vld [tilespmem:$0x19CF0];
	_ =	sdelay $0x4  }
0x2c5: {  	v5 =	vmul.f32 v7, v5;
	_ =	sdelay $0x1  }
0x2c6: {  	v5 =	vsub.f32 v5, v6;
	_ =	sdelay $0x1  }
0x2c7: {  	s21 =	rddreg [dreg:$0x13];
	[tilespmem:v4+s13+$0x0] =	vst.idx.msk $0x1fff, v5  }
0x2c8: {  	[hbm4b:s21+s2] =	stream.linear.scatter [tilespmem:s13], [sflag:$0x4], $0x65B7, $0x38;
	[tilespmem:$0x19D20] =	vst v63  }
0x2c9: {  	_ =	swait.ge [sflag:s14], $0x65B7  }
0x2ca: {  	[sflag:s14] =	ssyncset.done $0x0  }
0x2cb: {  	[sflag:s14] =	ssyncadd.s32 $0xFFFF9A49  }
0x2cc: {  	_ =	swait.ge [sflag:s15], $0x65B7  }
0x2cd: {  	[sflag:s15] =	ssyncset.done $0x0  }
0x2ce: {  	s18 =	sadd.s32 $0x1, s18;
	[sflag:s15] =	ssyncadd.s32 $0xFFFF9A49  }
0x2cf: {  	p0 =	sne.s32 s18, s9;
	_ =	swait.ge [sflag:s16], $0x65B7  }
.Ltmp4:
0x2d0: {  	[sflag:s16] =	ssyncset.done $0x0;
	(pc) =	sbr.rel @p0 .LBB2_1-.Ltmp4, $4  }
0x2d1: {  	[sflag:s16] =	ssyncadd.s32 $0xFFFF9A49  }
0x2d2: {  	_ =	swait.ge [sflag:s17], $0x65B7  }
0x2d3: {  	[sflag:s17] =	ssyncset.done $0x0  }
0x2d4: {  	[sflag:s17] =	ssyncadd.s32 $0xFFFF9A49  }
0x2d5: {  	_ =	sfence.sel $0x180000  }
0x2d6: {  	[bflag:$0x0] =	sbarrier.arrive $0xFFFF  }
0x2d7: {  	_ =	strace $0x90000047  }
0x2d8: {  	s0 =	stileid.u32;
	[bflag:$0x2] =	sbarrier.arrive $0xFFFF  }
0x2d9: {  	p0 =	sne.s32 s0, $0x0;
	s0 =	rddreg [dreg:$0x2]  }
0x2da: {  	s0 =	sadd.s32 @!p0 $0x100000, s0  }
0x2db: {  	[sflag:s0] =	ssyncadd.tile.s32 @!p0 $0x1;
	_ =	shalt  }
.Lfunc_end2:
_tile_overlayer_lowered:
.L_overlay_start_2:
0x2dc: {  	(tag) =	ssettag $0x2  }
0x2dd: {  	s0 =	rddreg [dreg:$0x0];
	s2 =	stileid.u32  }
0x2de: {  	s1 =	rddreg [dreg:$0x1];
	p0 =	sne.s32 s2, $0x0  }
0x2df: {  	s3 =	rddreg [dreg:$0x2];
	[bflag:$0x3] =	sbarrier.arrive $0xFFFF;
	s2 =	simm.s32 @!p0 $0x1C05  }
0x2e0: {  	[timem:s3], [sflag:s2] =	dma.local @!p0 [hbm:s0], s1  }
0x2e1: {  	s0 =	simm.s32 @!p0 $0x5  }
0x2e2: {  	_ =	swait.ge @!p0 [sflag:s0], s1  }
0x2e3: {  	s1 =	ssub.s32 @!p0 $0x0, s1;
	[sflag:s0] =	ssyncset.done @!p0 $0x0  }
0x2e4: {  	[sflag:s0] =	ssyncadd.s32 @!p0 s1  }
0x2e5: {  	[bflag:$0x3] =	sbarrier.arrive $0xFFFF  }
0x2e6: {  	_ =	shalt  }

// kernel: sparse-core-data-format-call.cloned.1.call-start
scs
called_computation_lowered:
.L_overlay_start_0:
0x0: {  	s2 =	sld [smem:$0x3FD9]  }
0x1: {  	s3 =	sld [smem:$0x3FFE];
	_ =	sdelay $0x1  }
0x2: {  	s1 =	srdreg.scid  }
0x3: {  	s0 =	sand.u32 $0x1, s1  }
0x4: {  	s18 =	sshll.u32 s0, $0xA;
	s2 =	sadd.s32 s3, s2  }
0x5: {  	s2 =	sadd.s32 s2, s18  }
0x6: {  	[smem:$0x3FC4] =	sst s2  }
0x7: {  	_ = 	snop  }
0x8: {  	s2 =	sld [smem:$0x3FD0];
	(tm) =	ssettm $0x1  }
0x9: {  	s19 =	sld [smem:$0x3FFB];
	_ =	sdelay $0x3  }
0xa: {  	_ =	strace s19  }
0xb: {  	s3 =	sld [smem:$0x3FFC];
	_ =	sdelay $0x3  }
0xc: {  	_ =	strace s3  }
0xd: {  	s3 =	sld [smem:$0x3FFD];
	_ =	sdelay $0x3  }
0xe: {  	_ =	strace s3  }
0xf: {  	_ =	strace $0x8FFFFFFF  }
0x10: {  	s20 =	sld [smem:$0x3FDB];
	_ =	sdelay $0x1  }
0x11: {  	s4 =	simm.s32 $_scs_section_size  }
0x12: {  	s5 =	simm.s32 $_size__tile_overlayer_lowered;
	s6 =	simm.s32 $_tile_overlayer_lowered  }
0x13: {  	s23 =	simm.s32 $0x1BFF;
	s22 =	sshll.u32 s6, $0x1;
	s3 =	sadd.s32 s4, s20  }
0x14: {  	s7 =	simm.s32 $0x0;
	s21 =	sshll.u32 s5, $0x1;
	s5 =	sadd.s32 s22, s3  }
0x15: {  	[timem:s7], [sflag:s23] =	dma.local [hbm:s5], s21  }
0x16: {  	_ =	swait.ge [sflag:s23], s21  }
0x17: {  	s4 =	ssub.s32 $0x0, s21;
	[sflag:s23] =	ssyncset.done $0x0  }
0x18: {  	[sflag:s23] =	ssyncadd.s32 s4;
	_ =	sdelay $0x1  }
0x19: {  	s24 =	simm.s32 $0x1B8B  }
0x1a: {  	_ =	swait.ge [sflag:s24], $0x1  }
0x1b: {  	[sflag:s24] =	ssyncset.done $0x0  }
0x1c: {  	s26 =	simm.s32 $0x1B8E;
	s25 =	sld [smem:$0x3FFE];
	[sflag:s24] =	ssyncadd.s32 $0xFFFFFFFF  }
0x1d: {  	s27 =	simm.s32 $execute0_lowered;
	[smem:$0x3FD2] =	sst s26  }
0x1e: {  	s5 =	sshll.u32 s27, $0x1;
	_ =	strace $0x80000049;
	[dreg:$0x1] =	wrdreg $0xFFFFFFFF  }
0x1f: {  	s28 =	simm.s32 $_size_execute0_lowered;
	s3 =	sadd.s32 s3, s5;
	[dreg:$0x0] =	wrdreg $0x0  }
0x20: {  	s5 =	sshll.u32 s28, $0x1;
	[dreg:$0x2] =	wrdreg s3  }
0x21: {  	[dreg:$0x3] =	wrdreg s5  }
0x22: {  	[dreg:$0x4] =	wrdreg $0xC0  }
0x23: {  	_ =	task [dreg:s7], $0x5FFFF  }
0x24: {  	[dreg:$0x1] =	wrdreg $0xFFFFFFFF  }
0x25: {  	[dreg:$0x0] =	wrdreg $0x60  }
0x26: {  	[dreg:$0x2] =	wrdreg s25  }
0x27: {  	[dreg:$0x3] =	wrdreg s2  }
0x28: {  	[dreg:$0x4] =	wrdreg $0x9  }
0x29: {  	_ =	task.clear_ibuf [dreg:s7], $0x5FFFF;
	_ =	strace $0x90000049  }
0x2a: {  	s29 =	simm.s32 $0x9;
	_ =	strace $0x8000004B  }
0x2b: {  	_ =	swait.ge [sflag:s29], $0x1  }
0x2c: {  	[sflag:s29] =	ssyncadd.s32 $0xFFFFFFFF  }
0x2d: {  	_ =	strace $0x9000004B  }
0x2e: {  	_ =	sfence  }
0x2f: {  	s30 =	sld [smem:$0x0];
	_ =	sdelay $0x2  }
0x30: {  	s31 =	sshll.u32 s1, $0xD;
	s1 =	sshrl.u32 s1, $0x2  }
0x31: {  	s3 =	sand.u32 $0x4000, s31;
	s1 =	sadd.s32 s1, s30  }
0x32: {  	s0 =	sor.u32 s3, s0;
	s1 =	sshll.u32 s1, $0x11  }
0x33: {  	s0 =	sor.u32 s1, s0  }
0x34: {  	s0 =	sadd.s32 $0x8F2B, s0  }
0x35: {  	[sflag:s0] =	ssyncadd.remote.s32 $0x1  }
0x36: {  	_ =	sfence.sel $0xFFFF  }
0x37: {  	[dreg:$0x0] =	wrdreg $0xFFFFFFFF;
	(pc) =	sbr.abs _section_cstart, $3  }
0x38: {  	[dreg:$0x1] =	wrdreg $0xFFFFFFFF  }
0x39: {  	_ =	task.clear_ibuf [dreg:s7], $0x2FFFF;
	_ =	strace $0x9FFFFFFF  }
0x3a: {  	(tm) =	ssettm $0x7FFFFFFF  }
0x3b: {  	_ =	shalt  }
tec
execute0_lowered:
.L_overlay_start_1:
0x0: {  	(tag) =	ssettag $0x1  }
0x1: {  	s4 =	rddreg [dreg:$0x0]  }
0x2: {  	s0 =	stileid.u32;
	s2 =	rddreg [dreg:$0x1]  }
0x3: {  	s7 =	srdreg.scid;
	s31 =	simm.s32 $0x2;
	s16 =	simm.s32 $0x0  }
0x4: {  	s9 =	simm.s32 $0x2000;
	s15 =	simm.s32 $0x0;
	s1 =	sshll.u32 s0, $0x7  }
0x5: {  	s10 =	simm.s32 $0x0;
	s11 =	simm.s32 $0x0;
	s3 =	sand.u32 $0x380, s1  }
0x6: {  	s14 =	simm.s32 $0x0;
	s4 =	sadd.s32 $0xA00, s4;
	s5 =	ssub.s32 $0x400, s3  }
0x7: {  	s8 =	sshll.u32 s0, $0x4;
	s7 =	sshll.u32 s7, $0x8;
	s6 =	sand.u32 $0x380, s5  }
0x8: {  	s1 =	rddreg [dreg:$0x2];
	p0 =	sne.s32 s6, $0x0;
	s6 =	simm.s32 $0x1  }
.Ltmp0:
0x9: {  	s5 =	sshrl.u32 s5, $0xA;
	s6 =	simm.s32 @!p0 $0x0;
	(pc) =	sbr.rel .LBB1_1-.Ltmp0, $4  }
0xa: {  	_ =	strace $0x8000004A;
	s7 =	sor.u32 s8, s7;
	s6 =	sadd.s32 s6, s5  }
0xb: {  	s7 =	sand.u32 $0x180, s7;
	s5 =	simm.s32 $0x1;
	s6 =	smul.u32 $0x33, s6  }
0xc: {  	s13 =	smov.u32 s3;
	s12 =	smov.u32 s7;
	[sflag:s5] =	ssyncpa.u1 $0x0  }
0xd: {  	p0 =	por $0x0, $0x0;
	[sflag:s31] =	ssyncpa.u1 $0x0;
	s8 =	sadd.s32 $0x1, s6  }
.LBB1_4:
0xe: {  	s21 =	sshra.s32 s21, $0x2;
	s27 =	sshll.u32 s10, $0xA;
	s22 =	sshll.u32 s11, $0x3  }
0xf: {  	s23 =	sshll.u32 s10, $0x7;
	s24 =	sand.u32 $0x78, s11;
	p1 =	sgt.s32 s10, $0x6538  }
0x10: {  	s25 =	sshra.s32 s10, $0x1F;
	s26 =	sshra.s32 s11, $0x1F;
	s20 =	sadd.s32 s21, s20  }
0x11: {  	v5 =	vld [tilespmem:s18+$0xFFFFFFD0];
	[tilespmem:s19+$0x2040 ss:$0x81] =	vst.msk $0xffff, v4;
	s21 =	sand.u32 $0xFFFFE000, s27;
	s22 =	sand.u32 $0xFFFFFC00, s22;
	s28 =	sand.u32 $0x380, s23  }
0x12: {  	v58 =	vld [tilespmem:s18+$0xFFFFFFE0];
	[tilespmem:s19+$0x2850 ss:$0x81] =	vst.msk $0xffff, v3;
	s23 =	smov.u32 s10;
	s30 =	sand.u32 s25, s10;
	s25 =	smov.u32 s11  }
0x13: {  	v59 =	vld [tilespmem:s18+$0xFFFFFFF0];
	[tilespmem:s19+$0x3060 ss:$0x81] =	vst.msk $0xffff, v2;
	s31 =	sand.u32 s26, s11;
	s21 =	sadd.s32 s22, s21;
	s22 =	sor.u32 s24, s28  }
0x14: {  	v60 =	vld [tilespmem:s18+$0x0];
	[tilespmem:s19+$0x0 ss:$0x81] =	vst.msk $0xffff, v1;
	s23 =	simm.s32 @!p1 $0x6538;
	p1 =	sgt.s32 s11, $0x380;
	s21 =	sshrl.u32 s21, $0xA  }
0x15: {  	v61 =	vld [tilespmem:s18+$0x10];
	[tilespmem:s20+$0x3870 ss:$0x81] =	vst.msk $0xffff, v0;
	s19 =	ssub.s32 s23, s30;
	s25 =	simm.s32 @!p1 $0x380;
	s29 =	smulhi.u32 $0x284495, s21  }
0x16: {  	v62 =	vld [tilespmem:s18+$0x20];
	s23 =	ssub.s32 s25, s31;
	s26 =	sadd.s32 $0xFFFF9AC8, s19;
	s19 =	ssub.s32 $0x65B8, s19;
	[tilespmem:s20+$0x810 ss:$0x81] =	vst.msk $0xffff, v5  }
0x17: {  	v63 =	vld [tilespmem:s18+$0xFFFFFFC0];
	[tilespmem:s20+$0x1020 ss:$0x81] =	vst.msk $0xffff, v58;
	p1 =	sgt.s32 s26, $0x7F;
	s28 =	sadd.s32 $0xFFFFFC80, s23;
	s24 =	sshrl.u32 s29, $0x4  }
0x18: {  	[tilespmem:s20+$0x1830 ss:$0x81] =	vst.msk $0xffff, v59;
	s23 =	ssub.s32 $0x400, s23;
	p2 =	sgt.s32 s28, $0x7F;
	s27 =	smul.u32 $0x65B8, s24  }
0x19: {  	s30 =	sand.u32 $0x7, s11;
	[tilespmem:s20+$0x2040 ss:$0x81] =	vst.msk $0xffff, v60;
	s19 =	simm.s32 @p1 $0x0;
	s23 =	simm.s32 @p2 $0x0  }
0x1a: {  	[tilespmem:s20+$0x2850 ss:$0x81] =	vst.msk $0xffff, v61;
	s29 =	sshrl.u32 s22, $0x3;
	s19 =	smul.u32 s23, s19;
	s18 =	ssub.s32 s21, s27  }
0x1b: {  	[tilespmem:s20+$0x3060 ss:$0x81] =	vst.msk $0xffff, v62;
	s22 =	sshll.u32 s30, $0x12;
	s21 =	sadd.s32 s2, s29;
	s18 =	sshll.u32 s18, $0x7  }
0x1c: {  	[tilespmem:s20+$0x0 ss:$0x81] =	vst.msk $0xffff, v63;
	s31 =	sor.u32 $0x400, s22;
	s19 =	sand.u32 $0x3FFFFFFF, s19;
	s18 =	sadd.s32 s18, s21  }
0x1d: {  	[hbm4b:s18+s31] =	stream.strided.scatter [tilespmem:s17], [sflag:$0x2], s19, s9, s31, $0x20;
	[tilespmem:$0x10100] =	vst v63  }
.LBB1_5:
0x1e: {  	p1 =	slt.u32 s14, $0x2  }
0x1f: {  	s18 =	smov.u32 s16;
	p2 =	sgt.s32 @!p1 s16, $0x6538;
	s17 =	sshra.s32 @!p1 s16, $0x1F  }
0x20: {  	p3 =	sgt.s32 @!p1 s15, $0x380;
	s19 =	sshra.s32 @!p1 s15, $0x1F;
	p2 =	por !p2, p1  }
0x21: {  	s16 =	sand.u32 @!p1 s17, s16;
	p3 =	por !p3, p1;
	s17 =	smov.u32 s15  }
0x22: {  	s15 =	sand.u32 @!p1 s19, s15;
	s18 =	simm.s32 @p2 $0x6538;
	s17 =	simm.s32 @p3 $0x380  }
0x23: {  	s16 =	ssub.s32 @!p1 s18, s16;
	s15 =	ssub.s32 @!p1 s17, s15  }
0x24: {  	s19 =	smov.u32 s13;
	s17 =	sadd.s32 @!p1 $0xFFFF9AC8, s16;
	s18 =	sadd.s32 @!p1 $0xFFFFFC80, s15  }
0x25: {  	s16 =	ssub.s32 @!p1 $0x65B8, s16;
	p2 =	sgt.s32 @!p1 s17, $0x7F;
	p3 =	sgt.s32 @!p1 s18, $0x7F  }
0x26: {  	s15 =	ssub.s32 @!p1 $0x400, s15;
	p2 =	por !p2, p1;
	p3 =	por !p3, p1  }
0x27: {  	s17 =	sadd.s32 $0x200, s12;
	s16 =	simm.s32 @!p2 $0x0;
	s15 =	simm.s32 @!p3 $0x0  }
0x28: {  	p2 =	sgt.s32 s17, $0x65B6;
	s15 =	smul.u32 @!p1 s15, s16;
	s16 =	sadd.s32 $0x400, s13  }
0x29: {  	s19 =	smov.u32 @p2 s16  }
0x2a: {  	s17 =	smov.u32 @p2 s7;
	p2 =	sgt.s32 s19, $0x3FF  }
0x2b: {  	s19 =	smov.u32 @p2 s3;
	p2 =	sne.s32 s14, s8  }
.Ltmp1:
0x2c: {  	p0 =	por !p0, !p0;
	s18 =	simm.s32 @!p1 $0x2;
	(pc) =	sbr.rel @!p2 .LBB1_6-.Ltmp1, $4  }
0x2d: {  	s16 =	smov.u32 s10;
	s10 =	smov.u32 s12;
	s15 =	sand.u32 @!p1 $0x3FFFFFFF, s15  }
0x2e: {  	s12 =	smov.u32 s17;
	_ =	swait.ge @!p1 [sflag:s18], s15;
	s20 =	ssub.s32 @!p1 $0x0, s15  }
0x2f: {  	s15 =	smov.u32 s11;
	s14 =	sadd.s32 $0x1, s14;
	[sflag:s18] =	ssyncset.done @!p1 $0x0  }
0x30: {  	s11 =	smov.u32 s13;
	s13 =	smov.u32 s19;
	[sflag:s18] =	ssyncadd.s32 @!p1 s20  }
.LBB1_1:
0x31: {  	p1 =	sge.u32 s14, s6  }
0x32: {  	s17 =	sshrl.u32 @!p1 s13, $0x3  }
0x33: {  	s18 =	sshll.u32 @!p1 s12, $0x3;
	s17 =	smul.u32 @!p1 $0x33000, s17  }
0x34: {  	s19 =	sshll.u32 @!p1 s13, $0x7;
	s18 =	sand.u32 @!p1 $0xFFFFFC00, s18  }
0x35: {  	s17 =	sadd.s32 @!p1 s17, s18;
	s18 =	sand.u32 @!p1 $0x380, s19  }
0x36: {  	s19 =	sand.u32 @!p1 $0x7F, s12;
	s17 =	sor.u32 @!p1 s18, s17  }
0x37: {  	s18 =	sor.u32 @!p1 s19, s17  }
0x38: {  	s19 =	smulhi.u32 @!p1 $0xA0A0A0A1, s18;
	_ =	sdelay $0x1  }
0x39: {  	s17 =	smulhi.u32 @!p1 $0xA0A0A0A1, s17;
	s19 =	sshrl.u32 @!p1 s19, $0xE  }
0x3a: {  	s19 =	smul.u32 @!p1 $0x6600, s19  }
0x3b: {  	s31 =	sadd.s32 $0xFFFFFFFF, s14;
	s20 =	sxor.u32 @!p1 $0xFFFFFFFF, s14;
	s17 =	sshrl.u32 @!p1 s17, $0xE  }
0x3c: {  	s20 =	sshll.u32 @!p1 s20, $0xE;
	s17 =	sand.u32 @!p1 $0x3FF, s17;
	s18 =	ssub.s32 @!p1 s18, s19  }
0x3d: {  	s17 =	smul.u32 @!p1 $0xCC0, s17;
	s19 =	sshrl.u32 @!p1 s18, $0x3;
	s18 =	sand.u32 @!p1 $0x7, s18  }
0x3e: {  	s20 =	sand.u32 @!p1 $0x4000, s20;
	s19 =	sadd.s32 @!p1 s4, s19;
	s18 =	sshll.u32 @!p1 s18, $0x12  }
0x3f: {  	s17 =	sadd.s32 @!p1 s17, s19;
	s18 =	sor.u32 @!p1 $0x400, s18;
	s19 =	simm.s32 @!p1 $0x33000  }
0x40: {  	[tilespmem:s20], [sflag:$0x1] =	stream.strided.gather @!p1 [hbm4b:s17+s18], $0x4000, s19, s18, $0x38;
	[tilespmem:$0x10100] =	vst v63  }
0x41: {  	p1 =	sge.u32 s31, s6  }
.Ltmp2:
0x42: {  	_ = 	snop;
	(pc) =	sbr.rel @p1 .LBB1_5-.Ltmp2, $1  }
0x43: {  	_ =	sdelay $0x3  }
0x44: {  	s17 =	simm.s32 $0x1  }
0x45: {  	_ =	swait.ge [sflag:s5], $0x4000;
	s17 =	simm.s32 @!p0 $0x0  }
0x46: {  	[sflag:s5] =	ssyncset.done $0x0;
	s18 =	sshll.u32 s17, $0xE  }
0x47: {  	[sflag:s5] =	ssyncadd.s32 $0xFFFFC000;
	s18 =	sor.u32 $0x40, s18  }
0x48: {  	s17 =	smul.u32 $0x10200, s17;
	v0 =	vld [tilespmem:s18+$0x30]  }
0x49: {  	v1 =	vld [tilespmem:s18+$0xFFFFFFD0]  }
0x4a: {  	s17 =	sshrl.u32 s17, $0x2;
	v5 =	vld [tilespmem:s18+$0xFFFFFFE0]  }
0x4b: {  	v6 =	vld [tilespmem:s18+$0xFFFFFFF0];
	s20 =	sor.u32 $0x8000, s17  }
0x4c: {  	s31 =	sand.u32 $0x1, s14;
	v4 =	vld [tilespmem:s18+$0x0];
	s19 =	sadd.s32 $0x0, s20  }
0x4d: {  	v3 =	vld [tilespmem:s18+$0x10];
	s17 =	smul.u32 $0x10200, s31;
	[tilespmem:s19+$0x3870 ss:$0x81] =	vst.msk $0xffff, v0  }
0x4e: {  	v2 =	vld [tilespmem:s18+$0x20];
	[tilespmem:s19+$0x810 ss:$0x81] =	vst.msk $0xffff, v1  }
0x4f: {  	s17 =	sshrl.u32 s17, $0x2;
	v1 =	vld [tilespmem:s18+$0xFFFFFFC0];
	[tilespmem:s19+$0x1020 ss:$0x81] =	vst.msk $0xffff, v5;
	s18 =	sadd.s32 $0x80, s18  }
0x50: {  	s21 =	simm.s32 $0x4;
	s22 =	simm.s32 $0x8;
	s17 =	sor.u32 $0x8000, s17;
	[tilespmem:s19+$0x1830 ss:$0x81] =	vst.msk $0xffff, v6;
	v0 =	vld [tilespmem:s18+$0x30]  }
.LBB1_3:
0x51: {  	p1 =	sne.s32 s22, $0x1FC;
	v5 =	vld [tilespmem:s18+$0xFFFFFFD0];
	[tilespmem:s19+$0x2040 ss:$0x81] =	vst.msk $0xffff, v4  }
0x52: {  	v6 =	vld [tilespmem:s18+$0xFFFFFFE0];
	[tilespmem:s19+$0x2850 ss:$0x81] =	vst.msk $0xffff, v3  }
0x53: {  	s23 =	sshra.s32 s21, $0x2;
	s21 =	smov.u32 s22;
	v7 =	vld [tilespmem:s18+$0xFFFFFFF0];
	[tilespmem:s19+$0x3060 ss:$0x81] =	vst.msk $0xffff, v2  }
.Ltmp3:
0x54: {  	v4 =	vld [tilespmem:s18+$0x0];
	[tilespmem:s19+$0x0 ss:$0x81] =	vst.msk $0xffff, v1;
	s19 =	sadd.s32 s23, s20;
	(pc) =	sbr.rel @p1 .LBB1_3-.Ltmp3, $4  }
0x55: {  	v3 =	vld [tilespmem:s18+$0x10];
	[tilespmem:s19+$0x3870 ss:$0x81] =	vst.msk $0xffff, v0  }
0x56: {  	[tilespmem:s19+$0x810 ss:$0x81] =	vst.msk $0xffff, v5;
	v2 =	vld [tilespmem:s18+$0x20]  }
0x57: {  	v1 =	vld [tilespmem:s18+$0xFFFFFFC0];
	[tilespmem:s19+$0x1020 ss:$0x81] =	vst.msk $0xffff, v6;
	s18 =	sadd.s32 $0x80, s18  }
0x58: {  	s22 =	sadd.s32 $0x4, s22;
	v0 =	vld [tilespmem:s18+$0x30];
	[tilespmem:s19+$0x1830 ss:$0x81] =	vst.msk $0xffff, v7  }
.Ltmp4:
0x59: {  	_ = 	snop;
	(pc) =	sbr.rel .LBB1_4-.Ltmp4, $1  }
0x5a: {  	_ =	sdelay $0x3  }
.LBB1_6:
0x5b: {  	_ =	sfence.sel $0x180000  }
0x5c: {  	s2 =	simm.s32 $0x1;
	[bflag:$0x0] =	sbarrier.arrive $0xFFFF  }
0x5d: {  	s31 =	simm.s32 $0x2;
	[sflag:s2] =	ssyncpa.u1 $0x1  }
0x5e: {  	[sflag:s31] =	ssyncpa.u1 $0x1  }
0x5f: {  	p0 =	sne.s32 s0, $0x0;
	_ =	strace $0x9000004A  }
0x60: {  	s0 =	sadd.s32 @!p0 $0x100000, s1;
	[bflag:$0x2] =	sbarrier.arrive $0xFFFF  }
0x61: {  	[sflag:s0] =	ssyncadd.tile.s32 @!p0 $0x1;
	_ =	shalt  }
.Lfunc_end1:
_tile_overlayer_lowered:
.L_overlay_start_2:
0x62: {  	(tag) =	ssettag $0x2  }
0x63: {  	s0 =	rddreg [dreg:$0x0];
	s2 =	stileid.u32  }
0x64: {  	s1 =	rddreg [dreg:$0x1];
	p0 =	sne.s32 s2, $0x0  }
0x65: {  	s3 =	rddreg [dreg:$0x2];
	[bflag:$0x3] =	sbarrier.arrive $0xFFFF;
	s2 =	simm.s32 @!p0 $0x1C01  }
0x66: {  	[timem:s3], [sflag:s2] =	dma.local @!p0 [hbm:s0], s1  }
0x67: {  	s0 =	simm.s32 @!p0 $0x1  }
0x68: {  	_ =	swait.ge @!p0 [sflag:s0], s1  }
0x69: {  	s1 =	ssub.s32 @!p0 $0x0, s1;
	[sflag:s0] =	ssyncset.done @!p0 $0x0  }
0x6a: {  	[sflag:s0] =	ssyncadd.s32 @!p0 s1  }
0x6b: {  	[bflag:$0x3] =	sbarrier.arrive $0xFFFF  }
0x6c: {  	_ =	shalt  }

</sc_bundles>
